<compile_context>
chip_gen: v7x
topology: tpu7x:2x2x1
jax: 0.10.2.dev20260603
libtpu: 0.0.44.dev20260713+nightly
codegen_flags: <defaults>
</compile_context>

<pallas_src>
import functools

import jax
import jax.numpy as jnp
import jax.scipy.linalg
from jax import lax
from jax.experimental import pallas as pl
from jax.experimental.pallas import tpu as pltpu
from jax.experimental.pallas import tpu_sc as plsc

N = 10000
E = 320000
IN_DIM = 128
HID_DIM = 32
OUT_DIM = 64

NC = 2
NS = 16
NW = NC * NS
LANES = 16

B = 128
NBLKT = E // B
NBLK = 78
TAILB = NBLKT - NW * NBLK // 1
NPADD = 10240
RPT = N // NS
ZR = 125
NBUF = 8
PK = N // 4
F32 = jnp.float32


def _worker_id():
    return lax.axis_index("c") * NS + lax.axis_index("s")


def _make_deg_kernel():
    mesh = plsc.VectorSubcoreMesh(core_axis_name="c", subcore_axis_name="s")

    @functools.partial(
        pl.kernel,
        mesh=mesh,
        out_type=jax.ShapeDtypeStruct((NW, NPADD), F32),
        scratch_types=[
            pltpu.VMEM((NBLK, B), jnp.int32),
            pltpu.VMEM((LANES,), jnp.int32),
            pltpu.VMEM((NPADD,), F32),
        ],
        compiler_params=pltpu.CompilerParams(needs_layout_passes=False,
                                             use_tc_tiling_on_sc=False),
    )
    def deg_kernel(ei_hbm, out_hbm, dst_v, tdst_v, deg_v):
        wid = _worker_id()
        b0 = wid * NBLK
        pltpu.sync_copy(ei_hbm.at[1, pl.ds(b0, NBLK)], dst_v)
        pltpu.sync_copy(
            ei_hbm.at[1, NW * NBLK + wid // 8, pl.ds((wid % 8) * LANES, LANES)],
            tdst_v)

        zeros16 = jnp.zeros((LANES,), F32)
        ones16 = jnp.full((LANES,), 1.0, F32)

        @pl.loop(0, NPADD // LANES)
        def _zero(i):
            deg_v[pl.ds(i * LANES, LANES)] = zeros16

        @pl.loop(0, NBLK)
        def _acc(jb):
            for k in range(B // LANES):
                idx = dst_v[jb, pl.ds(k * LANES, LANES)]
                plsc.addupdate_scatter(deg_v, [idx], ones16)

        plsc.addupdate_scatter(deg_v, [tdst_v[...]], ones16)
        pltpu.sync_copy(deg_v, out_hbm.at[wid])

    return deg_kernel


def _make_agg_kernel(F):
    mesh = plsc.VectorSubcoreMesh(core_axis_name="c", subcore_axis_name="s")
    NMAIN = (NBLK // NBUF - 1) * NBUF

    @functools.partial(
        pl.kernel,
        mesh=mesh,
        out_type=jax.ShapeDtypeStruct((NC, N, F), F32),
        scratch_types=[
            pltpu.VMEM((NBLK, B), jnp.int32),
            pltpu.VMEM((NBLK, B), jnp.int32),
            pltpu.VMEM((LANES,), jnp.int32),
            pltpu.VMEM((LANES,), jnp.int32),
            pltpu.VMEM((RPT // ZR, ZR), jnp.int32),
            [pltpu.VMEM((B, F), F32)] * NBUF,
            pltpu.VMEM((LANES, F), F32),
            pltpu.VMEM((ZR, F), F32),
            pltpu.VMEM_SHARED((N, F), F32),
            [pltpu.SemaphoreType.DMA] * NBUF,
        ],
        compiler_params=pltpu.CompilerParams(use_tc_tiling_on_sc=False),
    )
    def agg_kernel(g_hbm, ei_hbm, ident_hbm, out_hbm,
                   src_v, dst_v, tsrc_v, tdst_v, ident_v, rows, trows, zbuf,
                   acc, sems):
        c = lax.axis_index("c")
        s = lax.axis_index("s")
        wid = c * NS + s
        base = s * RPT
        b0 = wid * NBLK

        pltpu.sync_copy(ei_hbm.at[0, pl.ds(b0, NBLK)], src_v)
        pltpu.sync_copy(ei_hbm.at[1, pl.ds(b0, NBLK)], dst_v)
        pltpu.sync_copy(
            ei_hbm.at[0, NW * NBLK + wid // 8, pl.ds((wid % 8) * LANES, LANES)],
            tsrc_v)
        pltpu.sync_copy(
            ei_hbm.at[1, NW * NBLK + wid // 8, pl.ds((wid % 8) * LANES, LANES)],
            tdst_v)
        pltpu.sync_copy(ident_hbm.at[pl.ds(s * (RPT // ZR), RPT // ZR)],
                        ident_v)

        zeros16 = jnp.zeros((LANES,), F32)

        @pl.loop(0, ZR)
        def _zero(i):
            for jj in range(F // LANES):
                zbuf[i, pl.ds(jj * LANES, LANES)] = zeros16

        for k in range(RPT // ZR):
            pltpu.sync_copy(zbuf, acc.at[pl.ds(base + k * ZR, ZR)])

        plsc.subcore_barrier()

        for b in range(NBUF):
            pltpu.async_copy(g_hbm.at[src_v.at[b]], rows[b], sems[b])

        @pl.loop(0, NMAIN // NBUF)
        def _edges(j):
            for b in range(NBUF):
                blk = j * NBUF + b
                pltpu.make_async_copy(g_hbm.at[src_v.at[blk]], rows[b],
                                      sems[b]).wait()
                pltpu.sync_copy(rows[b], acc.at[dst_v.at[blk]], add=True)
                pltpu.async_copy(g_hbm.at[src_v.at[blk + NBUF]], rows[b],
                                 sems[b])

        for blk in range(NMAIN, NBLK):
            b = blk % NBUF
            pltpu.make_async_copy(g_hbm.at[src_v.at[blk]], rows[b],
                                  sems[b]).wait()
            pltpu.sync_copy(rows[b], acc.at[dst_v.at[blk]], add=True)
            if blk + NBUF < NBLK:
                pltpu.async_copy(g_hbm.at[src_v.at[blk + NBUF]], rows[b],
                                 sems[b])

        pltpu.async_copy(g_hbm.at[tsrc_v], trows, sems[0]).wait()
        pltpu.sync_copy(trows, acc.at[tdst_v], add=True)

        for k in range(RPT // ZR):
            @pl.when(c == (0 if k < 3 else 1))
            def _self_add():
                pltpu.sync_copy(g_hbm.at[pl.ds(base + k * ZR, ZR)], zbuf)
                pltpu.sync_copy(zbuf, acc.at[ident_v.at[k]], add=True)

        plsc.subcore_barrier()

        for k in range(RPT // ZR):
            off = base + k * ZR
            pltpu.sync_copy(acc.at[pl.ds(off, ZR)], out_hbm.at[c, pl.ds(off, ZR)])

    return agg_kernel


_deg_kernel = _make_deg_kernel()
_agg_hid = _make_agg_kernel(HID_DIM)


def _tc_a1_body(deg_ref, dinv_ref):
    deg = jnp.sum(deg_ref[...], axis=0) + 1.0
    dinv_ref[...] = lax.rsqrt(deg)


def _tc_a2_body(x_ref, w_ref, dinvn_ref, g_ref):
    h = jnp.dot(x_ref[...], w_ref[...], preferred_element_type=F32)
    g_ref[...] = h * dinvn_ref[...]


def _tc_b_body(agg_ref, dinvp_ref, b_ref, q_ref):
    dinv = dinvp_ref[...]
    out1 = jnp.maximum(dinv * (agg_ref[0] + agg_ref[1]) + b_ref[...], 0.0)
    q_ref[...] = out1 * dinv


def _tc_c_body(agg_ref, dinvp_ref, w_ref, b_ref, o_ref):
    pre = dinvp_ref[...] * (agg_ref[0] + agg_ref[1])
    h2 = jnp.dot(pre, w_ref[...], preferred_element_type=F32) + b_ref[...]
    out2 = jnp.maximum(h2, 0.0)
    ssum = jnp.sum(out2, axis=0, keepdims=True)
    o_ref[...] = (ssum[:, 0:64] + ssum[:, 64:128]
                  + ssum[:, 128:192] + ssum[:, 192:256]) * (1.0 / N)


def kernel(x, edge_index, W1, b1, W2, b2):
    ei = edge_index.astype(jnp.int32).reshape(2, NBLKT, B)

    ident = jnp.arange(N, dtype=jnp.int32).reshape(NS * (RPT // ZR), ZR)

    deg_p = _deg_kernel(ei)

    dinv_c = pl.pallas_call(
        _tc_a1_body,
        out_shape=jax.ShapeDtypeStruct((NPADD // 128, 128), F32),
    )(deg_p.reshape(NW, NPADD // 128, 128))

    dinv_flat = dinv_c.reshape(NPADD)[:N, None]
    dinv_n = jnp.broadcast_to(dinv_flat, (N, HID_DIM))
    dinv_p = jnp.broadcast_to(dinv_flat, (N, HID_DIM)).reshape(PK, 128)

    g1 = pl.pallas_call(
        _tc_a2_body,
        out_shape=jax.ShapeDtypeStruct((N, HID_DIM), F32),
    )(x, W1, dinv_n)

    agg1 = _agg_hid(g1, ei, ident)

    qp = pl.pallas_call(
        _tc_b_body,
        out_shape=jax.ShapeDtypeStruct((PK, 128), F32),
    )(agg1.reshape(NC, PK, 128), dinv_p, jnp.tile(b1, 4).reshape(1, 128))

    agg2 = _agg_hid(qp.reshape(N, HID_DIM), ei, ident)

    w2big = jax.scipy.linalg.block_diag(W2, W2, W2, W2)
    out = pl.pallas_call(
        _tc_c_body,
        out_shape=jax.ShapeDtypeStruct((1, OUT_DIM), F32),
    )(agg2.reshape(NC, PK, 128), dinv_p, w2big,
      jnp.tile(b2, 4).reshape(1, 256))

    return out.reshape(OUT_DIM)

# --- scband reference (transcript-rebuilt; emitter-appended) ---
"""Pipeline reference for scband-landmark-gcn-47399259079111 (READ-ONLY COPY).

The authoritative reference and input builder live on the scoring server;
editing this copy changes nothing except your own understanding.
"""

import jax, jax.numpy as jnp
import numpy as np

N_NODES = 10000
N_EDGES = 320000
IN_DIM = 128
HID_DIM = 32
OUT_DIM = 64


def gcn_conv(x, edge_index, W, b):
    n = x.shape[0]
    loop = jnp.arange(n, dtype=edge_index.dtype)
    src = jnp.concatenate([edge_index[0], loop])
    dst = jnp.concatenate([edge_index[1], loop])
    deg = jnp.zeros((n,), dtype=x.dtype).at[dst].add(1.0)
    dinv = jnp.where(deg > 0, jax.lax.rsqrt(jnp.maximum(deg, 1e-12)), 0.0)
    norm = dinv[src] * dinv[dst]
    h = x @ W
    msg = h[src] * norm[:, None]
    out = jax.ops.segment_sum(msg, dst, num_segments=n)
    return out + b


def setup_inputs(seed: int = 0) -> dict:
    key = jax.random.key(seed)
    k1, k2, k3, k4, k5, k6 = jax.random.split(key, 6)
    x = jax.random.normal(k1, (N_NODES, IN_DIM), dtype=jnp.float32)
    edge_index = jax.random.randint(k2, (2, N_EDGES), 0, N_NODES, dtype=jnp.int64)
    W1 = jax.random.normal(k3, (IN_DIM, HID_DIM), dtype=jnp.float32) * (1.0 / np.sqrt(IN_DIM))
    b1 = jnp.zeros((HID_DIM,), dtype=jnp.float32)
    W2 = jax.random.normal(k4, (HID_DIM, OUT_DIM), dtype=jnp.float32) * (1.0 / np.sqrt(HID_DIM))
    b2 = jnp.zeros((OUT_DIM,), dtype=jnp.float32)
    return {"x": x, "edge_index": edge_index, "W1": W1, "b1": b1, "W2": W2, "b2": b2}


def reference(x, edge_index, W1, b1, W2, b2):
    h = gcn_conv(x, edge_index, W1, b1)
    h = jax.nn.relu(h)
    h = gcn_conv(h, edge_index, W2, b2)
    h = jax.nn.relu(h)
    out = jnp.mean(h, axis=0)
    return out

if __name__ == "__main__":
    import jax
    _d = setup_inputs()
    print(jax.jit(kernel)(*tuple(_d.values())))

</pallas_src>

<mosaic_0001>
#map = affine_map<(d0, d1) -> (0, 0)>
#map1 = affine_map<(d0, d1) -> (0, 0, 0)>
module attributes {stable_mosaic.version = 14 : i64} {
  func.func @agg_kernel(%arg0: i32, %arg1: i32, %arg2: memref<10000x32xf32, #tpu.memory_space<hbm>>, %arg3: memref<2x2500x128xi32, #tpu.memory_space<hbm>>, %arg4: memref<80x125xi32, #tpu.memory_space<hbm>>, %arg5: memref<2x10000x32xf32, #tpu.memory_space<hbm>>, %arg6: memref<78x128xi32, #tpu.memory_space<vmem>>, %arg7: memref<78x128xi32, #tpu.memory_space<vmem>>, %arg8: memref<16xi32, #tpu.memory_space<vmem>>, %arg9: memref<16xi32, #tpu.memory_space<vmem>>, %arg10: memref<5x125xi32, #tpu.memory_space<vmem>>, %arg11: memref<128x32xf32, #tpu.memory_space<vmem>>, %arg12: memref<128x32xf32, #tpu.memory_space<vmem>>, %arg13: memref<128x32xf32, #tpu.memory_space<vmem>>, %arg14: memref<128x32xf32, #tpu.memory_space<vmem>>, %arg15: memref<128x32xf32, #tpu.memory_space<vmem>>, %arg16: memref<128x32xf32, #tpu.memory_space<vmem>>, %arg17: memref<128x32xf32, #tpu.memory_space<vmem>>, %arg18: memref<128x32xf32, #tpu.memory_space<vmem>>, %arg19: memref<16x32xf32, #tpu.memory_space<vmem>>, %arg20: memref<125x32xf32, #tpu.memory_space<vmem>>, %arg21: memref<10000x32xf32, #tpu.memory_space<vmem_shared>>, %arg22: memref<!tpu.dma_semaphore, #tpu.memory_space<semaphore_mem>>, %arg23: memref<!tpu.dma_semaphore, #tpu.memory_space<semaphore_mem>>, %arg24: memref<!tpu.dma_semaphore, #tpu.memory_space<semaphore_mem>>, %arg25: memref<!tpu.dma_semaphore, #tpu.memory_space<semaphore_mem>>, %arg26: memref<!tpu.dma_semaphore, #tpu.memory_space<semaphore_mem>>, %arg27: memref<!tpu.dma_semaphore, #tpu.memory_space<semaphore_mem>>, %arg28: memref<!tpu.dma_semaphore, #tpu.memory_space<semaphore_mem>>, %arg29: memref<!tpu.dma_semaphore, #tpu.memory_space<semaphore_mem>>) attributes {dimension_semantics = [#tpu.dimension_semantics<core_parallel>, #tpu.dimension_semantics<subcore_parallel>], iteration_bounds = array<i64: 2, 16>, scalar_prefetch = 0 : i64, scratch_operands = 24 : i64, tpu.core_type = #tpu.core_type<sc_vector_subcore>, window_params = [{transform_indices = #map}, {transform_indices = #map1}, {transform_indices = #map}, {transform_indices = #map1}]} {
    %mul3A = arith.constant 16 : i32
    %mul3A_0 = arith.muli %arg0, %mul3A : i32
    %add3A = arith.addi %mul3A_0, %arg1 : i32
    %mul3A_1 = arith.constant 625 : i32
    %mul3A_2 = arith.muli %arg1, %mul3A_1 : i32
    %mul3A_3 = arith.constant 78 : i32
    %mul3A_4 = arith.muli %add3A, %mul3A_3 : i32
    %run_scoped3A = arith.constant 0 : i32
    "tpu.region"() ({
      %run_scoped3A_356 = tpu.sem_alloc : memref<!tpu.dma_semaphore, #tpu.memory_space<semaphore_mem>>
      %dma_start3A_357 = arith.constant 0 : i32
      %dma_start3A_358 = tpu.memref_slice %arg3[%run_scoped3A, %mul3A_4, %dma_start3A_357] : memref<2x2500x128xi32, #tpu.memory_space<hbm>> -> memref<1x78x128xi32, #tpu.memory_space<hbm>>
      %dma_start3A_359 = tpu.memref_squeeze %dma_start3A_358 : memref<1x78x128xi32, #tpu.memory_space<hbm>> -> memref<78x128xi32, #tpu.memory_space<hbm>>
      %dma_start3A_360 = arith.constant 0 : i32
      %dma_start3A_361 = tpu.memref_slice %arg3[%run_scoped3A, %mul3A_4, %dma_start3A_360] : memref<2x2500x128xi32, #tpu.memory_space<hbm>> -> memref<1x78x128xi32, #tpu.memory_space<hbm>>
      %dma_start3A_362 = tpu.memref_squeeze %dma_start3A_361 : memref<1x78x128xi32, #tpu.memory_space<hbm>> -> memref<78x128xi32, #tpu.memory_space<hbm>>
      tpu.enqueue_dma source(%dma_start3A_362 : memref<78x128xi32, #tpu.memory_space<hbm>>) target(%arg6 : memref<78x128xi32, #tpu.memory_space<vmem>>) target_semaphore(%run_scoped3A_356 : memref<!tpu.dma_semaphore, #tpu.memory_space<semaphore_mem>>)
      %dma_wait3A_363 = arith.constant 0 : i32
      %dma_wait3A_364 = tpu.memref_slice %arg3[%run_scoped3A, %mul3A_4, %dma_wait3A_363] : memref<2x2500x128xi32, #tpu.memory_space<hbm>> -> memref<1x78x128xi32, #tpu.memory_space<hbm>>
      %dma_wait3A_365 = tpu.memref_squeeze %dma_wait3A_364 : memref<1x78x128xi32, #tpu.memory_space<hbm>> -> memref<78x128xi32, #tpu.memory_space<hbm>>
      %dma_wait3A_366 = arith.constant 0 : i32
      %dma_wait3A_367 = tpu.memref_slice %arg3[%run_scoped3A, %mul3A_4, %dma_wait3A_366] : memref<2x2500x128xi32, #tpu.memory_space<hbm>> -> memref<1x78x128xi32, #tpu.memory_space<hbm>>
      %dma_wait3A_368 = tpu.memref_squeeze %dma_wait3A_367 : memref<1x78x128xi32, #tpu.memory_space<hbm>> -> memref<78x128xi32, #tpu.memory_space<hbm>>
      tpu.wait_dma2 semaphore(%run_scoped3A_356 : memref<!tpu.dma_semaphore, #tpu.memory_space<semaphore_mem>>) src(%dma_wait3A_368 : memref<78x128xi32, #tpu.memory_space<hbm>>) dst(%arg6 : memref<78x128xi32, #tpu.memory_space<vmem>>)
      tpu.yield
    }) : () -> ()
    %run_scoped3A_5 = arith.constant 1 : i32
    "tpu.region"() ({
      %run_scoped3A_356 = tpu.sem_alloc : memref<!tpu.dma_semaphore, #tpu.memory_space<semaphore_mem>>
      %dma_start3A_357 = arith.constant 0 : i32
      %dma_start3A_358 = tpu.memref_slice %arg3[%run_scoped3A_5, %mul3A_4, %dma_start3A_357] : memref<2x2500x128xi32, #tpu.memory_space<hbm>> -> memref<1x78x128xi32, #tpu.memory_space<hbm>>
      %dma_start3A_359 = tpu.memref_squeeze %dma_start3A_358 : memref<1x78x128xi32, #tpu.memory_space<hbm>> -> memref<78x128xi32, #tpu.memory_space<hbm>>
      %dma_start3A_360 = arith.constant 0 : i32
      %dma_start3A_361 = tpu.memref_slice %arg3[%run_scoped3A_5, %mul3A_4, %dma_start3A_360] : memref<2x2500x128xi32, #tpu.memory_space<hbm>> -> memref<1x78x128xi32, #tpu.memory_space<hbm>>
      %dma_start3A_362 = tpu.memref_squeeze %dma_start3A_361 : memref<1x78x128xi32, #tpu.memory_space<hbm>> -> memref<78x128xi32, #tpu.memory_space<hbm>>
      tpu.enqueue_dma source(%dma_start3A_362 : memref<78x128xi32, #tpu.memory_space<hbm>>) target(%arg7 : memref<78x128xi32, #tpu.memory_space<vmem>>) target_semaphore(%run_scoped3A_356 : memref<!tpu.dma_semaphore, #tpu.memory_space<semaphore_mem>>)
      %dma_wait3A_363 = arith.constant 0 : i32
      %dma_wait3A_364 = tpu.memref_slice %arg3[%run_scoped3A_5, %mul3A_4, %dma_wait3A_363] : memref<2x2500x128xi32, #tpu.memory_space<hbm>> -> memref<1x78x128xi32, #tpu.memory_space<hbm>>
      %dma_wait3A_365 = tpu.memref_squeeze %dma_wait3A_364 : memref<1x78x128xi32, #tpu.memory_space<hbm>> -> memref<78x128xi32, #tpu.memory_space<hbm>>
      %dma_wait3A_366 = arith.constant 0 : i32
      %dma_wait3A_367 = tpu.memref_slice %arg3[%run_scoped3A_5, %mul3A_4, %dma_wait3A_366] : memref<2x2500x128xi32, #tpu.memory_space<hbm>> -> memref<1x78x128xi32, #tpu.memory_space<hbm>>
      %dma_wait3A_368 = tpu.memref_squeeze %dma_wait3A_367 : memref<1x78x128xi32, #tpu.memory_space<hbm>> -> memref<78x128xi32, #tpu.memory_space<hbm>>
      tpu.wait_dma2 semaphore(%run_scoped3A_356 : memref<!tpu.dma_semaphore, #tpu.memory_space<semaphore_mem>>) src(%dma_wait3A_368 : memref<78x128xi32, #tpu.memory_space<hbm>>) dst(%arg7 : memref<78x128xi32, #tpu.memory_space<vmem>>)
      tpu.yield
    }) : () -> ()
    %jit3A = arith.constant 8 : i32
    %div3A = arith.divsi %add3A, %jit3A : i32
    %sign3A = arith.constant 0 : i32
    %sign3A_6 = arith.cmpi sgt, %add3A, %sign3A : i32
    %sign3A_7 = arith.extui %sign3A_6 : i1 to i32
    %sign3A_8 = arith.constant 0 : i32
    %sign3A_9 = arith.cmpi slt, %add3A, %sign3A_8 : i32
    %sign3A_10 = arith.extui %sign3A_9 : i1 to i32
    %sign3A_11 = arith.subi %sign3A_7, %sign3A_10 : i32
    %sign3A_12 = arith.constant 0 : i32
    %sign3A_13 = arith.cmpi sgt, %jit3A, %sign3A_12 : i32
    %sign3A_14 = arith.extui %sign3A_13 : i1 to i32
    %sign3A_15 = arith.constant 0 : i32
    %sign3A_16 = arith.cmpi slt, %jit3A, %sign3A_15 : i32
    %sign3A_17 = arith.extui %sign3A_16 : i1 to i32
    %sign3A_18 = arith.subi %sign3A_14, %sign3A_17 : i32
    %ne3A = arith.cmpi ne, %sign3A_11, %sign3A_18 : i32
    %rem3A = arith.remsi %add3A, %jit3A : i32
    %ne3A_19 = arith.constant 0 : i32
    %ne3A_20 = arith.cmpi ne, %rem3A, %ne3A_19 : i32
    %and3A = arith.andi %ne3A, %ne3A_20 : i1
    %sub3A = arith.constant 1 : i32
    %sub3A_21 = arith.subi %div3A, %sub3A : i32
    %select_n3A = arith.select %and3A, %sub3A_21, %div3A : i32
    %add3A_22 = arith.constant 2496 : i32
    %add3A_23 = arith.addi %add3A_22, %select_n3A : i32
    %jit3A_24 = arith.constant 8 : i32
    %eq3A = arith.constant 0 : i32
    %eq3A_25 = arith.cmpi eq, %jit3A_24, %eq3A : i32
    %jit3A_26 = arith.constant 1 : i32
    %select_n3A_27 = arith.select %eq3A_25, %jit3A_26, %jit3A_24 : i32
    %rem3A_28 = arith.remsi %add3A, %select_n3A_27 : i32
    %ne3A_29 = arith.constant 0 : i32
    %ne3A_30 = arith.cmpi ne, %rem3A_28, %ne3A_29 : i32
    %lt3A = arith.constant 0 : i32
    %lt3A_31 = arith.cmpi slt, %rem3A_28, %lt3A : i32
    %lt3A_32 = arith.constant 0 : i32
    %lt3A_33 = arith.cmpi slt, %select_n3A_27, %lt3A_32 : i32
    %ne3A_34 = arith.xori %lt3A_31, %lt3A_33 : i1
    %and3A_35 = arith.andi %ne3A_34, %ne3A_30 : i1
    %add3A_36 = arith.addi %rem3A_28, %select_n3A_27 : i32
    %select_n3A_37 = arith.select %and3A_35, %add3A_36, %rem3A_28 : i32
    %mul3A_38 = arith.constant 16 : i32
    %mul3A_39 = arith.muli %select_n3A_37, %mul3A_38 : i32
    %run_scoped3A_40 = arith.constant 0 : i32
    "tpu.region"() ({
      %run_scoped3A_356 = tpu.sem_alloc : memref<!tpu.dma_semaphore, #tpu.memory_space<semaphore_mem>>
      %dma_start3A_357 = tpu.memref_slice %arg3[%run_scoped3A_40, %add3A_23, %mul3A_39] : memref<2x2500x128xi32, #tpu.memory_space<hbm>> -> memref<1x1x16xi32, #tpu.memory_space<hbm>>
      %dma_start3A_358 = tpu.memref_squeeze %dma_start3A_357 : memref<1x1x16xi32, #tpu.memory_space<hbm>> -> memref<16xi32, #tpu.memory_space<hbm>>
      %dma_start3A_359 = tpu.memref_slice %arg3[%run_scoped3A_40, %add3A_23, %mul3A_39] : memref<2x2500x128xi32, #tpu.memory_space<hbm>> -> memref<1x1x16xi32, #tpu.memory_space<hbm>>
      %dma_start3A_360 = tpu.memref_squeeze %dma_start3A_359 : memref<1x1x16xi32, #tpu.memory_space<hbm>> -> memref<16xi32, #tpu.memory_space<hbm>>
      tpu.enqueue_dma source(%dma_start3A_360 : memref<16xi32, #tpu.memory_space<hbm>>) target(%arg8 : memref<16xi32, #tpu.memory_space<vmem>>) target_semaphore(%run_scoped3A_356 : memref<!tpu.dma_semaphore, #tpu.memory_space<semaphore_mem>>)
      %dma_wait3A_361 = tpu.memref_slice %arg3[%run_scoped3A_40, %add3A_23, %mul3A_39] : memref<2x2500x128xi32, #tpu.memory_space<hbm>> -> memref<1x1x16xi32, #tpu.memory_space<hbm>>
      %dma_wait3A_362 = tpu.memref_squeeze %dma_wait3A_361 : memref<1x1x16xi32, #tpu.memory_space<hbm>> -> memref<16xi32, #tpu.memory_space<hbm>>
      %dma_wait3A_363 = tpu.memref_slice %arg3[%run_scoped3A_40, %add3A_23, %mul3A_39] : memref<2x2500x128xi32, #tpu.memory_space<hbm>> -> memref<1x1x16xi32, #tpu.memory_space<hbm>>
      %dma_wait3A_364 = tpu.memref_squeeze %dma_wait3A_363 : memref<1x1x16xi32, #tpu.memory_space<hbm>> -> memref<16xi32, #tpu.memory_space<hbm>>
      tpu.wait_dma2 semaphore(%run_scoped3A_356 : memref<!tpu.dma_semaphore, #tpu.memory_space<semaphore_mem>>) src(%dma_wait3A_364 : memref<16xi32, #tpu.memory_space<hbm>>) dst(%arg8 : memref<16xi32, #tpu.memory_space<vmem>>)
      tpu.yield
    }) : () -> ()
    %jit3A_41 = arith.constant 8 : i32
    %div3A_42 = arith.divsi %add3A, %jit3A_41 : i32
    %sign3A_43 = arith.constant 0 : i32
    %sign3A_44 = arith.cmpi sgt, %add3A, %sign3A_43 : i32
    %sign3A_45 = arith.extui %sign3A_44 : i1 to i32
    %sign3A_46 = arith.constant 0 : i32
    %sign3A_47 = arith.cmpi slt, %add3A, %sign3A_46 : i32
    %sign3A_48 = arith.extui %sign3A_47 : i1 to i32
    %sign3A_49 = arith.subi %sign3A_45, %sign3A_48 : i32
    %sign3A_50 = arith.constant 0 : i32
    %sign3A_51 = arith.cmpi sgt, %jit3A_41, %sign3A_50 : i32
    %sign3A_52 = arith.extui %sign3A_51 : i1 to i32
    %sign3A_53 = arith.constant 0 : i32
    %sign3A_54 = arith.cmpi slt, %jit3A_41, %sign3A_53 : i32
    %sign3A_55 = arith.extui %sign3A_54 : i1 to i32
    %sign3A_56 = arith.subi %sign3A_52, %sign3A_55 : i32
    %ne3A_57 = arith.cmpi ne, %sign3A_49, %sign3A_56 : i32
    %rem3A_58 = arith.remsi %add3A, %jit3A_41 : i32
    %ne3A_59 = arith.constant 0 : i32
    %ne3A_60 = arith.cmpi ne, %rem3A_58, %ne3A_59 : i32
    %and3A_61 = arith.andi %ne3A_57, %ne3A_60 : i1
    %sub3A_62 = arith.constant 1 : i32
    %sub3A_63 = arith.subi %div3A_42, %sub3A_62 : i32
    %select_n3A_64 = arith.select %and3A_61, %sub3A_63, %div3A_42 : i32
    %add3A_65 = arith.constant 2496 : i32
    %add3A_66 = arith.addi %add3A_65, %select_n3A_64 : i32
    %jit3A_67 = arith.constant 8 : i32
    %eq3A_68 = arith.constant 0 : i32
    %eq3A_69 = arith.cmpi eq, %jit3A_67, %eq3A_68 : i32
    %jit3A_70 = arith.constant 1 : i32
    %select_n3A_71 = arith.select %eq3A_69, %jit3A_70, %jit3A_67 : i32
    %rem3A_72 = arith.remsi %add3A, %select_n3A_71 : i32
    %ne3A_73 = arith.constant 0 : i32
    %ne3A_74 = arith.cmpi ne, %rem3A_72, %ne3A_73 : i32
    %lt3A_75 = arith.constant 0 : i32
    %lt3A_76 = arith.cmpi slt, %rem3A_72, %lt3A_75 : i32
    %lt3A_77 = arith.constant 0 : i32
    %lt3A_78 = arith.cmpi slt, %select_n3A_71, %lt3A_77 : i32
    %ne3A_79 = arith.xori %lt3A_76, %lt3A_78 : i1
    %and3A_80 = arith.andi %ne3A_79, %ne3A_74 : i1
    %add3A_81 = arith.addi %rem3A_72, %select_n3A_71 : i32
    %select_n3A_82 = arith.select %and3A_80, %add3A_81, %rem3A_72 : i32
    %mul3A_83 = arith.constant 16 : i32
    %mul3A_84 = arith.muli %select_n3A_82, %mul3A_83 : i32
    %run_scoped3A_85 = arith.constant 1 : i32
    "tpu.region"() ({
      %run_scoped3A_356 = tpu.sem_alloc : memref<!tpu.dma_semaphore, #tpu.memory_space<semaphore_mem>>
      %dma_start3A_357 = tpu.memref_slice %arg3[%run_scoped3A_85, %add3A_66, %mul3A_84] : memref<2x2500x128xi32, #tpu.memory_space<hbm>> -> memref<1x1x16xi32, #tpu.memory_space<hbm>>
      %dma_start3A_358 = tpu.memref_squeeze %dma_start3A_357 : memref<1x1x16xi32, #tpu.memory_space<hbm>> -> memref<16xi32, #tpu.memory_space<hbm>>
      %dma_start3A_359 = tpu.memref_slice %arg3[%run_scoped3A_85, %add3A_66, %mul3A_84] : memref<2x2500x128xi32, #tpu.memory_space<hbm>> -> memref<1x1x16xi32, #tpu.memory_space<hbm>>
      %dma_start3A_360 = tpu.memref_squeeze %dma_start3A_359 : memref<1x1x16xi32, #tpu.memory_space<hbm>> -> memref<16xi32, #tpu.memory_space<hbm>>
      tpu.enqueue_dma source(%dma_start3A_360 : memref<16xi32, #tpu.memory_space<hbm>>) target(%arg9 : memref<16xi32, #tpu.memory_space<vmem>>) target_semaphore(%run_scoped3A_356 : memref<!tpu.dma_semaphore, #tpu.memory_space<semaphore_mem>>)
      %dma_wait3A_361 = tpu.memref_slice %arg3[%run_scoped3A_85, %add3A_66, %mul3A_84] : memref<2x2500x128xi32, #tpu.memory_space<hbm>> -> memref<1x1x16xi32, #tpu.memory_space<hbm>>
      %dma_wait3A_362 = tpu.memref_squeeze %dma_wait3A_361 : memref<1x1x16xi32, #tpu.memory_space<hbm>> -> memref<16xi32, #tpu.memory_space<hbm>>
      %dma_wait3A_363 = tpu.memref_slice %arg3[%run_scoped3A_85, %add3A_66, %mul3A_84] : memref<2x2500x128xi32, #tpu.memory_space<hbm>> -> memref<1x1x16xi32, #tpu.memory_space<hbm>>
      %dma_wait3A_364 = tpu.memref_squeeze %dma_wait3A_363 : memref<1x1x16xi32, #tpu.memory_space<hbm>> -> memref<16xi32, #tpu.memory_space<hbm>>
      tpu.wait_dma2 semaphore(%run_scoped3A_356 : memref<!tpu.dma_semaphore, #tpu.memory_space<semaphore_mem>>) src(%dma_wait3A_364 : memref<16xi32, #tpu.memory_space<hbm>>) dst(%arg9 : memref<16xi32, #tpu.memory_space<vmem>>)
      tpu.yield
    }) : () -> ()
    %mul3A_86 = arith.constant 5 : i32
    %mul3A_87 = arith.muli %arg1, %mul3A_86 : i32
    "tpu.region"() ({
      %run_scoped3A_356 = tpu.sem_alloc : memref<!tpu.dma_semaphore, #tpu.memory_space<semaphore_mem>>
      %dma_start3A_357 = arith.constant 0 : i32
      %dma_start3A_358 = tpu.memref_slice %arg4[%mul3A_87, %dma_start3A_357] : memref<80x125xi32, #tpu.memory_space<hbm>> -> memref<5x125xi32, #tpu.memory_space<hbm>>
      %dma_start3A_359 = arith.constant 0 : i32
      %dma_start3A_360 = tpu.memref_slice %arg4[%mul3A_87, %dma_start3A_359] : memref<80x125xi32, #tpu.memory_space<hbm>> -> memref<5x125xi32, #tpu.memory_space<hbm>>
      tpu.enqueue_dma source(%dma_start3A_360 : memref<5x125xi32, #tpu.memory_space<hbm>>) target(%arg10 : memref<5x125xi32, #tpu.memory_space<vmem>>) target_semaphore(%run_scoped3A_356 : memref<!tpu.dma_semaphore, #tpu.memory_space<semaphore_mem>>)
      %dma_wait3A_361 = arith.constant 0 : i32
      %dma_wait3A_362 = tpu.memref_slice %arg4[%mul3A_87, %dma_wait3A_361] : memref<80x125xi32, #tpu.memory_space<hbm>> -> memref<5x125xi32, #tpu.memory_space<hbm>>
      %dma_wait3A_363 = arith.constant 0 : i32
      %dma_wait3A_364 = tpu.memref_slice %arg4[%mul3A_87, %dma_wait3A_363] : memref<80x125xi32, #tpu.memory_space<hbm>> -> memref<5x125xi32, #tpu.memory_space<hbm>>
      tpu.wait_dma2 semaphore(%run_scoped3A_356 : memref<!tpu.dma_semaphore, #tpu.memory_space<semaphore_mem>>) src(%dma_wait3A_364 : memref<5x125xi32, #tpu.memory_space<hbm>>) dst(%arg10 : memref<5x125xi32, #tpu.memory_space<vmem>>)
      tpu.yield
    }) : () -> ()
    %broadcast_in_dim3A = arith.constant 0.000000e+00 : f32
    %broadcast_in_dim3A_88 = vector.broadcast %broadcast_in_dim3A : f32 to vector<16xf32>
    %scan3A = arith.constant 0 : i32
    %scan3A_89 = arith.constant 125 : i32
    %scan3A_90 = arith.addi %scan3A, %scan3A_89 : i32
    %scan3A_91 = arith.constant 1 : i32
    scf.for %scan3A_356 = %scan3A to %scan3A_90 step %scan3A_91  : i32 {
      %mul3A_357 = arith.constant 1 : i32
      %mul3A_358 = arith.muli %scan3A_356, %mul3A_357 : i32
      %add3A_359 = arith.constant 0 : i32
      %add3A_360 = arith.addi %add3A_359, %mul3A_358 : i32
      %swap3A = arith.index_cast %add3A_360 : i32 to index
      %swap3A_361 = arith.constant 0 : index
      %swap3A_362 = tpu.vector_load %arg20[%swap3A, %swap3A_361] {strides = array<i32>} : memref<125x32xf32, #tpu.memory_space<vmem>>, vector<1x16xf32>,
      %swap3A_363 = vector.shape_cast %swap3A_362 : vector<1x16xf32> to vector<16xf32>
      %swap3A_364 = vector.shape_cast %broadcast_in_dim3A_88 : vector<16xf32> to vector<1x16xf32>
      tpu.vector_store %arg20[%swap3A, %swap3A_361], %swap3A_364 {strides = array<i32>} : memref<125x32xf32, #tpu.memory_space<vmem>>, vector<1x16xf32>,
      %swap3A_365 = arith.index_cast %add3A_360 : i32 to index
      %swap3A_366 = arith.constant 16 : index
      %swap3A_367 = tpu.vector_load %arg20[%swap3A_365, %swap3A_366] {strides = array<i32>} : memref<125x32xf32, #tpu.memory_space<vmem>>, vector<1x16xf32>,
      %swap3A_368 = vector.shape_cast %swap3A_367 : vector<1x16xf32> to vector<16xf32>
      %swap3A_369 = vector.shape_cast %broadcast_in_dim3A_88 : vector<16xf32> to vector<1x16xf32>
      tpu.vector_store %arg20[%swap3A_365, %swap3A_366], %swap3A_369 {strides = array<i32>} : memref<125x32xf32, #tpu.memory_space<vmem>>, vector<1x16xf32>,
    }
    %scan3A_92 = arith.constant 125 : i32
    %add3A_93 = arith.constant 0 : i32
    %add3A_94 = arith.addi %mul3A_2, %add3A_93 : i32
    "tpu.region"() ({
      %run_scoped3A_356 = tpu.sem_alloc : memref<!tpu.dma_semaphore, #tpu.memory_space<semaphore_mem>>
      %dma_start3A_357 = arith.constant 0 : i32
      %dma_start3A_358 = tpu.memref_slice %arg21[%add3A_94, %dma_start3A_357] : memref<10000x32xf32, #tpu.memory_space<vmem_shared>> -> memref<125x32xf32, #tpu.memory_space<vmem_shared>>
      %dma_start3A_359 = arith.constant 0 : i32
      %dma_start3A_360 = tpu.memref_slice %arg21[%add3A_94, %dma_start3A_359] : memref<10000x32xf32, #tpu.memory_space<vmem_shared>> -> memref<125x32xf32, #tpu.memory_space<vmem_shared>>
      tpu.enqueue_dma source(%arg20 : memref<125x32xf32, #tpu.memory_space<vmem>>) target(%dma_start3A_360 : memref<125x32xf32, #tpu.memory_space<vmem_shared>>) target_semaphore(%run_scoped3A_356 : memref<!tpu.dma_semaphore, #tpu.memory_space<semaphore_mem>>)
      %dma_wait3A_361 = arith.constant 0 : i32
      %dma_wait3A_362 = tpu.memref_slice %arg21[%add3A_94, %dma_wait3A_361] : memref<10000x32xf32, #tpu.memory_space<vmem_shared>> -> memref<125x32xf32, #tpu.memory_space<vmem_shared>>
      %dma_wait3A_363 = arith.constant 0 : i32
      %dma_wait3A_364 = tpu.memref_slice %arg21[%add3A_94, %dma_wait3A_363] : memref<10000x32xf32, #tpu.memory_space<vmem_shared>> -> memref<125x32xf32, #tpu.memory_space<vmem_shared>>
      tpu.wait_dma2 semaphore(%run_scoped3A_356 : memref<!tpu.dma_semaphore, #tpu.memory_space<semaphore_mem>>) src(%arg20 : memref<125x32xf32, #tpu.memory_space<vmem>>) dst(%dma_wait3A_364 : memref<125x32xf32, #tpu.memory_space<vmem_shared>>)
      tpu.yield
    }) : () -> ()
    %add3A_95 = arith.constant 125 : i32
    %add3A_96 = arith.addi %mul3A_2, %add3A_95 : i32
    "tpu.region"() ({
      %run_scoped3A_356 = tpu.sem_alloc : memref<!tpu.dma_semaphore, #tpu.memory_space<semaphore_mem>>
      %dma_start3A_357 = arith.constant 0 : i32
      %dma_start3A_358 = tpu.memref_slice %arg21[%add3A_96, %dma_start3A_357] : memref<10000x32xf32, #tpu.memory_space<vmem_shared>> -> memref<125x32xf32, #tpu.memory_space<vmem_shared>>
      %dma_start3A_359 = arith.constant 0 : i32
      %dma_start3A_360 = tpu.memref_slice %arg21[%add3A_96, %dma_start3A_359] : memref<10000x32xf32, #tpu.memory_space<vmem_shared>> -> memref<125x32xf32, #tpu.memory_space<vmem_shared>>
      tpu.enqueue_dma source(%arg20 : memref<125x32xf32, #tpu.memory_space<vmem>>) target(%dma_start3A_360 : memref<125x32xf32, #tpu.memory_space<vmem_shared>>) target_semaphore(%run_scoped3A_356 : memref<!tpu.dma_semaphore, #tpu.memory_space<semaphore_mem>>)
      %dma_wait3A_361 = arith.constant 0 : i32
      %dma_wait3A_362 = tpu.memref_slice %arg21[%add3A_96, %dma_wait3A_361] : memref<10000x32xf32, #tpu.memory_space<vmem_shared>> -> memref<125x32xf32, #tpu.memory_space<vmem_shared>>
      %dma_wait3A_363 = arith.constant 0 : i32
      %dma_wait3A_364 = tpu.memref_slice %arg21[%add3A_96, %dma_wait3A_363] : memref<10000x32xf32, #tpu.memory_space<vmem_shared>> -> memref<125x32xf32, #tpu.memory_space<vmem_shared>>
      tpu.wait_dma2 semaphore(%run_scoped3A_356 : memref<!tpu.dma_semaphore, #tpu.memory_space<semaphore_mem>>) src(%arg20 : memref<125x32xf32, #tpu.memory_space<vmem>>) dst(%dma_wait3A_364 : memref<125x32xf32, #tpu.memory_space<vmem_shared>>)
      tpu.yield
    }) : () -> ()
    %add3A_97 = arith.constant 250 : i32
    %add3A_98 = arith.addi %mul3A_2, %add3A_97 : i32
    "tpu.region"() ({
      %run_scoped3A_356 = tpu.sem_alloc : memref<!tpu.dma_semaphore, #tpu.memory_space<semaphore_mem>>
      %dma_start3A_357 = arith.constant 0 : i32
      %dma_start3A_358 = tpu.memref_slice %arg21[%add3A_98, %dma_start3A_357] : memref<10000x32xf32, #tpu.memory_space<vmem_shared>> -> memref<125x32xf32, #tpu.memory_space<vmem_shared>>
      %dma_start3A_359 = arith.constant 0 : i32
      %dma_start3A_360 = tpu.memref_slice %arg21[%add3A_98, %dma_start3A_359] : memref<10000x32xf32, #tpu.memory_space<vmem_shared>> -> memref<125x32xf32, #tpu.memory_space<vmem_shared>>
      tpu.enqueue_dma source(%arg20 : memref<125x32xf32, #tpu.memory_space<vmem>>) target(%dma_start3A_360 : memref<125x32xf32, #tpu.memory_space<vmem_shared>>) target_semaphore(%run_scoped3A_356 : memref<!tpu.dma_semaphore, #tpu.memory_space<semaphore_mem>>)
      %dma_wait3A_361 = arith.constant 0 : i32
      %dma_wait3A_362 = tpu.memref_slice %arg21[%add3A_98, %dma_wait3A_361] : memref<10000x32xf32, #tpu.memory_space<vmem_shared>> -> memref<125x32xf32, #tpu.memory_space<vmem_shared>>
      %dma_wait3A_363 = arith.constant 0 : i32
      %dma_wait3A_364 = tpu.memref_slice %arg21[%add3A_98, %dma_wait3A_363] : memref<10000x32xf32, #tpu.memory_space<vmem_shared>> -> memref<125x32xf32, #tpu.memory_space<vmem_shared>>
      tpu.wait_dma2 semaphore(%run_scoped3A_356 : memref<!tpu.dma_semaphore, #tpu.memory_space<semaphore_mem>>) src(%arg20 : memref<125x32xf32, #tpu.memory_space<vmem>>) dst(%dma_wait3A_364 : memref<125x32xf32, #tpu.memory_space<vmem_shared>>)
      tpu.yield
    }) : () -> ()
    %add3A_99 = arith.constant 375 : i32
    %add3A_100 = arith.addi %mul3A_2, %add3A_99 : i32
    "tpu.region"() ({
      %run_scoped3A_356 = tpu.sem_alloc : memref<!tpu.dma_semaphore, #tpu.memory_space<semaphore_mem>>
      %dma_start3A_357 = arith.constant 0 : i32
      %dma_start3A_358 = tpu.memref_slice %arg21[%add3A_100, %dma_start3A_357] : memref<10000x32xf32, #tpu.memory_space<vmem_shared>> -> memref<125x32xf32, #tpu.memory_space<vmem_shared>>
      %dma_start3A_359 = arith.constant 0 : i32
      %dma_start3A_360 = tpu.memref_slice %arg21[%add3A_100, %dma_start3A_359] : memref<10000x32xf32, #tpu.memory_space<vmem_shared>> -> memref<125x32xf32, #tpu.memory_space<vmem_shared>>
      tpu.enqueue_dma source(%arg20 : memref<125x32xf32, #tpu.memory_space<vmem>>) target(%dma_start3A_360 : memref<125x32xf32, #tpu.memory_space<vmem_shared>>) target_semaphore(%run_scoped3A_356 : memref<!tpu.dma_semaphore, #tpu.memory_space<semaphore_mem>>)
      %dma_wait3A_361 = arith.constant 0 : i32
      %dma_wait3A_362 = tpu.memref_slice %arg21[%add3A_100, %dma_wait3A_361] : memref<10000x32xf32, #tpu.memory_space<vmem_shared>> -> memref<125x32xf32, #tpu.memory_space<vmem_shared>>
      %dma_wait3A_363 = arith.constant 0 : i32
      %dma_wait3A_364 = tpu.memref_slice %arg21[%add3A_100, %dma_wait3A_363] : memref<10000x32xf32, #tpu.memory_space<vmem_shared>> -> memref<125x32xf32, #tpu.memory_space<vmem_shared>>
      tpu.wait_dma2 semaphore(%run_scoped3A_356 : memref<!tpu.dma_semaphore, #tpu.memory_space<semaphore_mem>>) src(%arg20 : memref<125x32xf32, #tpu.memory_space<vmem>>) dst(%dma_wait3A_364 : memref<125x32xf32, #tpu.memory_space<vmem_shared>>)
      tpu.yield
    }) : () -> ()
    %add3A_101 = arith.constant 500 : i32
    %add3A_102 = arith.addi %mul3A_2, %add3A_101 : i32
    "tpu.region"() ({
      %run_scoped3A_356 = tpu.sem_alloc : memref<!tpu.dma_semaphore, #tpu.memory_space<semaphore_mem>>
      %dma_start3A_357 = arith.constant 0 : i32
      %dma_start3A_358 = tpu.memref_slice %arg21[%add3A_102, %dma_start3A_357] : memref<10000x32xf32, #tpu.memory_space<vmem_shared>> -> memref<125x32xf32, #tpu.memory_space<vmem_shared>>
      %dma_start3A_359 = arith.constant 0 : i32
      %dma_start3A_360 = tpu.memref_slice %arg21[%add3A_102, %dma_start3A_359] : memref<10000x32xf32, #tpu.memory_space<vmem_shared>> -> memref<125x32xf32, #tpu.memory_space<vmem_shared>>
      tpu.enqueue_dma source(%arg20 : memref<125x32xf32, #tpu.memory_space<vmem>>) target(%dma_start3A_360 : memref<125x32xf32, #tpu.memory_space<vmem_shared>>) target_semaphore(%run_scoped3A_356 : memref<!tpu.dma_semaphore, #tpu.memory_space<semaphore_mem>>)
      %dma_wait3A_361 = arith.constant 0 : i32
      %dma_wait3A_362 = tpu.memref_slice %arg21[%add3A_102, %dma_wait3A_361] : memref<10000x32xf32, #tpu.memory_space<vmem_shared>> -> memref<125x32xf32, #tpu.memory_space<vmem_shared>>
      %dma_wait3A_363 = arith.constant 0 : i32
      %dma_wait3A_364 = tpu.memref_slice %arg21[%add3A_102, %dma_wait3A_363] : memref<10000x32xf32, #tpu.memory_space<vmem_shared>> -> memref<125x32xf32, #tpu.memory_space<vmem_shared>>
      tpu.wait_dma2 semaphore(%run_scoped3A_356 : memref<!tpu.dma_semaphore, #tpu.memory_space<semaphore_mem>>) src(%arg20 : memref<125x32xf32, #tpu.memory_space<vmem>>) dst(%dma_wait3A_364 : memref<125x32xf32, #tpu.memory_space<vmem_shared>>)
      tpu.yield
    }) : () -> ()
    %barrier3A = arith.constant 0 : index
    tpu.barrier barrier_id(%barrier3A)
    %dma_start3A = arith.constant 0 : i32
    %dma_start3A_103 = arith.constant 0 : i32
    %dma_start3A_104 = tpu.memref_slice %arg6[%dma_start3A, %dma_start3A_103] : memref<78x128xi32, #tpu.memory_space<vmem>> -> memref<1x128xi32, #tpu.memory_space<vmem>>
    %dma_start3A_105 = tpu.memref_squeeze %dma_start3A_104 : memref<1x128xi32, #tpu.memory_space<vmem>> -> memref<128xi32, #tpu.memory_space<vmem>>
    %dma_start3A_106 = arith.constant 0 : i32
    %dma_start3A_107 = arith.constant 0 : i32
    %dma_start3A_108 = tpu.memref_slice %arg2[%dma_start3A_106, %dma_start3A_107] : memref<10000x32xf32, #tpu.memory_space<hbm>> -> memref<10000x32xf32, #tpu.memory_space<hbm>>
    tpu.enqueue_indirect_dma source(%dma_start3A_108 : memref<10000x32xf32, #tpu.memory_space<hbm>>) target(%arg11 : memref<128x32xf32, #tpu.memory_space<vmem>>) offsets(%dma_start3A_105 : memref<128xi32, #tpu.memory_space<vmem>>) semaphore(%arg22 : memref<!tpu.dma_semaphore, #tpu.memory_space<semaphore_mem>>)
    %dma_start3A_109 = arith.constant 1 : i32
    %dma_start3A_110 = arith.constant 0 : i32
    %dma_start3A_111 = tpu.memref_slice %arg6[%dma_start3A_109, %dma_start3A_110] : memref<78x128xi32, #tpu.memory_space<vmem>> -> memref<1x128xi32, #tpu.memory_space<vmem>>
    %dma_start3A_112 = tpu.memref_squeeze %dma_start3A_111 : memref<1x128xi32, #tpu.memory_space<vmem>> -> memref<128xi32, #tpu.memory_space<vmem>>
    %dma_start3A_113 = arith.constant 0 : i32
    %dma_start3A_114 = arith.constant 0 : i32
    %dma_start3A_115 = tpu.memref_slice %arg2[%dma_start3A_113, %dma_start3A_114] : memref<10000x32xf32, #tpu.memory_space<hbm>> -> memref<10000x32xf32, #tpu.memory_space<hbm>>
    tpu.enqueue_indirect_dma source(%dma_start3A_115 : memref<10000x32xf32, #tpu.memory_space<hbm>>) target(%arg12 : memref<128x32xf32, #tpu.memory_space<vmem>>) offsets(%dma_start3A_112 : memref<128xi32, #tpu.memory_space<vmem>>) semaphore(%arg23 : memref<!tpu.dma_semaphore, #tpu.memory_space<semaphore_mem>>)
    %dma_start3A_116 = arith.constant 2 : i32
    %dma_start3A_117 = arith.constant 0 : i32
    %dma_start3A_118 = tpu.memref_slice %arg6[%dma_start3A_116, %dma_start3A_117] : memref<78x128xi32, #tpu.memory_space<vmem>> -> memref<1x128xi32, #tpu.memory_space<vmem>>
    %dma_start3A_119 = tpu.memref_squeeze %dma_start3A_118 : memref<1x128xi32, #tpu.memory_space<vmem>> -> memref<128xi32, #tpu.memory_space<vmem>>
    %dma_start3A_120 = arith.constant 0 : i32
    %dma_start3A_121 = arith.constant 0 : i32
    %dma_start3A_122 = tpu.memref_slice %arg2[%dma_start3A_120, %dma_start3A_121] : memref<10000x32xf32, #tpu.memory_space<hbm>> -> memref<10000x32xf32, #tpu.memory_space<hbm>>
    tpu.enqueue_indirect_dma source(%dma_start3A_122 : memref<10000x32xf32, #tpu.memory_space<hbm>>) target(%arg13 : memref<128x32xf32, #tpu.memory_space<vmem>>) offsets(%dma_start3A_119 : memref<128xi32, #tpu.memory_space<vmem>>) semaphore(%arg24 : memref<!tpu.dma_semaphore, #tpu.memory_space<semaphore_mem>>)
    %dma_start3A_123 = arith.constant 3 : i32
    %dma_start3A_124 = arith.constant 0 : i32
    %dma_start3A_125 = tpu.memref_slice %arg6[%dma_start3A_123, %dma_start3A_124] : memref<78x128xi32, #tpu.memory_space<vmem>> -> memref<1x128xi32, #tpu.memory_space<vmem>>
    %dma_start3A_126 = tpu.memref_squeeze %dma_start3A_125 : memref<1x128xi32, #tpu.memory_space<vmem>> -> memref<128xi32, #tpu.memory_space<vmem>>
    %dma_start3A_127 = arith.constant 0 : i32
    %dma_start3A_128 = arith.constant 0 : i32
    %dma_start3A_129 = tpu.memref_slice %arg2[%dma_start3A_127, %dma_start3A_128] : memref<10000x32xf32, #tpu.memory_space<hbm>> -> memref<10000x32xf32, #tpu.memory_space<hbm>>
    tpu.enqueue_indirect_dma source(%dma_start3A_129 : memref<10000x32xf32, #tpu.memory_space<hbm>>) target(%arg14 : memref<128x32xf32, #tpu.memory_space<vmem>>) offsets(%dma_start3A_126 : memref<128xi32, #tpu.memory_space<vmem>>) semaphore(%arg25 : memref<!tpu.dma_semaphore, #tpu.memory_space<semaphore_mem>>)
    %dma_start3A_130 = arith.constant 4 : i32
    %dma_start3A_131 = arith.constant 0 : i32
    %dma_start3A_132 = tpu.memref_slice %arg6[%dma_start3A_130, %dma_start3A_131] : memref<78x128xi32, #tpu.memory_space<vmem>> -> memref<1x128xi32, #tpu.memory_space<vmem>>
    %dma_start3A_133 = tpu.memref_squeeze %dma_start3A_132 : memref<1x128xi32, #tpu.memory_space<vmem>> -> memref<128xi32, #tpu.memory_space<vmem>>
    %dma_start3A_134 = arith.constant 0 : i32
    %dma_start3A_135 = arith.constant 0 : i32
    %dma_start3A_136 = tpu.memref_slice %arg2[%dma_start3A_134, %dma_start3A_135] : memref<10000x32xf32, #tpu.memory_space<hbm>> -> memref<10000x32xf32, #tpu.memory_space<hbm>>
    tpu.enqueue_indirect_dma source(%dma_start3A_136 : memref<10000x32xf32, #tpu.memory_space<hbm>>) target(%arg15 : memref<128x32xf32, #tpu.memory_space<vmem>>) offsets(%dma_start3A_133 : memref<128xi32, #tpu.memory_space<vmem>>) semaphore(%arg26 : memref<!tpu.dma_semaphore, #tpu.memory_space<semaphore_mem>>)
    %dma_start3A_137 = arith.constant 5 : i32
    %dma_start3A_138 = arith.constant 0 : i32
    %dma_start3A_139 = tpu.memref_slice %arg6[%dma_start3A_137, %dma_start3A_138] : memref<78x128xi32, #tpu.memory_space<vmem>> -> memref<1x128xi32, #tpu.memory_space<vmem>>
    %dma_start3A_140 = tpu.memref_squeeze %dma_start3A_139 : memref<1x128xi32, #tpu.memory_space<vmem>> -> memref<128xi32, #tpu.memory_space<vmem>>
    %dma_start3A_141 = arith.constant 0 : i32
    %dma_start3A_142 = arith.constant 0 : i32
    %dma_start3A_143 = tpu.memref_slice %arg2[%dma_start3A_141, %dma_start3A_142] : memref<10000x32xf32, #tpu.memory_space<hbm>> -> memref<10000x32xf32, #tpu.memory_space<hbm>>
    tpu.enqueue_indirect_dma source(%dma_start3A_143 : memref<10000x32xf32, #tpu.memory_space<hbm>>) target(%arg16 : memref<128x32xf32, #tpu.memory_space<vmem>>) offsets(%dma_start3A_140 : memref<128xi32, #tpu.memory_space<vmem>>) semaphore(%arg27 : memref<!tpu.dma_semaphore, #tpu.memory_space<semaphore_mem>>)
    %dma_start3A_144 = arith.constant 6 : i32
    %dma_start3A_145 = arith.constant 0 : i32
    %dma_start3A_146 = tpu.memref_slice %arg6[%dma_start3A_144, %dma_start3A_145] : memref<78x128xi32, #tpu.memory_space<vmem>> -> memref<1x128xi32, #tpu.memory_space<vmem>>
    %dma_start3A_147 = tpu.memref_squeeze %dma_start3A_146 : memref<1x128xi32, #tpu.memory_space<vmem>> -> memref<128xi32, #tpu.memory_space<vmem>>
    %dma_start3A_148 = arith.constant 0 : i32
    %dma_start3A_149 = arith.constant 0 : i32
    %dma_start3A_150 = tpu.memref_slice %arg2[%dma_start3A_148, %dma_start3A_149] : memref<10000x32xf32, #tpu.memory_space<hbm>> -> memref<10000x32xf32, #tpu.memory_space<hbm>>
    tpu.enqueue_indirect_dma source(%dma_start3A_150 : memref<10000x32xf32, #tpu.memory_space<hbm>>) target(%arg17 : memref<128x32xf32, #tpu.memory_space<vmem>>) offsets(%dma_start3A_147 : memref<128xi32, #tpu.memory_space<vmem>>) semaphore(%arg28 : memref<!tpu.dma_semaphore, #tpu.memory_space<semaphore_mem>>)
    %dma_start3A_151 = arith.constant 7 : i32
    %dma_start3A_152 = arith.constant 0 : i32
    %dma_start3A_153 = tpu.memref_slice %arg6[%dma_start3A_151, %dma_start3A_152] : memref<78x128xi32, #tpu.memory_space<vmem>> -> memref<1x128xi32, #tpu.memory_space<vmem>>
    %dma_start3A_154 = tpu.memref_squeeze %dma_start3A_153 : memref<1x128xi32, #tpu.memory_space<vmem>> -> memref<128xi32, #tpu.memory_space<vmem>>
    %dma_start3A_155 = arith.constant 0 : i32
    %dma_start3A_156 = arith.constant 0 : i32
    %dma_start3A_157 = tpu.memref_slice %arg2[%dma_start3A_155, %dma_start3A_156] : memref<10000x32xf32, #tpu.memory_space<hbm>> -> memref<10000x32xf32, #tpu.memory_space<hbm>>
    tpu.enqueue_indirect_dma source(%dma_start3A_157 : memref<10000x32xf32, #tpu.memory_space<hbm>>) target(%arg18 : memref<128x32xf32, #tpu.memory_space<vmem>>) offsets(%dma_start3A_154 : memref<128xi32, #tpu.memory_space<vmem>>) semaphore(%arg29 : memref<!tpu.dma_semaphore, #tpu.memory_space<semaphore_mem>>)
    %scan3A_158 = arith.constant 0 : i32
    %scan3A_159 = arith.constant 8 : i32
    %scan3A_160 = arith.addi %scan3A_158, %scan3A_159 : i32
    %scan3A_161 = arith.constant 1 : i32
    scf.for %scan3A_356 = %scan3A_158 to %scan3A_160 step %scan3A_161  : i32 {
      %mul3A_357 = arith.constant 1 : i32
      %mul3A_358 = arith.muli %scan3A_356, %mul3A_357 : i32
      %add3A_359 = arith.constant 0 : i32
      %add3A_360 = arith.addi %add3A_359, %mul3A_358 : i32
      %mul3A_361 = arith.constant 8 : i32
      %mul3A_362 = arith.muli %add3A_360, %mul3A_361 : i32
      %add3A_363 = arith.constant 0 : i32
      %add3A_364 = arith.addi %mul3A_362, %add3A_363 : i32
      %dma_wait3A_365 = arith.constant 0 : i32
      %dma_wait3A_366 = tpu.memref_slice %arg6[%add3A_364, %dma_wait3A_365] : memref<78x128xi32, #tpu.memory_space<vmem>> -> memref<1x128xi32, #tpu.memory_space<vmem>>
      %dma_wait3A_367 = tpu.memref_squeeze %dma_wait3A_366 : memref<1x128xi32, #tpu.memory_space<vmem>> -> memref<128xi32, #tpu.memory_space<vmem>>
      %dma_wait3A_368 = arith.constant 0 : i32
      %dma_wait3A_369 = arith.constant 0 : i32
      %dma_wait3A_370 = tpu.memref_slice %arg2[%dma_wait3A_368, %dma_wait3A_369] : memref<10000x32xf32, #tpu.memory_space<hbm>> -> memref<10000x32xf32, #tpu.memory_space<hbm>>
      tpu.wait_indirect_dma semaphore(%arg22 : memref<!tpu.dma_semaphore, #tpu.memory_space<semaphore_mem>>) src(%dma_wait3A_370 : memref<10000x32xf32, #tpu.memory_space<hbm>>) dst(%arg11 : memref<128x32xf32, #tpu.memory_space<vmem>>)
      "tpu.region"() ({
        %run_scoped3A_505 = tpu.sem_alloc : memref<!tpu.dma_semaphore, #tpu.memory_space<semaphore_mem>>
        %dma_start3A_506 = arith.constant 0 : i32
        %dma_start3A_507 = tpu.memref_slice %arg7[%add3A_364, %dma_start3A_506] : memref<78x128xi32, #tpu.memory_space<vmem>> -> memref<1x128xi32, #tpu.memory_space<vmem>>
        %dma_start3A_508 = tpu.memref_squeeze %dma_start3A_507 : memref<1x128xi32, #tpu.memory_space<vmem>> -> memref<128xi32, #tpu.memory_space<vmem>>
        %dma_start3A_509 = arith.constant 0 : i32
        %dma_start3A_510 = arith.constant 0 : i32
        %dma_start3A_511 = tpu.memref_slice %arg21[%dma_start3A_509, %dma_start3A_510] : memref<10000x32xf32, #tpu.memory_space<vmem_shared>> -> memref<10000x32xf32, #tpu.memory_space<vmem_shared>>
        tpu.enqueue_indirect_dma source(%arg11 : memref<128x32xf32, #tpu.memory_space<vmem>>) target(%dma_start3A_511 : memref<10000x32xf32, #tpu.memory_space<vmem_shared>>) offsets(%dma_start3A_508 : memref<128xi32, #tpu.memory_space<vmem>>) semaphore(%run_scoped3A_505 : memref<!tpu.dma_semaphore, #tpu.memory_space<semaphore_mem>>) {add = true}
        %dma_wait3A_512 = arith.constant 0 : i32
        %dma_wait3A_513 = tpu.memref_slice %arg7[%add3A_364, %dma_wait3A_512] : memref<78x128xi32, #tpu.memory_space<vmem>> -> memref<1x128xi32, #tpu.memory_space<vmem>>
        %dma_wait3A_514 = tpu.memref_squeeze %dma_wait3A_513 : memref<1x128xi32, #tpu.memory_space<vmem>> -> memref<128xi32, #tpu.memory_space<vmem>>
        %dma_wait3A_515 = arith.constant 0 : i32
        %dma_wait3A_516 = arith.constant 0 : i32
        %dma_wait3A_517 = tpu.memref_slice %arg21[%dma_wait3A_515, %dma_wait3A_516] : memref<10000x32xf32, #tpu.memory_space<vmem_shared>> -> memref<10000x32xf32, #tpu.memory_space<vmem_shared>>
        tpu.wait_indirect_dma semaphore(%run_scoped3A_505 : memref<!tpu.dma_semaphore, #tpu.memory_space<semaphore_mem>>) src(%arg11 : memref<128x32xf32, #tpu.memory_space<vmem>>) dst(%dma_wait3A_517 : memref<10000x32xf32, #tpu.memory_space<vmem_shared>>)
        tpu.yield
      }) : () -> ()
      %add3A_371 = arith.constant 8 : i32
      %add3A_372 = arith.addi %add3A_364, %add3A_371 : i32
      %dma_start3A_373 = arith.constant 0 : i32
      %dma_start3A_374 = tpu.memref_slice %arg6[%add3A_372, %dma_start3A_373] : memref<78x128xi32, #tpu.memory_space<vmem>> -> memref<1x128xi32, #tpu.memory_space<vmem>>
      %dma_start3A_375 = tpu.memref_squeeze %dma_start3A_374 : memref<1x128xi32, #tpu.memory_space<vmem>> -> memref<128xi32, #tpu.memory_space<vmem>>
      %dma_start3A_376 = arith.constant 0 : i32
      %dma_start3A_377 = arith.constant 0 : i32
      %dma_start3A_378 = tpu.memref_slice %arg2[%dma_start3A_376, %dma_start3A_377] : memref<10000x32xf32, #tpu.memory_space<hbm>> -> memref<10000x32xf32, #tpu.memory_space<hbm>>
      tpu.enqueue_indirect_dma source(%dma_start3A_378 : memref<10000x32xf32, #tpu.memory_space<hbm>>) target(%arg11 : memref<128x32xf32, #tpu.memory_space<vmem>>) offsets(%dma_start3A_375 : memref<128xi32, #tpu.memory_space<vmem>>) semaphore(%arg22 : memref<!tpu.dma_semaphore, #tpu.memory_space<semaphore_mem>>)
      %mul3A_379 = arith.constant 8 : i32
      %mul3A_380 = arith.muli %add3A_360, %mul3A_379 : i32
      %add3A_381 = arith.constant 1 : i32
      %add3A_382 = arith.addi %mul3A_380, %add3A_381 : i32
      %dma_wait3A_383 = arith.constant 0 : i32
      %dma_wait3A_384 = tpu.memref_slice %arg6[%add3A_382, %dma_wait3A_383] : memref<78x128xi32, #tpu.memory_space<vmem>> -> memref<1x128xi32, #tpu.memory_space<vmem>>
      %dma_wait3A_385 = tpu.memref_squeeze %dma_wait3A_384 : memref<1x128xi32, #tpu.memory_space<vmem>> -> memref<128xi32, #tpu.memory_space<vmem>>
      %dma_wait3A_386 = arith.constant 0 : i32
      %dma_wait3A_387 = arith.constant 0 : i32
      %dma_wait3A_388 = tpu.memref_slice %arg2[%dma_wait3A_386, %dma_wait3A_387] : memref<10000x32xf32, #tpu.memory_space<hbm>> -> memref<10000x32xf32, #tpu.memory_space<hbm>>
      tpu.wait_indirect_dma semaphore(%arg23 : memref<!tpu.dma_semaphore, #tpu.memory_space<semaphore_mem>>) src(%dma_wait3A_388 : memref<10000x32xf32, #tpu.memory_space<hbm>>) dst(%arg12 : memref<128x32xf32, #tpu.memory_space<vmem>>)
      "tpu.region"() ({
        %run_scoped3A_505 = tpu.sem_alloc : memref<!tpu.dma_semaphore, #tpu.memory_space<semaphore_mem>>
        %dma_start3A_506 = arith.constant 0 : i32
        %dma_start3A_507 = tpu.memref_slice %arg7[%add3A_382, %dma_start3A_506] : memref<78x128xi32, #tpu.memory_space<vmem>> -> memref<1x128xi32, #tpu.memory_space<vmem>>
        %dma_start3A_508 = tpu.memref_squeeze %dma_start3A_507 : memref<1x128xi32, #tpu.memory_space<vmem>> -> memref<128xi32, #tpu.memory_space<vmem>>
        %dma_start3A_509 = arith.constant 0 : i32
        %dma_start3A_510 = arith.constant 0 : i32
        %dma_start3A_511 = tpu.memref_slice %arg21[%dma_start3A_509, %dma_start3A_510] : memref<10000x32xf32, #tpu.memory_space<vmem_shared>> -> memref<10000x32xf32, #tpu.memory_space<vmem_shared>>
        tpu.enqueue_indirect_dma source(%arg12 : memref<128x32xf32, #tpu.memory_space<vmem>>) target(%dma_start3A_511 : memref<10000x32xf32, #tpu.memory_space<vmem_shared>>) offsets(%dma_start3A_508 : memref<128xi32, #tpu.memory_space<vmem>>) semaphore(%run_scoped3A_505 : memref<!tpu.dma_semaphore, #tpu.memory_space<semaphore_mem>>) {add = true}
        %dma_wait3A_512 = arith.constant 0 : i32
        %dma_wait3A_513 = tpu.memref_slice %arg7[%add3A_382, %dma_wait3A_512] : memref<78x128xi32, #tpu.memory_space<vmem>> -> memref<1x128xi32, #tpu.memory_space<vmem>>
        %dma_wait3A_514 = tpu.memref_squeeze %dma_wait3A_513 : memref<1x128xi32, #tpu.memory_space<vmem>> -> memref<128xi32, #tpu.memory_space<vmem>>
        %dma_wait3A_515 = arith.constant 0 : i32
        %dma_wait3A_516 = arith.constant 0 : i32
        %dma_wait3A_517 = tpu.memref_slice %arg21[%dma_wait3A_515, %dma_wait3A_516] : memref<10000x32xf32, #tpu.memory_space<vmem_shared>> -> memref<10000x32xf32, #tpu.memory_space<vmem_shared>>
        tpu.wait_indirect_dma semaphore(%run_scoped3A_505 : memref<!tpu.dma_semaphore, #tpu.memory_space<semaphore_mem>>) src(%arg12 : memref<128x32xf32, #tpu.memory_space<vmem>>) dst(%dma_wait3A_517 : memref<10000x32xf32, #tpu.memory_space<vmem_shared>>)
        tpu.yield
      }) : () -> ()
      %add3A_389 = arith.constant 8 : i32
      %add3A_390 = arith.addi %add3A_382, %add3A_389 : i32
      %dma_start3A_391 = arith.constant 0 : i32
      %dma_start3A_392 = tpu.memref_slice %arg6[%add3A_390, %dma_start3A_391] : memref<78x128xi32, #tpu.memory_space<vmem>> -> memref<1x128xi32, #tpu.memory_space<vmem>>
      %dma_start3A_393 = tpu.memref_squeeze %dma_start3A_392 : memref<1x128xi32, #tpu.memory_space<vmem>> -> memref<128xi32, #tpu.memory_space<vmem>>
      %dma_start3A_394 = arith.constant 0 : i32
      %dma_start3A_395 = arith.constant 0 : i32
      %dma_start3A_396 = tpu.memref_slice %arg2[%dma_start3A_394, %dma_start3A_395] : memref<10000x32xf32, #tpu.memory_space<hbm>> -> memref<10000x32xf32, #tpu.memory_space<hbm>>
      tpu.enqueue_indirect_dma source(%dma_start3A_396 : memref<10000x32xf32, #tpu.memory_space<hbm>>) target(%arg12 : memref<128x32xf32, #tpu.memory_space<vmem>>) offsets(%dma_start3A_393 : memref<128xi32, #tpu.memory_space<vmem>>) semaphore(%arg23 : memref<!tpu.dma_semaphore, #tpu.memory_space<semaphore_mem>>)
      %mul3A_397 = arith.constant 8 : i32
      %mul3A_398 = arith.muli %add3A_360, %mul3A_397 : i32
      %add3A_399 = arith.constant 2 : i32
      %add3A_400 = arith.addi %mul3A_398, %add3A_399 : i32
      %dma_wait3A_401 = arith.constant 0 : i32
      %dma_wait3A_402 = tpu.memref_slice %arg6[%add3A_400, %dma_wait3A_401] : memref<78x128xi32, #tpu.memory_space<vmem>> -> memref<1x128xi32, #tpu.memory_space<vmem>>
      %dma_wait3A_403 = tpu.memref_squeeze %dma_wait3A_402 : memref<1x128xi32, #tpu.memory_space<vmem>> -> memref<128xi32, #tpu.memory_space<vmem>>
      %dma_wait3A_404 = arith.constant 0 : i32
      %dma_wait3A_405 = arith.constant 0 : i32
      %dma_wait3A_406 = tpu.memref_slice %arg2[%dma_wait3A_404, %dma_wait3A_405] : memref<10000x32xf32, #tpu.memory_space<hbm>> -> memref<10000x32xf32, #tpu.memory_space<hbm>>
      tpu.wait_indirect_dma semaphore(%arg24 : memref<!tpu.dma_semaphore, #tpu.memory_space<semaphore_mem>>) src(%dma_wait3A_406 : memref<10000x32xf32, #tpu.memory_space<hbm>>) dst(%arg13 : memref<128x32xf32, #tpu.memory_space<vmem>>)
      "tpu.region"() ({
        %run_scoped3A_505 = tpu.sem_alloc : memref<!tpu.dma_semaphore, #tpu.memory_space<semaphore_mem>>
        %dma_start3A_506 = arith.constant 0 : i32
        %dma_start3A_507 = tpu.memref_slice %arg7[%add3A_400, %dma_start3A_506] : memref<78x128xi32, #tpu.memory_space<vmem>> -> memref<1x128xi32, #tpu.memory_space<vmem>>
        %dma_start3A_508 = tpu.memref_squeeze %dma_start3A_507 : memref<1x128xi32, #tpu.memory_space<vmem>> -> memref<128xi32, #tpu.memory_space<vmem>>
        %dma_start3A_509 = arith.constant 0 : i32
        %dma_start3A_510 = arith.constant 0 : i32
        %dma_start3A_511 = tpu.memref_slice %arg21[%dma_start3A_509, %dma_start3A_510] : memref<10000x32xf32, #tpu.memory_space<vmem_shared>> -> memref<10000x32xf32, #tpu.memory_space<vmem_shared>>
        tpu.enqueue_indirect_dma source(%arg13 : memref<128x32xf32, #tpu.memory_space<vmem>>) target(%dma_start3A_511 : memref<10000x32xf32, #tpu.memory_space<vmem_shared>>) offsets(%dma_start3A_508 : memref<128xi32, #tpu.memory_space<vmem>>) semaphore(%run_scoped3A_505 : memref<!tpu.dma_semaphore, #tpu.memory_space<semaphore_mem>>) {add = true}
        %dma_wait3A_512 = arith.constant 0 : i32
        %dma_wait3A_513 = tpu.memref_slice %arg7[%add3A_400, %dma_wait3A_512] : memref<78x128xi32, #tpu.memory_space<vmem>> -> memref<1x128xi32, #tpu.memory_space<vmem>>
        %dma_wait3A_514 = tpu.memref_squeeze %dma_wait3A_513 : memref<1x128xi32, #tpu.memory_space<vmem>> -> memref<128xi32, #tpu.memory_space<vmem>>
        %dma_wait3A_515 = arith.constant 0 : i32
        %dma_wait3A_516 = arith.constant 0 : i32
        %dma_wait3A_517 = tpu.memref_slice %arg21[%dma_wait3A_515, %dma_wait3A_516] : memref<10000x32xf32, #tpu.memory_space<vmem_shared>> -> memref<10000x32xf32, #tpu.memory_space<vmem_shared>>
        tpu.wait_indirect_dma semaphore(%run_scoped3A_505 : memref<!tpu.dma_semaphore, #tpu.memory_space<semaphore_mem>>) src(%arg13 : memref<128x32xf32, #tpu.memory_space<vmem>>) dst(%dma_wait3A_517 : memref<10000x32xf32, #tpu.memory_space<vmem_shared>>)
        tpu.yield
      }) : () -> ()
      %add3A_407 = arith.constant 8 : i32
      %add3A_408 = arith.addi %add3A_400, %add3A_407 : i32
      %dma_start3A_409 = arith.constant 0 : i32
      %dma_start3A_410 = tpu.memref_slice %arg6[%add3A_408, %dma_start3A_409] : memref<78x128xi32, #tpu.memory_space<vmem>> -> memref<1x128xi32, #tpu.memory_space<vmem>>
      %dma_start3A_411 = tpu.memref_squeeze %dma_start3A_410 : memref<1x128xi32, #tpu.memory_space<vmem>> -> memref<128xi32, #tpu.memory_space<vmem>>
      %dma_start3A_412 = arith.constant 0 : i32
      %dma_start3A_413 = arith.constant 0 : i32
      %dma_start3A_414 = tpu.memref_slice %arg2[%dma_start3A_412, %dma_start3A_413] : memref<10000x32xf32, #tpu.memory_space<hbm>> -> memref<10000x32xf32, #tpu.memory_space<hbm>>
      tpu.enqueue_indirect_dma source(%dma_start3A_414 : memref<10000x32xf32, #tpu.memory_space<hbm>>) target(%arg13 : memref<128x32xf32, #tpu.memory_space<vmem>>) offsets(%dma_start3A_411 : memref<128xi32, #tpu.memory_space<vmem>>) semaphore(%arg24 : memref<!tpu.dma_semaphore, #tpu.memory_space<semaphore_mem>>)
      %mul3A_415 = arith.constant 8 : i32
      %mul3A_416 = arith.muli %add3A_360, %mul3A_415 : i32
      %add3A_417 = arith.constant 3 : i32
      %add3A_418 = arith.addi %mul3A_416, %add3A_417 : i32
      %dma_wait3A_419 = arith.constant 0 : i32
      %dma_wait3A_420 = tpu.memref_slice %arg6[%add3A_418, %dma_wait3A_419] : memref<78x128xi32, #tpu.memory_space<vmem>> -> memref<1x128xi32, #tpu.memory_space<vmem>>
      %dma_wait3A_421 = tpu.memref_squeeze %dma_wait3A_420 : memref<1x128xi32, #tpu.memory_space<vmem>> -> memref<128xi32, #tpu.memory_space<vmem>>
      %dma_wait3A_422 = arith.constant 0 : i32
      %dma_wait3A_423 = arith.constant 0 : i32
      %dma_wait3A_424 = tpu.memref_slice %arg2[%dma_wait3A_422, %dma_wait3A_423] : memref<10000x32xf32, #tpu.memory_space<hbm>> -> memref<10000x32xf32, #tpu.memory_space<hbm>>
      tpu.wait_indirect_dma semaphore(%arg25 : memref<!tpu.dma_semaphore, #tpu.memory_space<semaphore_mem>>) src(%dma_wait3A_424 : memref<10000x32xf32, #tpu.memory_space<hbm>>) dst(%arg14 : memref<128x32xf32, #tpu.memory_space<vmem>>)
      "tpu.region"() ({
        %run_scoped3A_505 = tpu.sem_alloc : memref<!tpu.dma_semaphore, #tpu.memory_space<semaphore_mem>>
        %dma_start3A_506 = arith.constant 0 : i32
        %dma_start3A_507 = tpu.memref_slice %arg7[%add3A_418, %dma_start3A_506] : memref<78x128xi32, #tpu.memory_space<vmem>> -> memref<1x128xi32, #tpu.memory_space<vmem>>
        %dma_start3A_508 = tpu.memref_squeeze %dma_start3A_507 : memref<1x128xi32, #tpu.memory_space<vmem>> -> memref<128xi32, #tpu.memory_space<vmem>>
        %dma_start3A_509 = arith.constant 0 : i32
        %dma_start3A_510 = arith.constant 0 : i32
        %dma_start3A_511 = tpu.memref_slice %arg21[%dma_start3A_509, %dma_start3A_510] : memref<10000x32xf32, #tpu.memory_space<vmem_shared>> -> memref<10000x32xf32, #tpu.memory_space<vmem_shared>>
        tpu.enqueue_indirect_dma source(%arg14 : memref<128x32xf32, #tpu.memory_space<vmem>>) target(%dma_start3A_511 : memref<10000x32xf32, #tpu.memory_space<vmem_shared>>) offsets(%dma_start3A_508 : memref<128xi32, #tpu.memory_space<vmem>>) semaphore(%run_scoped3A_505 : memref<!tpu.dma_semaphore, #tpu.memory_space<semaphore_mem>>) {add = true}
        %dma_wait3A_512 = arith.constant 0 : i32
        %dma_wait3A_513 = tpu.memref_slice %arg7[%add3A_418, %dma_wait3A_512] : memref<78x128xi32, #tpu.memory_space<vmem>> -> memref<1x128xi32, #tpu.memory_space<vmem>>
        %dma_wait3A_514 = tpu.memref_squeeze %dma_wait3A_513 : memref<1x128xi32, #tpu.memory_space<vmem>> -> memref<128xi32, #tpu.memory_space<vmem>>
        %dma_wait3A_515 = arith.constant 0 : i32
        %dma_wait3A_516 = arith.constant 0 : i32
        %dma_wait3A_517 = tpu.memref_slice %arg21[%dma_wait3A_515, %dma_wait3A_516] : memref<10000x32xf32, #tpu.memory_space<vmem_shared>> -> memref<10000x32xf32, #tpu.memory_space<vmem_shared>>
        tpu.wait_indirect_dma semaphore(%run_scoped3A_505 : memref<!tpu.dma_semaphore, #tpu.memory_space<semaphore_mem>>) src(%arg14 : memref<128x32xf32, #tpu.memory_space<vmem>>) dst(%dma_wait3A_517 : memref<10000x32xf32, #tpu.memory_space<vmem_shared>>)
        tpu.yield
      }) : () -> ()
      %add3A_425 = arith.constant 8 : i32
      %add3A_426 = arith.addi %add3A_418, %add3A_425 : i32
      %dma_start3A_427 = arith.constant 0 : i32
      %dma_start3A_428 = tpu.memref_slice %arg6[%add3A_426, %dma_start3A_427] : memref<78x128xi32, #tpu.memory_space<vmem>> -> memref<1x128xi32, #tpu.memory_space<vmem>>
      %dma_start3A_429 = tpu.memref_squeeze %dma_start3A_428 : memref<1x128xi32, #tpu.memory_space<vmem>> -> memref<128xi32, #tpu.memory_space<vmem>>
      %dma_start3A_430 = arith.constant 0 : i32
      %dma_start3A_431 = arith.constant 0 : i32
      %dma_start3A_432 = tpu.memref_slice %arg2[%dma_start3A_430, %dma_start3A_431] : memref<10000x32xf32, #tpu.memory_space<hbm>> -> memref<10000x32xf32, #tpu.memory_space<hbm>>
      tpu.enqueue_indirect_dma source(%dma_start3A_432 : memref<10000x32xf32, #tpu.memory_space<hbm>>) target(%arg14 : memref<128x32xf32, #tpu.memory_space<vmem>>) offsets(%dma_start3A_429 : memref<128xi32, #tpu.memory_space<vmem>>) semaphore(%arg25 : memref<!tpu.dma_semaphore, #tpu.memory_space<semaphore_mem>>)
      %mul3A_433 = arith.constant 8 : i32
      %mul3A_434 = arith.muli %add3A_360, %mul3A_433 : i32
      %add3A_435 = arith.constant 4 : i32
      %add3A_436 = arith.addi %mul3A_434, %add3A_435 : i32
      %dma_wait3A_437 = arith.constant 0 : i32
      %dma_wait3A_438 = tpu.memref_slice %arg6[%add3A_436, %dma_wait3A_437] : memref<78x128xi32, #tpu.memory_space<vmem>> -> memref<1x128xi32, #tpu.memory_space<vmem>>
      %dma_wait3A_439 = tpu.memref_squeeze %dma_wait3A_438 : memref<1x128xi32, #tpu.memory_space<vmem>> -> memref<128xi32, #tpu.memory_space<vmem>>
      %dma_wait3A_440 = arith.constant 0 : i32
      %dma_wait3A_441 = arith.constant 0 : i32
      %dma_wait3A_442 = tpu.memref_slice %arg2[%dma_wait3A_440, %dma_wait3A_441] : memref<10000x32xf32, #tpu.memory_space<hbm>> -> memref<10000x32xf32, #tpu.memory_space<hbm>>
      tpu.wait_indirect_dma semaphore(%arg26 : memref<!tpu.dma_semaphore, #tpu.memory_space<semaphore_mem>>) src(%dma_wait3A_442 : memref<10000x32xf32, #tpu.memory_space<hbm>>) dst(%arg15 : memref<128x32xf32, #tpu.memory_space<vmem>>)
      "tpu.region"() ({
        %run_scoped3A_505 = tpu.sem_alloc : memref<!tpu.dma_semaphore, #tpu.memory_space<semaphore_mem>>
        %dma_start3A_506 = arith.constant 0 : i32
        %dma_start3A_507 = tpu.memref_slice %arg7[%add3A_436, %dma_start3A_506] : memref<78x128xi32, #tpu.memory_space<vmem>> -> memref<1x128xi32, #tpu.memory_space<vmem>>
        %dma_start3A_508 = tpu.memref_squeeze %dma_start3A_507 : memref<1x128xi32, #tpu.memory_space<vmem>> -> memref<128xi32, #tpu.memory_space<vmem>>
        %dma_start3A_509 = arith.constant 0 : i32
        %dma_start3A_510 = arith.constant 0 : i32
        %dma_start3A_511 = tpu.memref_slice %arg21[%dma_start3A_509, %dma_start3A_510] : memref<10000x32xf32, #tpu.memory_space<vmem_shared>> -> memref<10000x32xf32, #tpu.memory_space<vmem_shared>>
        tpu.enqueue_indirect_dma source(%arg15 : memref<128x32xf32, #tpu.memory_space<vmem>>) target(%dma_start3A_511 : memref<10000x32xf32, #tpu.memory_space<vmem_shared>>) offsets(%dma_start3A_508 : memref<128xi32, #tpu.memory_space<vmem>>) semaphore(%run_scoped3A_505 : memref<!tpu.dma_semaphore, #tpu.memory_space<semaphore_mem>>) {add = true}
        %dma_wait3A_512 = arith.constant 0 : i32
        %dma_wait3A_513 = tpu.memref_slice %arg7[%add3A_436, %dma_wait3A_512] : memref<78x128xi32, #tpu.memory_space<vmem>> -> memref<1x128xi32, #tpu.memory_space<vmem>>
        %dma_wait3A_514 = tpu.memref_squeeze %dma_wait3A_513 : memref<1x128xi32, #tpu.memory_space<vmem>> -> memref<128xi32, #tpu.memory_space<vmem>>
        %dma_wait3A_515 = arith.constant 0 : i32
        %dma_wait3A_516 = arith.constant 0 : i32
        %dma_wait3A_517 = tpu.memref_slice %arg21[%dma_wait3A_515, %dma_wait3A_516] : memref<10000x32xf32, #tpu.memory_space<vmem_shared>> -> memref<10000x32xf32, #tpu.memory_space<vmem_shared>>
        tpu.wait_indirect_dma semaphore(%run_scoped3A_505 : memref<!tpu.dma_semaphore, #tpu.memory_space<semaphore_mem>>) src(%arg15 : memref<128x32xf32, #tpu.memory_space<vmem>>) dst(%dma_wait3A_517 : memref<10000x32xf32, #tpu.memory_space<vmem_shared>>)
        tpu.yield
      }) : () -> ()
      %add3A_443 = arith.constant 8 : i32
      %add3A_444 = arith.addi %add3A_436, %add3A_443 : i32
      %dma_start3A_445 = arith.constant 0 : i32
      %dma_start3A_446 = tpu.memref_slice %arg6[%add3A_444, %dma_start3A_445] : memref<78x128xi32, #tpu.memory_space<vmem>> -> memref<1x128xi32, #tpu.memory_space<vmem>>
      %dma_start3A_447 = tpu.memref_squeeze %dma_start3A_446 : memref<1x128xi32, #tpu.memory_space<vmem>> -> memref<128xi32, #tpu.memory_space<vmem>>
      %dma_start3A_448 = arith.constant 0 : i32
      %dma_start3A_449 = arith.constant 0 : i32
      %dma_start3A_450 = tpu.memref_slice %arg2[%dma_start3A_448, %dma_start3A_449] : memref<10000x32xf32, #tpu.memory_space<hbm>> -> memref<10000x32xf32, #tpu.memory_space<hbm>>
      tpu.enqueue_indirect_dma source(%dma_start3A_450 : memref<10000x32xf32, #tpu.memory_space<hbm>>) target(%arg15 : memref<128x32xf32, #tpu.memory_space<vmem>>) offsets(%dma_start3A_447 : memref<128xi32, #tpu.memory_space<vmem>>) semaphore(%arg26 : memref<!tpu.dma_semaphore, #tpu.memory_space<semaphore_mem>>)
      %mul3A_451 = arith.constant 8 : i32
      %mul3A_452 = arith.muli %add3A_360, %mul3A_451 : i32
      %add3A_453 = arith.constant 5 : i32
      %add3A_454 = arith.addi %mul3A_452, %add3A_453 : i32
      %dma_wait3A_455 = arith.constant 0 : i32
      %dma_wait3A_456 = tpu.memref_slice %arg6[%add3A_454, %dma_wait3A_455] : memref<78x128xi32, #tpu.memory_space<vmem>> -> memref<1x128xi32, #tpu.memory_space<vmem>>
      %dma_wait3A_457 = tpu.memref_squeeze %dma_wait3A_456 : memref<1x128xi32, #tpu.memory_space<vmem>> -> memref<128xi32, #tpu.memory_space<vmem>>
      %dma_wait3A_458 = arith.constant 0 : i32
      %dma_wait3A_459 = arith.constant 0 : i32
      %dma_wait3A_460 = tpu.memref_slice %arg2[%dma_wait3A_458, %dma_wait3A_459] : memref<10000x32xf32, #tpu.memory_space<hbm>> -> memref<10000x32xf32, #tpu.memory_space<hbm>>
      tpu.wait_indirect_dma semaphore(%arg27 : memref<!tpu.dma_semaphore, #tpu.memory_space<semaphore_mem>>) src(%dma_wait3A_460 : memref<10000x32xf32, #tpu.memory_space<hbm>>) dst(%arg16 : memref<128x32xf32, #tpu.memory_space<vmem>>)
      "tpu.region"() ({
        %run_scoped3A_505 = tpu.sem_alloc : memref<!tpu.dma_semaphore, #tpu.memory_space<semaphore_mem>>
        %dma_start3A_506 = arith.constant 0 : i32
        %dma_start3A_507 = tpu.memref_slice %arg7[%add3A_454, %dma_start3A_506] : memref<78x128xi32, #tpu.memory_space<vmem>> -> memref<1x128xi32, #tpu.memory_space<vmem>>
        %dma_start3A_508 = tpu.memref_squeeze %dma_start3A_507 : memref<1x128xi32, #tpu.memory_space<vmem>> -> memref<128xi32, #tpu.memory_space<vmem>>
        %dma_start3A_509 = arith.constant 0 : i32
        %dma_start3A_510 = arith.constant 0 : i32
        %dma_start3A_511 = tpu.memref_slice %arg21[%dma_start3A_509, %dma_start3A_510] : memref<10000x32xf32, #tpu.memory_space<vmem_shared>> -> memref<10000x32xf32, #tpu.memory_space<vmem_shared>>
        tpu.enqueue_indirect_dma source(%arg16 : memref<128x32xf32, #tpu.memory_space<vmem>>) target(%dma_start3A_511 : memref<10000x32xf32, #tpu.memory_space<vmem_shared>>) offsets(%dma_start3A_508 : memref<128xi32, #tpu.memory_space<vmem>>) semaphore(%run_scoped3A_505 : memref<!tpu.dma_semaphore, #tpu.memory_space<semaphore_mem>>) {add = true}
        %dma_wait3A_512 = arith.constant 0 : i32
        %dma_wait3A_513 = tpu.memref_slice %arg7[%add3A_454, %dma_wait3A_512] : memref<78x128xi32, #tpu.memory_space<vmem>> -> memref<1x128xi32, #tpu.memory_space<vmem>>
        %dma_wait3A_514 = tpu.memref_squeeze %dma_wait3A_513 : memref<1x128xi32, #tpu.memory_space<vmem>> -> memref<128xi32, #tpu.memory_space<vmem>>
        %dma_wait3A_515 = arith.constant 0 : i32
        %dma_wait3A_516 = arith.constant 0 : i32
        %dma_wait3A_517 = tpu.memref_slice %arg21[%dma_wait3A_515, %dma_wait3A_516] : memref<10000x32xf32, #tpu.memory_space<vmem_shared>> -> memref<10000x32xf32, #tpu.memory_space<vmem_shared>>
        tpu.wait_indirect_dma semaphore(%run_scoped3A_505 : memref<!tpu.dma_semaphore, #tpu.memory_space<semaphore_mem>>) src(%arg16 : memref<128x32xf32, #tpu.memory_space<vmem>>) dst(%dma_wait3A_517 : memref<10000x32xf32, #tpu.memory_space<vmem_shared>>)
        tpu.yield
      }) : () -> ()
      %add3A_461 = arith.constant 8 : i32
      %add3A_462 = arith.addi %add3A_454, %add3A_461 : i32
      %dma_start3A_463 = arith.constant 0 : i32
      %dma_start3A_464 = tpu.memref_slice %arg6[%add3A_462, %dma_start3A_463] : memref<78x128xi32, #tpu.memory_space<vmem>> -> memref<1x128xi32, #tpu.memory_space<vmem>>
      %dma_start3A_465 = tpu.memref_squeeze %dma_start3A_464 : memref<1x128xi32, #tpu.memory_space<vmem>> -> memref<128xi32, #tpu.memory_space<vmem>>
      %dma_start3A_466 = arith.constant 0 : i32
      %dma_start3A_467 = arith.constant 0 : i32
      %dma_start3A_468 = tpu.memref_slice %arg2[%dma_start3A_466, %dma_start3A_467] : memref<10000x32xf32, #tpu.memory_space<hbm>> -> memref<10000x32xf32, #tpu.memory_space<hbm>>
      tpu.enqueue_indirect_dma source(%dma_start3A_468 : memref<10000x32xf32, #tpu.memory_space<hbm>>) target(%arg16 : memref<128x32xf32, #tpu.memory_space<vmem>>) offsets(%dma_start3A_465 : memref<128xi32, #tpu.memory_space<vmem>>) semaphore(%arg27 : memref<!tpu.dma_semaphore, #tpu.memory_space<semaphore_mem>>)
      %mul3A_469 = arith.constant 8 : i32
      %mul3A_470 = arith.muli %add3A_360, %mul3A_469 : i32
      %add3A_471 = arith.constant 6 : i32
      %add3A_472 = arith.addi %mul3A_470, %add3A_471 : i32
      %dma_wait3A_473 = arith.constant 0 : i32
      %dma_wait3A_474 = tpu.memref_slice %arg6[%add3A_472, %dma_wait3A_473] : memref<78x128xi32, #tpu.memory_space<vmem>> -> memref<1x128xi32, #tpu.memory_space<vmem>>
      %dma_wait3A_475 = tpu.memref_squeeze %dma_wait3A_474 : memref<1x128xi32, #tpu.memory_space<vmem>> -> memref<128xi32, #tpu.memory_space<vmem>>
      %dma_wait3A_476 = arith.constant 0 : i32
      %dma_wait3A_477 = arith.constant 0 : i32
      %dma_wait3A_478 = tpu.memref_slice %arg2[%dma_wait3A_476, %dma_wait3A_477] : memref<10000x32xf32, #tpu.memory_space<hbm>> -> memref<10000x32xf32, #tpu.memory_space<hbm>>
      tpu.wait_indirect_dma semaphore(%arg28 : memref<!tpu.dma_semaphore, #tpu.memory_space<semaphore_mem>>) src(%dma_wait3A_478 : memref<10000x32xf32, #tpu.memory_space<hbm>>) dst(%arg17 : memref<128x32xf32, #tpu.memory_space<vmem>>)
      "tpu.region"() ({
        %run_scoped3A_505 = tpu.sem_alloc : memref<!tpu.dma_semaphore, #tpu.memory_space<semaphore_mem>>
        %dma_start3A_506 = arith.constant 0 : i32
        %dma_start3A_507 = tpu.memref_slice %arg7[%add3A_472, %dma_start3A_506] : memref<78x128xi32, #tpu.memory_space<vmem>> -> memref<1x128xi32, #tpu.memory_space<vmem>>
        %dma_start3A_508 = tpu.memref_squeeze %dma_start3A_507 : memref<1x128xi32, #tpu.memory_space<vmem>> -> memref<128xi32, #tpu.memory_space<vmem>>
        %dma_start3A_509 = arith.constant 0 : i32
        %dma_start3A_510 = arith.constant 0 : i32
        %dma_start3A_511 = tpu.memref_slice %arg21[%dma_start3A_509, %dma_start3A_510] : memref<10000x32xf32, #tpu.memory_space<vmem_shared>> -> memref<10000x32xf32, #tpu.memory_space<vmem_shared>>
        tpu.enqueue_indirect_dma source(%arg17 : memref<128x32xf32, #tpu.memory_space<vmem>>) target(%dma_start3A_511 : memref<10000x32xf32, #tpu.memory_space<vmem_shared>>) offsets(%dma_start3A_508 : memref<128xi32, #tpu.memory_space<vmem>>) semaphore(%run_scoped3A_505 : memref<!tpu.dma_semaphore, #tpu.memory_space<semaphore_mem>>) {add = true}
        %dma_wait3A_512 = arith.constant 0 : i32
        %dma_wait3A_513 = tpu.memref_slice %arg7[%add3A_472, %dma_wait3A_512] : memref<78x128xi32, #tpu.memory_space<vmem>> -> memref<1x128xi32, #tpu.memory_space<vmem>>
        %dma_wait3A_514 = tpu.memref_squeeze %dma_wait3A_513 : memref<1x128xi32, #tpu.memory_space<vmem>> -> memref<128xi32, #tpu.memory_space<vmem>>
        %dma_wait3A_515 = arith.constant 0 : i32
        %dma_wait3A_516 = arith.constant 0 : i32
        %dma_wait3A_517 = tpu.memref_slice %arg21[%dma_wait3A_515, %dma_wait3A_516] : memref<10000x32xf32, #tpu.memory_space<vmem_shared>> -> memref<10000x32xf32, #tpu.memory_space<vmem_shared>>
        tpu.wait_indirect_dma semaphore(%run_scoped3A_505 : memref<!tpu.dma_semaphore, #tpu.memory_space<semaphore_mem>>) src(%arg17 : memref<128x32xf32, #tpu.memory_space<vmem>>) dst(%dma_wait3A_517 : memref<10000x32xf32, #tpu.memory_space<vmem_shared>>)
        tpu.yield
      }) : () -> ()
      %add3A_479 = arith.constant 8 : i32
      %add3A_480 = arith.addi %add3A_472, %add3A_479 : i32
      %dma_start3A_481 = arith.constant 0 : i32
      %dma_start3A_482 = tpu.memref_slice %arg6[%add3A_480, %dma_start3A_481] : memref<78x128xi32, #tpu.memory_space<vmem>> -> memref<1x128xi32, #tpu.memory_space<vmem>>
      %dma_start3A_483 = tpu.memref_squeeze %dma_start3A_482 : memref<1x128xi32, #tpu.memory_space<vmem>> -> memref<128xi32, #tpu.memory_space<vmem>>
      %dma_start3A_484 = arith.constant 0 : i32
      %dma_start3A_485 = arith.constant 0 : i32
      %dma_start3A_486 = tpu.memref_slice %arg2[%dma_start3A_484, %dma_start3A_485] : memref<10000x32xf32, #tpu.memory_space<hbm>> -> memref<10000x32xf32, #tpu.memory_space<hbm>>
      tpu.enqueue_indirect_dma source(%dma_start3A_486 : memref<10000x32xf32, #tpu.memory_space<hbm>>) target(%arg17 : memref<128x32xf32, #tpu.memory_space<vmem>>) offsets(%dma_start3A_483 : memref<128xi32, #tpu.memory_space<vmem>>) semaphore(%arg28 : memref<!tpu.dma_semaphore, #tpu.memory_space<semaphore_mem>>)
      %mul3A_487 = arith.constant 8 : i32
      %mul3A_488 = arith.muli %add3A_360, %mul3A_487 : i32
      %add3A_489 = arith.constant 7 : i32
      %add3A_490 = arith.addi %mul3A_488, %add3A_489 : i32
      %dma_wait3A_491 = arith.constant 0 : i32
      %dma_wait3A_492 = tpu.memref_slice %arg6[%add3A_490, %dma_wait3A_491] : memref<78x128xi32, #tpu.memory_space<vmem>> -> memref<1x128xi32, #tpu.memory_space<vmem>>
      %dma_wait3A_493 = tpu.memref_squeeze %dma_wait3A_492 : memref<1x128xi32, #tpu.memory_space<vmem>> -> memref<128xi32, #tpu.memory_space<vmem>>
      %dma_wait3A_494 = arith.constant 0 : i32
      %dma_wait3A_495 = arith.constant 0 : i32
      %dma_wait3A_496 = tpu.memref_slice %arg2[%dma_wait3A_494, %dma_wait3A_495] : memref<10000x32xf32, #tpu.memory_space<hbm>> -> memref<10000x32xf32, #tpu.memory_space<hbm>>
      tpu.wait_indirect_dma semaphore(%arg29 : memref<!tpu.dma_semaphore, #tpu.memory_space<semaphore_mem>>) src(%dma_wait3A_496 : memref<10000x32xf32, #tpu.memory_space<hbm>>) dst(%arg18 : memref<128x32xf32, #tpu.memory_space<vmem>>)
      "tpu.region"() ({
        %run_scoped3A_505 = tpu.sem_alloc : memref<!tpu.dma_semaphore, #tpu.memory_space<semaphore_mem>>
        %dma_start3A_506 = arith.constant 0 : i32
        %dma_start3A_507 = tpu.memref_slice %arg7[%add3A_490, %dma_start3A_506] : memref<78x128xi32, #tpu.memory_space<vmem>> -> memref<1x128xi32, #tpu.memory_space<vmem>>
        %dma_start3A_508 = tpu.memref_squeeze %dma_start3A_507 : memref<1x128xi32, #tpu.memory_space<vmem>> -> memref<128xi32, #tpu.memory_space<vmem>>
        %dma_start3A_509 = arith.constant 0 : i32
        %dma_start3A_510 = arith.constant 0 : i32
        %dma_start3A_511 = tpu.memref_slice %arg21[%dma_start3A_509, %dma_start3A_510] : memref<10000x32xf32, #tpu.memory_space<vmem_shared>> -> memref<10000x32xf32, #tpu.memory_space<vmem_shared>>
        tpu.enqueue_indirect_dma source(%arg18 : memref<128x32xf32, #tpu.memory_space<vmem>>) target(%dma_start3A_511 : memref<10000x32xf32, #tpu.memory_space<vmem_shared>>) offsets(%dma_start3A_508 : memref<128xi32, #tpu.memory_space<vmem>>) semaphore(%run_scoped3A_505 : memref<!tpu.dma_semaphore, #tpu.memory_space<semaphore_mem>>) {add = true}
        %dma_wait3A_512 = arith.constant 0 : i32
        %dma_wait3A_513 = tpu.memref_slice %arg7[%add3A_490, %dma_wait3A_512] : memref<78x128xi32, #tpu.memory_space<vmem>> -> memref<1x128xi32, #tpu.memory_space<vmem>>
        %dma_wait3A_514 = tpu.memref_squeeze %dma_wait3A_513 : memref<1x128xi32, #tpu.memory_space<vmem>> -> memref<128xi32, #tpu.memory_space<vmem>>
        %dma_wait3A_515 = arith.constant 0 : i32
        %dma_wait3A_516 = arith.constant 0 : i32
        %dma_wait3A_517 = tpu.memref_slice %arg21[%dma_wait3A_515, %dma_wait3A_516] : memref<10000x32xf32, #tpu.memory_space<vmem_shared>> -> memref<10000x32xf32, #tpu.memory_space<vmem_shared>>
        tpu.wait_indirect_dma semaphore(%run_scoped3A_505 : memref<!tpu.dma_semaphore, #tpu.memory_space<semaphore_mem>>) src(%arg18 : memref<128x32xf32, #tpu.memory_space<vmem>>) dst(%dma_wait3A_517 : memref<10000x32xf32, #tpu.memory_space<vmem_shared>>)
        tpu.yield
      }) : () -> ()
      %add3A_497 = arith.constant 8 : i32
      %add3A_498 = arith.addi %add3A_490, %add3A_497 : i32
      %dma_start3A_499 = arith.constant 0 : i32
      %dma_start3A_500 = tpu.memref_slice %arg6[%add3A_498, %dma_start3A_499] : memref<78x128xi32, #tpu.memory_space<vmem>> -> memref<1x128xi32, #tpu.memory_space<vmem>>
      %dma_start3A_501 = tpu.memref_squeeze %dma_start3A_500 : memref<1x128xi32, #tpu.memory_space<vmem>> -> memref<128xi32, #tpu.memory_space<vmem>>
      %dma_start3A_502 = arith.constant 0 : i32
      %dma_start3A_503 = arith.constant 0 : i32
      %dma_start3A_504 = tpu.memref_slice %arg2[%dma_start3A_502, %dma_start3A_503] : memref<10000x32xf32, #tpu.memory_space<hbm>> -> memref<10000x32xf32, #tpu.memory_space<hbm>>
      tpu.enqueue_indirect_dma source(%dma_start3A_504 : memref<10000x32xf32, #tpu.memory_space<hbm>>) target(%arg18 : memref<128x32xf32, #tpu.memory_space<vmem>>) offsets(%dma_start3A_501 : memref<128xi32, #tpu.memory_space<vmem>>) semaphore(%arg29 : memref<!tpu.dma_semaphore, #tpu.memory_space<semaphore_mem>>)
    }
    %scan3A_162 = arith.constant 8 : i32
    %dma_wait3A = arith.constant 64 : i32
    %dma_wait3A_163 = arith.constant 0 : i32
    %dma_wait3A_164 = tpu.memref_slice %arg6[%dma_wait3A, %dma_wait3A_163] : memref<78x128xi32, #tpu.memory_space<vmem>> -> memref<1x128xi32, #tpu.memory_space<vmem>>
    %dma_wait3A_165 = tpu.memref_squeeze %dma_wait3A_164 : memref<1x128xi32, #tpu.memory_space<vmem>> -> memref<128xi32, #tpu.memory_space<vmem>>
    %dma_wait3A_166 = arith.constant 0 : i32
    %dma_wait3A_167 = arith.constant 0 : i32
    %dma_wait3A_168 = tpu.memref_slice %arg2[%dma_wait3A_166, %dma_wait3A_167] : memref<10000x32xf32, #tpu.memory_space<hbm>> -> memref<10000x32xf32, #tpu.memory_space<hbm>>
    tpu.wait_indirect_dma semaphore(%arg22 : memref<!tpu.dma_semaphore, #tpu.memory_space<semaphore_mem>>) src(%dma_wait3A_168 : memref<10000x32xf32, #tpu.memory_space<hbm>>) dst(%arg11 : memref<128x32xf32, #tpu.memory_space<vmem>>)
    %run_scoped3A_169 = arith.constant 64 : i32
    "tpu.region"() ({
      %run_scoped3A_356 = tpu.sem_alloc : memref<!tpu.dma_semaphore, #tpu.memory_space<semaphore_mem>>
      %dma_start3A_357 = arith.constant 0 : i32
      %dma_start3A_358 = tpu.memref_slice %arg7[%run_scoped3A_169, %dma_start3A_357] : memref<78x128xi32, #tpu.memory_space<vmem>> -> memref<1x128xi32, #tpu.memory_space<vmem>>
      %dma_start3A_359 = tpu.memref_squeeze %dma_start3A_358 : memref<1x128xi32, #tpu.memory_space<vmem>> -> memref<128xi32, #tpu.memory_space<vmem>>
      %dma_start3A_360 = arith.constant 0 : i32
      %dma_start3A_361 = arith.constant 0 : i32
      %dma_start3A_362 = tpu.memref_slice %arg21[%dma_start3A_360, %dma_start3A_361] : memref<10000x32xf32, #tpu.memory_space<vmem_shared>> -> memref<10000x32xf32, #tpu.memory_space<vmem_shared>>
      tpu.enqueue_indirect_dma source(%arg11 : memref<128x32xf32, #tpu.memory_space<vmem>>) target(%dma_start3A_362 : memref<10000x32xf32, #tpu.memory_space<vmem_shared>>) offsets(%dma_start3A_359 : memref<128xi32, #tpu.memory_space<vmem>>) semaphore(%run_scoped3A_356 : memref<!tpu.dma_semaphore, #tpu.memory_space<semaphore_mem>>) {add = true}
      %dma_wait3A_363 = arith.constant 0 : i32
      %dma_wait3A_364 = tpu.memref_slice %arg7[%run_scoped3A_169, %dma_wait3A_363] : memref<78x128xi32, #tpu.memory_space<vmem>> -> memref<1x128xi32, #tpu.memory_space<vmem>>
      %dma_wait3A_365 = tpu.memref_squeeze %dma_wait3A_364 : memref<1x128xi32, #tpu.memory_space<vmem>> -> memref<128xi32, #tpu.memory_space<vmem>>
      %dma_wait3A_366 = arith.constant 0 : i32
      %dma_wait3A_367 = arith.constant 0 : i32
      %dma_wait3A_368 = tpu.memref_slice %arg21[%dma_wait3A_366, %dma_wait3A_367] : memref<10000x32xf32, #tpu.memory_space<vmem_shared>> -> memref<10000x32xf32, #tpu.memory_space<vmem_shared>>
      tpu.wait_indirect_dma semaphore(%run_scoped3A_356 : memref<!tpu.dma_semaphore, #tpu.memory_space<semaphore_mem>>) src(%arg11 : memref<128x32xf32, #tpu.memory_space<vmem>>) dst(%dma_wait3A_368 : memref<10000x32xf32, #tpu.memory_space<vmem_shared>>)
      tpu.yield
    }) : () -> ()
    %dma_start3A_170 = arith.constant 72 : i32
    %dma_start3A_171 = arith.constant 0 : i32
    %dma_start3A_172 = tpu.memref_slice %arg6[%dma_start3A_170, %dma_start3A_171] : memref<78x128xi32, #tpu.memory_space<vmem>> -> memref<1x128xi32, #tpu.memory_space<vmem>>
    %dma_start3A_173 = tpu.memref_squeeze %dma_start3A_172 : memref<1x128xi32, #tpu.memory_space<vmem>> -> memref<128xi32, #tpu.memory_space<vmem>>
    %dma_start3A_174 = arith.constant 0 : i32
    %dma_start3A_175 = arith.constant 0 : i32
    %dma_start3A_176 = tpu.memref_slice %arg2[%dma_start3A_174, %dma_start3A_175] : memref<10000x32xf32, #tpu.memory_space<hbm>> -> memref<10000x32xf32, #tpu.memory_space<hbm>>
    tpu.enqueue_indirect_dma source(%dma_start3A_176 : memref<10000x32xf32, #tpu.memory_space<hbm>>) target(%arg11 : memref<128x32xf32, #tpu.memory_space<vmem>>) offsets(%dma_start3A_173 : memref<128xi32, #tpu.memory_space<vmem>>) semaphore(%arg22 : memref<!tpu.dma_semaphore, #tpu.memory_space<semaphore_mem>>)
    %dma_wait3A_177 = arith.constant 65 : i32
    %dma_wait3A_178 = arith.constant 0 : i32
    %dma_wait3A_179 = tpu.memref_slice %arg6[%dma_wait3A_177, %dma_wait3A_178] : memref<78x128xi32, #tpu.memory_space<vmem>> -> memref<1x128xi32, #tpu.memory_space<vmem>>
    %dma_wait3A_180 = tpu.memref_squeeze %dma_wait3A_179 : memref<1x128xi32, #tpu.memory_space<vmem>> -> memref<128xi32, #tpu.memory_space<vmem>>
    %dma_wait3A_181 = arith.constant 0 : i32
    %dma_wait3A_182 = arith.constant 0 : i32
    %dma_wait3A_183 = tpu.memref_slice %arg2[%dma_wait3A_181, %dma_wait3A_182] : memref<10000x32xf32, #tpu.memory_space<hbm>> -> memref<10000x32xf32, #tpu.memory_space<hbm>>
    tpu.wait_indirect_dma semaphore(%arg23 : memref<!tpu.dma_semaphore, #tpu.memory_space<semaphore_mem>>) src(%dma_wait3A_183 : memref<10000x32xf32, #tpu.memory_space<hbm>>) dst(%arg12 : memref<128x32xf32, #tpu.memory_space<vmem>>)
    %run_scoped3A_184 = arith.constant 65 : i32
    "tpu.region"() ({
      %run_scoped3A_356 = tpu.sem_alloc : memref<!tpu.dma_semaphore, #tpu.memory_space<semaphore_mem>>
      %dma_start3A_357 = arith.constant 0 : i32
      %dma_start3A_358 = tpu.memref_slice %arg7[%run_scoped3A_184, %dma_start3A_357] : memref<78x128xi32, #tpu.memory_space<vmem>> -> memref<1x128xi32, #tpu.memory_space<vmem>>
      %dma_start3A_359 = tpu.memref_squeeze %dma_start3A_358 : memref<1x128xi32, #tpu.memory_space<vmem>> -> memref<128xi32, #tpu.memory_space<vmem>>
      %dma_start3A_360 = arith.constant 0 : i32
      %dma_start3A_361 = arith.constant 0 : i32
      %dma_start3A_362 = tpu.memref_slice %arg21[%dma_start3A_360, %dma_start3A_361] : memref<10000x32xf32, #tpu.memory_space<vmem_shared>> -> memref<10000x32xf32, #tpu.memory_space<vmem_shared>>
      tpu.enqueue_indirect_dma source(%arg12 : memref<128x32xf32, #tpu.memory_space<vmem>>) target(%dma_start3A_362 : memref<10000x32xf32, #tpu.memory_space<vmem_shared>>) offsets(%dma_start3A_359 : memref<128xi32, #tpu.memory_space<vmem>>) semaphore(%run_scoped3A_356 : memref<!tpu.dma_semaphore, #tpu.memory_space<semaphore_mem>>) {add = true}
      %dma_wait3A_363 = arith.constant 0 : i32
      %dma_wait3A_364 = tpu.memref_slice %arg7[%run_scoped3A_184, %dma_wait3A_363] : memref<78x128xi32, #tpu.memory_space<vmem>> -> memref<1x128xi32, #tpu.memory_space<vmem>>
      %dma_wait3A_365 = tpu.memref_squeeze %dma_wait3A_364 : memref<1x128xi32, #tpu.memory_space<vmem>> -> memref<128xi32, #tpu.memory_space<vmem>>
      %dma_wait3A_366 = arith.constant 0 : i32
      %dma_wait3A_367 = arith.constant 0 : i32
      %dma_wait3A_368 = tpu.memref_slice %arg21[%dma_wait3A_366, %dma_wait3A_367] : memref<10000x32xf32, #tpu.memory_space<vmem_shared>> -> memref<10000x32xf32, #tpu.memory_space<vmem_shared>>
      tpu.wait_indirect_dma semaphore(%run_scoped3A_356 : memref<!tpu.dma_semaphore, #tpu.memory_space<semaphore_mem>>) src(%arg12 : memref<128x32xf32, #tpu.memory_space<vmem>>) dst(%dma_wait3A_368 : memref<10000x32xf32, #tpu.memory_space<vmem_shared>>)
      tpu.yield
    }) : () -> ()
    %dma_start3A_185 = arith.constant 73 : i32
    %dma_start3A_186 = arith.constant 0 : i32
    %dma_start3A_187 = tpu.memref_slice %arg6[%dma_start3A_185, %dma_start3A_186] : memref<78x128xi32, #tpu.memory_space<vmem>> -> memref<1x128xi32, #tpu.memory_space<vmem>>
    %dma_start3A_188 = tpu.memref_squeeze %dma_start3A_187 : memref<1x128xi32, #tpu.memory_space<vmem>> -> memref<128xi32, #tpu.memory_space<vmem>>
    %dma_start3A_189 = arith.constant 0 : i32
    %dma_start3A_190 = arith.constant 0 : i32
    %dma_start3A_191 = tpu.memref_slice %arg2[%dma_start3A_189, %dma_start3A_190] : memref<10000x32xf32, #tpu.memory_space<hbm>> -> memref<10000x32xf32, #tpu.memory_space<hbm>>
    tpu.enqueue_indirect_dma source(%dma_start3A_191 : memref<10000x32xf32, #tpu.memory_space<hbm>>) target(%arg12 : memref<128x32xf32, #tpu.memory_space<vmem>>) offsets(%dma_start3A_188 : memref<128xi32, #tpu.memory_space<vmem>>) semaphore(%arg23 : memref<!tpu.dma_semaphore, #tpu.memory_space<semaphore_mem>>)
    %dma_wait3A_192 = arith.constant 66 : i32
    %dma_wait3A_193 = arith.constant 0 : i32
    %dma_wait3A_194 = tpu.memref_slice %arg6[%dma_wait3A_192, %dma_wait3A_193] : memref<78x128xi32, #tpu.memory_space<vmem>> -> memref<1x128xi32, #tpu.memory_space<vmem>>
    %dma_wait3A_195 = tpu.memref_squeeze %dma_wait3A_194 : memref<1x128xi32, #tpu.memory_space<vmem>> -> memref<128xi32, #tpu.memory_space<vmem>>
    %dma_wait3A_196 = arith.constant 0 : i32
    %dma_wait3A_197 = arith.constant 0 : i32
    %dma_wait3A_198 = tpu.memref_slice %arg2[%dma_wait3A_196, %dma_wait3A_197] : memref<10000x32xf32, #tpu.memory_space<hbm>> -> memref<10000x32xf32, #tpu.memory_space<hbm>>
    tpu.wait_indirect_dma semaphore(%arg24 : memref<!tpu.dma_semaphore, #tpu.memory_space<semaphore_mem>>) src(%dma_wait3A_198 : memref<10000x32xf32, #tpu.memory_space<hbm>>) dst(%arg13 : memref<128x32xf32, #tpu.memory_space<vmem>>)
    %run_scoped3A_199 = arith.constant 66 : i32
    "tpu.region"() ({
      %run_scoped3A_356 = tpu.sem_alloc : memref<!tpu.dma_semaphore, #tpu.memory_space<semaphore_mem>>
      %dma_start3A_357 = arith.constant 0 : i32
      %dma_start3A_358 = tpu.memref_slice %arg7[%run_scoped3A_199, %dma_start3A_357] : memref<78x128xi32, #tpu.memory_space<vmem>> -> memref<1x128xi32, #tpu.memory_space<vmem>>
      %dma_start3A_359 = tpu.memref_squeeze %dma_start3A_358 : memref<1x128xi32, #tpu.memory_space<vmem>> -> memref<128xi32, #tpu.memory_space<vmem>>
      %dma_start3A_360 = arith.constant 0 : i32
      %dma_start3A_361 = arith.constant 0 : i32
      %dma_start3A_362 = tpu.memref_slice %arg21[%dma_start3A_360, %dma_start3A_361] : memref<10000x32xf32, #tpu.memory_space<vmem_shared>> -> memref<10000x32xf32, #tpu.memory_space<vmem_shared>>
      tpu.enqueue_indirect_dma source(%arg13 : memref<128x32xf32, #tpu.memory_space<vmem>>) target(%dma_start3A_362 : memref<10000x32xf32, #tpu.memory_space<vmem_shared>>) offsets(%dma_start3A_359 : memref<128xi32, #tpu.memory_space<vmem>>) semaphore(%run_scoped3A_356 : memref<!tpu.dma_semaphore, #tpu.memory_space<semaphore_mem>>) {add = true}
      %dma_wait3A_363 = arith.constant 0 : i32
      %dma_wait3A_364 = tpu.memref_slice %arg7[%run_scoped3A_199, %dma_wait3A_363] : memref<78x128xi32, #tpu.memory_space<vmem>> -> memref<1x128xi32, #tpu.memory_space<vmem>>
      %dma_wait3A_365 = tpu.memref_squeeze %dma_wait3A_364 : memref<1x128xi32, #tpu.memory_space<vmem>> -> memref<128xi32, #tpu.memory_space<vmem>>
      %dma_wait3A_366 = arith.constant 0 : i32
      %dma_wait3A_367 = arith.constant 0 : i32
      %dma_wait3A_368 = tpu.memref_slice %arg21[%dma_wait3A_366, %dma_wait3A_367] : memref<10000x32xf32, #tpu.memory_space<vmem_shared>> -> memref<10000x32xf32, #tpu.memory_space<vmem_shared>>
      tpu.wait_indirect_dma semaphore(%run_scoped3A_356 : memref<!tpu.dma_semaphore, #tpu.memory_space<semaphore_mem>>) src(%arg13 : memref<128x32xf32, #tpu.memory_space<vmem>>) dst(%dma_wait3A_368 : memref<10000x32xf32, #tpu.memory_space<vmem_shared>>)
      tpu.yield
    }) : () -> ()
    %dma_start3A_200 = arith.constant 74 : i32
    %dma_start3A_201 = arith.constant 0 : i32
    %dma_start3A_202 = tpu.memref_slice %arg6[%dma_start3A_200, %dma_start3A_201] : memref<78x128xi32, #tpu.memory_space<vmem>> -> memref<1x128xi32, #tpu.memory_space<vmem>>
    %dma_start3A_203 = tpu.memref_squeeze %dma_start3A_202 : memref<1x128xi32, #tpu.memory_space<vmem>> -> memref<128xi32, #tpu.memory_space<vmem>>
    %dma_start3A_204 = arith.constant 0 : i32
    %dma_start3A_205 = arith.constant 0 : i32
    %dma_start3A_206 = tpu.memref_slice %arg2[%dma_start3A_204, %dma_start3A_205] : memref<10000x32xf32, #tpu.memory_space<hbm>> -> memref<10000x32xf32, #tpu.memory_space<hbm>>
    tpu.enqueue_indirect_dma source(%dma_start3A_206 : memref<10000x32xf32, #tpu.memory_space<hbm>>) target(%arg13 : memref<128x32xf32, #tpu.memory_space<vmem>>) offsets(%dma_start3A_203 : memref<128xi32, #tpu.memory_space<vmem>>) semaphore(%arg24 : memref<!tpu.dma_semaphore, #tpu.memory_space<semaphore_mem>>)
    %dma_wait3A_207 = arith.constant 67 : i32
    %dma_wait3A_208 = arith.constant 0 : i32
    %dma_wait3A_209 = tpu.memref_slice %arg6[%dma_wait3A_207, %dma_wait3A_208] : memref<78x128xi32, #tpu.memory_space<vmem>> -> memref<1x128xi32, #tpu.memory_space<vmem>>
    %dma_wait3A_210 = tpu.memref_squeeze %dma_wait3A_209 : memref<1x128xi32, #tpu.memory_space<vmem>> -> memref<128xi32, #tpu.memory_space<vmem>>
    %dma_wait3A_211 = arith.constant 0 : i32
    %dma_wait3A_212 = arith.constant 0 : i32
    %dma_wait3A_213 = tpu.memref_slice %arg2[%dma_wait3A_211, %dma_wait3A_212] : memref<10000x32xf32, #tpu.memory_space<hbm>> -> memref<10000x32xf32, #tpu.memory_space<hbm>>
    tpu.wait_indirect_dma semaphore(%arg25 : memref<!tpu.dma_semaphore, #tpu.memory_space<semaphore_mem>>) src(%dma_wait3A_213 : memref<10000x32xf32, #tpu.memory_space<hbm>>) dst(%arg14 : memref<128x32xf32, #tpu.memory_space<vmem>>)
    %run_scoped3A_214 = arith.constant 67 : i32
    "tpu.region"() ({
      %run_scoped3A_356 = tpu.sem_alloc : memref<!tpu.dma_semaphore, #tpu.memory_space<semaphore_mem>>
      %dma_start3A_357 = arith.constant 0 : i32
      %dma_start3A_358 = tpu.memref_slice %arg7[%run_scoped3A_214, %dma_start3A_357] : memref<78x128xi32, #tpu.memory_space<vmem>> -> memref<1x128xi32, #tpu.memory_space<vmem>>
      %dma_start3A_359 = tpu.memref_squeeze %dma_start3A_358 : memref<1x128xi32, #tpu.memory_space<vmem>> -> memref<128xi32, #tpu.memory_space<vmem>>
      %dma_start3A_360 = arith.constant 0 : i32
      %dma_start3A_361 = arith.constant 0 : i32
      %dma_start3A_362 = tpu.memref_slice %arg21[%dma_start3A_360, %dma_start3A_361] : memref<10000x32xf32, #tpu.memory_space<vmem_shared>> -> memref<10000x32xf32, #tpu.memory_space<vmem_shared>>
      tpu.enqueue_indirect_dma source(%arg14 : memref<128x32xf32, #tpu.memory_space<vmem>>) target(%dma_start3A_362 : memref<10000x32xf32, #tpu.memory_space<vmem_shared>>) offsets(%dma_start3A_359 : memref<128xi32, #tpu.memory_space<vmem>>) semaphore(%run_scoped3A_356 : memref<!tpu.dma_semaphore, #tpu.memory_space<semaphore_mem>>) {add = true}
      %dma_wait3A_363 = arith.constant 0 : i32
      %dma_wait3A_364 = tpu.memref_slice %arg7[%run_scoped3A_214, %dma_wait3A_363] : memref<78x128xi32, #tpu.memory_space<vmem>> -> memref<1x128xi32, #tpu.memory_space<vmem>>
      %dma_wait3A_365 = tpu.memref_squeeze %dma_wait3A_364 : memref<1x128xi32, #tpu.memory_space<vmem>> -> memref<128xi32, #tpu.memory_space<vmem>>
      %dma_wait3A_366 = arith.constant 0 : i32
      %dma_wait3A_367 = arith.constant 0 : i32
      %dma_wait3A_368 = tpu.memref_slice %arg21[%dma_wait3A_366, %dma_wait3A_367] : memref<10000x32xf32, #tpu.memory_space<vmem_shared>> -> memref<10000x32xf32, #tpu.memory_space<vmem_shared>>
      tpu.wait_indirect_dma semaphore(%run_scoped3A_356 : memref<!tpu.dma_semaphore, #tpu.memory_space<semaphore_mem>>) src(%arg14 : memref<128x32xf32, #tpu.memory_space<vmem>>) dst(%dma_wait3A_368 : memref<10000x32xf32, #tpu.memory_space<vmem_shared>>)
      tpu.yield
    }) : () -> ()
    %dma_start3A_215 = arith.constant 75 : i32
    %dma_start3A_216 = arith.constant 0 : i32
    %dma_start3A_217 = tpu.memref_slice %arg6[%dma_start3A_215, %dma_start3A_216] : memref<78x128xi32, #tpu.memory_space<vmem>> -> memref<1x128xi32, #tpu.memory_space<vmem>>
    %dma_start3A_218 = tpu.memref_squeeze %dma_start3A_217 : memref<1x128xi32, #tpu.memory_space<vmem>> -> memref<128xi32, #tpu.memory_space<vmem>>
    %dma_start3A_219 = arith.constant 0 : i32
    %dma_start3A_220 = arith.constant 0 : i32
    %dma_start3A_221 = tpu.memref_slice %arg2[%dma_start3A_219, %dma_start3A_220] : memref<10000x32xf32, #tpu.memory_space<hbm>> -> memref<10000x32xf32, #tpu.memory_space<hbm>>
    tpu.enqueue_indirect_dma source(%dma_start3A_221 : memref<10000x32xf32, #tpu.memory_space<hbm>>) target(%arg14 : memref<128x32xf32, #tpu.memory_space<vmem>>) offsets(%dma_start3A_218 : memref<128xi32, #tpu.memory_space<vmem>>) semaphore(%arg25 : memref<!tpu.dma_semaphore, #tpu.memory_space<semaphore_mem>>)
    %dma_wait3A_222 = arith.constant 68 : i32
    %dma_wait3A_223 = arith.constant 0 : i32
    %dma_wait3A_224 = tpu.memref_slice %arg6[%dma_wait3A_222, %dma_wait3A_223] : memref<78x128xi32, #tpu.memory_space<vmem>> -> memref<1x128xi32, #tpu.memory_space<vmem>>
    %dma_wait3A_225 = tpu.memref_squeeze %dma_wait3A_224 : memref<1x128xi32, #tpu.memory_space<vmem>> -> memref<128xi32, #tpu.memory_space<vmem>>
    %dma_wait3A_226 = arith.constant 0 : i32
    %dma_wait3A_227 = arith.constant 0 : i32
    %dma_wait3A_228 = tpu.memref_slice %arg2[%dma_wait3A_226, %dma_wait3A_227] : memref<10000x32xf32, #tpu.memory_space<hbm>> -> memref<10000x32xf32, #tpu.memory_space<hbm>>
    tpu.wait_indirect_dma semaphore(%arg26 : memref<!tpu.dma_semaphore, #tpu.memory_space<semaphore_mem>>) src(%dma_wait3A_228 : memref<10000x32xf32, #tpu.memory_space<hbm>>) dst(%arg15 : memref<128x32xf32, #tpu.memory_space<vmem>>)
    %run_scoped3A_229 = arith.constant 68 : i32
    "tpu.region"() ({
      %run_scoped3A_356 = tpu.sem_alloc : memref<!tpu.dma_semaphore, #tpu.memory_space<semaphore_mem>>
      %dma_start3A_357 = arith.constant 0 : i32
      %dma_start3A_358 = tpu.memref_slice %arg7[%run_scoped3A_229, %dma_start3A_357] : memref<78x128xi32, #tpu.memory_space<vmem>> -> memref<1x128xi32, #tpu.memory_space<vmem>>
      %dma_start3A_359 = tpu.memref_squeeze %dma_start3A_358 : memref<1x128xi32, #tpu.memory_space<vmem>> -> memref<128xi32, #tpu.memory_space<vmem>>
      %dma_start3A_360 = arith.constant 0 : i32
      %dma_start3A_361 = arith.constant 0 : i32
      %dma_start3A_362 = tpu.memref_slice %arg21[%dma_start3A_360, %dma_start3A_361] : memref<10000x32xf32, #tpu.memory_space<vmem_shared>> -> memref<10000x32xf32, #tpu.memory_space<vmem_shared>>
      tpu.enqueue_indirect_dma source(%arg15 : memref<128x32xf32, #tpu.memory_space<vmem>>) target(%dma_start3A_362 : memref<10000x32xf32, #tpu.memory_space<vmem_shared>>) offsets(%dma_start3A_359 : memref<128xi32, #tpu.memory_space<vmem>>) semaphore(%run_scoped3A_356 : memref<!tpu.dma_semaphore, #tpu.memory_space<semaphore_mem>>) {add = true}
      %dma_wait3A_363 = arith.constant 0 : i32
      %dma_wait3A_364 = tpu.memref_slice %arg7[%run_scoped3A_229, %dma_wait3A_363] : memref<78x128xi32, #tpu.memory_space<vmem>> -> memref<1x128xi32, #tpu.memory_space<vmem>>
      %dma_wait3A_365 = tpu.memref_squeeze %dma_wait3A_364 : memref<1x128xi32, #tpu.memory_space<vmem>> -> memref<128xi32, #tpu.memory_space<vmem>>
      %dma_wait3A_366 = arith.constant 0 : i32
      %dma_wait3A_367 = arith.constant 0 : i32
      %dma_wait3A_368 = tpu.memref_slice %arg21[%dma_wait3A_366, %dma_wait3A_367] : memref<10000x32xf32, #tpu.memory_space<vmem_shared>> -> memref<10000x32xf32, #tpu.memory_space<vmem_shared>>
      tpu.wait_indirect_dma semaphore(%run_scoped3A_356 : memref<!tpu.dma_semaphore, #tpu.memory_space<semaphore_mem>>) src(%arg15 : memref<128x32xf32, #tpu.memory_space<vmem>>) dst(%dma_wait3A_368 : memref<10000x32xf32, #tpu.memory_space<vmem_shared>>)
      tpu.yield
    }) : () -> ()
    %dma_start3A_230 = arith.constant 76 : i32
    %dma_start3A_231 = arith.constant 0 : i32
    %dma_start3A_232 = tpu.memref_slice %arg6[%dma_start3A_230, %dma_start3A_231] : memref<78x128xi32, #tpu.memory_space<vmem>> -> memref<1x128xi32, #tpu.memory_space<vmem>>
    %dma_start3A_233 = tpu.memref_squeeze %dma_start3A_232 : memref<1x128xi32, #tpu.memory_space<vmem>> -> memref<128xi32, #tpu.memory_space<vmem>>
    %dma_start3A_234 = arith.constant 0 : i32
    %dma_start3A_235 = arith.constant 0 : i32
    %dma_start3A_236 = tpu.memref_slice %arg2[%dma_start3A_234, %dma_start3A_235] : memref<10000x32xf32, #tpu.memory_space<hbm>> -> memref<10000x32xf32, #tpu.memory_space<hbm>>
    tpu.enqueue_indirect_dma source(%dma_start3A_236 : memref<10000x32xf32, #tpu.memory_space<hbm>>) target(%arg15 : memref<128x32xf32, #tpu.memory_space<vmem>>) offsets(%dma_start3A_233 : memref<128xi32, #tpu.memory_space<vmem>>) semaphore(%arg26 : memref<!tpu.dma_semaphore, #tpu.memory_space<semaphore_mem>>)
    %dma_wait3A_237 = arith.constant 69 : i32
    %dma_wait3A_238 = arith.constant 0 : i32
    %dma_wait3A_239 = tpu.memref_slice %arg6[%dma_wait3A_237, %dma_wait3A_238] : memref<78x128xi32, #tpu.memory_space<vmem>> -> memref<1x128xi32, #tpu.memory_space<vmem>>
    %dma_wait3A_240 = tpu.memref_squeeze %dma_wait3A_239 : memref<1x128xi32, #tpu.memory_space<vmem>> -> memref<128xi32, #tpu.memory_space<vmem>>
    %dma_wait3A_241 = arith.constant 0 : i32
    %dma_wait3A_242 = arith.constant 0 : i32
    %dma_wait3A_243 = tpu.memref_slice %arg2[%dma_wait3A_241, %dma_wait3A_242] : memref<10000x32xf32, #tpu.memory_space<hbm>> -> memref<10000x32xf32, #tpu.memory_space<hbm>>
    tpu.wait_indirect_dma semaphore(%arg27 : memref<!tpu.dma_semaphore, #tpu.memory_space<semaphore_mem>>) src(%dma_wait3A_243 : memref<10000x32xf32, #tpu.memory_space<hbm>>) dst(%arg16 : memref<128x32xf32, #tpu.memory_space<vmem>>)
    %run_scoped3A_244 = arith.constant 69 : i32
    "tpu.region"() ({
      %run_scoped3A_356 = tpu.sem_alloc : memref<!tpu.dma_semaphore, #tpu.memory_space<semaphore_mem>>
      %dma_start3A_357 = arith.constant 0 : i32
      %dma_start3A_358 = tpu.memref_slice %arg7[%run_scoped3A_244, %dma_start3A_357] : memref<78x128xi32, #tpu.memory_space<vmem>> -> memref<1x128xi32, #tpu.memory_space<vmem>>
      %dma_start3A_359 = tpu.memref_squeeze %dma_start3A_358 : memref<1x128xi32, #tpu.memory_space<vmem>> -> memref<128xi32, #tpu.memory_space<vmem>>
      %dma_start3A_360 = arith.constant 0 : i32
      %dma_start3A_361 = arith.constant 0 : i32
      %dma_start3A_362 = tpu.memref_slice %arg21[%dma_start3A_360, %dma_start3A_361] : memref<10000x32xf32, #tpu.memory_space<vmem_shared>> -> memref<10000x32xf32, #tpu.memory_space<vmem_shared>>
      tpu.enqueue_indirect_dma source(%arg16 : memref<128x32xf32, #tpu.memory_space<vmem>>) target(%dma_start3A_362 : memref<10000x32xf32, #tpu.memory_space<vmem_shared>>) offsets(%dma_start3A_359 : memref<128xi32, #tpu.memory_space<vmem>>) semaphore(%run_scoped3A_356 : memref<!tpu.dma_semaphore, #tpu.memory_space<semaphore_mem>>) {add = true}
      %dma_wait3A_363 = arith.constant 0 : i32
      %dma_wait3A_364 = tpu.memref_slice %arg7[%run_scoped3A_244, %dma_wait3A_363] : memref<78x128xi32, #tpu.memory_space<vmem>> -> memref<1x128xi32, #tpu.memory_space<vmem>>
      %dma_wait3A_365 = tpu.memref_squeeze %dma_wait3A_364 : memref<1x128xi32, #tpu.memory_space<vmem>> -> memref<128xi32, #tpu.memory_space<vmem>>
      %dma_wait3A_366 = arith.constant 0 : i32
      %dma_wait3A_367 = arith.constant 0 : i32
      %dma_wait3A_368 = tpu.memref_slice %arg21[%dma_wait3A_366, %dma_wait3A_367] : memref<10000x32xf32, #tpu.memory_space<vmem_shared>> -> memref<10000x32xf32, #tpu.memory_space<vmem_shared>>
      tpu.wait_indirect_dma semaphore(%run_scoped3A_356 : memref<!tpu.dma_semaphore, #tpu.memory_space<semaphore_mem>>) src(%arg16 : memref<128x32xf32, #tpu.memory_space<vmem>>) dst(%dma_wait3A_368 : memref<10000x32xf32, #tpu.memory_space<vmem_shared>>)
      tpu.yield
    }) : () -> ()
    %dma_start3A_245 = arith.constant 77 : i32
    %dma_start3A_246 = arith.constant 0 : i32
    %dma_start3A_247 = tpu.memref_slice %arg6[%dma_start3A_245, %dma_start3A_246] : memref<78x128xi32, #tpu.memory_space<vmem>> -> memref<1x128xi32, #tpu.memory_space<vmem>>
    %dma_start3A_248 = tpu.memref_squeeze %dma_start3A_247 : memref<1x128xi32, #tpu.memory_space<vmem>> -> memref<128xi32, #tpu.memory_space<vmem>>
    %dma_start3A_249 = arith.constant 0 : i32
    %dma_start3A_250 = arith.constant 0 : i32
    %dma_start3A_251 = tpu.memref_slice %arg2[%dma_start3A_249, %dma_start3A_250] : memref<10000x32xf32, #tpu.memory_space<hbm>> -> memref<10000x32xf32, #tpu.memory_space<hbm>>
    tpu.enqueue_indirect_dma source(%dma_start3A_251 : memref<10000x32xf32, #tpu.memory_space<hbm>>) target(%arg16 : memref<128x32xf32, #tpu.memory_space<vmem>>) offsets(%dma_start3A_248 : memref<128xi32, #tpu.memory_space<vmem>>) semaphore(%arg27 : memref<!tpu.dma_semaphore, #tpu.memory_space<semaphore_mem>>)
    %dma_wait3A_252 = arith.constant 70 : i32
    %dma_wait3A_253 = arith.constant 0 : i32
    %dma_wait3A_254 = tpu.memref_slice %arg6[%dma_wait3A_252, %dma_wait3A_253] : memref<78x128xi32, #tpu.memory_space<vmem>> -> memref<1x128xi32, #tpu.memory_space<vmem>>
    %dma_wait3A_255 = tpu.memref_squeeze %dma_wait3A_254 : memref<1x128xi32, #tpu.memory_space<vmem>> -> memref<128xi32, #tpu.memory_space<vmem>>
    %dma_wait3A_256 = arith.constant 0 : i32
    %dma_wait3A_257 = arith.constant 0 : i32
    %dma_wait3A_258 = tpu.memref_slice %arg2[%dma_wait3A_256, %dma_wait3A_257] : memref<10000x32xf32, #tpu.memory_space<hbm>> -> memref<10000x32xf32, #tpu.memory_space<hbm>>
    tpu.wait_indirect_dma semaphore(%arg28 : memref<!tpu.dma_semaphore, #tpu.memory_space<semaphore_mem>>) src(%dma_wait3A_258 : memref<10000x32xf32, #tpu.memory_space<hbm>>) dst(%arg17 : memref<128x32xf32, #tpu.memory_space<vmem>>)
    %run_scoped3A_259 = arith.constant 70 : i32
    "tpu.region"() ({
      %run_scoped3A_356 = tpu.sem_alloc : memref<!tpu.dma_semaphore, #tpu.memory_space<semaphore_mem>>
      %dma_start3A_357 = arith.constant 0 : i32
      %dma_start3A_358 = tpu.memref_slice %arg7[%run_scoped3A_259, %dma_start3A_357] : memref<78x128xi32, #tpu.memory_space<vmem>> -> memref<1x128xi32, #tpu.memory_space<vmem>>
      %dma_start3A_359 = tpu.memref_squeeze %dma_start3A_358 : memref<1x128xi32, #tpu.memory_space<vmem>> -> memref<128xi32, #tpu.memory_space<vmem>>
      %dma_start3A_360 = arith.constant 0 : i32
      %dma_start3A_361 = arith.constant 0 : i32
      %dma_start3A_362 = tpu.memref_slice %arg21[%dma_start3A_360, %dma_start3A_361] : memref<10000x32xf32, #tpu.memory_space<vmem_shared>> -> memref<10000x32xf32, #tpu.memory_space<vmem_shared>>
      tpu.enqueue_indirect_dma source(%arg17 : memref<128x32xf32, #tpu.memory_space<vmem>>) target(%dma_start3A_362 : memref<10000x32xf32, #tpu.memory_space<vmem_shared>>) offsets(%dma_start3A_359 : memref<128xi32, #tpu.memory_space<vmem>>) semaphore(%run_scoped3A_356 : memref<!tpu.dma_semaphore, #tpu.memory_space<semaphore_mem>>) {add = true}
      %dma_wait3A_363 = arith.constant 0 : i32
      %dma_wait3A_364 = tpu.memref_slice %arg7[%run_scoped3A_259, %dma_wait3A_363] : memref<78x128xi32, #tpu.memory_space<vmem>> -> memref<1x128xi32, #tpu.memory_space<vmem>>
      %dma_wait3A_365 = tpu.memref_squeeze %dma_wait3A_364 : memref<1x128xi32, #tpu.memory_space<vmem>> -> memref<128xi32, #tpu.memory_space<vmem>>
      %dma_wait3A_366 = arith.constant 0 : i32
      %dma_wait3A_367 = arith.constant 0 : i32
      %dma_wait3A_368 = tpu.memref_slice %arg21[%dma_wait3A_366, %dma_wait3A_367] : memref<10000x32xf32, #tpu.memory_space<vmem_shared>> -> memref<10000x32xf32, #tpu.memory_space<vmem_shared>>
      tpu.wait_indirect_dma semaphore(%run_scoped3A_356 : memref<!tpu.dma_semaphore, #tpu.memory_space<semaphore_mem>>) src(%arg17 : memref<128x32xf32, #tpu.memory_space<vmem>>) dst(%dma_wait3A_368 : memref<10000x32xf32, #tpu.memory_space<vmem_shared>>)
      tpu.yield
    }) : () -> ()
    %dma_wait3A_260 = arith.constant 71 : i32
    %dma_wait3A_261 = arith.constant 0 : i32
    %dma_wait3A_262 = tpu.memref_slice %arg6[%dma_wait3A_260, %dma_wait3A_261] : memref<78x128xi32, #tpu.memory_space<vmem>> -> memref<1x128xi32, #tpu.memory_space<vmem>>
    %dma_wait3A_263 = tpu.memref_squeeze %dma_wait3A_262 : memref<1x128xi32, #tpu.memory_space<vmem>> -> memref<128xi32, #tpu.memory_space<vmem>>
    %dma_wait3A_264 = arith.constant 0 : i32
    %dma_wait3A_265 = arith.constant 0 : i32
    %dma_wait3A_266 = tpu.memref_slice %arg2[%dma_wait3A_264, %dma_wait3A_265] : memref<10000x32xf32, #tpu.memory_space<hbm>> -> memref<10000x32xf32, #tpu.memory_space<hbm>>
    tpu.wait_indirect_dma semaphore(%arg29 : memref<!tpu.dma_semaphore, #tpu.memory_space<semaphore_mem>>) src(%dma_wait3A_266 : memref<10000x32xf32, #tpu.memory_space<hbm>>) dst(%arg18 : memref<128x32xf32, #tpu.memory_space<vmem>>)
    %run_scoped3A_267 = arith.constant 71 : i32
    "tpu.region"() ({
      %run_scoped3A_356 = tpu.sem_alloc : memref<!tpu.dma_semaphore, #tpu.memory_space<semaphore_mem>>
      %dma_start3A_357 = arith.constant 0 : i32
      %dma_start3A_358 = tpu.memref_slice %arg7[%run_scoped3A_267, %dma_start3A_357] : memref<78x128xi32, #tpu.memory_space<vmem>> -> memref<1x128xi32, #tpu.memory_space<vmem>>
      %dma_start3A_359 = tpu.memref_squeeze %dma_start3A_358 : memref<1x128xi32, #tpu.memory_space<vmem>> -> memref<128xi32, #tpu.memory_space<vmem>>
      %dma_start3A_360 = arith.constant 0 : i32
      %dma_start3A_361 = arith.constant 0 : i32
      %dma_start3A_362 = tpu.memref_slice %arg21[%dma_start3A_360, %dma_start3A_361] : memref<10000x32xf32, #tpu.memory_space<vmem_shared>> -> memref<10000x32xf32, #tpu.memory_space<vmem_shared>>
      tpu.enqueue_indirect_dma source(%arg18 : memref<128x32xf32, #tpu.memory_space<vmem>>) target(%dma_start3A_362 : memref<10000x32xf32, #tpu.memory_space<vmem_shared>>) offsets(%dma_start3A_359 : memref<128xi32, #tpu.memory_space<vmem>>) semaphore(%run_scoped3A_356 : memref<!tpu.dma_semaphore, #tpu.memory_space<semaphore_mem>>) {add = true}
      %dma_wait3A_363 = arith.constant 0 : i32
      %dma_wait3A_364 = tpu.memref_slice %arg7[%run_scoped3A_267, %dma_wait3A_363] : memref<78x128xi32, #tpu.memory_space<vmem>> -> memref<1x128xi32, #tpu.memory_space<vmem>>
      %dma_wait3A_365 = tpu.memref_squeeze %dma_wait3A_364 : memref<1x128xi32, #tpu.memory_space<vmem>> -> memref<128xi32, #tpu.memory_space<vmem>>
      %dma_wait3A_366 = arith.constant 0 : i32
      %dma_wait3A_367 = arith.constant 0 : i32
      %dma_wait3A_368 = tpu.memref_slice %arg21[%dma_wait3A_366, %dma_wait3A_367] : memref<10000x32xf32, #tpu.memory_space<vmem_shared>> -> memref<10000x32xf32, #tpu.memory_space<vmem_shared>>
      tpu.wait_indirect_dma semaphore(%run_scoped3A_356 : memref<!tpu.dma_semaphore, #tpu.memory_space<semaphore_mem>>) src(%arg18 : memref<128x32xf32, #tpu.memory_space<vmem>>) dst(%dma_wait3A_368 : memref<10000x32xf32, #tpu.memory_space<vmem_shared>>)
      tpu.yield
    }) : () -> ()
    %dma_wait3A_268 = arith.constant 72 : i32
    %dma_wait3A_269 = arith.constant 0 : i32
    %dma_wait3A_270 = tpu.memref_slice %arg6[%dma_wait3A_268, %dma_wait3A_269] : memref<78x128xi32, #tpu.memory_space<vmem>> -> memref<1x128xi32, #tpu.memory_space<vmem>>
    %dma_wait3A_271 = tpu.memref_squeeze %dma_wait3A_270 : memref<1x128xi32, #tpu.memory_space<vmem>> -> memref<128xi32, #tpu.memory_space<vmem>>
    %dma_wait3A_272 = arith.constant 0 : i32
    %dma_wait3A_273 = arith.constant 0 : i32
    %dma_wait3A_274 = tpu.memref_slice %arg2[%dma_wait3A_272, %dma_wait3A_273] : memref<10000x32xf32, #tpu.memory_space<hbm>> -> memref<10000x32xf32, #tpu.memory_space<hbm>>
    tpu.wait_indirect_dma semaphore(%arg22 : memref<!tpu.dma_semaphore, #tpu.memory_space<semaphore_mem>>) src(%dma_wait3A_274 : memref<10000x32xf32, #tpu.memory_space<hbm>>) dst(%arg11 : memref<128x32xf32, #tpu.memory_space<vmem>>)
    %run_scoped3A_275 = arith.constant 72 : i32
    "tpu.region"() ({
      %run_scoped3A_356 = tpu.sem_alloc : memref<!tpu.dma_semaphore, #tpu.memory_space<semaphore_mem>>
      %dma_start3A_357 = arith.constant 0 : i32
      %dma_start3A_358 = tpu.memref_slice %arg7[%run_scoped3A_275, %dma_start3A_357] : memref<78x128xi32, #tpu.memory_space<vmem>> -> memref<1x128xi32, #tpu.memory_space<vmem>>
      %dma_start3A_359 = tpu.memref_squeeze %dma_start3A_358 : memref<1x128xi32, #tpu.memory_space<vmem>> -> memref<128xi32, #tpu.memory_space<vmem>>
      %dma_start3A_360 = arith.constant 0 : i32
      %dma_start3A_361 = arith.constant 0 : i32
      %dma_start3A_362 = tpu.memref_slice %arg21[%dma_start3A_360, %dma_start3A_361] : memref<10000x32xf32, #tpu.memory_space<vmem_shared>> -> memref<10000x32xf32, #tpu.memory_space<vmem_shared>>
      tpu.enqueue_indirect_dma source(%arg11 : memref<128x32xf32, #tpu.memory_space<vmem>>) target(%dma_start3A_362 : memref<10000x32xf32, #tpu.memory_space<vmem_shared>>) offsets(%dma_start3A_359 : memref<128xi32, #tpu.memory_space<vmem>>) semaphore(%run_scoped3A_356 : memref<!tpu.dma_semaphore, #tpu.memory_space<semaphore_mem>>) {add = true}
      %dma_wait3A_363 = arith.constant 0 : i32
      %dma_wait3A_364 = tpu.memref_slice %arg7[%run_scoped3A_275, %dma_wait3A_363] : memref<78x128xi32, #tpu.memory_space<vmem>> -> memref<1x128xi32, #tpu.memory_space<vmem>>
      %dma_wait3A_365 = tpu.memref_squeeze %dma_wait3A_364 : memref<1x128xi32, #tpu.memory_space<vmem>> -> memref<128xi32, #tpu.memory_space<vmem>>
      %dma_wait3A_366 = arith.constant 0 : i32
      %dma_wait3A_367 = arith.constant 0 : i32
      %dma_wait3A_368 = tpu.memref_slice %arg21[%dma_wait3A_366, %dma_wait3A_367] : memref<10000x32xf32, #tpu.memory_space<vmem_shared>> -> memref<10000x32xf32, #tpu.memory_space<vmem_shared>>
      tpu.wait_indirect_dma semaphore(%run_scoped3A_356 : memref<!tpu.dma_semaphore, #tpu.memory_space<semaphore_mem>>) src(%arg11 : memref<128x32xf32, #tpu.memory_space<vmem>>) dst(%dma_wait3A_368 : memref<10000x32xf32, #tpu.memory_space<vmem_shared>>)
      tpu.yield
    }) : () -> ()
    %dma_wait3A_276 = arith.constant 73 : i32
    %dma_wait3A_277 = arith.constant 0 : i32
    %dma_wait3A_278 = tpu.memref_slice %arg6[%dma_wait3A_276, %dma_wait3A_277] : memref<78x128xi32, #tpu.memory_space<vmem>> -> memref<1x128xi32, #tpu.memory_space<vmem>>
    %dma_wait3A_279 = tpu.memref_squeeze %dma_wait3A_278 : memref<1x128xi32, #tpu.memory_space<vmem>> -> memref<128xi32, #tpu.memory_space<vmem>>
    %dma_wait3A_280 = arith.constant 0 : i32
    %dma_wait3A_281 = arith.constant 0 : i32
    %dma_wait3A_282 = tpu.memref_slice %arg2[%dma_wait3A_280, %dma_wait3A_281] : memref<10000x32xf32, #tpu.memory_space<hbm>> -> memref<10000x32xf32, #tpu.memory_space<hbm>>
    tpu.wait_indirect_dma semaphore(%arg23 : memref<!tpu.dma_semaphore, #tpu.memory_space<semaphore_mem>>) src(%dma_wait3A_282 : memref<10000x32xf32, #tpu.memory_space<hbm>>) dst(%arg12 : memref<128x32xf32, #tpu.memory_space<vmem>>)
    %run_scoped3A_283 = arith.constant 73 : i32
    "tpu.region"() ({
      %run_scoped3A_356 = tpu.sem_alloc : memref<!tpu.dma_semaphore, #tpu.memory_space<semaphore_mem>>
      %dma_start3A_357 = arith.constant 0 : i32
      %dma_start3A_358 = tpu.memref_slice %arg7[%run_scoped3A_283, %dma_start3A_357] : memref<78x128xi32, #tpu.memory_space<vmem>> -> memref<1x128xi32, #tpu.memory_space<vmem>>
      %dma_start3A_359 = tpu.memref_squeeze %dma_start3A_358 : memref<1x128xi32, #tpu.memory_space<vmem>> -> memref<128xi32, #tpu.memory_space<vmem>>
      %dma_start3A_360 = arith.constant 0 : i32
      %dma_start3A_361 = arith.constant 0 : i32
      %dma_start3A_362 = tpu.memref_slice %arg21[%dma_start3A_360, %dma_start3A_361] : memref<10000x32xf32, #tpu.memory_space<vmem_shared>> -> memref<10000x32xf32, #tpu.memory_space<vmem_shared>>
      tpu.enqueue_indirect_dma source(%arg12 : memref<128x32xf32, #tpu.memory_space<vmem>>) target(%dma_start3A_362 : memref<10000x32xf32, #tpu.memory_space<vmem_shared>>) offsets(%dma_start3A_359 : memref<128xi32, #tpu.memory_space<vmem>>) semaphore(%run_scoped3A_356 : memref<!tpu.dma_semaphore, #tpu.memory_space<semaphore_mem>>) {add = true}
      %dma_wait3A_363 = arith.constant 0 : i32
      %dma_wait3A_364 = tpu.memref_slice %arg7[%run_scoped3A_283, %dma_wait3A_363] : memref<78x128xi32, #tpu.memory_space<vmem>> -> memref<1x128xi32, #tpu.memory_space<vmem>>
      %dma_wait3A_365 = tpu.memref_squeeze %dma_wait3A_364 : memref<1x128xi32, #tpu.memory_space<vmem>> -> memref<128xi32, #tpu.memory_space<vmem>>
      %dma_wait3A_366 = arith.constant 0 : i32
      %dma_wait3A_367 = arith.constant 0 : i32
      %dma_wait3A_368 = tpu.memref_slice %arg21[%dma_wait3A_366, %dma_wait3A_367] : memref<10000x32xf32, #tpu.memory_space<vmem_shared>> -> memref<10000x32xf32, #tpu.memory_space<vmem_shared>>
      tpu.wait_indirect_dma semaphore(%run_scoped3A_356 : memref<!tpu.dma_semaphore, #tpu.memory_space<semaphore_mem>>) src(%arg12 : memref<128x32xf32, #tpu.memory_space<vmem>>) dst(%dma_wait3A_368 : memref<10000x32xf32, #tpu.memory_space<vmem_shared>>)
      tpu.yield
    }) : () -> ()
    %dma_wait3A_284 = arith.constant 74 : i32
    %dma_wait3A_285 = arith.constant 0 : i32
    %dma_wait3A_286 = tpu.memref_slice %arg6[%dma_wait3A_284, %dma_wait3A_285] : memref<78x128xi32, #tpu.memory_space<vmem>> -> memref<1x128xi32, #tpu.memory_space<vmem>>
    %dma_wait3A_287 = tpu.memref_squeeze %dma_wait3A_286 : memref<1x128xi32, #tpu.memory_space<vmem>> -> memref<128xi32, #tpu.memory_space<vmem>>
    %dma_wait3A_288 = arith.constant 0 : i32
    %dma_wait3A_289 = arith.constant 0 : i32
    %dma_wait3A_290 = tpu.memref_slice %arg2[%dma_wait3A_288, %dma_wait3A_289] : memref<10000x32xf32, #tpu.memory_space<hbm>> -> memref<10000x32xf32, #tpu.memory_space<hbm>>
    tpu.wait_indirect_dma semaphore(%arg24 : memref<!tpu.dma_semaphore, #tpu.memory_space<semaphore_mem>>) src(%dma_wait3A_290 : memref<10000x32xf32, #tpu.memory_space<hbm>>) dst(%arg13 : memref<128x32xf32, #tpu.memory_space<vmem>>)
    %run_scoped3A_291 = arith.constant 74 : i32
    "tpu.region"() ({
      %run_scoped3A_356 = tpu.sem_alloc : memref<!tpu.dma_semaphore, #tpu.memory_space<semaphore_mem>>
      %dma_start3A_357 = arith.constant 0 : i32
      %dma_start3A_358 = tpu.memref_slice %arg7[%run_scoped3A_291, %dma_start3A_357] : memref<78x128xi32, #tpu.memory_space<vmem>> -> memref<1x128xi32, #tpu.memory_space<vmem>>
      %dma_start3A_359 = tpu.memref_squeeze %dma_start3A_358 : memref<1x128xi32, #tpu.memory_space<vmem>> -> memref<128xi32, #tpu.memory_space<vmem>>
      %dma_start3A_360 = arith.constant 0 : i32
      %dma_start3A_361 = arith.constant 0 : i32
      %dma_start3A_362 = tpu.memref_slice %arg21[%dma_start3A_360, %dma_start3A_361] : memref<10000x32xf32, #tpu.memory_space<vmem_shared>> -> memref<10000x32xf32, #tpu.memory_space<vmem_shared>>
      tpu.enqueue_indirect_dma source(%arg13 : memref<128x32xf32, #tpu.memory_space<vmem>>) target(%dma_start3A_362 : memref<10000x32xf32, #tpu.memory_space<vmem_shared>>) offsets(%dma_start3A_359 : memref<128xi32, #tpu.memory_space<vmem>>) semaphore(%run_scoped3A_356 : memref<!tpu.dma_semaphore, #tpu.memory_space<semaphore_mem>>) {add = true}
      %dma_wait3A_363 = arith.constant 0 : i32
      %dma_wait3A_364 = tpu.memref_slice %arg7[%run_scoped3A_291, %dma_wait3A_363] : memref<78x128xi32, #tpu.memory_space<vmem>> -> memref<1x128xi32, #tpu.memory_space<vmem>>
      %dma_wait3A_365 = tpu.memref_squeeze %dma_wait3A_364 : memref<1x128xi32, #tpu.memory_space<vmem>> -> memref<128xi32, #tpu.memory_space<vmem>>
      %dma_wait3A_366 = arith.constant 0 : i32
      %dma_wait3A_367 = arith.constant 0 : i32
      %dma_wait3A_368 = tpu.memref_slice %arg21[%dma_wait3A_366, %dma_wait3A_367] : memref<10000x32xf32, #tpu.memory_space<vmem_shared>> -> memref<10000x32xf32, #tpu.memory_space<vmem_shared>>
      tpu.wait_indirect_dma semaphore(%run_scoped3A_356 : memref<!tpu.dma_semaphore, #tpu.memory_space<semaphore_mem>>) src(%arg13 : memref<128x32xf32, #tpu.memory_space<vmem>>) dst(%dma_wait3A_368 : memref<10000x32xf32, #tpu.memory_space<vmem_shared>>)
      tpu.yield
    }) : () -> ()
    %dma_wait3A_292 = arith.constant 75 : i32
    %dma_wait3A_293 = arith.constant 0 : i32
    %dma_wait3A_294 = tpu.memref_slice %arg6[%dma_wait3A_292, %dma_wait3A_293] : memref<78x128xi32, #tpu.memory_space<vmem>> -> memref<1x128xi32, #tpu.memory_space<vmem>>
    %dma_wait3A_295 = tpu.memref_squeeze %dma_wait3A_294 : memref<1x128xi32, #tpu.memory_space<vmem>> -> memref<128xi32, #tpu.memory_space<vmem>>
    %dma_wait3A_296 = arith.constant 0 : i32
    %dma_wait3A_297 = arith.constant 0 : i32
    %dma_wait3A_298 = tpu.memref_slice %arg2[%dma_wait3A_296, %dma_wait3A_297] : memref<10000x32xf32, #tpu.memory_space<hbm>> -> memref<10000x32xf32, #tpu.memory_space<hbm>>
    tpu.wait_indirect_dma semaphore(%arg25 : memref<!tpu.dma_semaphore, #tpu.memory_space<semaphore_mem>>) src(%dma_wait3A_298 : memref<10000x32xf32, #tpu.memory_space<hbm>>) dst(%arg14 : memref<128x32xf32, #tpu.memory_space<vmem>>)
    %run_scoped3A_299 = arith.constant 75 : i32
    "tpu.region"() ({
      %run_scoped3A_356 = tpu.sem_alloc : memref<!tpu.dma_semaphore, #tpu.memory_space<semaphore_mem>>
      %dma_start3A_357 = arith.constant 0 : i32
      %dma_start3A_358 = tpu.memref_slice %arg7[%run_scoped3A_299, %dma_start3A_357] : memref<78x128xi32, #tpu.memory_space<vmem>> -> memref<1x128xi32, #tpu.memory_space<vmem>>
      %dma_start3A_359 = tpu.memref_squeeze %dma_start3A_358 : memref<1x128xi32, #tpu.memory_space<vmem>> -> memref<128xi32, #tpu.memory_space<vmem>>
      %dma_start3A_360 = arith.constant 0 : i32
      %dma_start3A_361 = arith.constant 0 : i32
      %dma_start3A_362 = tpu.memref_slice %arg21[%dma_start3A_360, %dma_start3A_361] : memref<10000x32xf32, #tpu.memory_space<vmem_shared>> -> memref<10000x32xf32, #tpu.memory_space<vmem_shared>>
      tpu.enqueue_indirect_dma source(%arg14 : memref<128x32xf32, #tpu.memory_space<vmem>>) target(%dma_start3A_362 : memref<10000x32xf32, #tpu.memory_space<vmem_shared>>) offsets(%dma_start3A_359 : memref<128xi32, #tpu.memory_space<vmem>>) semaphore(%run_scoped3A_356 : memref<!tpu.dma_semaphore, #tpu.memory_space<semaphore_mem>>) {add = true}
      %dma_wait3A_363 = arith.constant 0 : i32
      %dma_wait3A_364 = tpu.memref_slice %arg7[%run_scoped3A_299, %dma_wait3A_363] : memref<78x128xi32, #tpu.memory_space<vmem>> -> memref<1x128xi32, #tpu.memory_space<vmem>>
      %dma_wait3A_365 = tpu.memref_squeeze %dma_wait3A_364 : memref<1x128xi32, #tpu.memory_space<vmem>> -> memref<128xi32, #tpu.memory_space<vmem>>
      %dma_wait3A_366 = arith.constant 0 : i32
      %dma_wait3A_367 = arith.constant 0 : i32
      %dma_wait3A_368 = tpu.memref_slice %arg21[%dma_wait3A_366, %dma_wait3A_367] : memref<10000x32xf32, #tpu.memory_space<vmem_shared>> -> memref<10000x32xf32, #tpu.memory_space<vmem_shared>>
      tpu.wait_indirect_dma semaphore(%run_scoped3A_356 : memref<!tpu.dma_semaphore, #tpu.memory_space<semaphore_mem>>) src(%arg14 : memref<128x32xf32, #tpu.memory_space<vmem>>) dst(%dma_wait3A_368 : memref<10000x32xf32, #tpu.memory_space<vmem_shared>>)
      tpu.yield
    }) : () -> ()
    %dma_wait3A_300 = arith.constant 76 : i32
    %dma_wait3A_301 = arith.constant 0 : i32
    %dma_wait3A_302 = tpu.memref_slice %arg6[%dma_wait3A_300, %dma_wait3A_301] : memref<78x128xi32, #tpu.memory_space<vmem>> -> memref<1x128xi32, #tpu.memory_space<vmem>>
    %dma_wait3A_303 = tpu.memref_squeeze %dma_wait3A_302 : memref<1x128xi32, #tpu.memory_space<vmem>> -> memref<128xi32, #tpu.memory_space<vmem>>
    %dma_wait3A_304 = arith.constant 0 : i32
    %dma_wait3A_305 = arith.constant 0 : i32
    %dma_wait3A_306 = tpu.memref_slice %arg2[%dma_wait3A_304, %dma_wait3A_305] : memref<10000x32xf32, #tpu.memory_space<hbm>> -> memref<10000x32xf32, #tpu.memory_space<hbm>>
    tpu.wait_indirect_dma semaphore(%arg26 : memref<!tpu.dma_semaphore, #tpu.memory_space<semaphore_mem>>) src(%dma_wait3A_306 : memref<10000x32xf32, #tpu.memory_space<hbm>>) dst(%arg15 : memref<128x32xf32, #tpu.memory_space<vmem>>)
    %run_scoped3A_307 = arith.constant 76 : i32
    "tpu.region"() ({
      %run_scoped3A_356 = tpu.sem_alloc : memref<!tpu.dma_semaphore, #tpu.memory_space<semaphore_mem>>
      %dma_start3A_357 = arith.constant 0 : i32
      %dma_start3A_358 = tpu.memref_slice %arg7[%run_scoped3A_307, %dma_start3A_357] : memref<78x128xi32, #tpu.memory_space<vmem>> -> memref<1x128xi32, #tpu.memory_space<vmem>>
      %dma_start3A_359 = tpu.memref_squeeze %dma_start3A_358 : memref<1x128xi32, #tpu.memory_space<vmem>> -> memref<128xi32, #tpu.memory_space<vmem>>
      %dma_start3A_360 = arith.constant 0 : i32
      %dma_start3A_361 = arith.constant 0 : i32
      %dma_start3A_362 = tpu.memref_slice %arg21[%dma_start3A_360, %dma_start3A_361] : memref<10000x32xf32, #tpu.memory_space<vmem_shared>> -> memref<10000x32xf32, #tpu.memory_space<vmem_shared>>
      tpu.enqueue_indirect_dma source(%arg15 : memref<128x32xf32, #tpu.memory_space<vmem>>) target(%dma_start3A_362 : memref<10000x32xf32, #tpu.memory_space<vmem_shared>>) offsets(%dma_start3A_359 : memref<128xi32, #tpu.memory_space<vmem>>) semaphore(%run_scoped3A_356 : memref<!tpu.dma_semaphore, #tpu.memory_space<semaphore_mem>>) {add = true}
      %dma_wait3A_363 = arith.constant 0 : i32
      %dma_wait3A_364 = tpu.memref_slice %arg7[%run_scoped3A_307, %dma_wait3A_363] : memref<78x128xi32, #tpu.memory_space<vmem>> -> memref<1x128xi32, #tpu.memory_space<vmem>>
      %dma_wait3A_365 = tpu.memref_squeeze %dma_wait3A_364 : memref<1x128xi32, #tpu.memory_space<vmem>> -> memref<128xi32, #tpu.memory_space<vmem>>
      %dma_wait3A_366 = arith.constant 0 : i32
      %dma_wait3A_367 = arith.constant 0 : i32
      %dma_wait3A_368 = tpu.memref_slice %arg21[%dma_wait3A_366, %dma_wait3A_367] : memref<10000x32xf32, #tpu.memory_space<vmem_shared>> -> memref<10000x32xf32, #tpu.memory_space<vmem_shared>>
      tpu.wait_indirect_dma semaphore(%run_scoped3A_356 : memref<!tpu.dma_semaphore, #tpu.memory_space<semaphore_mem>>) src(%arg15 : memref<128x32xf32, #tpu.memory_space<vmem>>) dst(%dma_wait3A_368 : memref<10000x32xf32, #tpu.memory_space<vmem_shared>>)
      tpu.yield
    }) : () -> ()
    %dma_wait3A_308 = arith.constant 77 : i32
    %dma_wait3A_309 = arith.constant 0 : i32
    %dma_wait3A_310 = tpu.memref_slice %arg6[%dma_wait3A_308, %dma_wait3A_309] : memref<78x128xi32, #tpu.memory_space<vmem>> -> memref<1x128xi32, #tpu.memory_space<vmem>>
    %dma_wait3A_311 = tpu.memref_squeeze %dma_wait3A_310 : memref<1x128xi32, #tpu.memory_space<vmem>> -> memref<128xi32, #tpu.memory_space<vmem>>
    %dma_wait3A_312 = arith.constant 0 : i32
    %dma_wait3A_313 = arith.constant 0 : i32
    %dma_wait3A_314 = tpu.memref_slice %arg2[%dma_wait3A_312, %dma_wait3A_313] : memref<10000x32xf32, #tpu.memory_space<hbm>> -> memref<10000x32xf32, #tpu.memory_space<hbm>>
    tpu.wait_indirect_dma semaphore(%arg27 : memref<!tpu.dma_semaphore, #tpu.memory_space<semaphore_mem>>) src(%dma_wait3A_314 : memref<10000x32xf32, #tpu.memory_space<hbm>>) dst(%arg16 : memref<128x32xf32, #tpu.memory_space<vmem>>)
    %run_scoped3A_315 = arith.constant 77 : i32
    "tpu.region"() ({
      %run_scoped3A_356 = tpu.sem_alloc : memref<!tpu.dma_semaphore, #tpu.memory_space<semaphore_mem>>
      %dma_start3A_357 = arith.constant 0 : i32
      %dma_start3A_358 = tpu.memref_slice %arg7[%run_scoped3A_315, %dma_start3A_357] : memref<78x128xi32, #tpu.memory_space<vmem>> -> memref<1x128xi32, #tpu.memory_space<vmem>>
      %dma_start3A_359 = tpu.memref_squeeze %dma_start3A_358 : memref<1x128xi32, #tpu.memory_space<vmem>> -> memref<128xi32, #tpu.memory_space<vmem>>
      %dma_start3A_360 = arith.constant 0 : i32
      %dma_start3A_361 = arith.constant 0 : i32
      %dma_start3A_362 = tpu.memref_slice %arg21[%dma_start3A_360, %dma_start3A_361] : memref<10000x32xf32, #tpu.memory_space<vmem_shared>> -> memref<10000x32xf32, #tpu.memory_space<vmem_shared>>
      tpu.enqueue_indirect_dma source(%arg16 : memref<128x32xf32, #tpu.memory_space<vmem>>) target(%dma_start3A_362 : memref<10000x32xf32, #tpu.memory_space<vmem_shared>>) offsets(%dma_start3A_359 : memref<128xi32, #tpu.memory_space<vmem>>) semaphore(%run_scoped3A_356 : memref<!tpu.dma_semaphore, #tpu.memory_space<semaphore_mem>>) {add = true}
      %dma_wait3A_363 = arith.constant 0 : i32
      %dma_wait3A_364 = tpu.memref_slice %arg7[%run_scoped3A_315, %dma_wait3A_363] : memref<78x128xi32, #tpu.memory_space<vmem>> -> memref<1x128xi32, #tpu.memory_space<vmem>>
      %dma_wait3A_365 = tpu.memref_squeeze %dma_wait3A_364 : memref<1x128xi32, #tpu.memory_space<vmem>> -> memref<128xi32, #tpu.memory_space<vmem>>
      %dma_wait3A_366 = arith.constant 0 : i32
      %dma_wait3A_367 = arith.constant 0 : i32
      %dma_wait3A_368 = tpu.memref_slice %arg21[%dma_wait3A_366, %dma_wait3A_367] : memref<10000x32xf32, #tpu.memory_space<vmem_shared>> -> memref<10000x32xf32, #tpu.memory_space<vmem_shared>>
      tpu.wait_indirect_dma semaphore(%run_scoped3A_356 : memref<!tpu.dma_semaphore, #tpu.memory_space<semaphore_mem>>) src(%arg16 : memref<128x32xf32, #tpu.memory_space<vmem>>) dst(%dma_wait3A_368 : memref<10000x32xf32, #tpu.memory_space<vmem_shared>>)
      tpu.yield
    }) : () -> ()
    %dma_start3A_316 = arith.constant 0 : i32
    %dma_start3A_317 = arith.constant 0 : i32
    %dma_start3A_318 = tpu.memref_slice %arg2[%dma_start3A_316, %dma_start3A_317] : memref<10000x32xf32, #tpu.memory_space<hbm>> -> memref<10000x32xf32, #tpu.memory_space<hbm>>
    tpu.enqueue_indirect_dma source(%dma_start3A_318 : memref<10000x32xf32, #tpu.memory_space<hbm>>) target(%arg19 : memref<16x32xf32, #tpu.memory_space<vmem>>) offsets(%arg8 : memref<16xi32, #tpu.memory_space<vmem>>) semaphore(%arg22 : memref<!tpu.dma_semaphore, #tpu.memory_space<semaphore_mem>>)
    %dma_wait3A_319 = arith.constant 0 : i32
    %dma_wait3A_320 = arith.constant 0 : i32
    %dma_wait3A_321 = tpu.memref_slice %arg2[%dma_wait3A_319, %dma_wait3A_320] : memref<10000x32xf32, #tpu.memory_space<hbm>> -> memref<10000x32xf32, #tpu.memory_space<hbm>>
    tpu.wait_indirect_dma semaphore(%arg22 : memref<!tpu.dma_semaphore, #tpu.memory_space<semaphore_mem>>) src(%dma_wait3A_321 : memref<10000x32xf32, #tpu.memory_space<hbm>>) dst(%arg19 : memref<16x32xf32, #tpu.memory_space<vmem>>)
    "tpu.region"() ({
      %run_scoped3A_356 = tpu.sem_alloc : memref<!tpu.dma_semaphore, #tpu.memory_space<semaphore_mem>>
      %dma_start3A_357 = arith.constant 0 : i32
      %dma_start3A_358 = arith.constant 0 : i32
      %dma_start3A_359 = tpu.memref_slice %arg21[%dma_start3A_357, %dma_start3A_358] : memref<10000x32xf32, #tpu.memory_space<vmem_shared>> -> memref<10000x32xf32, #tpu.memory_space<vmem_shared>>
      tpu.enqueue_indirect_dma source(%arg19 : memref<16x32xf32, #tpu.memory_space<vmem>>) target(%dma_start3A_359 : memref<10000x32xf32, #tpu.memory_space<vmem_shared>>) offsets(%arg9 : memref<16xi32, #tpu.memory_space<vmem>>) semaphore(%run_scoped3A_356 : memref<!tpu.dma_semaphore, #tpu.memory_space<semaphore_mem>>) {add = true}
      %dma_wait3A_360 = arith.constant 0 : i32
      %dma_wait3A_361 = arith.constant 0 : i32
      %dma_wait3A_362 = tpu.memref_slice %arg21[%dma_wait3A_360, %dma_wait3A_361] : memref<10000x32xf32, #tpu.memory_space<vmem_shared>> -> memref<10000x32xf32, #tpu.memory_space<vmem_shared>>
      tpu.wait_indirect_dma semaphore(%run_scoped3A_356 : memref<!tpu.dma_semaphore, #tpu.memory_space<semaphore_mem>>) src(%arg19 : memref<16x32xf32, #tpu.memory_space<vmem>>) dst(%dma_wait3A_362 : memref<10000x32xf32, #tpu.memory_space<vmem_shared>>)
      tpu.yield
    }) : () -> ()
    %eq3A_322 = arith.constant 0 : i32
    %eq3A_323 = arith.cmpi eq, %arg0, %eq3A_322 : i32
    %convert_element_type3A = arith.extui %eq3A_323 : i1 to i32
    %cond3A = arith.constant 0 : i32
    %cond3A_324 = arith.cmpi ne, %convert_element_type3A, %cond3A : i32
    scf.if %cond3A_324 {
      %add3A_356 = arith.constant 0 : i32
      %add3A_357 = arith.addi %mul3A_2, %add3A_356 : i32
      "tpu.region"() ({
        %run_scoped3A_359 = tpu.sem_alloc : memref<!tpu.dma_semaphore, #tpu.memory_space<semaphore_mem>>
        %dma_start3A_360 = arith.constant 0 : i32
        %dma_start3A_361 = tpu.memref_slice %arg2[%add3A_357, %dma_start3A_360] : memref<10000x32xf32, #tpu.memory_space<hbm>> -> memref<125x32xf32, #tpu.memory_space<hbm>>
        %dma_start3A_362 = arith.constant 0 : i32
        %dma_start3A_363 = tpu.memref_slice %arg2[%add3A_357, %dma_start3A_362] : memref<10000x32xf32, #tpu.memory_space<hbm>> -> memref<125x32xf32, #tpu.memory_space<hbm>>
        tpu.enqueue_dma source(%dma_start3A_363 : memref<125x32xf32, #tpu.memory_space<hbm>>) target(%arg20 : memref<125x32xf32, #tpu.memory_space<vmem>>) target_semaphore(%run_scoped3A_359 : memref<!tpu.dma_semaphore, #tpu.memory_space<semaphore_mem>>)
        %dma_wait3A_364 = arith.constant 0 : i32
        %dma_wait3A_365 = tpu.memref_slice %arg2[%add3A_357, %dma_wait3A_364] : memref<10000x32xf32, #tpu.memory_space<hbm>> -> memref<125x32xf32, #tpu.memory_space<hbm>>
        %dma_wait3A_366 = arith.constant 0 : i32
        %dma_wait3A_367 = tpu.memref_slice %arg2[%add3A_357, %dma_wait3A_366] : memref<10000x32xf32, #tpu.memory_space<hbm>> -> memref<125x32xf32, #tpu.memory_space<hbm>>
        tpu.wait_dma2 semaphore(%run_scoped3A_359 : memref<!tpu.dma_semaphore, #tpu.memory_space<semaphore_mem>>) src(%dma_wait3A_367 : memref<125x32xf32, #tpu.memory_space<hbm>>) dst(%arg20 : memref<125x32xf32, #tpu.memory_space<vmem>>)
        tpu.yield
      }) : () -> ()
      %run_scoped3A_358 = arith.constant 0 : i32
      "tpu.region"() ({
        %run_scoped3A_359 = tpu.sem_alloc : memref<!tpu.dma_semaphore, #tpu.memory_space<semaphore_mem>>
        %dma_start3A_360 = arith.constant 0 : i32
        %dma_start3A_361 = tpu.memref_slice %arg10[%run_scoped3A_358, %dma_start3A_360] : memref<5x125xi32, #tpu.memory_space<vmem>> -> memref<1x125xi32, #tpu.memory_space<vmem>>
        %dma_start3A_362 = tpu.memref_squeeze %dma_start3A_361 : memref<1x125xi32, #tpu.memory_space<vmem>> -> memref<125xi32, #tpu.memory_space<vmem>>
        %dma_start3A_363 = arith.constant 0 : i32
        %dma_start3A_364 = arith.constant 0 : i32
        %dma_start3A_365 = tpu.memref_slice %arg21[%dma_start3A_363, %dma_start3A_364] : memref<10000x32xf32, #tpu.memory_space<vmem_shared>> -> memref<10000x32xf32, #tpu.memory_space<vmem_shared>>
        tpu.enqueue_indirect_dma source(%arg20 : memref<125x32xf32, #tpu.memory_space<vmem>>) target(%dma_start3A_365 : memref<10000x32xf32, #tpu.memory_space<vmem_shared>>) offsets(%dma_start3A_362 : memref<125xi32, #tpu.memory_space<vmem>>) semaphore(%run_scoped3A_359 : memref<!tpu.dma_semaphore, #tpu.memory_space<semaphore_mem>>) {add = true}
        %dma_wait3A_366 = arith.constant 0 : i32
        %dma_wait3A_367 = tpu.memref_slice %arg10[%run_scoped3A_358, %dma_wait3A_366] : memref<5x125xi32, #tpu.memory_space<vmem>> -> memref<1x125xi32, #tpu.memory_space<vmem>>
        %dma_wait3A_368 = tpu.memref_squeeze %dma_wait3A_367 : memref<1x125xi32, #tpu.memory_space<vmem>> -> memref<125xi32, #tpu.memory_space<vmem>>
        %dma_wait3A_369 = arith.constant 0 : i32
        %dma_wait3A_370 = arith.constant 0 : i32
        %dma_wait3A_371 = tpu.memref_slice %arg21[%dma_wait3A_369, %dma_wait3A_370] : memref<10000x32xf32, #tpu.memory_space<vmem_shared>> -> memref<10000x32xf32, #tpu.memory_space<vmem_shared>>
        tpu.wait_indirect_dma semaphore(%run_scoped3A_359 : memref<!tpu.dma_semaphore, #tpu.memory_space<semaphore_mem>>) src(%arg20 : memref<125x32xf32, #tpu.memory_space<vmem>>) dst(%dma_wait3A_371 : memref<10000x32xf32, #tpu.memory_space<vmem_shared>>)
        tpu.yield
      }) : () -> ()
    } else {
    }
    %eq3A_325 = arith.constant 0 : i32
    %eq3A_326 = arith.cmpi eq, %arg0, %eq3A_325 : i32
    %convert_element_type3A_327 = arith.extui %eq3A_326 : i1 to i32
    %cond3A_328 = arith.constant 0 : i32
    %cond3A_329 = arith.cmpi ne, %convert_element_type3A_327, %cond3A_328 : i32
    scf.if %cond3A_329 {
      %add3A_356 = arith.constant 125 : i32
      %add3A_357 = arith.addi %mul3A_2, %add3A_356 : i32
      "tpu.region"() ({
        %run_scoped3A_359 = tpu.sem_alloc : memref<!tpu.dma_semaphore, #tpu.memory_space<semaphore_mem>>
        %dma_start3A_360 = arith.constant 0 : i32
        %dma_start3A_361 = tpu.memref_slice %arg2[%add3A_357, %dma_start3A_360] : memref<10000x32xf32, #tpu.memory_space<hbm>> -> memref<125x32xf32, #tpu.memory_space<hbm>>
        %dma_start3A_362 = arith.constant 0 : i32
        %dma_start3A_363 = tpu.memref_slice %arg2[%add3A_357, %dma_start3A_362] : memref<10000x32xf32, #tpu.memory_space<hbm>> -> memref<125x32xf32, #tpu.memory_space<hbm>>
        tpu.enqueue_dma source(%dma_start3A_363 : memref<125x32xf32, #tpu.memory_space<hbm>>) target(%arg20 : memref<125x32xf32, #tpu.memory_space<vmem>>) target_semaphore(%run_scoped3A_359 : memref<!tpu.dma_semaphore, #tpu.memory_space<semaphore_mem>>)
        %dma_wait3A_364 = arith.constant 0 : i32
        %dma_wait3A_365 = tpu.memref_slice %arg2[%add3A_357, %dma_wait3A_364] : memref<10000x32xf32, #tpu.memory_space<hbm>> -> memref<125x32xf32, #tpu.memory_space<hbm>>
        %dma_wait3A_366 = arith.constant 0 : i32
        %dma_wait3A_367 = tpu.memref_slice %arg2[%add3A_357, %dma_wait3A_366] : memref<10000x32xf32, #tpu.memory_space<hbm>> -> memref<125x32xf32, #tpu.memory_space<hbm>>
        tpu.wait_dma2 semaphore(%run_scoped3A_359 : memref<!tpu.dma_semaphore, #tpu.memory_space<semaphore_mem>>) src(%dma_wait3A_367 : memref<125x32xf32, #tpu.memory_space<hbm>>) dst(%arg20 : memref<125x32xf32, #tpu.memory_space<vmem>>)
        tpu.yield
      }) : () -> ()
      %run_scoped3A_358 = arith.constant 1 : i32
      "tpu.region"() ({
        %run_scoped3A_359 = tpu.sem_alloc : memref<!tpu.dma_semaphore, #tpu.memory_space<semaphore_mem>>
        %dma_start3A_360 = arith.constant 0 : i32
        %dma_start3A_361 = tpu.memref_slice %arg10[%run_scoped3A_358, %dma_start3A_360] : memref<5x125xi32, #tpu.memory_space<vmem>> -> memref<1x125xi32, #tpu.memory_space<vmem>>
        %dma_start3A_362 = tpu.memref_squeeze %dma_start3A_361 : memref<1x125xi32, #tpu.memory_space<vmem>> -> memref<125xi32, #tpu.memory_space<vmem>>
        %dma_start3A_363 = arith.constant 0 : i32
        %dma_start3A_364 = arith.constant 0 : i32
        %dma_start3A_365 = tpu.memref_slice %arg21[%dma_start3A_363, %dma_start3A_364] : memref<10000x32xf32, #tpu.memory_space<vmem_shared>> -> memref<10000x32xf32, #tpu.memory_space<vmem_shared>>
        tpu.enqueue_indirect_dma source(%arg20 : memref<125x32xf32, #tpu.memory_space<vmem>>) target(%dma_start3A_365 : memref<10000x32xf32, #tpu.memory_space<vmem_shared>>) offsets(%dma_start3A_362 : memref<125xi32, #tpu.memory_space<vmem>>) semaphore(%run_scoped3A_359 : memref<!tpu.dma_semaphore, #tpu.memory_space<semaphore_mem>>) {add = true}
        %dma_wait3A_366 = arith.constant 0 : i32
        %dma_wait3A_367 = tpu.memref_slice %arg10[%run_scoped3A_358, %dma_wait3A_366] : memref<5x125xi32, #tpu.memory_space<vmem>> -> memref<1x125xi32, #tpu.memory_space<vmem>>
        %dma_wait3A_368 = tpu.memref_squeeze %dma_wait3A_367 : memref<1x125xi32, #tpu.memory_space<vmem>> -> memref<125xi32, #tpu.memory_space<vmem>>
        %dma_wait3A_369 = arith.constant 0 : i32
        %dma_wait3A_370 = arith.constant 0 : i32
        %dma_wait3A_371 = tpu.memref_slice %arg21[%dma_wait3A_369, %dma_wait3A_370] : memref<10000x32xf32, #tpu.memory_space<vmem_shared>> -> memref<10000x32xf32, #tpu.memory_space<vmem_shared>>
        tpu.wait_indirect_dma semaphore(%run_scoped3A_359 : memref<!tpu.dma_semaphore, #tpu.memory_space<semaphore_mem>>) src(%arg20 : memref<125x32xf32, #tpu.memory_space<vmem>>) dst(%dma_wait3A_371 : memref<10000x32xf32, #tpu.memory_space<vmem_shared>>)
        tpu.yield
      }) : () -> ()
    } else {
    }
    %eq3A_330 = arith.constant 0 : i32
    %eq3A_331 = arith.cmpi eq, %arg0, %eq3A_330 : i32
    %convert_element_type3A_332 = arith.extui %eq3A_331 : i1 to i32
    %cond3A_333 = arith.constant 0 : i32
    %cond3A_334 = arith.cmpi ne, %convert_element_type3A_332, %cond3A_333 : i32
    scf.if %cond3A_334 {
      %add3A_356 = arith.constant 250 : i32
      %add3A_357 = arith.addi %mul3A_2, %add3A_356 : i32
      "tpu.region"() ({
        %run_scoped3A_359 = tpu.sem_alloc : memref<!tpu.dma_semaphore, #tpu.memory_space<semaphore_mem>>
        %dma_start3A_360 = arith.constant 0 : i32
        %dma_start3A_361 = tpu.memref_slice %arg2[%add3A_357, %dma_start3A_360] : memref<10000x32xf32, #tpu.memory_space<hbm>> -> memref<125x32xf32, #tpu.memory_space<hbm>>
        %dma_start3A_362 = arith.constant 0 : i32
        %dma_start3A_363 = tpu.memref_slice %arg2[%add3A_357, %dma_start3A_362] : memref<10000x32xf32, #tpu.memory_space<hbm>> -> memref<125x32xf32, #tpu.memory_space<hbm>>
        tpu.enqueue_dma source(%dma_start3A_363 : memref<125x32xf32, #tpu.memory_space<hbm>>) target(%arg20 : memref<125x32xf32, #tpu.memory_space<vmem>>) target_semaphore(%run_scoped3A_359 : memref<!tpu.dma_semaphore, #tpu.memory_space<semaphore_mem>>)
        %dma_wait3A_364 = arith.constant 0 : i32
        %dma_wait3A_365 = tpu.memref_slice %arg2[%add3A_357, %dma_wait3A_364] : memref<10000x32xf32, #tpu.memory_space<hbm>> -> memref<125x32xf32, #tpu.memory_space<hbm>>
        %dma_wait3A_366 = arith.constant 0 : i32
        %dma_wait3A_367 = tpu.memref_slice %arg2[%add3A_357, %dma_wait3A_366] : memref<10000x32xf32, #tpu.memory_space<hbm>> -> memref<125x32xf32, #tpu.memory_space<hbm>>
        tpu.wait_dma2 semaphore(%run_scoped3A_359 : memref<!tpu.dma_semaphore, #tpu.memory_space<semaphore_mem>>) src(%dma_wait3A_367 : memref<125x32xf32, #tpu.memory_space<hbm>>) dst(%arg20 : memref<125x32xf32, #tpu.memory_space<vmem>>)
        tpu.yield
      }) : () -> ()
      %run_scoped3A_358 = arith.constant 2 : i32
      "tpu.region"() ({
        %run_scoped3A_359 = tpu.sem_alloc : memref<!tpu.dma_semaphore, #tpu.memory_space<semaphore_mem>>
        %dma_start3A_360 = arith.constant 0 : i32
        %dma_start3A_361 = tpu.memref_slice %arg10[%run_scoped3A_358, %dma_start3A_360] : memref<5x125xi32, #tpu.memory_space<vmem>> -> memref<1x125xi32, #tpu.memory_space<vmem>>
        %dma_start3A_362 = tpu.memref_squeeze %dma_start3A_361 : memref<1x125xi32, #tpu.memory_space<vmem>> -> memref<125xi32, #tpu.memory_space<vmem>>
        %dma_start3A_363 = arith.constant 0 : i32
        %dma_start3A_364 = arith.constant 0 : i32
        %dma_start3A_365 = tpu.memref_slice %arg21[%dma_start3A_363, %dma_start3A_364] : memref<10000x32xf32, #tpu.memory_space<vmem_shared>> -> memref<10000x32xf32, #tpu.memory_space<vmem_shared>>
        tpu.enqueue_indirect_dma source(%arg20 : memref<125x32xf32, #tpu.memory_space<vmem>>) target(%dma_start3A_365 : memref<10000x32xf32, #tpu.memory_space<vmem_shared>>) offsets(%dma_start3A_362 : memref<125xi32, #tpu.memory_space<vmem>>) semaphore(%run_scoped3A_359 : memref<!tpu.dma_semaphore, #tpu.memory_space<semaphore_mem>>) {add = true}
        %dma_wait3A_366 = arith.constant 0 : i32
        %dma_wait3A_367 = tpu.memref_slice %arg10[%run_scoped3A_358, %dma_wait3A_366] : memref<5x125xi32, #tpu.memory_space<vmem>> -> memref<1x125xi32, #tpu.memory_space<vmem>>
        %dma_wait3A_368 = tpu.memref_squeeze %dma_wait3A_367 : memref<1x125xi32, #tpu.memory_space<vmem>> -> memref<125xi32, #tpu.memory_space<vmem>>
        %dma_wait3A_369 = arith.constant 0 : i32
        %dma_wait3A_370 = arith.constant 0 : i32
        %dma_wait3A_371 = tpu.memref_slice %arg21[%dma_wait3A_369, %dma_wait3A_370] : memref<10000x32xf32, #tpu.memory_space<vmem_shared>> -> memref<10000x32xf32, #tpu.memory_space<vmem_shared>>
        tpu.wait_indirect_dma semaphore(%run_scoped3A_359 : memref<!tpu.dma_semaphore, #tpu.memory_space<semaphore_mem>>) src(%arg20 : memref<125x32xf32, #tpu.memory_space<vmem>>) dst(%dma_wait3A_371 : memref<10000x32xf32, #tpu.memory_space<vmem_shared>>)
        tpu.yield
      }) : () -> ()
    } else {
    }
    %eq3A_335 = arith.constant 1 : i32
    %eq3A_336 = arith.cmpi eq, %arg0, %eq3A_335 : i32
    %convert_element_type3A_337 = arith.extui %eq3A_336 : i1 to i32
    %cond3A_338 = arith.constant 0 : i32
    %cond3A_339 = arith.cmpi ne, %convert_element_type3A_337, %cond3A_338 : i32
    scf.if %cond3A_339 {
      %add3A_356 = arith.constant 375 : i32
      %add3A_357 = arith.addi %mul3A_2, %add3A_356 : i32
      "tpu.region"() ({
        %run_scoped3A_359 = tpu.sem_alloc : memref<!tpu.dma_semaphore, #tpu.memory_space<semaphore_mem>>
        %dma_start3A_360 = arith.constant 0 : i32
        %dma_start3A_361 = tpu.memref_slice %arg2[%add3A_357, %dma_start3A_360] : memref<10000x32xf32, #tpu.memory_space<hbm>> -> memref<125x32xf32, #tpu.memory_space<hbm>>
        %dma_start3A_362 = arith.constant 0 : i32
        %dma_start3A_363 = tpu.memref_slice %arg2[%add3A_357, %dma_start3A_362] : memref<10000x32xf32, #tpu.memory_space<hbm>> -> memref<125x32xf32, #tpu.memory_space<hbm>>
        tpu.enqueue_dma source(%dma_start3A_363 : memref<125x32xf32, #tpu.memory_space<hbm>>) target(%arg20 : memref<125x32xf32, #tpu.memory_space<vmem>>) target_semaphore(%run_scoped3A_359 : memref<!tpu.dma_semaphore, #tpu.memory_space<semaphore_mem>>)
        %dma_wait3A_364 = arith.constant 0 : i32
        %dma_wait3A_365 = tpu.memref_slice %arg2[%add3A_357, %dma_wait3A_364] : memref<10000x32xf32, #tpu.memory_space<hbm>> -> memref<125x32xf32, #tpu.memory_space<hbm>>
        %dma_wait3A_366 = arith.constant 0 : i32
        %dma_wait3A_367 = tpu.memref_slice %arg2[%add3A_357, %dma_wait3A_366] : memref<10000x32xf32, #tpu.memory_space<hbm>> -> memref<125x32xf32, #tpu.memory_space<hbm>>
        tpu.wait_dma2 semaphore(%run_scoped3A_359 : memref<!tpu.dma_semaphore, #tpu.memory_space<semaphore_mem>>) src(%dma_wait3A_367 : memref<125x32xf32, #tpu.memory_space<hbm>>) dst(%arg20 : memref<125x32xf32, #tpu.memory_space<vmem>>)
        tpu.yield
      }) : () -> ()
      %run_scoped3A_358 = arith.constant 3 : i32
      "tpu.region"() ({
        %run_scoped3A_359 = tpu.sem_alloc : memref<!tpu.dma_semaphore, #tpu.memory_space<semaphore_mem>>
        %dma_start3A_360 = arith.constant 0 : i32
        %dma_start3A_361 = tpu.memref_slice %arg10[%run_scoped3A_358, %dma_start3A_360] : memref<5x125xi32, #tpu.memory_space<vmem>> -> memref<1x125xi32, #tpu.memory_space<vmem>>
        %dma_start3A_362 = tpu.memref_squeeze %dma_start3A_361 : memref<1x125xi32, #tpu.memory_space<vmem>> -> memref<125xi32, #tpu.memory_space<vmem>>
        %dma_start3A_363 = arith.constant 0 : i32
        %dma_start3A_364 = arith.constant 0 : i32
        %dma_start3A_365 = tpu.memref_slice %arg21[%dma_start3A_363, %dma_start3A_364] : memref<10000x32xf32, #tpu.memory_space<vmem_shared>> -> memref<10000x32xf32, #tpu.memory_space<vmem_shared>>
        tpu.enqueue_indirect_dma source(%arg20 : memref<125x32xf32, #tpu.memory_space<vmem>>) target(%dma_start3A_365 : memref<10000x32xf32, #tpu.memory_space<vmem_shared>>) offsets(%dma_start3A_362 : memref<125xi32, #tpu.memory_space<vmem>>) semaphore(%run_scoped3A_359 : memref<!tpu.dma_semaphore, #tpu.memory_space<semaphore_mem>>) {add = true}
        %dma_wait3A_366 = arith.constant 0 : i32
        %dma_wait3A_367 = tpu.memref_slice %arg10[%run_scoped3A_358, %dma_wait3A_366] : memref<5x125xi32, #tpu.memory_space<vmem>> -> memref<1x125xi32, #tpu.memory_space<vmem>>
        %dma_wait3A_368 = tpu.memref_squeeze %dma_wait3A_367 : memref<1x125xi32, #tpu.memory_space<vmem>> -> memref<125xi32, #tpu.memory_space<vmem>>
        %dma_wait3A_369 = arith.constant 0 : i32
        %dma_wait3A_370 = arith.constant 0 : i32
        %dma_wait3A_371 = tpu.memref_slice %arg21[%dma_wait3A_369, %dma_wait3A_370] : memref<10000x32xf32, #tpu.memory_space<vmem_shared>> -> memref<10000x32xf32, #tpu.memory_space<vmem_shared>>
        tpu.wait_indirect_dma semaphore(%run_scoped3A_359 : memref<!tpu.dma_semaphore, #tpu.memory_space<semaphore_mem>>) src(%arg20 : memref<125x32xf32, #tpu.memory_space<vmem>>) dst(%dma_wait3A_371 : memref<10000x32xf32, #tpu.memory_space<vmem_shared>>)
        tpu.yield
      }) : () -> ()
    } else {
    }
    %eq3A_340 = arith.constant 1 : i32
    %eq3A_341 = arith.cmpi eq, %arg0, %eq3A_340 : i32
    %convert_element_type3A_342 = arith.extui %eq3A_341 : i1 to i32
    %cond3A_343 = arith.constant 0 : i32
    %cond3A_344 = arith.cmpi ne, %convert_element_type3A_342, %cond3A_343 : i32
    scf.if %cond3A_344 {
      %add3A_356 = arith.constant 500 : i32
      %add3A_357 = arith.addi %mul3A_2, %add3A_356 : i32
      "tpu.region"() ({
        %run_scoped3A_359 = tpu.sem_alloc : memref<!tpu.dma_semaphore, #tpu.memory_space<semaphore_mem>>
        %dma_start3A_360 = arith.constant 0 : i32
        %dma_start3A_361 = tpu.memref_slice %arg2[%add3A_357, %dma_start3A_360] : memref<10000x32xf32, #tpu.memory_space<hbm>> -> memref<125x32xf32, #tpu.memory_space<hbm>>
        %dma_start3A_362 = arith.constant 0 : i32
        %dma_start3A_363 = tpu.memref_slice %arg2[%add3A_357, %dma_start3A_362] : memref<10000x32xf32, #tpu.memory_space<hbm>> -> memref<125x32xf32, #tpu.memory_space<hbm>>
        tpu.enqueue_dma source(%dma_start3A_363 : memref<125x32xf32, #tpu.memory_space<hbm>>) target(%arg20 : memref<125x32xf32, #tpu.memory_space<vmem>>) target_semaphore(%run_scoped3A_359 : memref<!tpu.dma_semaphore, #tpu.memory_space<semaphore_mem>>)
        %dma_wait3A_364 = arith.constant 0 : i32
        %dma_wait3A_365 = tpu.memref_slice %arg2[%add3A_357, %dma_wait3A_364] : memref<10000x32xf32, #tpu.memory_space<hbm>> -> memref<125x32xf32, #tpu.memory_space<hbm>>
        %dma_wait3A_366 = arith.constant 0 : i32
        %dma_wait3A_367 = tpu.memref_slice %arg2[%add3A_357, %dma_wait3A_366] : memref<10000x32xf32, #tpu.memory_space<hbm>> -> memref<125x32xf32, #tpu.memory_space<hbm>>
        tpu.wait_dma2 semaphore(%run_scoped3A_359 : memref<!tpu.dma_semaphore, #tpu.memory_space<semaphore_mem>>) src(%dma_wait3A_367 : memref<125x32xf32, #tpu.memory_space<hbm>>) dst(%arg20 : memref<125x32xf32, #tpu.memory_space<vmem>>)
        tpu.yield
      }) : () -> ()
      %run_scoped3A_358 = arith.constant 4 : i32
      "tpu.region"() ({
        %run_scoped3A_359 = tpu.sem_alloc : memref<!tpu.dma_semaphore, #tpu.memory_space<semaphore_mem>>
        %dma_start3A_360 = arith.constant 0 : i32
        %dma_start3A_361 = tpu.memref_slice %arg10[%run_scoped3A_358, %dma_start3A_360] : memref<5x125xi32, #tpu.memory_space<vmem>> -> memref<1x125xi32, #tpu.memory_space<vmem>>
        %dma_start3A_362 = tpu.memref_squeeze %dma_start3A_361 : memref<1x125xi32, #tpu.memory_space<vmem>> -> memref<125xi32, #tpu.memory_space<vmem>>
        %dma_start3A_363 = arith.constant 0 : i32
        %dma_start3A_364 = arith.constant 0 : i32
        %dma_start3A_365 = tpu.memref_slice %arg21[%dma_start3A_363, %dma_start3A_364] : memref<10000x32xf32, #tpu.memory_space<vmem_shared>> -> memref<10000x32xf32, #tpu.memory_space<vmem_shared>>
        tpu.enqueue_indirect_dma source(%arg20 : memref<125x32xf32, #tpu.memory_space<vmem>>) target(%dma_start3A_365 : memref<10000x32xf32, #tpu.memory_space<vmem_shared>>) offsets(%dma_start3A_362 : memref<125xi32, #tpu.memory_space<vmem>>) semaphore(%run_scoped3A_359 : memref<!tpu.dma_semaphore, #tpu.memory_space<semaphore_mem>>) {add = true}
        %dma_wait3A_366 = arith.constant 0 : i32
        %dma_wait3A_367 = tpu.memref_slice %arg10[%run_scoped3A_358, %dma_wait3A_366] : memref<5x125xi32, #tpu.memory_space<vmem>> -> memref<1x125xi32, #tpu.memory_space<vmem>>
        %dma_wait3A_368 = tpu.memref_squeeze %dma_wait3A_367 : memref<1x125xi32, #tpu.memory_space<vmem>> -> memref<125xi32, #tpu.memory_space<vmem>>
        %dma_wait3A_369 = arith.constant 0 : i32
        %dma_wait3A_370 = arith.constant 0 : i32
        %dma_wait3A_371 = tpu.memref_slice %arg21[%dma_wait3A_369, %dma_wait3A_370] : memref<10000x32xf32, #tpu.memory_space<vmem_shared>> -> memref<10000x32xf32, #tpu.memory_space<vmem_shared>>
        tpu.wait_indirect_dma semaphore(%run_scoped3A_359 : memref<!tpu.dma_semaphore, #tpu.memory_space<semaphore_mem>>) src(%arg20 : memref<125x32xf32, #tpu.memory_space<vmem>>) dst(%dma_wait3A_371 : memref<10000x32xf32, #tpu.memory_space<vmem_shared>>)
        tpu.yield
      }) : () -> ()
    } else {
    }
    %barrier3A_345 = arith.constant 0 : index
    tpu.barrier barrier_id(%barrier3A_345)
    %add3A_346 = arith.constant 0 : i32
    %add3A_347 = arith.addi %mul3A_2, %add3A_346 : i32
    "tpu.region"() ({
      %run_scoped3A_356 = tpu.sem_alloc : memref<!tpu.dma_semaphore, #tpu.memory_space<semaphore_mem>>
      %dma_start3A_357 = arith.constant 0 : i32
      %dma_start3A_358 = tpu.memref_slice %arg5[%arg0, %add3A_347, %dma_start3A_357] : memref<2x10000x32xf32, #tpu.memory_space<hbm>> -> memref<1x125x32xf32, #tpu.memory_space<hbm>>
      %dma_start3A_359 = tpu.memref_squeeze %dma_start3A_358 : memref<1x125x32xf32, #tpu.memory_space<hbm>> -> memref<125x32xf32, #tpu.memory_space<hbm>>
      %dma_start3A_360 = arith.constant 0 : i32
      %dma_start3A_361 = tpu.memref_slice %arg21[%add3A_347, %dma_start3A_360] : memref<10000x32xf32, #tpu.memory_space<vmem_shared>> -> memref<125x32xf32, #tpu.memory_space<vmem_shared>>
      tpu.enqueue_dma source(%dma_start3A_361 : memref<125x32xf32, #tpu.memory_space<vmem_shared>>) target(%dma_start3A_359 : memref<125x32xf32, #tpu.memory_space<hbm>>) target_semaphore(%run_scoped3A_356 : memref<!tpu.dma_semaphore, #tpu.memory_space<semaphore_mem>>)
      %dma_wait3A_362 = arith.constant 0 : i32
      %dma_wait3A_363 = tpu.memref_slice %arg5[%arg0, %add3A_347, %dma_wait3A_362] : memref<2x10000x32xf32, #tpu.memory_space<hbm>> -> memref<1x125x32xf32, #tpu.memory_space<hbm>>
      %dma_wait3A_364 = tpu.memref_squeeze %dma_wait3A_363 : memref<1x125x32xf32, #tpu.memory_space<hbm>> -> memref<125x32xf32, #tpu.memory_space<hbm>>
      %dma_wait3A_365 = arith.constant 0 : i32
      %dma_wait3A_366 = tpu.memref_slice %arg21[%add3A_347, %dma_wait3A_365] : memref<10000x32xf32, #tpu.memory_space<vmem_shared>> -> memref<125x32xf32, #tpu.memory_space<vmem_shared>>
      tpu.wait_dma2 semaphore(%run_scoped3A_356 : memref<!tpu.dma_semaphore, #tpu.memory_space<semaphore_mem>>) src(%dma_wait3A_366 : memref<125x32xf32, #tpu.memory_space<vmem_shared>>) dst(%dma_wait3A_364 : memref<125x32xf32, #tpu.memory_space<hbm>>)
      tpu.yield
    }) : () -> ()
    %add3A_348 = arith.constant 125 : i32
    %add3A_349 = arith.addi %mul3A_2, %add3A_348 : i32
    "tpu.region"() ({
      %run_scoped3A_356 = tpu.sem_alloc : memref<!tpu.dma_semaphore, #tpu.memory_space<semaphore_mem>>
      %dma_start3A_357 = arith.constant 0 : i32
      %dma_start3A_358 = tpu.memref_slice %arg5[%arg0, %add3A_349, %dma_start3A_357] : memref<2x10000x32xf32, #tpu.memory_space<hbm>> -> memref<1x125x32xf32, #tpu.memory_space<hbm>>
      %dma_start3A_359 = tpu.memref_squeeze %dma_start3A_358 : memref<1x125x32xf32, #tpu.memory_space<hbm>> -> memref<125x32xf32, #tpu.memory_space<hbm>>
      %dma_start3A_360 = arith.constant 0 : i32
      %dma_start3A_361 = tpu.memref_slice %arg21[%add3A_349, %dma_start3A_360] : memref<10000x32xf32, #tpu.memory_space<vmem_shared>> -> memref<125x32xf32, #tpu.memory_space<vmem_shared>>
      tpu.enqueue_dma source(%dma_start3A_361 : memref<125x32xf32, #tpu.memory_space<vmem_shared>>) target(%dma_start3A_359 : memref<125x32xf32, #tpu.memory_space<hbm>>) target_semaphore(%run_scoped3A_356 : memref<!tpu.dma_semaphore, #tpu.memory_space<semaphore_mem>>)
      %dma_wait3A_362 = arith.constant 0 : i32
      %dma_wait3A_363 = tpu.memref_slice %arg5[%arg0, %add3A_349, %dma_wait3A_362] : memref<2x10000x32xf32, #tpu.memory_space<hbm>> -> memref<1x125x32xf32, #tpu.memory_space<hbm>>
      %dma_wait3A_364 = tpu.memref_squeeze %dma_wait3A_363 : memref<1x125x32xf32, #tpu.memory_space<hbm>> -> memref<125x32xf32, #tpu.memory_space<hbm>>
      %dma_wait3A_365 = arith.constant 0 : i32
      %dma_wait3A_366 = tpu.memref_slice %arg21[%add3A_349, %dma_wait3A_365] : memref<10000x32xf32, #tpu.memory_space<vmem_shared>> -> memref<125x32xf32, #tpu.memory_space<vmem_shared>>
      tpu.wait_dma2 semaphore(%run_scoped3A_356 : memref<!tpu.dma_semaphore, #tpu.memory_space<semaphore_mem>>) src(%dma_wait3A_366 : memref<125x32xf32, #tpu.memory_space<vmem_shared>>) dst(%dma_wait3A_364 : memref<125x32xf32, #tpu.memory_space<hbm>>)
      tpu.yield
    }) : () -> ()
    %add3A_350 = arith.constant 250 : i32
    %add3A_351 = arith.addi %mul3A_2, %add3A_350 : i32
    "tpu.region"() ({
      %run_scoped3A_356 = tpu.sem_alloc : memref<!tpu.dma_semaphore, #tpu.memory_space<semaphore_mem>>
      %dma_start3A_357 = arith.constant 0 : i32
      %dma_start3A_358 = tpu.memref_slice %arg5[%arg0, %add3A_351, %dma_start3A_357] : memref<2x10000x32xf32, #tpu.memory_space<hbm>> -> memref<1x125x32xf32, #tpu.memory_space<hbm>>
      %dma_start3A_359 = tpu.memref_squeeze %dma_start3A_358 : memref<1x125x32xf32, #tpu.memory_space<hbm>> -> memref<125x32xf32, #tpu.memory_space<hbm>>
      %dma_start3A_360 = arith.constant 0 : i32
      %dma_start3A_361 = tpu.memref_slice %arg21[%add3A_351, %dma_start3A_360] : memref<10000x32xf32, #tpu.memory_space<vmem_shared>> -> memref<125x32xf32, #tpu.memory_space<vmem_shared>>
      tpu.enqueue_dma source(%dma_start3A_361 : memref<125x32xf32, #tpu.memory_space<vmem_shared>>) target(%dma_start3A_359 : memref<125x32xf32, #tpu.memory_space<hbm>>) target_semaphore(%run_scoped3A_356 : memref<!tpu.dma_semaphore, #tpu.memory_space<semaphore_mem>>)
      %dma_wait3A_362 = arith.constant 0 : i32
      %dma_wait3A_363 = tpu.memref_slice %arg5[%arg0, %add3A_351, %dma_wait3A_362] : memref<2x10000x32xf32, #tpu.memory_space<hbm>> -> memref<1x125x32xf32, #tpu.memory_space<hbm>>
      %dma_wait3A_364 = tpu.memref_squeeze %dma_wait3A_363 : memref<1x125x32xf32, #tpu.memory_space<hbm>> -> memref<125x32xf32, #tpu.memory_space<hbm>>
      %dma_wait3A_365 = arith.constant 0 : i32
      %dma_wait3A_366 = tpu.memref_slice %arg21[%add3A_351, %dma_wait3A_365] : memref<10000x32xf32, #tpu.memory_space<vmem_shared>> -> memref<125x32xf32, #tpu.memory_space<vmem_shared>>
      tpu.wait_dma2 semaphore(%run_scoped3A_356 : memref<!tpu.dma_semaphore, #tpu.memory_space<semaphore_mem>>) src(%dma_wait3A_366 : memref<125x32xf32, #tpu.memory_space<vmem_shared>>) dst(%dma_wait3A_364 : memref<125x32xf32, #tpu.memory_space<hbm>>)
      tpu.yield
    }) : () -> ()
    %add3A_352 = arith.constant 375 : i32
    %add3A_353 = arith.addi %mul3A_2, %add3A_352 : i32
    "tpu.region"() ({
      %run_scoped3A_356 = tpu.sem_alloc : memref<!tpu.dma_semaphore, #tpu.memory_space<semaphore_mem>>
      %dma_start3A_357 = arith.constant 0 : i32
      %dma_start3A_358 = tpu.memref_slice %arg5[%arg0, %add3A_353, %dma_start3A_357] : memref<2x10000x32xf32, #tpu.memory_space<hbm>> -> memref<1x125x32xf32, #tpu.memory_space<hbm>>
      %dma_start3A_359 = tpu.memref_squeeze %dma_start3A_358 : memref<1x125x32xf32, #tpu.memory_space<hbm>> -> memref<125x32xf32, #tpu.memory_space<hbm>>
      %dma_start3A_360 = arith.constant 0 : i32
      %dma_start3A_361 = tpu.memref_slice %arg21[%add3A_353, %dma_start3A_360] : memref<10000x32xf32, #tpu.memory_space<vmem_shared>> -> memref<125x32xf32, #tpu.memory_space<vmem_shared>>
      tpu.enqueue_dma source(%dma_start3A_361 : memref<125x32xf32, #tpu.memory_space<vmem_shared>>) target(%dma_start3A_359 : memref<125x32xf32, #tpu.memory_space<hbm>>) target_semaphore(%run_scoped3A_356 : memref<!tpu.dma_semaphore, #tpu.memory_space<semaphore_mem>>)
      %dma_wait3A_362 = arith.constant 0 : i32
      %dma_wait3A_363 = tpu.memref_slice %arg5[%arg0, %add3A_353, %dma_wait3A_362] : memref<2x10000x32xf32, #tpu.memory_space<hbm>> -> memref<1x125x32xf32, #tpu.memory_space<hbm>>
      %dma_wait3A_364 = tpu.memref_squeeze %dma_wait3A_363 : memref<1x125x32xf32, #tpu.memory_space<hbm>> -> memref<125x32xf32, #tpu.memory_space<hbm>>
      %dma_wait3A_365 = arith.constant 0 : i32
      %dma_wait3A_366 = tpu.memref_slice %arg21[%add3A_353, %dma_wait3A_365] : memref<10000x32xf32, #tpu.memory_space<vmem_shared>> -> memref<125x32xf32, #tpu.memory_space<vmem_shared>>
      tpu.wait_dma2 semaphore(%run_scoped3A_356 : memref<!tpu.dma_semaphore, #tpu.memory_space<semaphore_mem>>) src(%dma_wait3A_366 : memref<125x32xf32, #tpu.memory_space<vmem_shared>>) dst(%dma_wait3A_364 : memref<125x32xf32, #tpu.memory_space<hbm>>)
      tpu.yield
    }) : () -> ()
    %add3A_354 = arith.constant 500 : i32
    %add3A_355 = arith.addi %mul3A_2, %add3A_354 : i32
    "tpu.region"() ({
      %run_scoped3A_356 = tpu.sem_alloc : memref<!tpu.dma_semaphore, #tpu.memory_space<semaphore_mem>>
      %dma_start3A_357 = arith.constant 0 : i32
      %dma_start3A_358 = tpu.memref_slice %arg5[%arg0, %add3A_355, %dma_start3A_357] : memref<2x10000x32xf32, #tpu.memory_space<hbm>> -> memref<1x125x32xf32, #tpu.memory_space<hbm>>
      %dma_start3A_359 = tpu.memref_squeeze %dma_start3A_358 : memref<1x125x32xf32, #tpu.memory_space<hbm>> -> memref<125x32xf32, #tpu.memory_space<hbm>>
      %dma_start3A_360 = arith.constant 0 : i32
      %dma_start3A_361 = tpu.memref_slice %arg21[%add3A_355, %dma_start3A_360] : memref<10000x32xf32, #tpu.memory_space<vmem_shared>> -> memref<125x32xf32, #tpu.memory_space<vmem_shared>>
      tpu.enqueue_dma source(%dma_start3A_361 : memref<125x32xf32, #tpu.memory_space<vmem_shared>>) target(%dma_start3A_359 : memref<125x32xf32, #tpu.memory_space<hbm>>) target_semaphore(%run_scoped3A_356 : memref<!tpu.dma_semaphore, #tpu.memory_space<semaphore_mem>>)
      %dma_wait3A_362 = arith.constant 0 : i32
      %dma_wait3A_363 = tpu.memref_slice %arg5[%arg0, %add3A_355, %dma_wait3A_362] : memref<2x10000x32xf32, #tpu.memory_space<hbm>> -> memref<1x125x32xf32, #tpu.memory_space<hbm>>
      %dma_wait3A_364 = tpu.memref_squeeze %dma_wait3A_363 : memref<1x125x32xf32, #tpu.memory_space<hbm>> -> memref<125x32xf32, #tpu.memory_space<hbm>>
      %dma_wait3A_365 = arith.constant 0 : i32
      %dma_wait3A_366 = tpu.memref_slice %arg21[%add3A_355, %dma_wait3A_365] : memref<10000x32xf32, #tpu.memory_space<vmem_shared>> -> memref<125x32xf32, #tpu.memory_space<vmem_shared>>
      tpu.wait_dma2 semaphore(%run_scoped3A_356 : memref<!tpu.dma_semaphore, #tpu.memory_space<semaphore_mem>>) src(%dma_wait3A_366 : memref<125x32xf32, #tpu.memory_space<vmem_shared>>) dst(%dma_wait3A_364 : memref<125x32xf32, #tpu.memory_space<hbm>>)
      tpu.yield
    }) : () -> ()
    return
  }
}

#map = affine_map<(d0, d1) -> (0, 0, 0)>
#map1 = affine_map<(d0, d1) -> (0, 0)>
module attributes {stable_mosaic.version = 14 : i64} {
  func.func @deg_kernel(%arg0: i32, %arg1: i32, %arg2: memref<2x2500x128xi32, #tpu.memory_space<hbm>>, %arg3: memref<32x10240xf32, #tpu.memory_space<hbm>>, %arg4: memref<78x128xi32, #tpu.memory_space<vmem>>, %arg5: memref<16xi32, #tpu.memory_space<vmem>>, %arg6: memref<10240xf32, #tpu.memory_space<vmem>>) attributes {dimension_semantics = [#tpu.dimension_semantics<core_parallel>, #tpu.dimension_semantics<subcore_parallel>], iteration_bounds = array<i64: 2, 16>, scalar_prefetch = 0 : i64, scratch_operands = 3 : i64, tpu.core_type = #tpu.core_type<sc_vector_subcore>, window_params = [{transform_indices = #map}, {transform_indices = #map1}]} {
    %mul3A = arith.constant 16 : i32
    %mul3A_0 = arith.muli %arg0, %mul3A : i32
    %add3A = arith.addi %mul3A_0, %arg1 : i32
    %mul3A_1 = arith.constant 78 : i32
    %mul3A_2 = arith.muli %add3A, %mul3A_1 : i32
    %run_scoped3A = arith.constant 1 : i32
    "tpu.region"() ({
      %run_scoped3A_51 = tpu.sem_alloc : memref<!tpu.dma_semaphore, #tpu.memory_space<semaphore_mem>>
      %dma_start3A = arith.constant 0 : i32
      %dma_start3A_52 = tpu.memref_slice %arg2[%run_scoped3A, %mul3A_2, %dma_start3A] : memref<2x2500x128xi32, #tpu.memory_space<hbm>> -> memref<1x78x128xi32, #tpu.memory_space<hbm>>
      %dma_start3A_53 = tpu.memref_squeeze %dma_start3A_52 : memref<1x78x128xi32, #tpu.memory_space<hbm>> -> memref<78x128xi32, #tpu.memory_space<hbm>>
      %dma_start3A_54 = arith.constant 0 : i32
      %dma_start3A_55 = tpu.memref_slice %arg2[%run_scoped3A, %mul3A_2, %dma_start3A_54] : memref<2x2500x128xi32, #tpu.memory_space<hbm>> -> memref<1x78x128xi32, #tpu.memory_space<hbm>>
      %dma_start3A_56 = tpu.memref_squeeze %dma_start3A_55 : memref<1x78x128xi32, #tpu.memory_space<hbm>> -> memref<78x128xi32, #tpu.memory_space<hbm>>
      tpu.enqueue_dma source(%dma_start3A_56 : memref<78x128xi32, #tpu.memory_space<hbm>>) target(%arg4 : memref<78x128xi32, #tpu.memory_space<vmem>>) target_semaphore(%run_scoped3A_51 : memref<!tpu.dma_semaphore, #tpu.memory_space<semaphore_mem>>)
      %dma_wait3A = arith.constant 0 : i32
      %dma_wait3A_57 = tpu.memref_slice %arg2[%run_scoped3A, %mul3A_2, %dma_wait3A] : memref<2x2500x128xi32, #tpu.memory_space<hbm>> -> memref<1x78x128xi32, #tpu.memory_space<hbm>>
      %dma_wait3A_58 = tpu.memref_squeeze %dma_wait3A_57 : memref<1x78x128xi32, #tpu.memory_space<hbm>> -> memref<78x128xi32, #tpu.memory_space<hbm>>
      %dma_wait3A_59 = arith.constant 0 : i32
      %dma_wait3A_60 = tpu.memref_slice %arg2[%run_scoped3A, %mul3A_2, %dma_wait3A_59] : memref<2x2500x128xi32, #tpu.memory_space<hbm>> -> memref<1x78x128xi32, #tpu.memory_space<hbm>>
      %dma_wait3A_61 = tpu.memref_squeeze %dma_wait3A_60 : memref<1x78x128xi32, #tpu.memory_space<hbm>> -> memref<78x128xi32, #tpu.memory_space<hbm>>
      tpu.wait_dma2 semaphore(%run_scoped3A_51 : memref<!tpu.dma_semaphore, #tpu.memory_space<semaphore_mem>>) src(%dma_wait3A_61 : memref<78x128xi32, #tpu.memory_space<hbm>>) dst(%arg4 : memref<78x128xi32, #tpu.memory_space<vmem>>)
      tpu.yield
    }) : () -> ()
    %jit3A = arith.constant 8 : i32
    %div3A = arith.divsi %add3A, %jit3A : i32
    %sign3A = arith.constant 0 : i32
    %sign3A_3 = arith.cmpi sgt, %add3A, %sign3A : i32
    %sign3A_4 = arith.extui %sign3A_3 : i1 to i32
    %sign3A_5 = arith.constant 0 : i32
    %sign3A_6 = arith.cmpi slt, %add3A, %sign3A_5 : i32
    %sign3A_7 = arith.extui %sign3A_6 : i1 to i32
    %sign3A_8 = arith.subi %sign3A_4, %sign3A_7 : i32
    %sign3A_9 = arith.constant 0 : i32
    %sign3A_10 = arith.cmpi sgt, %jit3A, %sign3A_9 : i32
    %sign3A_11 = arith.extui %sign3A_10 : i1 to i32
    %sign3A_12 = arith.constant 0 : i32
    %sign3A_13 = arith.cmpi slt, %jit3A, %sign3A_12 : i32
    %sign3A_14 = arith.extui %sign3A_13 : i1 to i32
    %sign3A_15 = arith.subi %sign3A_11, %sign3A_14 : i32
    %ne3A = arith.cmpi ne, %sign3A_8, %sign3A_15 : i32
    %rem3A = arith.remsi %add3A, %jit3A : i32
    %ne3A_16 = arith.constant 0 : i32
    %ne3A_17 = arith.cmpi ne, %rem3A, %ne3A_16 : i32
    %and3A = arith.andi %ne3A, %ne3A_17 : i1
    %sub3A = arith.constant 1 : i32
    %sub3A_18 = arith.subi %div3A, %sub3A : i32
    %select_n3A = arith.select %and3A, %sub3A_18, %div3A : i32
    %add3A_19 = arith.constant 2496 : i32
    %add3A_20 = arith.addi %add3A_19, %select_n3A : i32
    %jit3A_21 = arith.constant 8 : i32
    %eq3A = arith.constant 0 : i32
    %eq3A_22 = arith.cmpi eq, %jit3A_21, %eq3A : i32
    %jit3A_23 = arith.constant 1 : i32
    %select_n3A_24 = arith.select %eq3A_22, %jit3A_23, %jit3A_21 : i32
    %rem3A_25 = arith.remsi %add3A, %select_n3A_24 : i32
    %ne3A_26 = arith.constant 0 : i32
    %ne3A_27 = arith.cmpi ne, %rem3A_25, %ne3A_26 : i32
    %lt3A = arith.constant 0 : i32
    %lt3A_28 = arith.cmpi slt, %rem3A_25, %lt3A : i32
    %lt3A_29 = arith.constant 0 : i32
    %lt3A_30 = arith.cmpi slt, %select_n3A_24, %lt3A_29 : i32
    %ne3A_31 = arith.xori %lt3A_28, %lt3A_30 : i1
    %and3A_32 = arith.andi %ne3A_31, %ne3A_27 : i1
    %add3A_33 = arith.addi %rem3A_25, %select_n3A_24 : i32
    %select_n3A_34 = arith.select %and3A_32, %add3A_33, %rem3A_25 : i32
    %mul3A_35 = arith.constant 16 : i32
    %mul3A_36 = arith.muli %select_n3A_34, %mul3A_35 : i32
    %run_scoped3A_37 = arith.constant 1 : i32
    "tpu.region"() ({
      %run_scoped3A_51 = tpu.sem_alloc : memref<!tpu.dma_semaphore, #tpu.memory_space<semaphore_mem>>
      %dma_start3A = tpu.memref_slice %arg2[%run_scoped3A_37, %add3A_20, %mul3A_36] : memref<2x2500x128xi32, #tpu.memory_space<hbm>> -> memref<1x1x16xi32, #tpu.memory_space<hbm>>
      %dma_start3A_52 = tpu.memref_squeeze %dma_start3A : memref<1x1x16xi32, #tpu.memory_space<hbm>> -> memref<16xi32, #tpu.memory_space<hbm>>
      %dma_start3A_53 = tpu.memref_slice %arg2[%run_scoped3A_37, %add3A_20, %mul3A_36] : memref<2x2500x128xi32, #tpu.memory_space<hbm>> -> memref<1x1x16xi32, #tpu.memory_space<hbm>>
      %dma_start3A_54 = tpu.memref_squeeze %dma_start3A_53 : memref<1x1x16xi32, #tpu.memory_space<hbm>> -> memref<16xi32, #tpu.memory_space<hbm>>
      tpu.enqueue_dma source(%dma_start3A_54 : memref<16xi32, #tpu.memory_space<hbm>>) target(%arg5 : memref<16xi32, #tpu.memory_space<vmem>>) target_semaphore(%run_scoped3A_51 : memref<!tpu.dma_semaphore, #tpu.memory_space<semaphore_mem>>)
      %dma_wait3A = tpu.memref_slice %arg2[%run_scoped3A_37, %add3A_20, %mul3A_36] : memref<2x2500x128xi32, #tpu.memory_space<hbm>> -> memref<1x1x16xi32, #tpu.memory_space<hbm>>
      %dma_wait3A_55 = tpu.memref_squeeze %dma_wait3A : memref<1x1x16xi32, #tpu.memory_space<hbm>> -> memref<16xi32, #tpu.memory_space<hbm>>
      %dma_wait3A_56 = tpu.memref_slice %arg2[%run_scoped3A_37, %add3A_20, %mul3A_36] : memref<2x2500x128xi32, #tpu.memory_space<hbm>> -> memref<1x1x16xi32, #tpu.memory_space<hbm>>
      %dma_wait3A_57 = tpu.memref_squeeze %dma_wait3A_56 : memref<1x1x16xi32, #tpu.memory_space<hbm>> -> memref<16xi32, #tpu.memory_space<hbm>>
      tpu.wait_dma2 semaphore(%run_scoped3A_51 : memref<!tpu.dma_semaphore, #tpu.memory_space<semaphore_mem>>) src(%dma_wait3A_57 : memref<16xi32, #tpu.memory_space<hbm>>) dst(%arg5 : memref<16xi32, #tpu.memory_space<vmem>>)
      tpu.yield
    }) : () -> ()
    %broadcast_in_dim3A = arith.constant 0.000000e+00 : f32
    %broadcast_in_dim3A_38 = vector.broadcast %broadcast_in_dim3A : f32 to vector<16xf32>
    %broadcast_in_dim3A_39 = arith.constant 1.000000e+00 : f32
    %broadcast_in_dim3A_40 = vector.broadcast %broadcast_in_dim3A_39 : f32 to vector<16xf32>
    %scan3A = arith.constant 0 : i32
    %scan3A_41 = arith.constant 640 : i32
    %scan3A_42 = arith.addi %scan3A, %scan3A_41 : i32
    %scan3A_43 = arith.constant 1 : i32
    scf.for %scan3A_51 = %scan3A to %scan3A_42 step %scan3A_43  : i32 {
      %mul3A_52 = arith.constant 1 : i32
      %mul3A_53 = arith.muli %scan3A_51, %mul3A_52 : i32
      %add3A_54 = arith.constant 0 : i32
      %add3A_55 = arith.addi %add3A_54, %mul3A_53 : i32
      %mul3A_56 = arith.constant 16 : i32
      %mul3A_57 = arith.muli %add3A_55, %mul3A_56 : i32
      %swap3A = arith.index_cast %mul3A_57 : i32 to index
      %swap3A_58 = tpu.vector_load %arg6[%swap3A] {strides = array<i32>} : memref<10240xf32, #tpu.memory_space<vmem>>, vector<16xf32>,
      tpu.vector_store %arg6[%swap3A], %broadcast_in_dim3A_38 {strides = array<i32>} : memref<10240xf32, #tpu.memory_space<vmem>>, vector<16xf32>,
    }
    %scan3A_44 = arith.constant 640 : i32
    %scan3A_45 = arith.constant 0 : i32
    %scan3A_46 = arith.constant 78 : i32
    %scan3A_47 = arith.addi %scan3A_45, %scan3A_46 : i32
    %scan3A_48 = arith.constant 1 : i32
    scf.for %scan3A_51 = %scan3A_45 to %scan3A_47 step %scan3A_48  : i32 {
      %mul3A_52 = arith.constant 1 : i32
      %mul3A_53 = arith.muli %scan3A_51, %mul3A_52 : i32
      %add3A_54 = arith.constant 0 : i32
      %add3A_55 = arith.addi %add3A_54, %mul3A_53 : i32
      %get3A_56 = arith.index_cast %add3A_55 : i32 to index
      %get3A_57 = arith.constant 0 : index
      %get3A_58 = tpu.vector_load %arg4[%get3A_56, %get3A_57] {strides = array<i32>} : memref<78x128xi32, #tpu.memory_space<vmem>>, vector<16xi32>,
      tpu.vector_store_idx %arg6[%get3A_58], %broadcast_in_dim3A_40 {add = true} : memref<10240xf32, #tpu.memory_space<vmem>>[vector<16xi32>], vector<16xf32>,
      %get3A_59 = arith.index_cast %add3A_55 : i32 to index
      %get3A_60 = arith.constant 16 : index
      %get3A_61 = tpu.vector_load %arg4[%get3A_59, %get3A_60] {strides = array<i32>} : memref<78x128xi32, #tpu.memory_space<vmem>>, vector<16xi32>,
      tpu.vector_store_idx %arg6[%get3A_61], %broadcast_in_dim3A_40 {add = true} : memref<10240xf32, #tpu.memory_space<vmem>>[vector<16xi32>], vector<16xf32>,
      %get3A_62 = arith.index_cast %add3A_55 : i32 to index
      %get3A_63 = arith.constant 32 : index
      %get3A_64 = tpu.vector_load %arg4[%get3A_62, %get3A_63] {strides = array<i32>} : memref<78x128xi32, #tpu.memory_space<vmem>>, vector<16xi32>,
      tpu.vector_store_idx %arg6[%get3A_64], %broadcast_in_dim3A_40 {add = true} : memref<10240xf32, #tpu.memory_space<vmem>>[vector<16xi32>], vector<16xf32>,
      %get3A_65 = arith.index_cast %add3A_55 : i32 to index
      %get3A_66 = arith.constant 48 : index
      %get3A_67 = tpu.vector_load %arg4[%get3A_65, %get3A_66] {strides = array<i32>} : memref<78x128xi32, #tpu.memory_space<vmem>>, vector<16xi32>,
      tpu.vector_store_idx %arg6[%get3A_67], %broadcast_in_dim3A_40 {add = true} : memref<10240xf32, #tpu.memory_space<vmem>>[vector<16xi32>], vector<16xf32>,
      %get3A_68 = arith.index_cast %add3A_55 : i32 to index
      %get3A_69 = arith.constant 64 : index
      %get3A_70 = tpu.vector_load %arg4[%get3A_68, %get3A_69] {strides = array<i32>} : memref<78x128xi32, #tpu.memory_space<vmem>>, vector<16xi32>,
      tpu.vector_store_idx %arg6[%get3A_70], %broadcast_in_dim3A_40 {add = true} : memref<10240xf32, #tpu.memory_space<vmem>>[vector<16xi32>], vector<16xf32>,
      %get3A_71 = arith.index_cast %add3A_55 : i32 to index
      %get3A_72 = arith.constant 80 : index
      %get3A_73 = tpu.vector_load %arg4[%get3A_71, %get3A_72] {strides = array<i32>} : memref<78x128xi32, #tpu.memory_space<vmem>>, vector<16xi32>,
      tpu.vector_store_idx %arg6[%get3A_73], %broadcast_in_dim3A_40 {add = true} : memref<10240xf32, #tpu.memory_space<vmem>>[vector<16xi32>], vector<16xf32>,
      %get3A_74 = arith.index_cast %add3A_55 : i32 to index
      %get3A_75 = arith.constant 96 : index
      %get3A_76 = tpu.vector_load %arg4[%get3A_74, %get3A_75] {strides = array<i32>} : memref<78x128xi32, #tpu.memory_space<vmem>>, vector<16xi32>,
      tpu.vector_store_idx %arg6[%get3A_76], %broadcast_in_dim3A_40 {add = true} : memref<10240xf32, #tpu.memory_space<vmem>>[vector<16xi32>], vector<16xf32>,
      %get3A_77 = arith.index_cast %add3A_55 : i32 to index
      %get3A_78 = arith.constant 112 : index
      %get3A_79 = tpu.vector_load %arg4[%get3A_77, %get3A_78] {strides = array<i32>} : memref<78x128xi32, #tpu.memory_space<vmem>>, vector<16xi32>,
      tpu.vector_store_idx %arg6[%get3A_79], %broadcast_in_dim3A_40 {add = true} : memref<10240xf32, #tpu.memory_space<vmem>>[vector<16xi32>], vector<16xf32>,
    }
    %scan3A_49 = arith.constant 78 : i32
    %get3A = arith.constant 0 : index
    %get3A_50 = tpu.vector_load %arg5[%get3A] {strides = array<i32>} : memref<16xi32, #tpu.memory_space<vmem>>, vector<16xi32>,
    tpu.vector_store_idx %arg6[%get3A_50], %broadcast_in_dim3A_40 {add = true} : memref<10240xf32, #tpu.memory_space<vmem>>[vector<16xi32>], vector<16xf32>,
    "tpu.region"() ({
      %run_scoped3A_51 = tpu.sem_alloc : memref<!tpu.dma_semaphore, #tpu.memory_space<semaphore_mem>>
      %dma_start3A = arith.constant 0 : i32
      %dma_start3A_52 = tpu.memref_slice %arg3[%add3A, %dma_start3A] : memref<32x10240xf32, #tpu.memory_space<hbm>> -> memref<1x10240xf32, #tpu.memory_space<hbm>>
      %dma_start3A_53 = tpu.memref_squeeze %dma_start3A_52 : memref<1x10240xf32, #tpu.memory_space<hbm>> -> memref<10240xf32, #tpu.memory_space<hbm>>
      %dma_start3A_54 = arith.constant 0 : i32
      %dma_start3A_55 = tpu.memref_slice %arg3[%add3A, %dma_start3A_54] : memref<32x10240xf32, #tpu.memory_space<hbm>> -> memref<1x10240xf32, #tpu.memory_space<hbm>>
      %dma_start3A_56 = tpu.memref_squeeze %dma_start3A_55 : memref<1x10240xf32, #tpu.memory_space<hbm>> -> memref<10240xf32, #tpu.memory_space<hbm>>
      tpu.enqueue_dma source(%arg6 : memref<10240xf32, #tpu.memory_space<vmem>>) target(%dma_start3A_56 : memref<10240xf32, #tpu.memory_space<hbm>>) target_semaphore(%run_scoped3A_51 : memref<!tpu.dma_semaphore, #tpu.memory_space<semaphore_mem>>)
      %dma_wait3A = arith.constant 0 : i32
      %dma_wait3A_57 = tpu.memref_slice %arg3[%add3A, %dma_wait3A] : memref<32x10240xf32, #tpu.memory_space<hbm>> -> memref<1x10240xf32, #tpu.memory_space<hbm>>
      %dma_wait3A_58 = tpu.memref_squeeze %dma_wait3A_57 : memref<1x10240xf32, #tpu.memory_space<hbm>> -> memref<10240xf32, #tpu.memory_space<hbm>>
      %dma_wait3A_59 = arith.constant 0 : i32
      %dma_wait3A_60 = tpu.memref_slice %arg3[%add3A, %dma_wait3A_59] : memref<32x10240xf32, #tpu.memory_space<hbm>> -> memref<1x10240xf32, #tpu.memory_space<hbm>>
      %dma_wait3A_61 = tpu.memref_squeeze %dma_wait3A_60 : memref<1x10240xf32, #tpu.memory_space<hbm>> -> memref<10240xf32, #tpu.memory_space<hbm>>
      tpu.wait_dma2 semaphore(%run_scoped3A_51 : memref<!tpu.dma_semaphore, #tpu.memory_space<semaphore_mem>>) src(%arg6 : memref<10240xf32, #tpu.memory_space<vmem>>) dst(%dma_wait3A_61 : memref<10240xf32, #tpu.memory_space<hbm>>)
      tpu.yield
    }) : () -> ()
    return
  }
}

#map = affine_map<(d0, d1) -> (0, 0)>
#map1 = affine_map<(d0, d1) -> (0, 0, 0)>
module attributes {stable_mosaic.version = 14 : i64} {
  func.func @agg_kernel(%arg0: i32, %arg1: i32, %arg2: memref<10000x32xf32, #tpu.memory_space<hbm>>, %arg3: memref<2x2500x128xi32, #tpu.memory_space<hbm>>, %arg4: memref<80x125xi32, #tpu.memory_space<hbm>>, %arg5: memref<2x10000x32xf32, #tpu.memory_space<hbm>>, %arg6: memref<78x128xi32, #tpu.memory_space<vmem>>, %arg7: memref<78x128xi32, #tpu.memory_space<vmem>>, %arg8: memref<16xi32, #tpu.memory_space<vmem>>, %arg9: memref<16xi32, #tpu.memory_space<vmem>>, %arg10: memref<5x125xi32, #tpu.memory_space<vmem>>, %arg11: memref<128x32xf32, #tpu.memory_space<vmem>>, %arg12: memref<128x32xf32, #tpu.memory_space<vmem>>, %arg13: memref<128x32xf32, #tpu.memory_space<vmem>>, %arg14: memref<128x32xf32, #tpu.memory_space<vmem>>, %arg15: memref<128x32xf32, #tpu.memory_space<vmem>>, %arg16: memref<128x32xf32, #tpu.memory_space<vmem>>, %arg17: memref<128x32xf32, #tpu.memory_space<vmem>>, %arg18: memref<128x32xf32, #tpu.memory_space<vmem>>, %arg19: memref<16x32xf32, #tpu.memory_space<vmem>>, %arg20: memref<125x32xf32, #tpu.memory_space<vmem>>, %arg21: memref<10000x32xf32, #tpu.memory_space<vmem_shared>>, %arg22: memref<!tpu.dma_semaphore, #tpu.memory_space<semaphore_mem>>, %arg23: memref<!tpu.dma_semaphore, #tpu.memory_space<semaphore_mem>>, %arg24: memref<!tpu.dma_semaphore, #tpu.memory_space<semaphore_mem>>, %arg25: memref<!tpu.dma_semaphore, #tpu.memory_space<semaphore_mem>>, %arg26: memref<!tpu.dma_semaphore, #tpu.memory_space<semaphore_mem>>, %arg27: memref<!tpu.dma_semaphore, #tpu.memory_space<semaphore_mem>>, %arg28: memref<!tpu.dma_semaphore, #tpu.memory_space<semaphore_mem>>, %arg29: memref<!tpu.dma_semaphore, #tpu.memory_space<semaphore_mem>>) attributes {dimension_semantics = [#tpu.dimension_semantics<core_parallel>, #tpu.dimension_semantics<subcore_parallel>], iteration_bounds = array<i64: 2, 16>, scalar_prefetch = 0 : i64, scratch_operands = 24 : i64, tpu.core_type = #tpu.core_type<sc_vector_subcore>, window_params = [{transform_indices = #map}, {transform_indices = #map1}, {transform_indices = #map}, {transform_indices = #map1}]} {
    %mul3A = arith.constant 16 : i32
    %mul3A_0 = arith.muli %arg0, %mul3A : i32
    %add3A = arith.addi %mul3A_0, %arg1 : i32
    %mul3A_1 = arith.constant 625 : i32
    %mul3A_2 = arith.muli %arg1, %mul3A_1 : i32
    %mul3A_3 = arith.constant 78 : i32
    %mul3A_4 = arith.muli %add3A, %mul3A_3 : i32
    %run_scoped3A = arith.constant 0 : i32
    "tpu.region"() ({
      %run_scoped3A_356 = tpu.sem_alloc : memref<!tpu.dma_semaphore, #tpu.memory_space<semaphore_mem>>
      %dma_start3A_357 = arith.constant 0 : i32
      %dma_start3A_358 = tpu.memref_slice %arg3[%run_scoped3A, %mul3A_4, %dma_start3A_357] : memref<2x2500x128xi32, #tpu.memory_space<hbm>> -> memref<1x78x128xi32, #tpu.memory_space<hbm>>
      %dma_start3A_359 = tpu.memref_squeeze %dma_start3A_358 : memref<1x78x128xi32, #tpu.memory_space<hbm>> -> memref<78x128xi32, #tpu.memory_space<hbm>>
      %dma_start3A_360 = arith.constant 0 : i32
      %dma_start3A_361 = tpu.memref_slice %arg3[%run_scoped3A, %mul3A_4, %dma_start3A_360] : memref<2x2500x128xi32, #tpu.memory_space<hbm>> -> memref<1x78x128xi32, #tpu.memory_space<hbm>>
      %dma_start3A_362 = tpu.memref_squeeze %dma_start3A_361 : memref<1x78x128xi32, #tpu.memory_space<hbm>> -> memref<78x128xi32, #tpu.memory_space<hbm>>
      tpu.enqueue_dma source(%dma_start3A_362 : memref<78x128xi32, #tpu.memory_space<hbm>>) target(%arg6 : memref<78x128xi32, #tpu.memory_space<vmem>>) target_semaphore(%run_scoped3A_356 : memref<!tpu.dma_semaphore, #tpu.memory_space<semaphore_mem>>)
      %dma_wait3A_363 = arith.constant 0 : i32
      %dma_wait3A_364 = tpu.memref_slice %arg3[%run_scoped3A, %mul3A_4, %dma_wait3A_363] : memref<2x2500x128xi32, #tpu.memory_space<hbm>> -> memref<1x78x128xi32, #tpu.memory_space<hbm>>
      %dma_wait3A_365 = tpu.memref_squeeze %dma_wait3A_364 : memref<1x78x128xi32, #tpu.memory_space<hbm>> -> memref<78x128xi32, #tpu.memory_space<hbm>>
      %dma_wait3A_366 = arith.constant 0 : i32
      %dma_wait3A_367 = tpu.memref_slice %arg3[%run_scoped3A, %mul3A_4, %dma_wait3A_366] : memref<2x2500x128xi32, #tpu.memory_space<hbm>> -> memref<1x78x128xi32, #tpu.memory_space<hbm>>
      %dma_wait3A_368 = tpu.memref_squeeze %dma_wait3A_367 : memref<1x78x128xi32, #tpu.memory_space<hbm>> -> memref<78x128xi32, #tpu.memory_space<hbm>>
      tpu.wait_dma2 semaphore(%run_scoped3A_356 : memref<!tpu.dma_semaphore, #tpu.memory_space<semaphore_mem>>) src(%dma_wait3A_368 : memref<78x128xi32, #tpu.memory_space<hbm>>) dst(%arg6 : memref<78x128xi32, #tpu.memory_space<vmem>>)
      tpu.yield
    }) : () -> ()
    %run_scoped3A_5 = arith.constant 1 : i32
    "tpu.region"() ({
      %run_scoped3A_356 = tpu.sem_alloc : memref<!tpu.dma_semaphore, #tpu.memory_space<semaphore_mem>>
      %dma_start3A_357 = arith.constant 0 : i32
      %dma_start3A_358 = tpu.memref_slice %arg3[%run_scoped3A_5, %mul3A_4, %dma_start3A_357] : memref<2x2500x128xi32, #tpu.memory_space<hbm>> -> memref<1x78x128xi32, #tpu.memory_space<hbm>>
      %dma_start3A_359 = tpu.memref_squeeze %dma_start3A_358 : memref<1x78x128xi32, #tpu.memory_space<hbm>> -> memref<78x128xi32, #tpu.memory_space<hbm>>
      %dma_start3A_360 = arith.constant 0 : i32
      %dma_start3A_361 = tpu.memref_slice %arg3[%run_scoped3A_5, %mul3A_4, %dma_start3A_360] : memref<2x2500x128xi32, #tpu.memory_space<hbm>> -> memref<1x78x128xi32, #tpu.memory_space<hbm>>
      %dma_start3A_362 = tpu.memref_squeeze %dma_start3A_361 : memref<1x78x128xi32, #tpu.memory_space<hbm>> -> memref<78x128xi32, #tpu.memory_space<hbm>>
      tpu.enqueue_dma source(%dma_start3A_362 : memref<78x128xi32, #tpu.memory_space<hbm>>) target(%arg7 : memref<78x128xi32, #tpu.memory_space<vmem>>) target_semaphore(%run_scoped3A_356 : memref<!tpu.dma_semaphore, #tpu.memory_space<semaphore_mem>>)
      %dma_wait3A_363 = arith.constant 0 : i32
      %dma_wait3A_364 = tpu.memref_slice %arg3[%run_scoped3A_5, %mul3A_4, %dma_wait3A_363] : memref<2x2500x128xi32, #tpu.memory_space<hbm>> -> memref<1x78x128xi32, #tpu.memory_space<hbm>>
      %dma_wait3A_365 = tpu.memref_squeeze %dma_wait3A_364 : memref<1x78x128xi32, #tpu.memory_space<hbm>> -> memref<78x128xi32, #tpu.memory_space<hbm>>
      %dma_wait3A_366 = arith.constant 0 : i32
      %dma_wait3A_367 = tpu.memref_slice %arg3[%run_scoped3A_5, %mul3A_4, %dma_wait3A_366] : memref<2x2500x128xi32, #tpu.memory_space<hbm>> -> memref<1x78x128xi32, #tpu.memory_space<hbm>>
      %dma_wait3A_368 = tpu.memref_squeeze %dma_wait3A_367 : memref<1x78x128xi32, #tpu.memory_space<hbm>> -> memref<78x128xi32, #tpu.memory_space<hbm>>
      tpu.wait_dma2 semaphore(%run_scoped3A_356 : memref<!tpu.dma_semaphore, #tpu.memory_space<semaphore_mem>>) src(%dma_wait3A_368 : memref<78x128xi32, #tpu.memory_space<hbm>>) dst(%arg7 : memref<78x128xi32, #tpu.memory_space<vmem>>)
      tpu.yield
    }) : () -> ()
    %jit3A = arith.constant 8 : i32
    %div3A = arith.divsi %add3A, %jit3A : i32
    %sign3A = arith.constant 0 : i32
    %sign3A_6 = arith.cmpi sgt, %add3A, %sign3A : i32
    %sign3A_7 = arith.extui %sign3A_6 : i1 to i32
    %sign3A_8 = arith.constant 0 : i32
    %sign3A_9 = arith.cmpi slt, %add3A, %sign3A_8 : i32
    %sign3A_10 = arith.extui %sign3A_9 : i1 to i32
    %sign3A_11 = arith.subi %sign3A_7, %sign3A_10 : i32
    %sign3A_12 = arith.constant 0 : i32
    %sign3A_13 = arith.cmpi sgt, %jit3A, %sign3A_12 : i32
    %sign3A_14 = arith.extui %sign3A_13 : i1 to i32
    %sign3A_15 = arith.constant 0 : i32
    %sign3A_16 = arith.cmpi slt, %jit3A, %sign3A_15 : i32
    %sign3A_17 = arith.extui %sign3A_16 : i1 to i32
    %sign3A_18 = arith.subi %sign3A_14, %sign3A_17 : i32
    %ne3A = arith.cmpi ne, %sign3A_11, %sign3A_18 : i32
    %rem3A = arith.remsi %add3A, %jit3A : i32
    %ne3A_19 = arith.constant 0 : i32
    %ne3A_20 = arith.cmpi ne, %rem3A, %ne3A_19 : i32
    %and3A = arith.andi %ne3A, %ne3A_20 : i1
    %sub3A = arith.constant 1 : i32
    %sub3A_21 = arith.subi %div3A, %sub3A : i32
    %select_n3A = arith.select %and3A, %sub3A_21, %div3A : i32
    %add3A_22 = arith.constant 2496 : i32
    %add3A_23 = arith.addi %add3A_22, %select_n3A : i32
    %jit3A_24 = arith.constant 8 : i32
    %eq3A = arith.constant 0 : i32
    %eq3A_25 = arith.cmpi eq, %jit3A_24, %eq3A : i32
    %jit3A_26 = arith.constant 1 : i32
    %select_n3A_27 = arith.select %eq3A_25, %jit3A_26, %jit3A_24 : i32
    %rem3A_28 = arith.remsi %add3A, %select_n3A_27 : i32
    %ne3A_29 = arith.constant 0 : i32
    %ne3A_30 = arith.cmpi ne, %rem3A_28, %ne3A_29 : i32
    %lt3A = arith.constant 0 : i32
    %lt3A_31 = arith.cmpi slt, %rem3A_28, %lt3A : i32
    %lt3A_32 = arith.constant 0 : i32
    %lt3A_33 = arith.cmpi slt, %select_n3A_27, %lt3A_32 : i32
    %ne3A_34 = arith.xori %lt3A_31, %lt3A_33 : i1
    %and3A_35 = arith.andi %ne3A_34, %ne3A_30 : i1
    %add3A_36 = arith.addi %rem3A_28, %select_n3A_27 : i32
    %select_n3A_37 = arith.select %and3A_35, %add3A_36, %rem3A_28 : i32
    %mul3A_38 = arith.constant 16 : i32
    %mul3A_39 = arith.muli %select_n3A_37, %mul3A_38 : i32
    %run_scoped3A_40 = arith.constant 0 : i32
    "tpu.region"() ({
      %run_scoped3A_356 = tpu.sem_alloc : memref<!tpu.dma_semaphore, #tpu.memory_space<semaphore_mem>>
      %dma_start3A_357 = tpu.memref_slice %arg3[%run_scoped3A_40, %add3A_23, %mul3A_39] : memref<2x2500x128xi32, #tpu.memory_space<hbm>> -> memref<1x1x16xi32, #tpu.memory_space<hbm>>
      %dma_start3A_358 = tpu.memref_squeeze %dma_start3A_357 : memref<1x1x16xi32, #tpu.memory_space<hbm>> -> memref<16xi32, #tpu.memory_space<hbm>>
      %dma_start3A_359 = tpu.memref_slice %arg3[%run_scoped3A_40, %add3A_23, %mul3A_39] : memref<2x2500x128xi32, #tpu.memory_space<hbm>> -> memref<1x1x16xi32, #tpu.memory_space<hbm>>
      %dma_start3A_360 = tpu.memref_squeeze %dma_start3A_359 : memref<1x1x16xi32, #tpu.memory_space<hbm>> -> memref<16xi32, #tpu.memory_space<hbm>>
      tpu.enqueue_dma source(%dma_start3A_360 : memref<16xi32, #tpu.memory_space<hbm>>) target(%arg8 : memref<16xi32, #tpu.memory_space<vmem>>) target_semaphore(%run_scoped3A_356 : memref<!tpu.dma_semaphore, #tpu.memory_space<semaphore_mem>>)
      %dma_wait3A_361 = tpu.memref_slice %arg3[%run_scoped3A_40, %add3A_23, %mul3A_39] : memref<2x2500x128xi32, #tpu.memory_space<hbm>> -> memref<1x1x16xi32, #tpu.memory_space<hbm>>
      %dma_wait3A_362 = tpu.memref_squeeze %dma_wait3A_361 : memref<1x1x16xi32, #tpu.memory_space<hbm>> -> memref<16xi32, #tpu.memory_space<hbm>>
      %dma_wait3A_363 = tpu.memref_slice %arg3[%run_scoped3A_40, %add3A_23, %mul3A_39] : memref<2x2500x128xi32, #tpu.memory_space<hbm>> -> memref<1x1x16xi32, #tpu.memory_space<hbm>>
      %dma_wait3A_364 = tpu.memref_squeeze %dma_wait3A_363 : memref<1x1x16xi32, #tpu.memory_space<hbm>> -> memref<16xi32, #tpu.memory_space<hbm>>
      tpu.wait_dma2 semaphore(%run_scoped3A_356 : memref<!tpu.dma_semaphore, #tpu.memory_space<semaphore_mem>>) src(%dma_wait3A_364 : memref<16xi32, #tpu.memory_space<hbm>>) dst(%arg8 : memref<16xi32, #tpu.memory_space<vmem>>)
      tpu.yield
    }) : () -> ()
    %jit3A_41 = arith.constant 8 : i32
    %div3A_42 = arith.divsi %add3A, %jit3A_41 : i32
    %sign3A_43 = arith.constant 0 : i32
    %sign3A_44 = arith.cmpi sgt, %add3A, %sign3A_43 : i32
    %sign3A_45 = arith.extui %sign3A_44 : i1 to i32
    %sign3A_46 = arith.constant 0 : i32
    %sign3A_47 = arith.cmpi slt, %add3A, %sign3A_46 : i32
    %sign3A_48 = arith.extui %sign3A_47 : i1 to i32
    %sign3A_49 = arith.subi %sign3A_45, %sign3A_48 : i32
    %sign3A_50 = arith.constant 0 : i32
    %sign3A_51 = arith.cmpi sgt, %jit3A_41, %sign3A_50 : i32
    %sign3A_52 = arith.extui %sign3A_51 : i1 to i32
    %sign3A_53 = arith.constant 0 : i32
    %sign3A_54 = arith.cmpi slt, %jit3A_41, %sign3A_53 : i32
    %sign3A_55 = arith.extui %sign3A_54 : i1 to i32
    %sign3A_56 = arith.subi %sign3A_52, %sign3A_55 : i32
    %ne3A_57 = arith.cmpi ne, %sign3A_49, %sign3A_56 : i32
    %rem3A_58 = arith.remsi %add3A, %jit3A_41 : i32
    %ne3A_59 = arith.constant 0 : i32
    %ne3A_60 = arith.cmpi ne, %rem3A_58, %ne3A_59 : i32
    %and3A_61 = arith.andi %ne3A_57, %ne3A_60 : i1
    %sub3A_62 = arith.constant 1 : i32
    %sub3A_63 = arith.subi %div3A_42, %sub3A_62 : i32
    %select_n3A_64 = arith.select %and3A_61, %sub3A_63, %div3A_42 : i32
    %add3A_65 = arith.constant 2496 : i32
    %add3A_66 = arith.addi %add3A_65, %select_n3A_64 : i32
    %jit3A_67 = arith.constant 8 : i32
    %eq3A_68 = arith.constant 0 : i32
    %eq3A_69 = arith.cmpi eq, %jit3A_67, %eq3A_68 : i32
    %jit3A_70 = arith.constant 1 : i32
    %select_n3A_71 = arith.select %eq3A_69, %jit3A_70, %jit3A_67 : i32
    %rem3A_72 = arith.remsi %add3A, %select_n3A_71 : i32
    %ne3A_73 = arith.constant 0 : i32
    %ne3A_74 = arith.cmpi ne, %rem3A_72, %ne3A_73 : i32
    %lt3A_75 = arith.constant 0 : i32
    %lt3A_76 = arith.cmpi slt, %rem3A_72, %lt3A_75 : i32
    %lt3A_77 = arith.constant 0 : i32
    %lt3A_78 = arith.cmpi slt, %select_n3A_71, %lt3A_77 : i32
    %ne3A_79 = arith.xori %lt3A_76, %lt3A_78 : i1
    %and3A_80 = arith.andi %ne3A_79, %ne3A_74 : i1
    %add3A_81 = arith.addi %rem3A_72, %select_n3A_71 : i32
    %select_n3A_82 = arith.select %and3A_80, %add3A_81, %rem3A_72 : i32
    %mul3A_83 = arith.constant 16 : i32
    %mul3A_84 = arith.muli %select_n3A_82, %mul3A_83 : i32
    %run_scoped3A_85 = arith.constant 1 : i32
    "tpu.region"() ({
      %run_scoped3A_356 = tpu.sem_alloc : memref<!tpu.dma_semaphore, #tpu.memory_space<semaphore_mem>>
      %dma_start3A_357 = tpu.memref_slice %arg3[%run_scoped3A_85, %add3A_66, %mul3A_84] : memref<2x2500x128xi32, #tpu.memory_space<hbm>> -> memref<1x1x16xi32, #tpu.memory_space<hbm>>
      %dma_start3A_358 = tpu.memref_squeeze %dma_start3A_357 : memref<1x1x16xi32, #tpu.memory_space<hbm>> -> memref<16xi32, #tpu.memory_space<hbm>>
      %dma_start3A_359 = tpu.memref_slice %arg3[%run_scoped3A_85, %add3A_66, %mul3A_84] : memref<2x2500x128xi32, #tpu.memory_space<hbm>> -> memref<1x1x16xi32, #tpu.memory_space<hbm>>
      %dma_start3A_360 = tpu.memref_squeeze %dma_start3A_359 : memref<1x1x16xi32, #tpu.memory_space<hbm>> -> memref<16xi32, #tpu.memory_space<hbm>>
      tpu.enqueue_dma source(%dma_start3A_360 : memref<16xi32, #tpu.memory_space<hbm>>) target(%arg9 : memref<16xi32, #tpu.memory_space<vmem>>) target_semaphore(%run_scoped3A_356 : memref<!tpu.dma_semaphore, #tpu.memory_space<semaphore_mem>>)
      %dma_wait3A_361 = tpu.memref_slice %arg3[%run_scoped3A_85, %add3A_66, %mul3A_84] : memref<2x2500x128xi32, #tpu.memory_space<hbm>> -> memref<1x1x16xi32, #tpu.memory_space<hbm>>
      %dma_wait3A_362 = tpu.memref_squeeze %dma_wait3A_361 : memref<1x1x16xi32, #tpu.memory_space<hbm>> -> memref<16xi32, #tpu.memory_space<hbm>>
      %dma_wait3A_363 = tpu.memref_slice %arg3[%run_scoped3A_85, %add3A_66, %mul3A_84] : memref<2x2500x128xi32, #tpu.memory_space<hbm>> -> memref<1x1x16xi32, #tpu.memory_space<hbm>>
      %dma_wait3A_364 = tpu.memref_squeeze %dma_wait3A_363 : memref<1x1x16xi32, #tpu.memory_space<hbm>> -> memref<16xi32, #tpu.memory_space<hbm>>
      tpu.wait_dma2 semaphore(%run_scoped3A_356 : memref<!tpu.dma_semaphore, #tpu.memory_space<semaphore_mem>>) src(%dma_wait3A_364 : memref<16xi32, #tpu.memory_space<hbm>>) dst(%arg9 : memref<16xi32, #tpu.memory_space<vmem>>)
      tpu.yield
    }) : () -> ()
    %mul3A_86 = arith.constant 5 : i32
    %mul3A_87 = arith.muli %arg1, %mul3A_86 : i32
    "tpu.region"() ({
      %run_scoped3A_356 = tpu.sem_alloc : memref<!tpu.dma_semaphore, #tpu.memory_space<semaphore_mem>>
      %dma_start3A_357 = arith.constant 0 : i32
      %dma_start3A_358 = tpu.memref_slice %arg4[%mul3A_87, %dma_start3A_357] : memref<80x125xi32, #tpu.memory_space<hbm>> -> memref<5x125xi32, #tpu.memory_space<hbm>>
      %dma_start3A_359 = arith.constant 0 : i32
      %dma_start3A_360 = tpu.memref_slice %arg4[%mul3A_87, %dma_start3A_359] : memref<80x125xi32, #tpu.memory_space<hbm>> -> memref<5x125xi32, #tpu.memory_space<hbm>>
      tpu.enqueue_dma source(%dma_start3A_360 : memref<5x125xi32, #tpu.memory_space<hbm>>) target(%arg10 : memref<5x125xi32, #tpu.memory_space<vmem>>) target_semaphore(%run_scoped3A_356 : memref<!tpu.dma_semaphore, #tpu.memory_space<semaphore_mem>>)
      %dma_wait3A_361 = arith.constant 0 : i32
      %dma_wait3A_362 = tpu.memref_slice %arg4[%mul3A_87, %dma_wait3A_361] : memref<80x125xi32, #tpu.memory_space<hbm>> -> memref<5x125xi32, #tpu.memory_space<hbm>>
      %dma_wait3A_363 = arith.constant 0 : i32
      %dma_wait3A_364 = tpu.memref_slice %arg4[%mul3A_87, %dma_wait3A_363] : memref<80x125xi32, #tpu.memory_space<hbm>> -> memref<5x125xi32, #tpu.memory_space<hbm>>
      tpu.wait_dma2 semaphore(%run_scoped3A_356 : memref<!tpu.dma_semaphore, #tpu.memory_space<semaphore_mem>>) src(%dma_wait3A_364 : memref<5x125xi32, #tpu.memory_space<hbm>>) dst(%arg10 : memref<5x125xi32, #tpu.memory_space<vmem>>)
      tpu.yield
    }) : () -> ()
    %broadcast_in_dim3A = arith.constant 0.000000e+00 : f32
    %broadcast_in_dim3A_88 = vector.broadcast %broadcast_in_dim3A : f32 to vector<16xf32>
    %scan3A = arith.constant 0 : i32
    %scan3A_89 = arith.constant 125 : i32
    %scan3A_90 = arith.addi %scan3A, %scan3A_89 : i32
    %scan3A_91 = arith.constant 1 : i32
    scf.for %scan3A_356 = %scan3A to %scan3A_90 step %scan3A_91  : i32 {
      %mul3A_357 = arith.constant 1 : i32
      %mul3A_358 = arith.muli %scan3A_356, %mul3A_357 : i32
      %add3A_359 = arith.constant 0 : i32
      %add3A_360 = arith.addi %add3A_359, %mul3A_358 : i32
      %swap3A = arith.index_cast %add3A_360 : i32 to index
      %swap3A_361 = arith.constant 0 : index
      %swap3A_362 = tpu.vector_load %arg20[%swap3A, %swap3A_361] {strides = array<i32>} : memref<125x32xf32, #tpu.memory_space<vmem>>, vector<1x16xf32>,
      %swap3A_363 = vector.shape_cast %swap3A_362 : vector<1x16xf32> to vector<16xf32>
      %swap3A_364 = vector.shape_cast %broadcast_in_dim3A_88 : vector<16xf32> to vector<1x16xf32>
      tpu.vector_store %arg20[%swap3A, %swap3A_361], %swap3A_364 {strides = array<i32>} : memref<125x32xf32, #tpu.memory_space<vmem>>, vector<1x16xf32>,
      %swap3A_365 = arith.index_cast %add3A_360 : i32 to index
      %swap3A_366 = arith.constant 16 : index
      %swap3A_367 = tpu.vector_load %arg20[%swap3A_365, %swap3A_366] {strides = array<i32>} : memref<125x32xf32, #tpu.memory_space<vmem>>, vector<1x16xf32>,
      %swap3A_368 = vector.shape_cast %swap3A_367 : vector<1x16xf32> to vector<16xf32>
      %swap3A_369 = vector.shape_cast %broadcast_in_dim3A_88 : vector<16xf32> to vector<1x16xf32>
      tpu.vector_store %arg20[%swap3A_365, %swap3A_366], %swap3A_369 {strides = array<i32>} : memref<125x32xf32, #tpu.memory_space<vmem>>, vector<1x16xf32>,
    }
    %scan3A_92 = arith.constant 125 : i32
    %add3A_93 = arith.constant 0 : i32
    %add3A_94 = arith.addi %mul3A_2, %add3A_93 : i32
    "tpu.region"() ({
      %run_scoped3A_356 = tpu.sem_alloc : memref<!tpu.dma_semaphore, #tpu.memory_space<semaphore_mem>>
      %dma_start3A_357 = arith.constant 0 : i32
      %dma_start3A_358 = tpu.memref_slice %arg21[%add3A_94, %dma_start3A_357] : memref<10000x32xf32, #tpu.memory_space<vmem_shared>> -> memref<125x32xf32, #tpu.memory_space<vmem_shared>>
      %dma_start3A_359 = arith.constant 0 : i32
      %dma_start3A_360 = tpu.memref_slice %arg21[%add3A_94, %dma_start3A_359] : memref<10000x32xf32, #tpu.memory_space<vmem_shared>> -> memref<125x32xf32, #tpu.memory_space<vmem_shared>>
      tpu.enqueue_dma source(%arg20 : memref<125x32xf32, #tpu.memory_space<vmem>>) target(%dma_start3A_360 : memref<125x32xf32, #tpu.memory_space<vmem_shared>>) target_semaphore(%run_scoped3A_356 : memref<!tpu.dma_semaphore, #tpu.memory_space<semaphore_mem>>)
      %dma_wait3A_361 = arith.constant 0 : i32
      %dma_wait3A_362 = tpu.memref_slice %arg21[%add3A_94, %dma_wait3A_361] : memref<10000x32xf32, #tpu.memory_space<vmem_shared>> -> memref<125x32xf32, #tpu.memory_space<vmem_shared>>
      %dma_wait3A_363 = arith.constant 0 : i32
      %dma_wait3A_364 = tpu.memref_slice %arg21[%add3A_94, %dma_wait3A_363] : memref<10000x32xf32, #tpu.memory_space<vmem_shared>> -> memref<125x32xf32, #tpu.memory_space<vmem_shared>>
      tpu.wait_dma2 semaphore(%run_scoped3A_356 : memref<!tpu.dma_semaphore, #tpu.memory_space<semaphore_mem>>) src(%arg20 : memref<125x32xf32, #tpu.memory_space<vmem>>) dst(%dma_wait3A_364 : memref<125x32xf32, #tpu.memory_space<vmem_shared>>)
      tpu.yield
    }) : () -> ()
    %add3A_95 = arith.constant 125 : i32
    %add3A_96 = arith.addi %mul3A_2, %add3A_95 : i32
    "tpu.region"() ({
      %run_scoped3A_356 = tpu.sem_alloc : memref<!tpu.dma_semaphore, #tpu.memory_space<semaphore_mem>>
      %dma_start3A_357 = arith.constant 0 : i32
      %dma_start3A_358 = tpu.memref_slice %arg21[%add3A_96, %dma_start3A_357] : memref<10000x32xf32, #tpu.memory_space<vmem_shared>> -> memref<125x32xf32, #tpu.memory_space<vmem_shared>>
      %dma_start3A_359 = arith.constant 0 : i32
      %dma_start3A_360 = tpu.memref_slice %arg21[%add3A_96, %dma_start3A_359] : memref<10000x32xf32, #tpu.memory_space<vmem_shared>> -> memref<125x32xf32, #tpu.memory_space<vmem_shared>>
      tpu.enqueue_dma source(%arg20 : memref<125x32xf32, #tpu.memory_space<vmem>>) target(%dma_start3A_360 : memref<125x32xf32, #tpu.memory_space<vmem_shared>>) target_semaphore(%run_scoped3A_356 : memref<!tpu.dma_semaphore, #tpu.memory_space<semaphore_mem>>)
      %dma_wait3A_361 = arith.constant 0 : i32
      %dma_wait3A_362 = tpu.memref_slice %arg21[%add3A_96, %dma_wait3A_361] : memref<10000x32xf32, #tpu.memory_space<vmem_shared>> -> memref<125x32xf32, #tpu.memory_space<vmem_shared>>
      %dma_wait3A_363 = arith.constant 0 : i32
      %dma_wait3A_364 = tpu.memref_slice %arg21[%add3A_96, %dma_wait3A_363] : memref<10000x32xf32, #tpu.memory_space<vmem_shared>> -> memref<125x32xf32, #tpu.memory_space<vmem_shared>>
      tpu.wait_dma2 semaphore(%run_scoped3A_356 : memref<!tpu.dma_semaphore, #tpu.memory_space<semaphore_mem>>) src(%arg20 : memref<125x32xf32, #tpu.memory_space<vmem>>) dst(%dma_wait3A_364 : memref<125x32xf32, #tpu.memory_space<vmem_shared>>)
      tpu.yield
    }) : () -> ()
    %add3A_97 = arith.constant 250 : i32
    %add3A_98 = arith.addi %mul3A_2, %add3A_97 : i32
    "tpu.region"() ({
      %run_scoped3A_356 = tpu.sem_alloc : memref<!tpu.dma_semaphore, #tpu.memory_space<semaphore_mem>>
      %dma_start3A_357 = arith.constant 0 : i32
      %dma_start3A_358 = tpu.memref_slice %arg21[%add3A_98, %dma_start3A_357] : memref<10000x32xf32, #tpu.memory_space<vmem_shared>> -> memref<125x32xf32, #tpu.memory_space<vmem_shared>>
      %dma_start3A_359 = arith.constant 0 : i32
      %dma_start3A_360 = tpu.memref_slice %arg21[%add3A_98, %dma_start3A_359] : memref<10000x32xf32, #tpu.memory_space<vmem_shared>> -> memref<125x32xf32, #tpu.memory_space<vmem_shared>>
      tpu.enqueue_dma source(%arg20 : memref<125x32xf32, #tpu.memory_space<vmem>>) target(%dma_start3A_360 : memref<125x32xf32, #tpu.memory_space<vmem_shared>>) target_semaphore(%run_scoped3A_356 : memref<!tpu.dma_semaphore, #tpu.memory_space<semaphore_mem>>)
      %dma_wait3A_361 = arith.constant 0 : i32
      %dma_wait3A_362 = tpu.memref_slice %arg21[%add3A_98, %dma_wait3A_361] : memref<10000x32xf32, #tpu.memory_space<vmem_shared>> -> memref<125x32xf32, #tpu.memory_space<vmem_shared>>
      %dma_wait3A_363 = arith.constant 0 : i32
      %dma_wait3A_364 = tpu.memref_slice %arg21[%add3A_98, %dma_wait3A_363] : memref<10000x32xf32, #tpu.memory_space<vmem_shared>> -> memref<125x32xf32, #tpu.memory_space<vmem_shared>>
      tpu.wait_dma2 semaphore(%run_scoped3A_356 : memref<!tpu.dma_semaphore, #tpu.memory_space<semaphore_mem>>) src(%arg20 : memref<125x32xf32, #tpu.memory_space<vmem>>) dst(%dma_wait3A_364 : memref<125x32xf32, #tpu.memory_space<vmem_shared>>)
      tpu.yield
    }) : () -> ()
    %add3A_99 = arith.constant 375 : i32
    %add3A_100 = arith.addi %mul3A_2, %add3A_99 : i32
    "tpu.region"() ({
      %run_scoped3A_356 = tpu.sem_alloc : memref<!tpu.dma_semaphore, #tpu.memory_space<semaphore_mem>>
      %dma_start3A_357 = arith.constant 0 : i32
      %dma_start3A_358 = tpu.memref_slice %arg21[%add3A_100, %dma_start3A_357] : memref<10000x32xf32, #tpu.memory_space<vmem_shared>> -> memref<125x32xf32, #tpu.memory_space<vmem_shared>>
      %dma_start3A_359 = arith.constant 0 : i32
      %dma_start3A_360 = tpu.memref_slice %arg21[%add3A_100, %dma_start3A_359] : memref<10000x32xf32, #tpu.memory_space<vmem_shared>> -> memref<125x32xf32, #tpu.memory_space<vmem_shared>>
      tpu.enqueue_dma source(%arg20 : memref<125x32xf32, #tpu.memory_space<vmem>>) target(%dma_start3A_360 : memref<125x32xf32, #tpu.memory_space<vmem_shared>>) target_semaphore(%run_scoped3A_356 : memref<!tpu.dma_semaphore, #tpu.memory_space<semaphore_mem>>)
      %dma_wait3A_361 = arith.constant 0 : i32
      %dma_wait3A_362 = tpu.memref_slice %arg21[%add3A_100, %dma_wait3A_361] : memref<10000x32xf32, #tpu.memory_space<vmem_shared>> -> memref<125x32xf32, #tpu.memory_space<vmem_shared>>
      %dma_wait3A_363 = arith.constant 0 : i32
      %dma_wait3A_364 = tpu.memref_slice %arg21[%add3A_100, %dma_wait3A_363] : memref<10000x32xf32, #tpu.memory_space<vmem_shared>> -> memref<125x32xf32, #tpu.memory_space<vmem_shared>>
      tpu.wait_dma2 semaphore(%run_scoped3A_356 : memref<!tpu.dma_semaphore, #tpu.memory_space<semaphore_mem>>) src(%arg20 : memref<125x32xf32, #tpu.memory_space<vmem>>) dst(%dma_wait3A_364 : memref<125x32xf32, #tpu.memory_space<vmem_shared>>)
      tpu.yield
    }) : () -> ()
    %add3A_101 = arith.constant 500 : i32
    %add3A_102 = arith.addi %mul3A_2, %add3A_101 : i32
    "tpu.region"() ({
      %run_scoped3A_356 = tpu.sem_alloc : memref<!tpu.dma_semaphore, #tpu.memory_space<semaphore_mem>>
      %dma_start3A_357 = arith.constant 0 : i32
      %dma_start3A_358 = tpu.memref_slice %arg21[%add3A_102, %dma_start3A_357] : memref<10000x32xf32, #tpu.memory_space<vmem_shared>> -> memref<125x32xf32, #tpu.memory_space<vmem_shared>>
      %dma_start3A_359 = arith.constant 0 : i32
      %dma_start3A_360 = tpu.memref_slice %arg21[%add3A_102, %dma_start3A_359] : memref<10000x32xf32, #tpu.memory_space<vmem_shared>> -> memref<125x32xf32, #tpu.memory_space<vmem_shared>>
      tpu.enqueue_dma source(%arg20 : memref<125x32xf32, #tpu.memory_space<vmem>>) target(%dma_start3A_360 : memref<125x32xf32, #tpu.memory_space<vmem_shared>>) target_semaphore(%run_scoped3A_356 : memref<!tpu.dma_semaphore, #tpu.memory_space<semaphore_mem>>)
      %dma_wait3A_361 = arith.constant 0 : i32
      %dma_wait3A_362 = tpu.memref_slice %arg21[%add3A_102, %dma_wait3A_361] : memref<10000x32xf32, #tpu.memory_space<vmem_shared>> -> memref<125x32xf32, #tpu.memory_space<vmem_shared>>
      %dma_wait3A_363 = arith.constant 0 : i32
      %dma_wait3A_364 = tpu.memref_slice %arg21[%add3A_102, %dma_wait3A_363] : memref<10000x32xf32, #tpu.memory_space<vmem_shared>> -> memref<125x32xf32, #tpu.memory_space<vmem_shared>>
      tpu.wait_dma2 semaphore(%run_scoped3A_356 : memref<!tpu.dma_semaphore, #tpu.memory_space<semaphore_mem>>) src(%arg20 : memref<125x32xf32, #tpu.memory_space<vmem>>) dst(%dma_wait3A_364 : memref<125x32xf32, #tpu.memory_space<vmem_shared>>)
      tpu.yield
    }) : () -> ()
    %barrier3A = arith.constant 0 : index
    tpu.barrier barrier_id(%barrier3A)
    %dma_start3A = arith.constant 0 : i32
    %dma_start3A_103 = arith.constant 0 : i32
    %dma_start3A_104 = tpu.memref_slice %arg6[%dma_start3A, %dma_start3A_103] : memref<78x128xi32, #tpu.memory_space<vmem>> -> memref<1x128xi32, #tpu.memory_space<vmem>>
    %dma_start3A_105 = tpu.memref_squeeze %dma_start3A_104 : memref<1x128xi32, #tpu.memory_space<vmem>> -> memref<128xi32, #tpu.memory_space<vmem>>
    %dma_start3A_106 = arith.constant 0 : i32
    %dma_start3A_107 = arith.constant 0 : i32
    %dma_start3A_108 = tpu.memref_slice %arg2[%dma_start3A_106, %dma_start3A_107] : memref<10000x32xf32, #tpu.memory_space<hbm>> -> memref<10000x32xf32, #tpu.memory_space<hbm>>
    tpu.enqueue_indirect_dma source(%dma_start3A_108 : memref<10000x32xf32, #tpu.memory_space<hbm>>) target(%arg11 : memref<128x32xf32, #tpu.memory_space<vmem>>) offsets(%dma_start3A_105 : memref<128xi32, #tpu.memory_space<vmem>>) semaphore(%arg22 : memref<!tpu.dma_semaphore, #tpu.memory_space<semaphore_mem>>)
    %dma_start3A_109 = arith.constant 1 : i32
    %dma_start3A_110 = arith.constant 0 : i32
    %dma_start3A_111 = tpu.memref_slice %arg6[%dma_start3A_109, %dma_start3A_110] : memref<78x128xi32, #tpu.memory_space<vmem>> -> memref<1x128xi32, #tpu.memory_space<vmem>>
    %dma_start3A_112 = tpu.memref_squeeze %dma_start3A_111 : memref<1x128xi32, #tpu.memory_space<vmem>> -> memref<128xi32, #tpu.memory_space<vmem>>
    %dma_start3A_113 = arith.constant 0 : i32
    %dma_start3A_114 = arith.constant 0 : i32
    %dma_start3A_115 = tpu.memref_slice %arg2[%dma_start3A_113, %dma_start3A_114] : memref<10000x32xf32, #tpu.memory_space<hbm>> -> memref<10000x32xf32, #tpu.memory_space<hbm>>
    tpu.enqueue_indirect_dma source(%dma_start3A_115 : memref<10000x32xf32, #tpu.memory_space<hbm>>) target(%arg12 : memref<128x32xf32, #tpu.memory_space<vmem>>) offsets(%dma_start3A_112 : memref<128xi32, #tpu.memory_space<vmem>>) semaphore(%arg23 : memref<!tpu.dma_semaphore, #tpu.memory_space<semaphore_mem>>)
    %dma_start3A_116 = arith.constant 2 : i32
    %dma_start3A_117 = arith.constant 0 : i32
    %dma_start3A_118 = tpu.memref_slice %arg6[%dma_start3A_116, %dma_start3A_117] : memref<78x128xi32, #tpu.memory_space<vmem>> -> memref<1x128xi32, #tpu.memory_space<vmem>>
    %dma_start3A_119 = tpu.memref_squeeze %dma_start3A_118 : memref<1x128xi32, #tpu.memory_space<vmem>> -> memref<128xi32, #tpu.memory_space<vmem>>
    %dma_start3A_120 = arith.constant 0 : i32
    %dma_start3A_121 = arith.constant 0 : i32
    %dma_start3A_122 = tpu.memref_slice %arg2[%dma_start3A_120, %dma_start3A_121] : memref<10000x32xf32, #tpu.memory_space<hbm>> -> memref<10000x32xf32, #tpu.memory_space<hbm>>
    tpu.enqueue_indirect_dma source(%dma_start3A_122 : memref<10000x32xf32, #tpu.memory_space<hbm>>) target(%arg13 : memref<128x32xf32, #tpu.memory_space<vmem>>) offsets(%dma_start3A_119 : memref<128xi32, #tpu.memory_space<vmem>>) semaphore(%arg24 : memref<!tpu.dma_semaphore, #tpu.memory_space<semaphore_mem>>)
    %dma_start3A_123 = arith.constant 3 : i32
    %dma_start3A_124 = arith.constant 0 : i32
    %dma_start3A_125 = tpu.memref_slice %arg6[%dma_start3A_123, %dma_start3A_124] : memref<78x128xi32, #tpu.memory_space<vmem>> -> memref<1x128xi32, #tpu.memory_space<vmem>>
    %dma_start3A_126 = tpu.memref_squeeze %dma_start3A_125 : memref<1x128xi32, #tpu.memory_space<vmem>> -> memref<128xi32, #tpu.memory_space<vmem>>
    %dma_start3A_127 = arith.constant 0 : i32
    %dma_start3A_128 = arith.constant 0 : i32
    %dma_start3A_129 = tpu.memref_slice %arg2[%dma_start3A_127, %dma_start3A_128] : memref<10000x32xf32, #tpu.memory_space<hbm>> -> memref<10000x32xf32, #tpu.memory_space<hbm>>
    tpu.enqueue_indirect_dma source(%dma_start3A_129 : memref<10000x32xf32, #tpu.memory_space<hbm>>) target(%arg14 : memref<128x32xf32, #tpu.memory_space<vmem>>) offsets(%dma_start3A_126 : memref<128xi32, #tpu.memory_space<vmem>>) semaphore(%arg25 : memref<!tpu.dma_semaphore, #tpu.memory_space<semaphore_mem>>)
    %dma_start3A_130 = arith.constant 4 : i32
    %dma_start3A_131 = arith.constant 0 : i32
    %dma_start3A_132 = tpu.memref_slice %arg6[%dma_start3A_130, %dma_start3A_131] : memref<78x128xi32, #tpu.memory_space<vmem>> -> memref<1x128xi32, #tpu.memory_space<vmem>>
    %dma_start3A_133 = tpu.memref_squeeze %dma_start3A_132 : memref<1x128xi32, #tpu.memory_space<vmem>> -> memref<128xi32, #tpu.memory_space<vmem>>
    %dma_start3A_134 = arith.constant 0 : i32
    %dma_start3A_135 = arith.constant 0 : i32
    %dma_start3A_136 = tpu.memref_slice %arg2[%dma_start3A_134, %dma_start3A_135] : memref<10000x32xf32, #tpu.memory_space<hbm>> -> memref<10000x32xf32, #tpu.memory_space<hbm>>
    tpu.enqueue_indirect_dma source(%dma_start3A_136 : memref<10000x32xf32, #tpu.memory_space<hbm>>) target(%arg15 : memref<128x32xf32, #tpu.memory_space<vmem>>) offsets(%dma_start3A_133 : memref<128xi32, #tpu.memory_space<vmem>>) semaphore(%arg26 : memref<!tpu.dma_semaphore, #tpu.memory_space<semaphore_mem>>)
    %dma_start3A_137 = arith.constant 5 : i32
    %dma_start3A_138 = arith.constant 0 : i32
    %dma_start3A_139 = tpu.memref_slice %arg6[%dma_start3A_137, %dma_start3A_138] : memref<78x128xi32, #tpu.memory_space<vmem>> -> memref<1x128xi32, #tpu.memory_space<vmem>>
    %dma_start3A_140 = tpu.memref_squeeze %dma_start3A_139 : memref<1x128xi32, #tpu.memory_space<vmem>> -> memref<128xi32, #tpu.memory_space<vmem>>
    %dma_start3A_141 = arith.constant 0 : i32
    %dma_start3A_142 = arith.constant 0 : i32
    %dma_start3A_143 = tpu.memref_slice %arg2[%dma_start3A_141, %dma_start3A_142] : memref<10000x32xf32, #tpu.memory_space<hbm>> -> memref<10000x32xf32, #tpu.memory_space<hbm>>
    tpu.enqueue_indirect_dma source(%dma_start3A_143 : memref<10000x32xf32, #tpu.memory_space<hbm>>) target(%arg16 : memref<128x32xf32, #tpu.memory_space<vmem>>) offsets(%dma_start3A_140 : memref<128xi32, #tpu.memory_space<vmem>>) semaphore(%arg27 : memref<!tpu.dma_semaphore, #tpu.memory_space<semaphore_mem>>)
    %dma_start3A_144 = arith.constant 6 : i32
    %dma_start3A_145 = arith.constant 0 : i32
    %dma_start3A_146 = tpu.memref_slice %arg6[%dma_start3A_144, %dma_start3A_145] : memref<78x128xi32, #tpu.memory_space<vmem>> -> memref<1x128xi32, #tpu.memory_space<vmem>>
    %dma_start3A_147 = tpu.memref_squeeze %dma_start3A_146 : memref<1x128xi32, #tpu.memory_space<vmem>> -> memref<128xi32, #tpu.memory_space<vmem>>
    %dma_start3A_148 = arith.constant 0 : i32
    %dma_start3A_149 = arith.constant 0 : i32
    %dma_start3A_150 = tpu.memref_slice %arg2[%dma_start3A_148, %dma_start3A_149] : memref<10000x32xf32, #tpu.memory_space<hbm>> -> memref<10000x32xf32, #tpu.memory_space<hbm>>
    tpu.enqueue_indirect_dma source(%dma_start3A_150 : memref<10000x32xf32, #tpu.memory_space<hbm>>) target(%arg17 : memref<128x32xf32, #tpu.memory_space<vmem>>) offsets(%dma_start3A_147 : memref<128xi32, #tpu.memory_space<vmem>>) semaphore(%arg28 : memref<!tpu.dma_semaphore, #tpu.memory_space<semaphore_mem>>)
    %dma_start3A_151 = arith.constant 7 : i32
    %dma_start3A_152 = arith.constant 0 : i32
    %dma_start3A_153 = tpu.memref_slice %arg6[%dma_start3A_151, %dma_start3A_152] : memref<78x128xi32, #tpu.memory_space<vmem>> -> memref<1x128xi32, #tpu.memory_space<vmem>>
    %dma_start3A_154 = tpu.memref_squeeze %dma_start3A_153 : memref<1x128xi32, #tpu.memory_space<vmem>> -> memref<128xi32, #tpu.memory_space<vmem>>
    %dma_start3A_155 = arith.constant 0 : i32
    %dma_start3A_156 = arith.constant 0 : i32
    %dma_start3A_157 = tpu.memref_slice %arg2[%dma_start3A_155, %dma_start3A_156] : memref<10000x32xf32, #tpu.memory_space<hbm>> -> memref<10000x32xf32, #tpu.memory_space<hbm>>
    tpu.enqueue_indirect_dma source(%dma_start3A_157 : memref<10000x32xf32, #tpu.memory_space<hbm>>) target(%arg18 : memref<128x32xf32, #tpu.memory_space<vmem>>) offsets(%dma_start3A_154 : memref<128xi32, #tpu.memory_space<vmem>>) semaphore(%arg29 : memref<!tpu.dma_semaphore, #tpu.memory_space<semaphore_mem>>)
    %scan3A_158 = arith.constant 0 : i32
    %scan3A_159 = arith.constant 8 : i32
    %scan3A_160 = arith.addi %scan3A_158, %scan3A_159 : i32
    %scan3A_161 = arith.constant 1 : i32
    scf.for %scan3A_356 = %scan3A_158 to %scan3A_160 step %scan3A_161  : i32 {
      %mul3A_357 = arith.constant 1 : i32
      %mul3A_358 = arith.muli %scan3A_356, %mul3A_357 : i32
      %add3A_359 = arith.constant 0 : i32
      %add3A_360 = arith.addi %add3A_359, %mul3A_358 : i32
      %mul3A_361 = arith.constant 8 : i32
      %mul3A_362 = arith.muli %add3A_360, %mul3A_361 : i32
      %add3A_363 = arith.constant 0 : i32
      %add3A_364 = arith.addi %mul3A_362, %add3A_363 : i32
      %dma_wait3A_365 = arith.constant 0 : i32
      %dma_wait3A_366 = tpu.memref_slice %arg6[%add3A_364, %dma_wait3A_365] : memref<78x128xi32, #tpu.memory_space<vmem>> -> memref<1x128xi32, #tpu.memory_space<vmem>>
      %dma_wait3A_367 = tpu.memref_squeeze %dma_wait3A_366 : memref<1x128xi32, #tpu.memory_space<vmem>> -> memref<128xi32, #tpu.memory_space<vmem>>
      %dma_wait3A_368 = arith.constant 0 : i32
      %dma_wait3A_369 = arith.constant 0 : i32
      %dma_wait3A_370 = tpu.memref_slice %arg2[%dma_wait3A_368, %dma_wait3A_369] : memref<10000x32xf32, #tpu.memory_space<hbm>> -> memref<10000x32xf32, #tpu.memory_space<hbm>>
      tpu.wait_indirect_dma semaphore(%arg22 : memref<!tpu.dma_semaphore, #tpu.memory_space<semaphore_mem>>) src(%dma_wait3A_370 : memref<10000x32xf32, #tpu.memory_space<hbm>>) dst(%arg11 : memref<128x32xf32, #tpu.memory_space<vmem>>)
      "tpu.region"() ({
        %run_scoped3A_505 = tpu.sem_alloc : memref<!tpu.dma_semaphore, #tpu.memory_space<semaphore_mem>>
        %dma_start3A_506 = arith.constant 0 : i32
        %dma_start3A_507 = tpu.memref_slice %arg7[%add3A_364, %dma_start3A_506] : memref<78x128xi32, #tpu.memory_space<vmem>> -> memref<1x128xi32, #tpu.memory_space<vmem>>
        %dma_start3A_508 = tpu.memref_squeeze %dma_start3A_507 : memref<1x128xi32, #tpu.memory_space<vmem>> -> memref<128xi32, #tpu.memory_space<vmem>>
        %dma_start3A_509 = arith.constant 0 : i32
        %dma_start3A_510 = arith.constant 0 : i32
        %dma_start3A_511 = tpu.memref_slice %arg21[%dma_start3A_509, %dma_start3A_510] : memref<10000x32xf32, #tpu.memory_space<vmem_shared>> -> memref<10000x32xf32, #tpu.memory_space<vmem_shared>>
        tpu.enqueue_indirect_dma source(%arg11 : memref<128x32xf32, #tpu.memory_space<vmem>>) target(%dma_start3A_511 : memref<10000x32xf32, #tpu.memory_space<vmem_shared>>) offsets(%dma_start3A_508 : memref<128xi32, #tpu.memory_space<vmem>>) semaphore(%run_scoped3A_505 : memref<!tpu.dma_semaphore, #tpu.memory_space<semaphore_mem>>) {add = true}
        %dma_wait3A_512 = arith.constant 0 : i32
        %dma_wait3A_513 = tpu.memref_slice %arg7[%add3A_364, %dma_wait3A_512] : memref<78x128xi32, #tpu.memory_space<vmem>> -> memref<1x128xi32, #tpu.memory_space<vmem>>
        %dma_wait3A_514 = tpu.memref_squeeze %dma_wait3A_513 : memref<1x128xi32, #tpu.memory_space<vmem>> -> memref<128xi32, #tpu.memory_space<vmem>>
        %dma_wait3A_515 = arith.constant 0 : i32
        %dma_wait3A_516 = arith.constant 0 : i32
        %dma_wait3A_517 = tpu.memref_slice %arg21[%dma_wait3A_515, %dma_wait3A_516] : memref<10000x32xf32, #tpu.memory_space<vmem_shared>> -> memref<10000x32xf32, #tpu.memory_space<vmem_shared>>
        tpu.wait_indirect_dma semaphore(%run_scoped3A_505 : memref<!tpu.dma_semaphore, #tpu.memory_space<semaphore_mem>>) src(%arg11 : memref<128x32xf32, #tpu.memory_space<vmem>>) dst(%dma_wait3A_517 : memref<10000x32xf32, #tpu.memory_space<vmem_shared>>)
        tpu.yield
      }) : () -> ()
      %add3A_371 = arith.constant 8 : i32
      %add3A_372 = arith.addi %add3A_364, %add3A_371 : i32
      %dma_start3A_373 = arith.constant 0 : i32
      %dma_start3A_374 = tpu.memref_slice %arg6[%add3A_372, %dma_start3A_373] : memref<78x128xi32, #tpu.memory_space<vmem>> -> memref<1x128xi32, #tpu.memory_space<vmem>>
      %dma_start3A_375 = tpu.memref_squeeze %dma_start3A_374 : memref<1x128xi32, #tpu.memory_space<vmem>> -> memref<128xi32, #tpu.memory_space<vmem>>
      %dma_start3A_376 = arith.constant 0 : i32
      %dma_start3A_377 = arith.constant 0 : i32
      %dma_start3A_378 = tpu.memref_slice %arg2[%dma_start3A_376, %dma_start3A_377] : memref<10000x32xf32, #tpu.memory_space<hbm>> -> memref<10000x32xf32, #tpu.memory_space<hbm>>
      tpu.enqueue_indirect_dma source(%dma_start3A_378 : memref<10000x32xf32, #tpu.memory_space<hbm>>) target(%arg11 : memref<128x32xf32, #tpu.memory_space<vmem>>) offsets(%dma_start3A_375 : memref<128xi32, #tpu.memory_space<vmem>>) semaphore(%arg22 : memref<!tpu.dma_semaphore, #tpu.memory_space<semaphore_mem>>)
      %mul3A_379 = arith.constant 8 : i32
      %mul3A_380 = arith.muli %add3A_360, %mul3A_379 : i32
      %add3A_381 = arith.constant 1 : i32
      %add3A_382 = arith.addi %mul3A_380, %add3A_381 : i32
      %dma_wait3A_383 = arith.constant 0 : i32
      %dma_wait3A_384 = tpu.memref_slice %arg6[%add3A_382, %dma_wait3A_383] : memref<78x128xi32, #tpu.memory_space<vmem>> -> memref<1x128xi32, #tpu.memory_space<vmem>>
      %dma_wait3A_385 = tpu.memref_squeeze %dma_wait3A_384 : memref<1x128xi32, #tpu.memory_space<vmem>> -> memref<128xi32, #tpu.memory_space<vmem>>
      %dma_wait3A_386 = arith.constant 0 : i32
      %dma_wait3A_387 = arith.constant 0 : i32
      %dma_wait3A_388 = tpu.memref_slice %arg2[%dma_wait3A_386, %dma_wait3A_387] : memref<10000x32xf32, #tpu.memory_space<hbm>> -> memref<10000x32xf32, #tpu.memory_space<hbm>>
      tpu.wait_indirect_dma semaphore(%arg23 : memref<!tpu.dma_semaphore, #tpu.memory_space<semaphore_mem>>) src(%dma_wait3A_388 : memref<10000x32xf32, #tpu.memory_space<hbm>>) dst(%arg12 : memref<128x32xf32, #tpu.memory_space<vmem>>)
      "tpu.region"() ({
        %run_scoped3A_505 = tpu.sem_alloc : memref<!tpu.dma_semaphore, #tpu.memory_space<semaphore_mem>>
        %dma_start3A_506 = arith.constant 0 : i32
        %dma_start3A_507 = tpu.memref_slice %arg7[%add3A_382, %dma_start3A_506] : memref<78x128xi32, #tpu.memory_space<vmem>> -> memref<1x128xi32, #tpu.memory_space<vmem>>
        %dma_start3A_508 = tpu.memref_squeeze %dma_start3A_507 : memref<1x128xi32, #tpu.memory_space<vmem>> -> memref<128xi32, #tpu.memory_space<vmem>>
        %dma_start3A_509 = arith.constant 0 : i32
        %dma_start3A_510 = arith.constant 0 : i32
        %dma_start3A_511 = tpu.memref_slice %arg21[%dma_start3A_509, %dma_start3A_510] : memref<10000x32xf32, #tpu.memory_space<vmem_shared>> -> memref<10000x32xf32, #tpu.memory_space<vmem_shared>>
        tpu.enqueue_indirect_dma source(%arg12 : memref<128x32xf32, #tpu.memory_space<vmem>>) target(%dma_start3A_511 : memref<10000x32xf32, #tpu.memory_space<vmem_shared>>) offsets(%dma_start3A_508 : memref<128xi32, #tpu.memory_space<vmem>>) semaphore(%run_scoped3A_505 : memref<!tpu.dma_semaphore, #tpu.memory_space<semaphore_mem>>) {add = true}
        %dma_wait3A_512 = arith.constant 0 : i32
        %dma_wait3A_513 = tpu.memref_slice %arg7[%add3A_382, %dma_wait3A_512] : memref<78x128xi32, #tpu.memory_space<vmem>> -> memref<1x128xi32, #tpu.memory_space<vmem>>
        %dma_wait3A_514 = tpu.memref_squeeze %dma_wait3A_513 : memref<1x128xi32, #tpu.memory_space<vmem>> -> memref<128xi32, #tpu.memory_space<vmem>>
        %dma_wait3A_515 = arith.constant 0 : i32
        %dma_wait3A_516 = arith.constant 0 : i32
        %dma_wait3A_517 = tpu.memref_slice %arg21[%dma_wait3A_515, %dma_wait3A_516] : memref<10000x32xf32, #tpu.memory_space<vmem_shared>> -> memref<10000x32xf32, #tpu.memory_space<vmem_shared>>
        tpu.wait_indirect_dma semaphore(%run_scoped3A_505 : memref<!tpu.dma_semaphore, #tpu.memory_space<semaphore_mem>>) src(%arg12 : memref<128x32xf32, #tpu.memory_space<vmem>>) dst(%dma_wait3A_517 : memref<10000x32xf32, #tpu.memory_space<vmem_shared>>)
        tpu.yield
      }) : () -> ()
      %add3A_389 = arith.constant 8 : i32
      %add3A_390 = arith.addi %add3A_382, %add3A_389 : i32
      %dma_start3A_391 = arith.constant 0 : i32
      %dma_start3A_392 = tpu.memref_slice %arg6[%add3A_390, %dma_start3A_391] : memref<78x128xi32, #tpu.memory_space<vmem>> -> memref<1x128xi32, #tpu.memory_space<vmem>>
      %dma_start3A_393 = tpu.memref_squeeze %dma_start3A_392 : memref<1x128xi32, #tpu.memory_space<vmem>> -> memref<128xi32, #tpu.memory_space<vmem>>
      %dma_start3A_394 = arith.constant 0 : i32
      %dma_start3A_395 = arith.constant 0 : i32
      %dma_start3A_396 = tpu.memref_slice %arg2[%dma_start3A_394, %dma_start3A_395] : memref<10000x32xf32, #tpu.memory_space<hbm>> -> memref<10000x32xf32, #tpu.memory_space<hbm>>
      tpu.enqueue_indirect_dma source(%dma_start3A_396 : memref<10000x32xf32, #tpu.memory_space<hbm>>) target(%arg12 : memref<128x32xf32, #tpu.memory_space<vmem>>) offsets(%dma_start3A_393 : memref<128xi32, #tpu.memory_space<vmem>>) semaphore(%arg23 : memref<!tpu.dma_semaphore, #tpu.memory_space<semaphore_mem>>)
      %mul3A_397 = arith.constant 8 : i32
      %mul3A_398 = arith.muli %add3A_360, %mul3A_397 : i32
      %add3A_399 = arith.constant 2 : i32
      %add3A_400 = arith.addi %mul3A_398, %add3A_399 : i32
      %dma_wait3A_401 = arith.constant 0 : i32
      %dma_wait3A_402 = tpu.memref_slice %arg6[%add3A_400, %dma_wait3A_401] : memref<78x128xi32, #tpu.memory_space<vmem>> -> memref<1x128xi32, #tpu.memory_space<vmem>>
      %dma_wait3A_403 = tpu.memref_squeeze %dma_wait3A_402 : memref<1x128xi32, #tpu.memory_space<vmem>> -> memref<128xi32, #tpu.memory_space<vmem>>
      %dma_wait3A_404 = arith.constant 0 : i32
      %dma_wait3A_405 = arith.constant 0 : i32
      %dma_wait3A_406 = tpu.memref_slice %arg2[%dma_wait3A_404, %dma_wait3A_405] : memref<10000x32xf32, #tpu.memory_space<hbm>> -> memref<10000x32xf32, #tpu.memory_space<hbm>>
      tpu.wait_indirect_dma semaphore(%arg24 : memref<!tpu.dma_semaphore, #tpu.memory_space<semaphore_mem>>) src(%dma_wait3A_406 : memref<10000x32xf32, #tpu.memory_space<hbm>>) dst(%arg13 : memref<128x32xf32, #tpu.memory_space<vmem>>)
      "tpu.region"() ({
        %run_scoped3A_505 = tpu.sem_alloc : memref<!tpu.dma_semaphore, #tpu.memory_space<semaphore_mem>>
        %dma_start3A_506 = arith.constant 0 : i32
        %dma_start3A_507 = tpu.memref_slice %arg7[%add3A_400, %dma_start3A_506] : memref<78x128xi32, #tpu.memory_space<vmem>> -> memref<1x128xi32, #tpu.memory_space<vmem>>
        %dma_start3A_508 = tpu.memref_squeeze %dma_start3A_507 : memref<1x128xi32, #tpu.memory_space<vmem>> -> memref<128xi32, #tpu.memory_space<vmem>>
        %dma_start3A_509 = arith.constant 0 : i32
        %dma_start3A_510 = arith.constant 0 : i32
        %dma_start3A_511 = tpu.memref_slice %arg21[%dma_start3A_509, %dma_start3A_510] : memref<10000x32xf32, #tpu.memory_space<vmem_shared>> -> memref<10000x32xf32, #tpu.memory_space<vmem_shared>>
        tpu.enqueue_indirect_dma source(%arg13 : memref<128x32xf32, #tpu.memory_space<vmem>>) target(%dma_start3A_511 : memref<10000x32xf32, #tpu.memory_space<vmem_shared>>) offsets(%dma_start3A_508 : memref<128xi32, #tpu.memory_space<vmem>>) semaphore(%run_scoped3A_505 : memref<!tpu.dma_semaphore, #tpu.memory_space<semaphore_mem>>) {add = true}
        %dma_wait3A_512 = arith.constant 0 : i32
        %dma_wait3A_513 = tpu.memref_slice %arg7[%add3A_400, %dma_wait3A_512] : memref<78x128xi32, #tpu.memory_space<vmem>> -> memref<1x128xi32, #tpu.memory_space<vmem>>
        %dma_wait3A_514 = tpu.memref_squeeze %dma_wait3A_513 : memref<1x128xi32, #tpu.memory_space<vmem>> -> memref<128xi32, #tpu.memory_space<vmem>>
        %dma_wait3A_515 = arith.constant 0 : i32
        %dma_wait3A_516 = arith.constant 0 : i32
        %dma_wait3A_517 = tpu.memref_slice %arg21[%dma_wait3A_515, %dma_wait3A_516] : memref<10000x32xf32, #tpu.memory_space<vmem_shared>> -> memref<10000x32xf32, #tpu.memory_space<vmem_shared>>
        tpu.wait_indirect_dma semaphore(%run_scoped3A_505 : memref<!tpu.dma_semaphore, #tpu.memory_space<semaphore_mem>>) src(%arg13 : memref<128x32xf32, #tpu.memory_space<vmem>>) dst(%dma_wait3A_517 : memref<10000x32xf32, #tpu.memory_space<vmem_shared>>)
        tpu.yield
      }) : () -> ()
      %add3A_407 = arith.constant 8 : i32
      %add3A_408 = arith.addi %add3A_400, %add3A_407 : i32
      %dma_start3A_409 = arith.constant 0 : i32
      %dma_start3A_410 = tpu.memref_slice %arg6[%add3A_408, %dma_start3A_409] : memref<78x128xi32, #tpu.memory_space<vmem>> -> memref<1x128xi32, #tpu.memory_space<vmem>>
      %dma_start3A_411 = tpu.memref_squeeze %dma_start3A_410 : memref<1x128xi32, #tpu.memory_space<vmem>> -> memref<128xi32, #tpu.memory_space<vmem>>
      %dma_start3A_412 = arith.constant 0 : i32
      %dma_start3A_413 = arith.constant 0 : i32
      %dma_start3A_414 = tpu.memref_slice %arg2[%dma_start3A_412, %dma_start3A_413] : memref<10000x32xf32, #tpu.memory_space<hbm>> -> memref<10000x32xf32, #tpu.memory_space<hbm>>
      tpu.enqueue_indirect_dma source(%dma_start3A_414 : memref<10000x32xf32, #tpu.memory_space<hbm>>) target(%arg13 : memref<128x32xf32, #tpu.memory_space<vmem>>) offsets(%dma_start3A_411 : memref<128xi32, #tpu.memory_space<vmem>>) semaphore(%arg24 : memref<!tpu.dma_semaphore, #tpu.memory_space<semaphore_mem>>)
      %mul3A_415 = arith.constant 8 : i32
      %mul3A_416 = arith.muli %add3A_360, %mul3A_415 : i32
      %add3A_417 = arith.constant 3 : i32
      %add3A_418 = arith.addi %mul3A_416, %add3A_417 : i32
      %dma_wait3A_419 = arith.constant 0 : i32
      %dma_wait3A_420 = tpu.memref_slice %arg6[%add3A_418, %dma_wait3A_419] : memref<78x128xi32, #tpu.memory_space<vmem>> -> memref<1x128xi32, #tpu.memory_space<vmem>>
      %dma_wait3A_421 = tpu.memref_squeeze %dma_wait3A_420 : memref<1x128xi32, #tpu.memory_space<vmem>> -> memref<128xi32, #tpu.memory_space<vmem>>
      %dma_wait3A_422 = arith.constant 0 : i32
      %dma_wait3A_423 = arith.constant 0 : i32
      %dma_wait3A_424 = tpu.memref_slice %arg2[%dma_wait3A_422, %dma_wait3A_423] : memref<10000x32xf32, #tpu.memory_space<hbm>> -> memref<10000x32xf32, #tpu.memory_space<hbm>>
      tpu.wait_indirect_dma semaphore(%arg25 : memref<!tpu.dma_semaphore, #tpu.memory_space<semaphore_mem>>) src(%dma_wait3A_424 : memref<10000x32xf32, #tpu.memory_space<hbm>>) dst(%arg14 : memref<128x32xf32, #tpu.memory_space<vmem>>)
      "tpu.region"() ({
        %run_scoped3A_505 = tpu.sem_alloc : memref<!tpu.dma_semaphore, #tpu.memory_space<semaphore_mem>>
        %dma_start3A_506 = arith.constant 0 : i32
        %dma_start3A_507 = tpu.memref_slice %arg7[%add3A_418, %dma_start3A_506] : memref<78x128xi32, #tpu.memory_space<vmem>> -> memref<1x128xi32, #tpu.memory_space<vmem>>
        %dma_start3A_508 = tpu.memref_squeeze %dma_start3A_507 : memref<1x128xi32, #tpu.memory_space<vmem>> -> memref<128xi32, #tpu.memory_space<vmem>>
        %dma_start3A_509 = arith.constant 0 : i32
        %dma_start3A_510 = arith.constant 0 : i32
        %dma_start3A_511 = tpu.memref_slice %arg21[%dma_start3A_509, %dma_start3A_510] : memref<10000x32xf32, #tpu.memory_space<vmem_shared>> -> memref<10000x32xf32, #tpu.memory_space<vmem_shared>>
        tpu.enqueue_indirect_dma source(%arg14 : memref<128x32xf32, #tpu.memory_space<vmem>>) target(%dma_start3A_511 : memref<10000x32xf32, #tpu.memory_space<vmem_shared>>) offsets(%dma_start3A_508 : memref<128xi32, #tpu.memory_space<vmem>>) semaphore(%run_scoped3A_505 : memref<!tpu.dma_semaphore, #tpu.memory_space<semaphore_mem>>) {add = true}
        %dma_wait3A_512 = arith.constant 0 : i32
        %dma_wait3A_513 = tpu.memref_slice %arg7[%add3A_418, %dma_wait3A_512] : memref<78x128xi32, #tpu.memory_space<vmem>> -> memref<1x128xi32, #tpu.memory_space<vmem>>
        %dma_wait3A_514 = tpu.memref_squeeze %dma_wait3A_513 : memref<1x128xi32, #tpu.memory_space<vmem>> -> memref<128xi32, #tpu.memory_space<vmem>>
        %dma_wait3A_515 = arith.constant 0 : i32
        %dma_wait3A_516 = arith.constant 0 : i32
        %dma_wait3A_517 = tpu.memref_slice %arg21[%dma_wait3A_515, %dma_wait3A_516] : memref<10000x32xf32, #tpu.memory_space<vmem_shared>> -> memref<10000x32xf32, #tpu.memory_space<vmem_shared>>
        tpu.wait_indirect_dma semaphore(%run_scoped3A_505 : memref<!tpu.dma_semaphore, #tpu.memory_space<semaphore_mem>>) src(%arg14 : memref<128x32xf32, #tpu.memory_space<vmem>>) dst(%dma_wait3A_517 : memref<10000x32xf32, #tpu.memory_space<vmem_shared>>)
        tpu.yield
      }) : () -> ()
      %add3A_425 = arith.constant 8 : i32
      %add3A_426 = arith.addi %add3A_418, %add3A_425 : i32
      %dma_start3A_427 = arith.constant 0 : i32
      %dma_start3A_428 = tpu.memref_slice %arg6[%add3A_426, %dma_start3A_427] : memref<78x128xi32, #tpu.memory_space<vmem>> -> memref<1x128xi32, #tpu.memory_space<vmem>>
      %dma_start3A_429 = tpu.memref_squeeze %dma_start3A_428 : memref<1x128xi32, #tpu.memory_space<vmem>> -> memref<128xi32, #tpu.memory_space<vmem>>
      %dma_start3A_430 = arith.constant 0 : i32
      %dma_start3A_431 = arith.constant 0 : i32
      %dma_start3A_432 = tpu.memref_slice %arg2[%dma_start3A_430, %dma_start3A_431] : memref<10000x32xf32, #tpu.memory_space<hbm>> -> memref<10000x32xf32, #tpu.memory_space<hbm>>
      tpu.enqueue_indirect_dma source(%dma_start3A_432 : memref<10000x32xf32, #tpu.memory_space<hbm>>) target(%arg14 : memref<128x32xf32, #tpu.memory_space<vmem>>) offsets(%dma_start3A_429 : memref<128xi32, #tpu.memory_space<vmem>>) semaphore(%arg25 : memref<!tpu.dma_semaphore, #tpu.memory_space<semaphore_mem>>)
      %mul3A_433 = arith.constant 8 : i32
      %mul3A_434 = arith.muli %add3A_360, %mul3A_433 : i32
      %add3A_435 = arith.constant 4 : i32
      %add3A_436 = arith.addi %mul3A_434, %add3A_435 : i32
      %dma_wait3A_437 = arith.constant 0 : i32
      %dma_wait3A_438 = tpu.memref_slice %arg6[%add3A_436, %dma_wait3A_437] : memref<78x128xi32, #tpu.memory_space<vmem>> -> memref<1x128xi32, #tpu.memory_space<vmem>>
      %dma_wait3A_439 = tpu.memref_squeeze %dma_wait3A_438 : memref<1x128xi32, #tpu.memory_space<vmem>> -> memref<128xi32, #tpu.memory_space<vmem>>
      %dma_wait3A_440 = arith.constant 0 : i32
      %dma_wait3A_441 = arith.constant 0 : i32
      %dma_wait3A_442 = tpu.memref_slice %arg2[%dma_wait3A_440, %dma_wait3A_441] : memref<10000x32xf32, #tpu.memory_space<hbm>> -> memref<10000x32xf32, #tpu.memory_space<hbm>>
      tpu.wait_indirect_dma semaphore(%arg26 : memref<!tpu.dma_semaphore, #tpu.memory_space<semaphore_mem>>) src(%dma_wait3A_442 : memref<10000x32xf32, #tpu.memory_space<hbm>>) dst(%arg15 : memref<128x32xf32, #tpu.memory_space<vmem>>)
      "tpu.region"() ({
        %run_scoped3A_505 = tpu.sem_alloc : memref<!tpu.dma_semaphore, #tpu.memory_space<semaphore_mem>>
        %dma_start3A_506 = arith.constant 0 : i32
        %dma_start3A_507 = tpu.memref_slice %arg7[%add3A_436, %dma_start3A_506] : memref<78x128xi32, #tpu.memory_space<vmem>> -> memref<1x128xi32, #tpu.memory_space<vmem>>
        %dma_start3A_508 = tpu.memref_squeeze %dma_start3A_507 : memref<1x128xi32, #tpu.memory_space<vmem>> -> memref<128xi32, #tpu.memory_space<vmem>>
        %dma_start3A_509 = arith.constant 0 : i32
        %dma_start3A_510 = arith.constant 0 : i32
        %dma_start3A_511 = tpu.memref_slice %arg21[%dma_start3A_509, %dma_start3A_510] : memref<10000x32xf32, #tpu.memory_space<vmem_shared>> -> memref<10000x32xf32, #tpu.memory_space<vmem_shared>>
        tpu.enqueue_indirect_dma source(%arg15 : memref<128x32xf32, #tpu.memory_space<vmem>>) target(%dma_start3A_511 : memref<10000x32xf32, #tpu.memory_space<vmem_shared>>) offsets(%dma_start3A_508 : memref<128xi32, #tpu.memory_space<vmem>>) semaphore(%run_scoped3A_505 : memref<!tpu.dma_semaphore, #tpu.memory_space<semaphore_mem>>) {add = true}
        %dma_wait3A_512 = arith.constant 0 : i32
        %dma_wait3A_513 = tpu.memref_slice %arg7[%add3A_436, %dma_wait3A_512] : memref<78x128xi32, #tpu.memory_space<vmem>> -> memref<1x128xi32, #tpu.memory_space<vmem>>
        %dma_wait3A_514 = tpu.memref_squeeze %dma_wait3A_513 : memref<1x128xi32, #tpu.memory_space<vmem>> -> memref<128xi32, #tpu.memory_space<vmem>>
        %dma_wait3A_515 = arith.constant 0 : i32
        %dma_wait3A_516 = arith.constant 0 : i32
        %dma_wait3A_517 = tpu.memref_slice %arg21[%dma_wait3A_515, %dma_wait3A_516] : memref<10000x32xf32, #tpu.memory_space<vmem_shared>> -> memref<10000x32xf32, #tpu.memory_space<vmem_shared>>
        tpu.wait_indirect_dma semaphore(%run_scoped3A_505 : memref<!tpu.dma_semaphore, #tpu.memory_space<semaphore_mem>>) src(%arg15 : memref<128x32xf32, #tpu.memory_space<vmem>>) dst(%dma_wait3A_517 : memref<10000x32xf32, #tpu.memory_space<vmem_shared>>)
        tpu.yield
      }) : () -> ()
      %add3A_443 = arith.constant 8 : i32
      %add3A_444 = arith.addi %add3A_436, %add3A_443 : i32
      %dma_start3A_445 = arith.constant 0 : i32
      %dma_start3A_446 = tpu.memref_slice %arg6[%add3A_444, %dma_start3A_445] : memref<78x128xi32, #tpu.memory_space<vmem>> -> memref<1x128xi32, #tpu.memory_space<vmem>>
      %dma_start3A_447 = tpu.memref_squeeze %dma_start3A_446 : memref<1x128xi32, #tpu.memory_space<vmem>> -> memref<128xi32, #tpu.memory_space<vmem>>
      %dma_start3A_448 = arith.constant 0 : i32
      %dma_start3A_449 = arith.constant 0 : i32
      %dma_start3A_450 = tpu.memref_slice %arg2[%dma_start3A_448, %dma_start3A_449] : memref<10000x32xf32, #tpu.memory_space<hbm>> -> memref<10000x32xf32, #tpu.memory_space<hbm>>
      tpu.enqueue_indirect_dma source(%dma_start3A_450 : memref<10000x32xf32, #tpu.memory_space<hbm>>) target(%arg15 : memref<128x32xf32, #tpu.memory_space<vmem>>) offsets(%dma_start3A_447 : memref<128xi32, #tpu.memory_space<vmem>>) semaphore(%arg26 : memref<!tpu.dma_semaphore, #tpu.memory_space<semaphore_mem>>)
      %mul3A_451 = arith.constant 8 : i32
      %mul3A_452 = arith.muli %add3A_360, %mul3A_451 : i32
      %add3A_453 = arith.constant 5 : i32
      %add3A_454 = arith.addi %mul3A_452, %add3A_453 : i32
      %dma_wait3A_455 = arith.constant 0 : i32
      %dma_wait3A_456 = tpu.memref_slice %arg6[%add3A_454, %dma_wait3A_455] : memref<78x128xi32, #tpu.memory_space<vmem>> -> memref<1x128xi32, #tpu.memory_space<vmem>>
      %dma_wait3A_457 = tpu.memref_squeeze %dma_wait3A_456 : memref<1x128xi32, #tpu.memory_space<vmem>> -> memref<128xi32, #tpu.memory_space<vmem>>
      %dma_wait3A_458 = arith.constant 0 : i32
      %dma_wait3A_459 = arith.constant 0 : i32
      %dma_wait3A_460 = tpu.memref_slice %arg2[%dma_wait3A_458, %dma_wait3A_459] : memref<10000x32xf32, #tpu.memory_space<hbm>> -> memref<10000x32xf32, #tpu.memory_space<hbm>>
      tpu.wait_indirect_dma semaphore(%arg27 : memref<!tpu.dma_semaphore, #tpu.memory_space<semaphore_mem>>) src(%dma_wait3A_460 : memref<10000x32xf32, #tpu.memory_space<hbm>>) dst(%arg16 : memref<128x32xf32, #tpu.memory_space<vmem>>)
      "tpu.region"() ({
        %run_scoped3A_505 = tpu.sem_alloc : memref<!tpu.dma_semaphore, #tpu.memory_space<semaphore_mem>>
        %dma_start3A_506 = arith.constant 0 : i32
        %dma_start3A_507 = tpu.memref_slice %arg7[%add3A_454, %dma_start3A_506] : memref<78x128xi32, #tpu.memory_space<vmem>> -> memref<1x128xi32, #tpu.memory_space<vmem>>
        %dma_start3A_508 = tpu.memref_squeeze %dma_start3A_507 : memref<1x128xi32, #tpu.memory_space<vmem>> -> memref<128xi32, #tpu.memory_space<vmem>>
        %dma_start3A_509 = arith.constant 0 : i32
        %dma_start3A_510 = arith.constant 0 : i32
        %dma_start3A_511 = tpu.memref_slice %arg21[%dma_start3A_509, %dma_start3A_510] : memref<10000x32xf32, #tpu.memory_space<vmem_shared>> -> memref<10000x32xf32, #tpu.memory_space<vmem_shared>>
        tpu.enqueue_indirect_dma source(%arg16 : memref<128x32xf32, #tpu.memory_space<vmem>>) target(%dma_start3A_511 : memref<10000x32xf32, #tpu.memory_space<vmem_shared>>) offsets(%dma_start3A_508 : memref<128xi32, #tpu.memory_space<vmem>>) semaphore(%run_scoped3A_505 : memref<!tpu.dma_semaphore, #tpu.memory_space<semaphore_mem>>) {add = true}
        %dma_wait3A_512 = arith.constant 0 : i32
        %dma_wait3A_513 = tpu.memref_slice %arg7[%add3A_454, %dma_wait3A_512] : memref<78x128xi32, #tpu.memory_space<vmem>> -> memref<1x128xi32, #tpu.memory_space<vmem>>
        %dma_wait3A_514 = tpu.memref_squeeze %dma_wait3A_513 : memref<1x128xi32, #tpu.memory_space<vmem>> -> memref<128xi32, #tpu.memory_space<vmem>>
        %dma_wait3A_515 = arith.constant 0 : i32
        %dma_wait3A_516 = arith.constant 0 : i32
        %dma_wait3A_517 = tpu.memref_slice %arg21[%dma_wait3A_515, %dma_wait3A_516] : memref<10000x32xf32, #tpu.memory_space<vmem_shared>> -> memref<10000x32xf32, #tpu.memory_space<vmem_shared>>
        tpu.wait_indirect_dma semaphore(%run_scoped3A_505 : memref<!tpu.dma_semaphore, #tpu.memory_space<semaphore_mem>>) src(%arg16 : memref<128x32xf32, #tpu.memory_space<vmem>>) dst(%dma_wait3A_517 : memref<10000x32xf32, #tpu.memory_space<vmem_shared>>)
        tpu.yield
      }) : () -> ()
      %add3A_461 = arith.constant 8 : i32
      %add3A_462 = arith.addi %add3A_454, %add3A_461 : i32
      %dma_start3A_463 = arith.constant 0 : i32
      %dma_start3A_464 = tpu.memref_slice %arg6[%add3A_462, %dma_start3A_463] : memref<78x128xi32, #tpu.memory_space<vmem>> -> memref<1x128xi32, #tpu.memory_space<vmem>>
      %dma_start3A_465 = tpu.memref_squeeze %dma_start3A_464 : memref<1x128xi32, #tpu.memory_space<vmem>> -> memref<128xi32, #tpu.memory_space<vmem>>
      %dma_start3A_466 = arith.constant 0 : i32
      %dma_start3A_467 = arith.constant 0 : i32
      %dma_start3A_468 = tpu.memref_slice %arg2[%dma_start3A_466, %dma_start3A_467] : memref<10000x32xf32, #tpu.memory_space<hbm>> -> memref<10000x32xf32, #tpu.memory_space<hbm>>
      tpu.enqueue_indirect_dma source(%dma_start3A_468 : memref<10000x32xf32, #tpu.memory_space<hbm>>) target(%arg16 : memref<128x32xf32, #tpu.memory_space<vmem>>) offsets(%dma_start3A_465 : memref<128xi32, #tpu.memory_space<vmem>>) semaphore(%arg27 : memref<!tpu.dma_semaphore, #tpu.memory_space<semaphore_mem>>)
      %mul3A_469 = arith.constant 8 : i32
      %mul3A_470 = arith.muli %add3A_360, %mul3A_469 : i32
      %add3A_471 = arith.constant 6 : i32
      %add3A_472 = arith.addi %mul3A_470, %add3A_471 : i32
      %dma_wait3A_473 = arith.constant 0 : i32
      %dma_wait3A_474 = tpu.memref_slice %arg6[%add3A_472, %dma_wait3A_473] : memref<78x128xi32, #tpu.memory_space<vmem>> -> memref<1x128xi32, #tpu.memory_space<vmem>>
      %dma_wait3A_475 = tpu.memref_squeeze %dma_wait3A_474 : memref<1x128xi32, #tpu.memory_space<vmem>> -> memref<128xi32, #tpu.memory_space<vmem>>
      %dma_wait3A_476 = arith.constant 0 : i32
      %dma_wait3A_477 = arith.constant 0 : i32
      %dma_wait3A_478 = tpu.memref_slice %arg2[%dma_wait3A_476, %dma_wait3A_477] : memref<10000x32xf32, #tpu.memory_space<hbm>> -> memref<10000x32xf32, #tpu.memory_space<hbm>>
      tpu.wait_indirect_dma semaphore(%arg28 : memref<!tpu.dma_semaphore, #tpu.memory_space<semaphore_mem>>) src(%dma_wait3A_478 : memref<10000x32xf32, #tpu.memory_space<hbm>>) dst(%arg17 : memref<128x32xf32, #tpu.memory_space<vmem>>)
      "tpu.region"() ({
        %run_scoped3A_505 = tpu.sem_alloc : memref<!tpu.dma_semaphore, #tpu.memory_space<semaphore_mem>>
        %dma_start3A_506 = arith.constant 0 : i32
        %dma_start3A_507 = tpu.memref_slice %arg7[%add3A_472, %dma_start3A_506] : memref<78x128xi32, #tpu.memory_space<vmem>> -> memref<1x128xi32, #tpu.memory_space<vmem>>
        %dma_start3A_508 = tpu.memref_squeeze %dma_start3A_507 : memref<1x128xi32, #tpu.memory_space<vmem>> -> memref<128xi32, #tpu.memory_space<vmem>>
        %dma_start3A_509 = arith.constant 0 : i32
        %dma_start3A_510 = arith.constant 0 : i32
        %dma_start3A_511 = tpu.memref_slice %arg21[%dma_start3A_509, %dma_start3A_510] : memref<10000x32xf32, #tpu.memory_space<vmem_shared>> -> memref<10000x32xf32, #tpu.memory_space<vmem_shared>>
        tpu.enqueue_indirect_dma source(%arg17 : memref<128x32xf32, #tpu.memory_space<vmem>>) target(%dma_start3A_511 : memref<10000x32xf32, #tpu.memory_space<vmem_shared>>) offsets(%dma_start3A_508 : memref<128xi32, #tpu.memory_space<vmem>>) semaphore(%run_scoped3A_505 : memref<!tpu.dma_semaphore, #tpu.memory_space<semaphore_mem>>) {add = true}
        %dma_wait3A_512 = arith.constant 0 : i32
        %dma_wait3A_513 = tpu.memref_slice %arg7[%add3A_472, %dma_wait3A_512] : memref<78x128xi32, #tpu.memory_space<vmem>> -> memref<1x128xi32, #tpu.memory_space<vmem>>
        %dma_wait3A_514 = tpu.memref_squeeze %dma_wait3A_513 : memref<1x128xi32, #tpu.memory_space<vmem>> -> memref<128xi32, #tpu.memory_space<vmem>>
        %dma_wait3A_515 = arith.constant 0 : i32
        %dma_wait3A_516 = arith.constant 0 : i32
        %dma_wait3A_517 = tpu.memref_slice %arg21[%dma_wait3A_515, %dma_wait3A_516] : memref<10000x32xf32, #tpu.memory_space<vmem_shared>> -> memref<10000x32xf32, #tpu.memory_space<vmem_shared>>
        tpu.wait_indirect_dma semaphore(%run_scoped3A_505 : memref<!tpu.dma_semaphore, #tpu.memory_space<semaphore_mem>>) src(%arg17 : memref<128x32xf32, #tpu.memory_space<vmem>>) dst(%dma_wait3A_517 : memref<10000x32xf32, #tpu.memory_space<vmem_shared>>)
        tpu.yield
      }) : () -> ()
      %add3A_479 = arith.constant 8 : i32
      %add3A_480 = arith.addi %add3A_472, %add3A_479 : i32
      %dma_start3A_481 = arith.constant 0 : i32
      %dma_start3A_482 = tpu.memref_slice %arg6[%add3A_480, %dma_start3A_481] : memref<78x128xi32, #tpu.memory_space<vmem>> -> memref<1x128xi32, #tpu.memory_space<vmem>>
      %dma_start3A_483 = tpu.memref_squeeze %dma_start3A_482 : memref<1x128xi32, #tpu.memory_space<vmem>> -> memref<128xi32, #tpu.memory_space<vmem>>
      %dma_start3A_484 = arith.constant 0 : i32
      %dma_start3A_485 = arith.constant 0 : i32
      %dma_start3A_486 = tpu.memref_slice %arg2[%dma_start3A_484, %dma_start3A_485] : memref<10000x32xf32, #tpu.memory_space<hbm>> -> memref<10000x32xf32, #tpu.memory_space<hbm>>
      tpu.enqueue_indirect_dma source(%dma_start3A_486 : memref<10000x32xf32, #tpu.memory_space<hbm>>) target(%arg17 : memref<128x32xf32, #tpu.memory_space<vmem>>) offsets(%dma_start3A_483 : memref<128xi32, #tpu.memory_space<vmem>>) semaphore(%arg28 : memref<!tpu.dma_semaphore, #tpu.memory_space<semaphore_mem>>)
      %mul3A_487 = arith.constant 8 : i32
      %mul3A_488 = arith.muli %add3A_360, %mul3A_487 : i32
      %add3A_489 = arith.constant 7 : i32
      %add3A_490 = arith.addi %mul3A_488, %add3A_489 : i32
      %dma_wait3A_491 = arith.constant 0 : i32
      %dma_wait3A_492 = tpu.memref_slice %arg6[%add3A_490, %dma_wait3A_491] : memref<78x128xi32, #tpu.memory_space<vmem>> -> memref<1x128xi32, #tpu.memory_space<vmem>>
      %dma_wait3A_493 = tpu.memref_squeeze %dma_wait3A_492 : memref<1x128xi32, #tpu.memory_space<vmem>> -> memref<128xi32, #tpu.memory_space<vmem>>
      %dma_wait3A_494 = arith.constant 0 : i32
      %dma_wait3A_495 = arith.constant 0 : i32
      %dma_wait3A_496 = tpu.memref_slice %arg2[%dma_wait3A_494, %dma_wait3A_495] : memref<10000x32xf32, #tpu.memory_space<hbm>> -> memref<10000x32xf32, #tpu.memory_space<hbm>>
      tpu.wait_indirect_dma semaphore(%arg29 : memref<!tpu.dma_semaphore, #tpu.memory_space<semaphore_mem>>) src(%dma_wait3A_496 : memref<10000x32xf32, #tpu.memory_space<hbm>>) dst(%arg18 : memref<128x32xf32, #tpu.memory_space<vmem>>)
      "tpu.region"() ({
        %run_scoped3A_505 = tpu.sem_alloc : memref<!tpu.dma_semaphore, #tpu.memory_space<semaphore_mem>>
        %dma_start3A_506 = arith.constant 0 : i32
        %dma_start3A_507 = tpu.memref_slice %arg7[%add3A_490, %dma_start3A_506] : memref<78x128xi32, #tpu.memory_space<vmem>> -> memref<1x128xi32, #tpu.memory_space<vmem>>
        %dma_start3A_508 = tpu.memref_squeeze %dma_start3A_507 : memref<1x128xi32, #tpu.memory_space<vmem>> -> memref<128xi32, #tpu.memory_space<vmem>>
        %dma_start3A_509 = arith.constant 0 : i32
        %dma_start3A_510 = arith.constant 0 : i32
        %dma_start3A_511 = tpu.memref_slice %arg21[%dma_start3A_509, %dma_start3A_510] : memref<10000x32xf32, #tpu.memory_space<vmem_shared>> -> memref<10000x32xf32, #tpu.memory_space<vmem_shared>>
        tpu.enqueue_indirect_dma source(%arg18 : memref<128x32xf32, #tpu.memory_space<vmem>>) target(%dma_start3A_511 : memref<10000x32xf32, #tpu.memory_space<vmem_shared>>) offsets(%dma_start3A_508 : memref<128xi32, #tpu.memory_space<vmem>>) semaphore(%run_scoped3A_505 : memref<!tpu.dma_semaphore, #tpu.memory_space<semaphore_mem>>) {add = true}
        %dma_wait3A_512 = arith.constant 0 : i32
        %dma_wait3A_513 = tpu.memref_slice %arg7[%add3A_490, %dma_wait3A_512] : memref<78x128xi32, #tpu.memory_space<vmem>> -> memref<1x128xi32, #tpu.memory_space<vmem>>
        %dma_wait3A_514 = tpu.memref_squeeze %dma_wait3A_513 : memref<1x128xi32, #tpu.memory_space<vmem>> -> memref<128xi32, #tpu.memory_space<vmem>>
        %dma_wait3A_515 = arith.constant 0 : i32
        %dma_wait3A_516 = arith.constant 0 : i32
        %dma_wait3A_517 = tpu.memref_slice %arg21[%dma_wait3A_515, %dma_wait3A_516] : memref<10000x32xf32, #tpu.memory_space<vmem_shared>> -> memref<10000x32xf32, #tpu.memory_space<vmem_shared>>
        tpu.wait_indirect_dma semaphore(%run_scoped3A_505 : memref<!tpu.dma_semaphore, #tpu.memory_space<semaphore_mem>>) src(%arg18 : memref<128x32xf32, #tpu.memory_space<vmem>>) dst(%dma_wait3A_517 : memref<10000x32xf32, #tpu.memory_space<vmem_shared>>)
        tpu.yield
      }) : () -> ()
      %add3A_497 = arith.constant 8 : i32
      %add3A_498 = arith.addi %add3A_490, %add3A_497 : i32
      %dma_start3A_499 = arith.constant 0 : i32
      %dma_start3A_500 = tpu.memref_slice %arg6[%add3A_498, %dma_start3A_499] : memref<78x128xi32, #tpu.memory_space<vmem>> -> memref<1x128xi32, #tpu.memory_space<vmem>>
      %dma_start3A_501 = tpu.memref_squeeze %dma_start3A_500 : memref<1x128xi32, #tpu.memory_space<vmem>> -> memref<128xi32, #tpu.memory_space<vmem>>
      %dma_start3A_502 = arith.constant 0 : i32
      %dma_start3A_503 = arith.constant 0 : i32
      %dma_start3A_504 = tpu.memref_slice %arg2[%dma_start3A_502, %dma_start3A_503] : memref<10000x32xf32, #tpu.memory_space<hbm>> -> memref<10000x32xf32, #tpu.memory_space<hbm>>
      tpu.enqueue_indirect_dma source(%dma_start3A_504 : memref<10000x32xf32, #tpu.memory_space<hbm>>) target(%arg18 : memref<128x32xf32, #tpu.memory_space<vmem>>) offsets(%dma_start3A_501 : memref<128xi32, #tpu.memory_space<vmem>>) semaphore(%arg29 : memref<!tpu.dma_semaphore, #tpu.memory_space<semaphore_mem>>)
    }
    %scan3A_162 = arith.constant 8 : i32
    %dma_wait3A = arith.constant 64 : i32
    %dma_wait3A_163 = arith.constant 0 : i32
    %dma_wait3A_164 = tpu.memref_slice %arg6[%dma_wait3A, %dma_wait3A_163] : memref<78x128xi32, #tpu.memory_space<vmem>> -> memref<1x128xi32, #tpu.memory_space<vmem>>
    %dma_wait3A_165 = tpu.memref_squeeze %dma_wait3A_164 : memref<1x128xi32, #tpu.memory_space<vmem>> -> memref<128xi32, #tpu.memory_space<vmem>>
    %dma_wait3A_166 = arith.constant 0 : i32
    %dma_wait3A_167 = arith.constant 0 : i32
    %dma_wait3A_168 = tpu.memref_slice %arg2[%dma_wait3A_166, %dma_wait3A_167] : memref<10000x32xf32, #tpu.memory_space<hbm>> -> memref<10000x32xf32, #tpu.memory_space<hbm>>
    tpu.wait_indirect_dma semaphore(%arg22 : memref<!tpu.dma_semaphore, #tpu.memory_space<semaphore_mem>>) src(%dma_wait3A_168 : memref<10000x32xf32, #tpu.memory_space<hbm>>) dst(%arg11 : memref<128x32xf32, #tpu.memory_space<vmem>>)
    %run_scoped3A_169 = arith.constant 64 : i32
    "tpu.region"() ({
      %run_scoped3A_356 = tpu.sem_alloc : memref<!tpu.dma_semaphore, #tpu.memory_space<semaphore_mem>>
      %dma_start3A_357 = arith.constant 0 : i32
      %dma_start3A_358 = tpu.memref_slice %arg7[%run_scoped3A_169, %dma_start3A_357] : memref<78x128xi32, #tpu.memory_space<vmem>> -> memref<1x128xi32, #tpu.memory_space<vmem>>
      %dma_start3A_359 = tpu.memref_squeeze %dma_start3A_358 : memref<1x128xi32, #tpu.memory_space<vmem>> -> memref<128xi32, #tpu.memory_space<vmem>>
      %dma_start3A_360 = arith.constant 0 : i32
      %dma_start3A_361 = arith.constant 0 : i32
      %dma_start3A_362 = tpu.memref_slice %arg21[%dma_start3A_360, %dma_start3A_361] : memref<10000x32xf32, #tpu.memory_space<vmem_shared>> -> memref<10000x32xf32, #tpu.memory_space<vmem_shared>>
      tpu.enqueue_indirect_dma source(%arg11 : memref<128x32xf32, #tpu.memory_space<vmem>>) target(%dma_start3A_362 : memref<10000x32xf32, #tpu.memory_space<vmem_shared>>) offsets(%dma_start3A_359 : memref<128xi32, #tpu.memory_space<vmem>>) semaphore(%run_scoped3A_356 : memref<!tpu.dma_semaphore, #tpu.memory_space<semaphore_mem>>) {add = true}
      %dma_wait3A_363 = arith.constant 0 : i32
      %dma_wait3A_364 = tpu.memref_slice %arg7[%run_scoped3A_169, %dma_wait3A_363] : memref<78x128xi32, #tpu.memory_space<vmem>> -> memref<1x128xi32, #tpu.memory_space<vmem>>
      %dma_wait3A_365 = tpu.memref_squeeze %dma_wait3A_364 : memref<1x128xi32, #tpu.memory_space<vmem>> -> memref<128xi32, #tpu.memory_space<vmem>>
      %dma_wait3A_366 = arith.constant 0 : i32
      %dma_wait3A_367 = arith.constant 0 : i32
      %dma_wait3A_368 = tpu.memref_slice %arg21[%dma_wait3A_366, %dma_wait3A_367] : memref<10000x32xf32, #tpu.memory_space<vmem_shared>> -> memref<10000x32xf32, #tpu.memory_space<vmem_shared>>
      tpu.wait_indirect_dma semaphore(%run_scoped3A_356 : memref<!tpu.dma_semaphore, #tpu.memory_space<semaphore_mem>>) src(%arg11 : memref<128x32xf32, #tpu.memory_space<vmem>>) dst(%dma_wait3A_368 : memref<10000x32xf32, #tpu.memory_space<vmem_shared>>)
      tpu.yield
    }) : () -> ()
    %dma_start3A_170 = arith.constant 72 : i32
    %dma_start3A_171 = arith.constant 0 : i32
    %dma_start3A_172 = tpu.memref_slice %arg6[%dma_start3A_170, %dma_start3A_171] : memref<78x128xi32, #tpu.memory_space<vmem>> -> memref<1x128xi32, #tpu.memory_space<vmem>>
    %dma_start3A_173 = tpu.memref_squeeze %dma_start3A_172 : memref<1x128xi32, #tpu.memory_space<vmem>> -> memref<128xi32, #tpu.memory_space<vmem>>
    %dma_start3A_174 = arith.constant 0 : i32
    %dma_start3A_175 = arith.constant 0 : i32
    %dma_start3A_176 = tpu.memref_slice %arg2[%dma_start3A_174, %dma_start3A_175] : memref<10000x32xf32, #tpu.memory_space<hbm>> -> memref<10000x32xf32, #tpu.memory_space<hbm>>
    tpu.enqueue_indirect_dma source(%dma_start3A_176 : memref<10000x32xf32, #tpu.memory_space<hbm>>) target(%arg11 : memref<128x32xf32, #tpu.memory_space<vmem>>) offsets(%dma_start3A_173 : memref<128xi32, #tpu.memory_space<vmem>>) semaphore(%arg22 : memref<!tpu.dma_semaphore, #tpu.memory_space<semaphore_mem>>)
    %dma_wait3A_177 = arith.constant 65 : i32
    %dma_wait3A_178 = arith.constant 0 : i32
    %dma_wait3A_179 = tpu.memref_slice %arg6[%dma_wait3A_177, %dma_wait3A_178] : memref<78x128xi32, #tpu.memory_space<vmem>> -> memref<1x128xi32, #tpu.memory_space<vmem>>
    %dma_wait3A_180 = tpu.memref_squeeze %dma_wait3A_179 : memref<1x128xi32, #tpu.memory_space<vmem>> -> memref<128xi32, #tpu.memory_space<vmem>>
    %dma_wait3A_181 = arith.constant 0 : i32
    %dma_wait3A_182 = arith.constant 0 : i32
    %dma_wait3A_183 = tpu.memref_slice %arg2[%dma_wait3A_181, %dma_wait3A_182] : memref<10000x32xf32, #tpu.memory_space<hbm>> -> memref<10000x32xf32, #tpu.memory_space<hbm>>
    tpu.wait_indirect_dma semaphore(%arg23 : memref<!tpu.dma_semaphore, #tpu.memory_space<semaphore_mem>>) src(%dma_wait3A_183 : memref<10000x32xf32, #tpu.memory_space<hbm>>) dst(%arg12 : memref<128x32xf32, #tpu.memory_space<vmem>>)
    %run_scoped3A_184 = arith.constant 65 : i32
    "tpu.region"() ({
      %run_scoped3A_356 = tpu.sem_alloc : memref<!tpu.dma_semaphore, #tpu.memory_space<semaphore_mem>>
      %dma_start3A_357 = arith.constant 0 : i32
      %dma_start3A_358 = tpu.memref_slice %arg7[%run_scoped3A_184, %dma_start3A_357] : memref<78x128xi32, #tpu.memory_space<vmem>> -> memref<1x128xi32, #tpu.memory_space<vmem>>
      %dma_start3A_359 = tpu.memref_squeeze %dma_start3A_358 : memref<1x128xi32, #tpu.memory_space<vmem>> -> memref<128xi32, #tpu.memory_space<vmem>>
      %dma_start3A_360 = arith.constant 0 : i32
      %dma_start3A_361 = arith.constant 0 : i32
      %dma_start3A_362 = tpu.memref_slice %arg21[%dma_start3A_360, %dma_start3A_361] : memref<10000x32xf32, #tpu.memory_space<vmem_shared>> -> memref<10000x32xf32, #tpu.memory_space<vmem_shared>>
      tpu.enqueue_indirect_dma source(%arg12 : memref<128x32xf32, #tpu.memory_space<vmem>>) target(%dma_start3A_362 : memref<10000x32xf32, #tpu.memory_space<vmem_shared>>) offsets(%dma_start3A_359 : memref<128xi32, #tpu.memory_space<vmem>>) semaphore(%run_scoped3A_356 : memref<!tpu.dma_semaphore, #tpu.memory_space<semaphore_mem>>) {add = true}
      %dma_wait3A_363 = arith.constant 0 : i32
      %dma_wait3A_364 = tpu.memref_slice %arg7[%run_scoped3A_184, %dma_wait3A_363] : memref<78x128xi32, #tpu.memory_space<vmem>> -> memref<1x128xi32, #tpu.memory_space<vmem>>
      %dma_wait3A_365 = tpu.memref_squeeze %dma_wait3A_364 : memref<1x128xi32, #tpu.memory_space<vmem>> -> memref<128xi32, #tpu.memory_space<vmem>>
      %dma_wait3A_366 = arith.constant 0 : i32
      %dma_wait3A_367 = arith.constant 0 : i32
      %dma_wait3A_368 = tpu.memref_slice %arg21[%dma_wait3A_366, %dma_wait3A_367] : memref<10000x32xf32, #tpu.memory_space<vmem_shared>> -> memref<10000x32xf32, #tpu.memory_space<vmem_shared>>
      tpu.wait_indirect_dma semaphore(%run_scoped3A_356 : memref<!tpu.dma_semaphore, #tpu.memory_space<semaphore_mem>>) src(%arg12 : memref<128x32xf32, #tpu.memory_space<vmem>>) dst(%dma_wait3A_368 : memref<10000x32xf32, #tpu.memory_space<vmem_shared>>)
      tpu.yield
    }) : () -> ()
    %dma_start3A_185 = arith.constant 73 : i32
    %dma_start3A_186 = arith.constant 0 : i32
    %dma_start3A_187 = tpu.memref_slice %arg6[%dma_start3A_185, %dma_start3A_186] : memref<78x128xi32, #tpu.memory_space<vmem>> -> memref<1x128xi32, #tpu.memory_space<vmem>>
    %dma_start3A_188 = tpu.memref_squeeze %dma_start3A_187 : memref<1x128xi32, #tpu.memory_space<vmem>> -> memref<128xi32, #tpu.memory_space<vmem>>
    %dma_start3A_189 = arith.constant 0 : i32
    %dma_start3A_190 = arith.constant 0 : i32
    %dma_start3A_191 = tpu.memref_slice %arg2[%dma_start3A_189, %dma_start3A_190] : memref<10000x32xf32, #tpu.memory_space<hbm>> -> memref<10000x32xf32, #tpu.memory_space<hbm>>
    tpu.enqueue_indirect_dma source(%dma_start3A_191 : memref<10000x32xf32, #tpu.memory_space<hbm>>) target(%arg12 : memref<128x32xf32, #tpu.memory_space<vmem>>) offsets(%dma_start3A_188 : memref<128xi32, #tpu.memory_space<vmem>>) semaphore(%arg23 : memref<!tpu.dma_semaphore, #tpu.memory_space<semaphore_mem>>)
    %dma_wait3A_192 = arith.constant 66 : i32
    %dma_wait3A_193 = arith.constant 0 : i32
    %dma_wait3A_194 = tpu.memref_slice %arg6[%dma_wait3A_192, %dma_wait3A_193] : memref<78x128xi32, #tpu.memory_space<vmem>> -> memref<1x128xi32, #tpu.memory_space<vmem>>
    %dma_wait3A_195 = tpu.memref_squeeze %dma_wait3A_194 : memref<1x128xi32, #tpu.memory_space<vmem>> -> memref<128xi32, #tpu.memory_space<vmem>>
    %dma_wait3A_196 = arith.constant 0 : i32
    %dma_wait3A_197 = arith.constant 0 : i32
    %dma_wait3A_198 = tpu.memref_slice %arg2[%dma_wait3A_196, %dma_wait3A_197] : memref<10000x32xf32, #tpu.memory_space<hbm>> -> memref<10000x32xf32, #tpu.memory_space<hbm>>
    tpu.wait_indirect_dma semaphore(%arg24 : memref<!tpu.dma_semaphore, #tpu.memory_space<semaphore_mem>>) src(%dma_wait3A_198 : memref<10000x32xf32, #tpu.memory_space<hbm>>) dst(%arg13 : memref<128x32xf32, #tpu.memory_space<vmem>>)
    %run_scoped3A_199 = arith.constant 66 : i32
    "tpu.region"() ({
      %run_scoped3A_356 = tpu.sem_alloc : memref<!tpu.dma_semaphore, #tpu.memory_space<semaphore_mem>>
      %dma_start3A_357 = arith.constant 0 : i32
      %dma_start3A_358 = tpu.memref_slice %arg7[%run_scoped3A_199, %dma_start3A_357] : memref<78x128xi32, #tpu.memory_space<vmem>> -> memref<1x128xi32, #tpu.memory_space<vmem>>
      %dma_start3A_359 = tpu.memref_squeeze %dma_start3A_358 : memref<1x128xi32, #tpu.memory_space<vmem>> -> memref<128xi32, #tpu.memory_space<vmem>>
      %dma_start3A_360 = arith.constant 0 : i32
      %dma_start3A_361 = arith.constant 0 : i32
      %dma_start3A_362 = tpu.memref_slice %arg21[%dma_start3A_360, %dma_start3A_361] : memref<10000x32xf32, #tpu.memory_space<vmem_shared>> -> memref<10000x32xf32, #tpu.memory_space<vmem_shared>>
      tpu.enqueue_indirect_dma source(%arg13 : memref<128x32xf32, #tpu.memory_space<vmem>>) target(%dma_start3A_362 : memref<10000x32xf32, #tpu.memory_space<vmem_shared>>) offsets(%dma_start3A_359 : memref<128xi32, #tpu.memory_space<vmem>>) semaphore(%run_scoped3A_356 : memref<!tpu.dma_semaphore, #tpu.memory_space<semaphore_mem>>) {add = true}
      %dma_wait3A_363 = arith.constant 0 : i32
      %dma_wait3A_364 = tpu.memref_slice %arg7[%run_scoped3A_199, %dma_wait3A_363] : memref<78x128xi32, #tpu.memory_space<vmem>> -> memref<1x128xi32, #tpu.memory_space<vmem>>
      %dma_wait3A_365 = tpu.memref_squeeze %dma_wait3A_364 : memref<1x128xi32, #tpu.memory_space<vmem>> -> memref<128xi32, #tpu.memory_space<vmem>>
      %dma_wait3A_366 = arith.constant 0 : i32
      %dma_wait3A_367 = arith.constant 0 : i32
      %dma_wait3A_368 = tpu.memref_slice %arg21[%dma_wait3A_366, %dma_wait3A_367] : memref<10000x32xf32, #tpu.memory_space<vmem_shared>> -> memref<10000x32xf32, #tpu.memory_space<vmem_shared>>
      tpu.wait_indirect_dma semaphore(%run_scoped3A_356 : memref<!tpu.dma_semaphore, #tpu.memory_space<semaphore_mem>>) src(%arg13 : memref<128x32xf32, #tpu.memory_space<vmem>>) dst(%dma_wait3A_368 : memref<10000x32xf32, #tpu.memory_space<vmem_shared>>)
      tpu.yield
    }) : () -> ()
    %dma_start3A_200 = arith.constant 74 : i32
    %dma_start3A_201 = arith.constant 0 : i32
    %dma_start3A_202 = tpu.memref_slice %arg6[%dma_start3A_200, %dma_start3A_201] : memref<78x128xi32, #tpu.memory_space<vmem>> -> memref<1x128xi32, #tpu.memory_space<vmem>>
    %dma_start3A_203 = tpu.memref_squeeze %dma_start3A_202 : memref<1x128xi32, #tpu.memory_space<vmem>> -> memref<128xi32, #tpu.memory_space<vmem>>
    %dma_start3A_204 = arith.constant 0 : i32
    %dma_start3A_205 = arith.constant 0 : i32
    %dma_start3A_206 = tpu.memref_slice %arg2[%dma_start3A_204, %dma_start3A_205] : memref<10000x32xf32, #tpu.memory_space<hbm>> -> memref<10000x32xf32, #tpu.memory_space<hbm>>
    tpu.enqueue_indirect_dma source(%dma_start3A_206 : memref<10000x32xf32, #tpu.memory_space<hbm>>) target(%arg13 : memref<128x32xf32, #tpu.memory_space<vmem>>) offsets(%dma_start3A_203 : memref<128xi32, #tpu.memory_space<vmem>>) semaphore(%arg24 : memref<!tpu.dma_semaphore, #tpu.memory_space<semaphore_mem>>)
    %dma_wait3A_207 = arith.constant 67 : i32
    %dma_wait3A_208 = arith.constant 0 : i32
    %dma_wait3A_209 = tpu.memref_slice %arg6[%dma_wait3A_207, %dma_wait3A_208] : memref<78x128xi32, #tpu.memory_space<vmem>> -> memref<1x128xi32, #tpu.memory_space<vmem>>
    %dma_wait3A_210 = tpu.memref_squeeze %dma_wait3A_209 : memref<1x128xi32, #tpu.memory_space<vmem>> -> memref<128xi32, #tpu.memory_space<vmem>>
    %dma_wait3A_211 = arith.constant 0 : i32
    %dma_wait3A_212 = arith.constant 0 : i32
    %dma_wait3A_213 = tpu.memref_slice %arg2[%dma_wait3A_211, %dma_wait3A_212] : memref<10000x32xf32, #tpu.memory_space<hbm>> -> memref<10000x32xf32, #tpu.memory_space<hbm>>
    tpu.wait_indirect_dma semaphore(%arg25 : memref<!tpu.dma_semaphore, #tpu.memory_space<semaphore_mem>>) src(%dma_wait3A_213 : memref<10000x32xf32, #tpu.memory_space<hbm>>) dst(%arg14 : memref<128x32xf32, #tpu.memory_space<vmem>>)
    %run_scoped3A_214 = arith.constant 67 : i32
    "tpu.region"() ({
      %run_scoped3A_356 = tpu.sem_alloc : memref<!tpu.dma_semaphore, #tpu.memory_space<semaphore_mem>>
      %dma_start3A_357 = arith.constant 0 : i32
      %dma_start3A_358 = tpu.memref_slice %arg7[%run_scoped3A_214, %dma_start3A_357] : memref<78x128xi32, #tpu.memory_space<vmem>> -> memref<1x128xi32, #tpu.memory_space<vmem>>
      %dma_start3A_359 = tpu.memref_squeeze %dma_start3A_358 : memref<1x128xi32, #tpu.memory_space<vmem>> -> memref<128xi32, #tpu.memory_space<vmem>>
      %dma_start3A_360 = arith.constant 0 : i32
      %dma_start3A_361 = arith.constant 0 : i32
      %dma_start3A_362 = tpu.memref_slice %arg21[%dma_start3A_360, %dma_start3A_361] : memref<10000x32xf32, #tpu.memory_space<vmem_shared>> -> memref<10000x32xf32, #tpu.memory_space<vmem_shared>>
      tpu.enqueue_indirect_dma source(%arg14 : memref<128x32xf32, #tpu.memory_space<vmem>>) target(%dma_start3A_362 : memref<10000x32xf32, #tpu.memory_space<vmem_shared>>) offsets(%dma_start3A_359 : memref<128xi32, #tpu.memory_space<vmem>>) semaphore(%run_scoped3A_356 : memref<!tpu.dma_semaphore, #tpu.memory_space<semaphore_mem>>) {add = true}
      %dma_wait3A_363 = arith.constant 0 : i32
      %dma_wait3A_364 = tpu.memref_slice %arg7[%run_scoped3A_214, %dma_wait3A_363] : memref<78x128xi32, #tpu.memory_space<vmem>> -> memref<1x128xi32, #tpu.memory_space<vmem>>
      %dma_wait3A_365 = tpu.memref_squeeze %dma_wait3A_364 : memref<1x128xi32, #tpu.memory_space<vmem>> -> memref<128xi32, #tpu.memory_space<vmem>>
      %dma_wait3A_366 = arith.constant 0 : i32
      %dma_wait3A_367 = arith.constant 0 : i32
      %dma_wait3A_368 = tpu.memref_slice %arg21[%dma_wait3A_366, %dma_wait3A_367] : memref<10000x32xf32, #tpu.memory_space<vmem_shared>> -> memref<10000x32xf32, #tpu.memory_space<vmem_shared>>
      tpu.wait_indirect_dma semaphore(%run_scoped3A_356 : memref<!tpu.dma_semaphore, #tpu.memory_space<semaphore_mem>>) src(%arg14 : memref<128x32xf32, #tpu.memory_space<vmem>>) dst(%dma_wait3A_368 : memref<10000x32xf32, #tpu.memory_space<vmem_shared>>)
      tpu.yield
    }) : () -> ()
    %dma_start3A_215 = arith.constant 75 : i32
    %dma_start3A_216 = arith.constant 0 : i32
    %dma_start3A_217 = tpu.memref_slice %arg6[%dma_start3A_215, %dma_start3A_216] : memref<78x128xi32, #tpu.memory_space<vmem>> -> memref<1x128xi32, #tpu.memory_space<vmem>>
    %dma_start3A_218 = tpu.memref_squeeze %dma_start3A_217 : memref<1x128xi32, #tpu.memory_space<vmem>> -> memref<128xi32, #tpu.memory_space<vmem>>
    %dma_start3A_219 = arith.constant 0 : i32
    %dma_start3A_220 = arith.constant 0 : i32
    %dma_start3A_221 = tpu.memref_slice %arg2[%dma_start3A_219, %dma_start3A_220] : memref<10000x32xf32, #tpu.memory_space<hbm>> -> memref<10000x32xf32, #tpu.memory_space<hbm>>
    tpu.enqueue_indirect_dma source(%dma_start3A_221 : memref<10000x32xf32, #tpu.memory_space<hbm>>) target(%arg14 : memref<128x32xf32, #tpu.memory_space<vmem>>) offsets(%dma_start3A_218 : memref<128xi32, #tpu.memory_space<vmem>>) semaphore(%arg25 : memref<!tpu.dma_semaphore, #tpu.memory_space<semaphore_mem>>)
    %dma_wait3A_222 = arith.constant 68 : i32
    %dma_wait3A_223 = arith.constant 0 : i32
    %dma_wait3A_224 = tpu.memref_slice %arg6[%dma_wait3A_222, %dma_wait3A_223] : memref<78x128xi32, #tpu.memory_space<vmem>> -> memref<1x128xi32, #tpu.memory_space<vmem>>
    %dma_wait3A_225 = tpu.memref_squeeze %dma_wait3A_224 : memref<1x128xi32, #tpu.memory_space<vmem>> -> memref<128xi32, #tpu.memory_space<vmem>>
    %dma_wait3A_226 = arith.constant 0 : i32
    %dma_wait3A_227 = arith.constant 0 : i32
    %dma_wait3A_228 = tpu.memref_slice %arg2[%dma_wait3A_226, %dma_wait3A_227] : memref<10000x32xf32, #tpu.memory_space<hbm>> -> memref<10000x32xf32, #tpu.memory_space<hbm>>
    tpu.wait_indirect_dma semaphore(%arg26 : memref<!tpu.dma_semaphore, #tpu.memory_space<semaphore_mem>>) src(%dma_wait3A_228 : memref<10000x32xf32, #tpu.memory_space<hbm>>) dst(%arg15 : memref<128x32xf32, #tpu.memory_space<vmem>>)
    %run_scoped3A_229 = arith.constant 68 : i32
    "tpu.region"() ({
      %run_scoped3A_356 = tpu.sem_alloc : memref<!tpu.dma_semaphore, #tpu.memory_space<semaphore_mem>>
      %dma_start3A_357 = arith.constant 0 : i32
      %dma_start3A_358 = tpu.memref_slice %arg7[%run_scoped3A_229, %dma_start3A_357] : memref<78x128xi32, #tpu.memory_space<vmem>> -> memref<1x128xi32, #tpu.memory_space<vmem>>
      %dma_start3A_359 = tpu.memref_squeeze %dma_start3A_358 : memref<1x128xi32, #tpu.memory_space<vmem>> -> memref<128xi32, #tpu.memory_space<vmem>>
      %dma_start3A_360 = arith.constant 0 : i32
      %dma_start3A_361 = arith.constant 0 : i32
      %dma_start3A_362 = tpu.memref_slice %arg21[%dma_start3A_360, %dma_start3A_361] : memref<10000x32xf32, #tpu.memory_space<vmem_shared>> -> memref<10000x32xf32, #tpu.memory_space<vmem_shared>>
      tpu.enqueue_indirect_dma source(%arg15 : memref<128x32xf32, #tpu.memory_space<vmem>>) target(%dma_start3A_362 : memref<10000x32xf32, #tpu.memory_space<vmem_shared>>) offsets(%dma_start3A_359 : memref<128xi32, #tpu.memory_space<vmem>>) semaphore(%run_scoped3A_356 : memref<!tpu.dma_semaphore, #tpu.memory_space<semaphore_mem>>) {add = true}
      %dma_wait3A_363 = arith.constant 0 : i32
      %dma_wait3A_364 = tpu.memref_slice %arg7[%run_scoped3A_229, %dma_wait3A_363] : memref<78x128xi32, #tpu.memory_space<vmem>> -> memref<1x128xi32, #tpu.memory_space<vmem>>
      %dma_wait3A_365 = tpu.memref_squeeze %dma_wait3A_364 : memref<1x128xi32, #tpu.memory_space<vmem>> -> memref<128xi32, #tpu.memory_space<vmem>>
      %dma_wait3A_366 = arith.constant 0 : i32
      %dma_wait3A_367 = arith.constant 0 : i32
      %dma_wait3A_368 = tpu.memref_slice %arg21[%dma_wait3A_366, %dma_wait3A_367] : memref<10000x32xf32, #tpu.memory_space<vmem_shared>> -> memref<10000x32xf32, #tpu.memory_space<vmem_shared>>
      tpu.wait_indirect_dma semaphore(%run_scoped3A_356 : memref<!tpu.dma_semaphore, #tpu.memory_space<semaphore_mem>>) src(%arg15 : memref<128x32xf32, #tpu.memory_space<vmem>>) dst(%dma_wait3A_368 : memref<10000x32xf32, #tpu.memory_space<vmem_shared>>)
      tpu.yield
    }) : () -> ()
    %dma_start3A_230 = arith.constant 76 : i32
    %dma_start3A_231 = arith.constant 0 : i32
    %dma_start3A_232 = tpu.memref_slice %arg6[%dma_start3A_230, %dma_start3A_231] : memref<78x128xi32, #tpu.memory_space<vmem>> -> memref<1x128xi32, #tpu.memory_space<vmem>>
    %dma_start3A_233 = tpu.memref_squeeze %dma_start3A_232 : memref<1x128xi32, #tpu.memory_space<vmem>> -> memref<128xi32, #tpu.memory_space<vmem>>
    %dma_start3A_234 = arith.constant 0 : i32
    %dma_start3A_235 = arith.constant 0 : i32
    %dma_start3A_236 = tpu.memref_slice %arg2[%dma_start3A_234, %dma_start3A_235] : memref<10000x32xf32, #tpu.memory_space<hbm>> -> memref<10000x32xf32, #tpu.memory_space<hbm>>
    tpu.enqueue_indirect_dma source(%dma_start3A_236 : memref<10000x32xf32, #tpu.memory_space<hbm>>) target(%arg15 : memref<128x32xf32, #tpu.memory_space<vmem>>) offsets(%dma_start3A_233 : memref<128xi32, #tpu.memory_space<vmem>>) semaphore(%arg26 : memref<!tpu.dma_semaphore, #tpu.memory_space<semaphore_mem>>)
    %dma_wait3A_237 = arith.constant 69 : i32
    %dma_wait3A_238 = arith.constant 0 : i32
    %dma_wait3A_239 = tpu.memref_slice %arg6[%dma_wait3A_237, %dma_wait3A_238] : memref<78x128xi32, #tpu.memory_space<vmem>> -> memref<1x128xi32, #tpu.memory_space<vmem>>
    %dma_wait3A_240 = tpu.memref_squeeze %dma_wait3A_239 : memref<1x128xi32, #tpu.memory_space<vmem>> -> memref<128xi32, #tpu.memory_space<vmem>>
    %dma_wait3A_241 = arith.constant 0 : i32
    %dma_wait3A_242 = arith.constant 0 : i32
    %dma_wait3A_243 = tpu.memref_slice %arg2[%dma_wait3A_241, %dma_wait3A_242] : memref<10000x32xf32, #tpu.memory_space<hbm>> -> memref<10000x32xf32, #tpu.memory_space<hbm>>
    tpu.wait_indirect_dma semaphore(%arg27 : memref<!tpu.dma_semaphore, #tpu.memory_space<semaphore_mem>>) src(%dma_wait3A_243 : memref<10000x32xf32, #tpu.memory_space<hbm>>) dst(%arg16 : memref<128x32xf32, #tpu.memory_space<vmem>>)
    %run_scoped3A_244 = arith.constant 69 : i32
    "tpu.region"() ({
      %run_scoped3A_356 = tpu.sem_alloc : memref<!tpu.dma_semaphore, #tpu.memory_space<semaphore_mem>>
      %dma_start3A_357 = arith.constant 0 : i32
      %dma_start3A_358 = tpu.memref_slice %arg7[%run_scoped3A_244, %dma_start3A_357] : memref<78x128xi32, #tpu.memory_space<vmem>> -> memref<1x128xi32, #tpu.memory_space<vmem>>
      %dma_start3A_359 = tpu.memref_squeeze %dma_start3A_358 : memref<1x128xi32, #tpu.memory_space<vmem>> -> memref<128xi32, #tpu.memory_space<vmem>>
      %dma_start3A_360 = arith.constant 0 : i32
      %dma_start3A_361 = arith.constant 0 : i32
      %dma_start3A_362 = tpu.memref_slice %arg21[%dma_start3A_360, %dma_start3A_361] : memref<10000x32xf32, #tpu.memory_space<vmem_shared>> -> memref<10000x32xf32, #tpu.memory_space<vmem_shared>>
      tpu.enqueue_indirect_dma source(%arg16 : memref<128x32xf32, #tpu.memory_space<vmem>>) target(%dma_start3A_362 : memref<10000x32xf32, #tpu.memory_space<vmem_shared>>) offsets(%dma_start3A_359 : memref<128xi32, #tpu.memory_space<vmem>>) semaphore(%run_scoped3A_356 : memref<!tpu.dma_semaphore, #tpu.memory_space<semaphore_mem>>) {add = true}
      %dma_wait3A_363 = arith.constant 0 : i32
      %dma_wait3A_364 = tpu.memref_slice %arg7[%run_scoped3A_244, %dma_wait3A_363] : memref<78x128xi32, #tpu.memory_space<vmem>> -> memref<1x128xi32, #tpu.memory_space<vmem>>
      %dma_wait3A_365 = tpu.memref_squeeze %dma_wait3A_364 : memref<1x128xi32, #tpu.memory_space<vmem>> -> memref<128xi32, #tpu.memory_space<vmem>>
      %dma_wait3A_366 = arith.constant 0 : i32
      %dma_wait3A_367 = arith.constant 0 : i32
      %dma_wait3A_368 = tpu.memref_slice %arg21[%dma_wait3A_366, %dma_wait3A_367] : memref<10000x32xf32, #tpu.memory_space<vmem_shared>> -> memref<10000x32xf32, #tpu.memory_space<vmem_shared>>
      tpu.wait_indirect_dma semaphore(%run_scoped3A_356 : memref<!tpu.dma_semaphore, #tpu.memory_space<semaphore_mem>>) src(%arg16 : memref<128x32xf32, #tpu.memory_space<vmem>>) dst(%dma_wait3A_368 : memref<10000x32xf32, #tpu.memory_space<vmem_shared>>)
      tpu.yield
    }) : () -> ()
    %dma_start3A_245 = arith.constant 77 : i32
    %dma_start3A_246 = arith.constant 0 : i32
    %dma_start3A_247 = tpu.memref_slice %arg6[%dma_start3A_245, %dma_start3A_246] : memref<78x128xi32, #tpu.memory_space<vmem>> -> memref<1x128xi32, #tpu.memory_space<vmem>>
    %dma_start3A_248 = tpu.memref_squeeze %dma_start3A_247 : memref<1x128xi32, #tpu.memory_space<vmem>> -> memref<128xi32, #tpu.memory_space<vmem>>
    %dma_start3A_249 = arith.constant 0 : i32
    %dma_start3A_250 = arith.constant 0 : i32
    %dma_start3A_251 = tpu.memref_slice %arg2[%dma_start3A_249, %dma_start3A_250] : memref<10000x32xf32, #tpu.memory_space<hbm>> -> memref<10000x32xf32, #tpu.memory_space<hbm>>
    tpu.enqueue_indirect_dma source(%dma_start3A_251 : memref<10000x32xf32, #tpu.memory_space<hbm>>) target(%arg16 : memref<128x32xf32, #tpu.memory_space<vmem>>) offsets(%dma_start3A_248 : memref<128xi32, #tpu.memory_space<vmem>>) semaphore(%arg27 : memref<!tpu.dma_semaphore, #tpu.memory_space<semaphore_mem>>)
    %dma_wait3A_252 = arith.constant 70 : i32
    %dma_wait3A_253 = arith.constant 0 : i32
    %dma_wait3A_254 = tpu.memref_slice %arg6[%dma_wait3A_252, %dma_wait3A_253] : memref<78x128xi32, #tpu.memory_space<vmem>> -> memref<1x128xi32, #tpu.memory_space<vmem>>
    %dma_wait3A_255 = tpu.memref_squeeze %dma_wait3A_254 : memref<1x128xi32, #tpu.memory_space<vmem>> -> memref<128xi32, #tpu.memory_space<vmem>>
    %dma_wait3A_256 = arith.constant 0 : i32
    %dma_wait3A_257 = arith.constant 0 : i32
    %dma_wait3A_258 = tpu.memref_slice %arg2[%dma_wait3A_256, %dma_wait3A_257] : memref<10000x32xf32, #tpu.memory_space<hbm>> -> memref<10000x32xf32, #tpu.memory_space<hbm>>
    tpu.wait_indirect_dma semaphore(%arg28 : memref<!tpu.dma_semaphore, #tpu.memory_space<semaphore_mem>>) src(%dma_wait3A_258 : memref<10000x32xf32, #tpu.memory_space<hbm>>) dst(%arg17 : memref<128x32xf32, #tpu.memory_space<vmem>>)
    %run_scoped3A_259 = arith.constant 70 : i32
    "tpu.region"() ({
      %run_scoped3A_356 = tpu.sem_alloc : memref<!tpu.dma_semaphore, #tpu.memory_space<semaphore_mem>>
      %dma_start3A_357 = arith.constant 0 : i32
      %dma_start3A_358 = tpu.memref_slice %arg7[%run_scoped3A_259, %dma_start3A_357] : memref<78x128xi32, #tpu.memory_space<vmem>> -> memref<1x128xi32, #tpu.memory_space<vmem>>
      %dma_start3A_359 = tpu.memref_squeeze %dma_start3A_358 : memref<1x128xi32, #tpu.memory_space<vmem>> -> memref<128xi32, #tpu.memory_space<vmem>>
      %dma_start3A_360 = arith.constant 0 : i32
      %dma_start3A_361 = arith.constant 0 : i32
      %dma_start3A_362 = tpu.memref_slice %arg21[%dma_start3A_360, %dma_start3A_361] : memref<10000x32xf32, #tpu.memory_space<vmem_shared>> -> memref<10000x32xf32, #tpu.memory_space<vmem_shared>>
      tpu.enqueue_indirect_dma source(%arg17 : memref<128x32xf32, #tpu.memory_space<vmem>>) target(%dma_start3A_362 : memref<10000x32xf32, #tpu.memory_space<vmem_shared>>) offsets(%dma_start3A_359 : memref<128xi32, #tpu.memory_space<vmem>>) semaphore(%run_scoped3A_356 : memref<!tpu.dma_semaphore, #tpu.memory_space<semaphore_mem>>) {add = true}
      %dma_wait3A_363 = arith.constant 0 : i32
      %dma_wait3A_364 = tpu.memref_slice %arg7[%run_scoped3A_259, %dma_wait3A_363] : memref<78x128xi32, #tpu.memory_space<vmem>> -> memref<1x128xi32, #tpu.memory_space<vmem>>
      %dma_wait3A_365 = tpu.memref_squeeze %dma_wait3A_364 : memref<1x128xi32, #tpu.memory_space<vmem>> -> memref<128xi32, #tpu.memory_space<vmem>>
      %dma_wait3A_366 = arith.constant 0 : i32
      %dma_wait3A_367 = arith.constant 0 : i32
      %dma_wait3A_368 = tpu.memref_slice %arg21[%dma_wait3A_366, %dma_wait3A_367] : memref<10000x32xf32, #tpu.memory_space<vmem_shared>> -> memref<10000x32xf32, #tpu.memory_space<vmem_shared>>
      tpu.wait_indirect_dma semaphore(%run_scoped3A_356 : memref<!tpu.dma_semaphore, #tpu.memory_space<semaphore_mem>>) src(%arg17 : memref<128x32xf32, #tpu.memory_space<vmem>>) dst(%dma_wait3A_368 : memref<10000x32xf32, #tpu.memory_space<vmem_shared>>)
      tpu.yield
    }) : () -> ()
    %dma_wait3A_260 = arith.constant 71 : i32
    %dma_wait3A_261 = arith.constant 0 : i32
    %dma_wait3A_262 = tpu.memref_slice %arg6[%dma_wait3A_260, %dma_wait3A_261] : memref<78x128xi32, #tpu.memory_space<vmem>> -> memref<1x128xi32, #tpu.memory_space<vmem>>
    %dma_wait3A_263 = tpu.memref_squeeze %dma_wait3A_262 : memref<1x128xi32, #tpu.memory_space<vmem>> -> memref<128xi32, #tpu.memory_space<vmem>>
    %dma_wait3A_264 = arith.constant 0 : i32
    %dma_wait3A_265 = arith.constant 0 : i32
    %dma_wait3A_266 = tpu.memref_slice %arg2[%dma_wait3A_264, %dma_wait3A_265] : memref<10000x32xf32, #tpu.memory_space<hbm>> -> memref<10000x32xf32, #tpu.memory_space<hbm>>
    tpu.wait_indirect_dma semaphore(%arg29 : memref<!tpu.dma_semaphore, #tpu.memory_space<semaphore_mem>>) src(%dma_wait3A_266 : memref<10000x32xf32, #tpu.memory_space<hbm>>) dst(%arg18 : memref<128x32xf32, #tpu.memory_space<vmem>>)
    %run_scoped3A_267 = arith.constant 71 : i32
    "tpu.region"() ({
      %run_scoped3A_356 = tpu.sem_alloc : memref<!tpu.dma_semaphore, #tpu.memory_space<semaphore_mem>>
      %dma_start3A_357 = arith.constant 0 : i32
      %dma_start3A_358 = tpu.memref_slice %arg7[%run_scoped3A_267, %dma_start3A_357] : memref<78x128xi32, #tpu.memory_space<vmem>> -> memref<1x128xi32, #tpu.memory_space<vmem>>
      %dma_start3A_359 = tpu.memref_squeeze %dma_start3A_358 : memref<1x128xi32, #tpu.memory_space<vmem>> -> memref<128xi32, #tpu.memory_space<vmem>>
      %dma_start3A_360 = arith.constant 0 : i32
      %dma_start3A_361 = arith.constant 0 : i32
      %dma_start3A_362 = tpu.memref_slice %arg21[%dma_start3A_360, %dma_start3A_361] : memref<10000x32xf32, #tpu.memory_space<vmem_shared>> -> memref<10000x32xf32, #tpu.memory_space<vmem_shared>>
      tpu.enqueue_indirect_dma source(%arg18 : memref<128x32xf32, #tpu.memory_space<vmem>>) target(%dma_start3A_362 : memref<10000x32xf32, #tpu.memory_space<vmem_shared>>) offsets(%dma_start3A_359 : memref<128xi32, #tpu.memory_space<vmem>>) semaphore(%run_scoped3A_356 : memref<!tpu.dma_semaphore, #tpu.memory_space<semaphore_mem>>) {add = true}
      %dma_wait3A_363 = arith.constant 0 : i32
      %dma_wait3A_364 = tpu.memref_slice %arg7[%run_scoped3A_267, %dma_wait3A_363] : memref<78x128xi32, #tpu.memory_space<vmem>> -> memref<1x128xi32, #tpu.memory_space<vmem>>
      %dma_wait3A_365 = tpu.memref_squeeze %dma_wait3A_364 : memref<1x128xi32, #tpu.memory_space<vmem>> -> memref<128xi32, #tpu.memory_space<vmem>>
      %dma_wait3A_366 = arith.constant 0 : i32
      %dma_wait3A_367 = arith.constant 0 : i32
      %dma_wait3A_368 = tpu.memref_slice %arg21[%dma_wait3A_366, %dma_wait3A_367] : memref<10000x32xf32, #tpu.memory_space<vmem_shared>> -> memref<10000x32xf32, #tpu.memory_space<vmem_shared>>
      tpu.wait_indirect_dma semaphore(%run_scoped3A_356 : memref<!tpu.dma_semaphore, #tpu.memory_space<semaphore_mem>>) src(%arg18 : memref<128x32xf32, #tpu.memory_space<vmem>>) dst(%dma_wait3A_368 : memref<10000x32xf32, #tpu.memory_space<vmem_shared>>)
      tpu.yield
    }) : () -> ()
    %dma_wait3A_268 = arith.constant 72 : i32
    %dma_wait3A_269 = arith.constant 0 : i32
    %dma_wait3A_270 = tpu.memref_slice %arg6[%dma_wait3A_268, %dma_wait3A_269] : memref<78x128xi32, #tpu.memory_space<vmem>> -> memref<1x128xi32, #tpu.memory_space<vmem>>
    %dma_wait3A_271 = tpu.memref_squeeze %dma_wait3A_270 : memref<1x128xi32, #tpu.memory_space<vmem>> -> memref<128xi32, #tpu.memory_space<vmem>>
    %dma_wait3A_272 = arith.constant 0 : i32
    %dma_wait3A_273 = arith.constant 0 : i32
    %dma_wait3A_274 = tpu.memref_slice %arg2[%dma_wait3A_272, %dma_wait3A_273] : memref<10000x32xf32, #tpu.memory_space<hbm>> -> memref<10000x32xf32, #tpu.memory_space<hbm>>
    tpu.wait_indirect_dma semaphore(%arg22 : memref<!tpu.dma_semaphore, #tpu.memory_space<semaphore_mem>>) src(%dma_wait3A_274 : memref<10000x32xf32, #tpu.memory_space<hbm>>) dst(%arg11 : memref<128x32xf32, #tpu.memory_space<vmem>>)
    %run_scoped3A_275 = arith.constant 72 : i32
    "tpu.region"() ({
      %run_scoped3A_356 = tpu.sem_alloc : memref<!tpu.dma_semaphore, #tpu.memory_space<semaphore_mem>>
      %dma_start3A_357 = arith.constant 0 : i32
      %dma_start3A_358 = tpu.memref_slice %arg7[%run_scoped3A_275, %dma_start3A_357] : memref<78x128xi32, #tpu.memory_space<vmem>> -> memref<1x128xi32, #tpu.memory_space<vmem>>
      %dma_start3A_359 = tpu.memref_squeeze %dma_start3A_358 : memref<1x128xi32, #tpu.memory_space<vmem>> -> memref<128xi32, #tpu.memory_space<vmem>>
      %dma_start3A_360 = arith.constant 0 : i32
      %dma_start3A_361 = arith.constant 0 : i32
      %dma_start3A_362 = tpu.memref_slice %arg21[%dma_start3A_360, %dma_start3A_361] : memref<10000x32xf32, #tpu.memory_space<vmem_shared>> -> memref<10000x32xf32, #tpu.memory_space<vmem_shared>>
      tpu.enqueue_indirect_dma source(%arg11 : memref<128x32xf32, #tpu.memory_space<vmem>>) target(%dma_start3A_362 : memref<10000x32xf32, #tpu.memory_space<vmem_shared>>) offsets(%dma_start3A_359 : memref<128xi32, #tpu.memory_space<vmem>>) semaphore(%run_scoped3A_356 : memref<!tpu.dma_semaphore, #tpu.memory_space<semaphore_mem>>) {add = true}
      %dma_wait3A_363 = arith.constant 0 : i32
      %dma_wait3A_364 = tpu.memref_slice %arg7[%run_scoped3A_275, %dma_wait3A_363] : memref<78x128xi32, #tpu.memory_space<vmem>> -> memref<1x128xi32, #tpu.memory_space<vmem>>
      %dma_wait3A_365 = tpu.memref_squeeze %dma_wait3A_364 : memref<1x128xi32, #tpu.memory_space<vmem>> -> memref<128xi32, #tpu.memory_space<vmem>>
      %dma_wait3A_366 = arith.constant 0 : i32
      %dma_wait3A_367 = arith.constant 0 : i32
      %dma_wait3A_368 = tpu.memref_slice %arg21[%dma_wait3A_366, %dma_wait3A_367] : memref<10000x32xf32, #tpu.memory_space<vmem_shared>> -> memref<10000x32xf32, #tpu.memory_space<vmem_shared>>
      tpu.wait_indirect_dma semaphore(%run_scoped3A_356 : memref<!tpu.dma_semaphore, #tpu.memory_space<semaphore_mem>>) src(%arg11 : memref<128x32xf32, #tpu.memory_space<vmem>>) dst(%dma_wait3A_368 : memref<10000x32xf32, #tpu.memory_space<vmem_shared>>)
      tpu.yield
    }) : () -> ()
    %dma_wait3A_276 = arith.constant 73 : i32
    %dma_wait3A_277 = arith.constant 0 : i32
    %dma_wait3A_278 = tpu.memref_slice %arg6[%dma_wait3A_276, %dma_wait3A_277] : memref<78x128xi32, #tpu.memory_space<vmem>> -> memref<1x128xi32, #tpu.memory_space<vmem>>
    %dma_wait3A_279 = tpu.memref_squeeze %dma_wait3A_278 : memref<1x128xi32, #tpu.memory_space<vmem>> -> memref<128xi32, #tpu.memory_space<vmem>>
    %dma_wait3A_280 = arith.constant 0 : i32
    %dma_wait3A_281 = arith.constant 0 : i32
    %dma_wait3A_282 = tpu.memref_slice %arg2[%dma_wait3A_280, %dma_wait3A_281] : memref<10000x32xf32, #tpu.memory_space<hbm>> -> memref<10000x32xf32, #tpu.memory_space<hbm>>
    tpu.wait_indirect_dma semaphore(%arg23 : memref<!tpu.dma_semaphore, #tpu.memory_space<semaphore_mem>>) src(%dma_wait3A_282 : memref<10000x32xf32, #tpu.memory_space<hbm>>) dst(%arg12 : memref<128x32xf32, #tpu.memory_space<vmem>>)
    %run_scoped3A_283 = arith.constant 73 : i32
    "tpu.region"() ({
      %run_scoped3A_356 = tpu.sem_alloc : memref<!tpu.dma_semaphore, #tpu.memory_space<semaphore_mem>>
      %dma_start3A_357 = arith.constant 0 : i32
      %dma_start3A_358 = tpu.memref_slice %arg7[%run_scoped3A_283, %dma_start3A_357] : memref<78x128xi32, #tpu.memory_space<vmem>> -> memref<1x128xi32, #tpu.memory_space<vmem>>
      %dma_start3A_359 = tpu.memref_squeeze %dma_start3A_358 : memref<1x128xi32, #tpu.memory_space<vmem>> -> memref<128xi32, #tpu.memory_space<vmem>>
      %dma_start3A_360 = arith.constant 0 : i32
      %dma_start3A_361 = arith.constant 0 : i32
      %dma_start3A_362 = tpu.memref_slice %arg21[%dma_start3A_360, %dma_start3A_361] : memref<10000x32xf32, #tpu.memory_space<vmem_shared>> -> memref<10000x32xf32, #tpu.memory_space<vmem_shared>>
      tpu.enqueue_indirect_dma source(%arg12 : memref<128x32xf32, #tpu.memory_space<vmem>>) target(%dma_start3A_362 : memref<10000x32xf32, #tpu.memory_space<vmem_shared>>) offsets(%dma_start3A_359 : memref<128xi32, #tpu.memory_space<vmem>>) semaphore(%run_scoped3A_356 : memref<!tpu.dma_semaphore, #tpu.memory_space<semaphore_mem>>) {add = true}
      %dma_wait3A_363 = arith.constant 0 : i32
      %dma_wait3A_364 = tpu.memref_slice %arg7[%run_scoped3A_283, %dma_wait3A_363] : memref<78x128xi32, #tpu.memory_space<vmem>> -> memref<1x128xi32, #tpu.memory_space<vmem>>
      %dma_wait3A_365 = tpu.memref_squeeze %dma_wait3A_364 : memref<1x128xi32, #tpu.memory_space<vmem>> -> memref<128xi32, #tpu.memory_space<vmem>>
      %dma_wait3A_366 = arith.constant 0 : i32
      %dma_wait3A_367 = arith.constant 0 : i32
      %dma_wait3A_368 = tpu.memref_slice %arg21[%dma_wait3A_366, %dma_wait3A_367] : memref<10000x32xf32, #tpu.memory_space<vmem_shared>> -> memref<10000x32xf32, #tpu.memory_space<vmem_shared>>
      tpu.wait_indirect_dma semaphore(%run_scoped3A_356 : memref<!tpu.dma_semaphore, #tpu.memory_space<semaphore_mem>>) src(%arg12 : memref<128x32xf32, #tpu.memory_space<vmem>>) dst(%dma_wait3A_368 : memref<10000x32xf32, #tpu.memory_space<vmem_shared>>)
      tpu.yield
    }) : () -> ()
    %dma_wait3A_284 = arith.constant 74 : i32
    %dma_wait3A_285 = arith.constant 0 : i32
    %dma_wait3A_286 = tpu.memref_slice %arg6[%dma_wait3A_284, %dma_wait3A_285] : memref<78x128xi32, #tpu.memory_space<vmem>> -> memref<1x128xi32, #tpu.memory_space<vmem>>
    %dma_wait3A_287 = tpu.memref_squeeze %dma_wait3A_286 : memref<1x128xi32, #tpu.memory_space<vmem>> -> memref<128xi32, #tpu.memory_space<vmem>>
    %dma_wait3A_288 = arith.constant 0 : i32
    %dma_wait3A_289 = arith.constant 0 : i32
    %dma_wait3A_290 = tpu.memref_slice %arg2[%dma_wait3A_288, %dma_wait3A_289] : memref<10000x32xf32, #tpu.memory_space<hbm>> -> memref<10000x32xf32, #tpu.memory_space<hbm>>
    tpu.wait_indirect_dma semaphore(%arg24 : memref<!tpu.dma_semaphore, #tpu.memory_space<semaphore_mem>>) src(%dma_wait3A_290 : memref<10000x32xf32, #tpu.memory_space<hbm>>) dst(%arg13 : memref<128x32xf32, #tpu.memory_space<vmem>>)
    %run_scoped3A_291 = arith.constant 74 : i32
    "tpu.region"() ({
      %run_scoped3A_356 = tpu.sem_alloc : memref<!tpu.dma_semaphore, #tpu.memory_space<semaphore_mem>>
      %dma_start3A_357 = arith.constant 0 : i32
      %dma_start3A_358 = tpu.memref_slice %arg7[%run_scoped3A_291, %dma_start3A_357] : memref<78x128xi32, #tpu.memory_space<vmem>> -> memref<1x128xi32, #tpu.memory_space<vmem>>
      %dma_start3A_359 = tpu.memref_squeeze %dma_start3A_358 : memref<1x128xi32, #tpu.memory_space<vmem>> -> memref<128xi32, #tpu.memory_space<vmem>>
      %dma_start3A_360 = arith.constant 0 : i32
      %dma_start3A_361 = arith.constant 0 : i32
      %dma_start3A_362 = tpu.memref_slice %arg21[%dma_start3A_360, %dma_start3A_361] : memref<10000x32xf32, #tpu.memory_space<vmem_shared>> -> memref<10000x32xf32, #tpu.memory_space<vmem_shared>>
      tpu.enqueue_indirect_dma source(%arg13 : memref<128x32xf32, #tpu.memory_space<vmem>>) target(%dma_start3A_362 : memref<10000x32xf32, #tpu.memory_space<vmem_shared>>) offsets(%dma_start3A_359 : memref<128xi32, #tpu.memory_space<vmem>>) semaphore(%run_scoped3A_356 : memref<!tpu.dma_semaphore, #tpu.memory_space<semaphore_mem>>) {add = true}
      %dma_wait3A_363 = arith.constant 0 : i32
      %dma_wait3A_364 = tpu.memref_slice %arg7[%run_scoped3A_291, %dma_wait3A_363] : memref<78x128xi32, #tpu.memory_space<vmem>> -> memref<1x128xi32, #tpu.memory_space<vmem>>
      %dma_wait3A_365 = tpu.memref_squeeze %dma_wait3A_364 : memref<1x128xi32, #tpu.memory_space<vmem>> -> memref<128xi32, #tpu.memory_space<vmem>>
      %dma_wait3A_366 = arith.constant 0 : i32
      %dma_wait3A_367 = arith.constant 0 : i32
      %dma_wait3A_368 = tpu.memref_slice %arg21[%dma_wait3A_366, %dma_wait3A_367] : memref<10000x32xf32, #tpu.memory_space<vmem_shared>> -> memref<10000x32xf32, #tpu.memory_space<vmem_shared>>
      tpu.wait_indirect_dma semaphore(%run_scoped3A_356 : memref<!tpu.dma_semaphore, #tpu.memory_space<semaphore_mem>>) src(%arg13 : memref<128x32xf32, #tpu.memory_space<vmem>>) dst(%dma_wait3A_368 : memref<10000x32xf32, #tpu.memory_space<vmem_shared>>)
      tpu.yield
    }) : () -> ()
    %dma_wait3A_292 = arith.constant 75 : i32
    %dma_wait3A_293 = arith.constant 0 : i32
    %dma_wait3A_294 = tpu.memref_slice %arg6[%dma_wait3A_292, %dma_wait3A_293] : memref<78x128xi32, #tpu.memory_space<vmem>> -> memref<1x128xi32, #tpu.memory_space<vmem>>
    %dma_wait3A_295 = tpu.memref_squeeze %dma_wait3A_294 : memref<1x128xi32, #tpu.memory_space<vmem>> -> memref<128xi32, #tpu.memory_space<vmem>>
    %dma_wait3A_296 = arith.constant 0 : i32
    %dma_wait3A_297 = arith.constant 0 : i32
    %dma_wait3A_298 = tpu.memref_slice %arg2[%dma_wait3A_296, %dma_wait3A_297] : memref<10000x32xf32, #tpu.memory_space<hbm>> -> memref<10000x32xf32, #tpu.memory_space<hbm>>
    tpu.wait_indirect_dma semaphore(%arg25 : memref<!tpu.dma_semaphore, #tpu.memory_space<semaphore_mem>>) src(%dma_wait3A_298 : memref<10000x32xf32, #tpu.memory_space<hbm>>) dst(%arg14 : memref<128x32xf32, #tpu.memory_space<vmem>>)
    %run_scoped3A_299 = arith.constant 75 : i32
    "tpu.region"() ({
      %run_scoped3A_356 = tpu.sem_alloc : memref<!tpu.dma_semaphore, #tpu.memory_space<semaphore_mem>>
      %dma_start3A_357 = arith.constant 0 : i32
      %dma_start3A_358 = tpu.memref_slice %arg7[%run_scoped3A_299, %dma_start3A_357] : memref<78x128xi32, #tpu.memory_space<vmem>> -> memref<1x128xi32, #tpu.memory_space<vmem>>
      %dma_start3A_359 = tpu.memref_squeeze %dma_start3A_358 : memref<1x128xi32, #tpu.memory_space<vmem>> -> memref<128xi32, #tpu.memory_space<vmem>>
      %dma_start3A_360 = arith.constant 0 : i32
      %dma_start3A_361 = arith.constant 0 : i32
      %dma_start3A_362 = tpu.memref_slice %arg21[%dma_start3A_360, %dma_start3A_361] : memref<10000x32xf32, #tpu.memory_space<vmem_shared>> -> memref<10000x32xf32, #tpu.memory_space<vmem_shared>>
      tpu.enqueue_indirect_dma source(%arg14 : memref<128x32xf32, #tpu.memory_space<vmem>>) target(%dma_start3A_362 : memref<10000x32xf32, #tpu.memory_space<vmem_shared>>) offsets(%dma_start3A_359 : memref<128xi32, #tpu.memory_space<vmem>>) semaphore(%run_scoped3A_356 : memref<!tpu.dma_semaphore, #tpu.memory_space<semaphore_mem>>) {add = true}
      %dma_wait3A_363 = arith.constant 0 : i32
      %dma_wait3A_364 = tpu.memref_slice %arg7[%run_scoped3A_299, %dma_wait3A_363] : memref<78x128xi32, #tpu.memory_space<vmem>> -> memref<1x128xi32, #tpu.memory_space<vmem>>
      %dma_wait3A_365 = tpu.memref_squeeze %dma_wait3A_364 : memref<1x128xi32, #tpu.memory_space<vmem>> -> memref<128xi32, #tpu.memory_space<vmem>>
      %dma_wait3A_366 = arith.constant 0 : i32
      %dma_wait3A_367 = arith.constant 0 : i32
      %dma_wait3A_368 = tpu.memref_slice %arg21[%dma_wait3A_366, %dma_wait3A_367] : memref<10000x32xf32, #tpu.memory_space<vmem_shared>> -> memref<10000x32xf32, #tpu.memory_space<vmem_shared>>
      tpu.wait_indirect_dma semaphore(%run_scoped3A_356 : memref<!tpu.dma_semaphore, #tpu.memory_space<semaphore_mem>>) src(%arg14 : memref<128x32xf32, #tpu.memory_space<vmem>>) dst(%dma_wait3A_368 : memref<10000x32xf32, #tpu.memory_space<vmem_shared>>)
      tpu.yield
    }) : () -> ()
    %dma_wait3A_300 = arith.constant 76 : i32
    %dma_wait3A_301 = arith.constant 0 : i32
    %dma_wait3A_302 = tpu.memref_slice %arg6[%dma_wait3A_300, %dma_wait3A_301] : memref<78x128xi32, #tpu.memory_space<vmem>> -> memref<1x128xi32, #tpu.memory_space<vmem>>
    %dma_wait3A_303 = tpu.memref_squeeze %dma_wait3A_302 : memref<1x128xi32, #tpu.memory_space<vmem>> -> memref<128xi32, #tpu.memory_space<vmem>>
    %dma_wait3A_304 = arith.constant 0 : i32
    %dma_wait3A_305 = arith.constant 0 : i32
    %dma_wait3A_306 = tpu.memref_slice %arg2[%dma_wait3A_304, %dma_wait3A_305] : memref<10000x32xf32, #tpu.memory_space<hbm>> -> memref<10000x32xf32, #tpu.memory_space<hbm>>
    tpu.wait_indirect_dma semaphore(%arg26 : memref<!tpu.dma_semaphore, #tpu.memory_space<semaphore_mem>>) src(%dma_wait3A_306 : memref<10000x32xf32, #tpu.memory_space<hbm>>) dst(%arg15 : memref<128x32xf32, #tpu.memory_space<vmem>>)
    %run_scoped3A_307 = arith.constant 76 : i32
    "tpu.region"() ({
      %run_scoped3A_356 = tpu.sem_alloc : memref<!tpu.dma_semaphore, #tpu.memory_space<semaphore_mem>>
      %dma_start3A_357 = arith.constant 0 : i32
      %dma_start3A_358 = tpu.memref_slice %arg7[%run_scoped3A_307, %dma_start3A_357] : memref<78x128xi32, #tpu.memory_space<vmem>> -> memref<1x128xi32, #tpu.memory_space<vmem>>
      %dma_start3A_359 = tpu.memref_squeeze %dma_start3A_358 : memref<1x128xi32, #tpu.memory_space<vmem>> -> memref<128xi32, #tpu.memory_space<vmem>>
      %dma_start3A_360 = arith.constant 0 : i32
      %dma_start3A_361 = arith.constant 0 : i32
      %dma_start3A_362 = tpu.memref_slice %arg21[%dma_start3A_360, %dma_start3A_361] : memref<10000x32xf32, #tpu.memory_space<vmem_shared>> -> memref<10000x32xf32, #tpu.memory_space<vmem_shared>>
      tpu.enqueue_indirect_dma source(%arg15 : memref<128x32xf32, #tpu.memory_space<vmem>>) target(%dma_start3A_362 : memref<10000x32xf32, #tpu.memory_space<vmem_shared>>) offsets(%dma_start3A_359 : memref<128xi32, #tpu.memory_space<vmem>>) semaphore(%run_scoped3A_356 : memref<!tpu.dma_semaphore, #tpu.memory_space<semaphore_mem>>) {add = true}
      %dma_wait3A_363 = arith.constant 0 : i32
      %dma_wait3A_364 = tpu.memref_slice %arg7[%run_scoped3A_307, %dma_wait3A_363] : memref<78x128xi32, #tpu.memory_space<vmem>> -> memref<1x128xi32, #tpu.memory_space<vmem>>
      %dma_wait3A_365 = tpu.memref_squeeze %dma_wait3A_364 : memref<1x128xi32, #tpu.memory_space<vmem>> -> memref<128xi32, #tpu.memory_space<vmem>>
      %dma_wait3A_366 = arith.constant 0 : i32
      %dma_wait3A_367 = arith.constant 0 : i32
      %dma_wait3A_368 = tpu.memref_slice %arg21[%dma_wait3A_366, %dma_wait3A_367] : memref<10000x32xf32, #tpu.memory_space<vmem_shared>> -> memref<10000x32xf32, #tpu.memory_space<vmem_shared>>
      tpu.wait_indirect_dma semaphore(%run_scoped3A_356 : memref<!tpu.dma_semaphore, #tpu.memory_space<semaphore_mem>>) src(%arg15 : memref<128x32xf32, #tpu.memory_space<vmem>>) dst(%dma_wait3A_368 : memref<10000x32xf32, #tpu.memory_space<vmem_shared>>)
      tpu.yield
    }) : () -> ()
    %dma_wait3A_308 = arith.constant 77 : i32
    %dma_wait3A_309 = arith.constant 0 : i32
    %dma_wait3A_310 = tpu.memref_slice %arg6[%dma_wait3A_308, %dma_wait3A_309] : memref<78x128xi32, #tpu.memory_space<vmem>> -> memref<1x128xi32, #tpu.memory_space<vmem>>
    %dma_wait3A_311 = tpu.memref_squeeze %dma_wait3A_310 : memref<1x128xi32, #tpu.memory_space<vmem>> -> memref<128xi32, #tpu.memory_space<vmem>>
    %dma_wait3A_312 = arith.constant 0 : i32
    %dma_wait3A_313 = arith.constant 0 : i32
    %dma_wait3A_314 = tpu.memref_slice %arg2[%dma_wait3A_312, %dma_wait3A_313] : memref<10000x32xf32, #tpu.memory_space<hbm>> -> memref<10000x32xf32, #tpu.memory_space<hbm>>
    tpu.wait_indirect_dma semaphore(%arg27 : memref<!tpu.dma_semaphore, #tpu.memory_space<semaphore_mem>>) src(%dma_wait3A_314 : memref<10000x32xf32, #tpu.memory_space<hbm>>) dst(%arg16 : memref<128x32xf32, #tpu.memory_space<vmem>>)
    %run_scoped3A_315 = arith.constant 77 : i32
    "tpu.region"() ({
      %run_scoped3A_356 = tpu.sem_alloc : memref<!tpu.dma_semaphore, #tpu.memory_space<semaphore_mem>>
      %dma_start3A_357 = arith.constant 0 : i32
      %dma_start3A_358 = tpu.memref_slice %arg7[%run_scoped3A_315, %dma_start3A_357] : memref<78x128xi32, #tpu.memory_space<vmem>> -> memref<1x128xi32, #tpu.memory_space<vmem>>
      %dma_start3A_359 = tpu.memref_squeeze %dma_start3A_358 : memref<1x128xi32, #tpu.memory_space<vmem>> -> memref<128xi32, #tpu.memory_space<vmem>>
      %dma_start3A_360 = arith.constant 0 : i32
      %dma_start3A_361 = arith.constant 0 : i32
      %dma_start3A_362 = tpu.memref_slice %arg21[%dma_start3A_360, %dma_start3A_361] : memref<10000x32xf32, #tpu.memory_space<vmem_shared>> -> memref<10000x32xf32, #tpu.memory_space<vmem_shared>>
      tpu.enqueue_indirect_dma source(%arg16 : memref<128x32xf32, #tpu.memory_space<vmem>>) target(%dma_start3A_362 : memref<10000x32xf32, #tpu.memory_space<vmem_shared>>) offsets(%dma_start3A_359 : memref<128xi32, #tpu.memory_space<vmem>>) semaphore(%run_scoped3A_356 : memref<!tpu.dma_semaphore, #tpu.memory_space<semaphore_mem>>) {add = true}
      %dma_wait3A_363 = arith.constant 0 : i32
      %dma_wait3A_364 = tpu.memref_slice %arg7[%run_scoped3A_315, %dma_wait3A_363] : memref<78x128xi32, #tpu.memory_space<vmem>> -> memref<1x128xi32, #tpu.memory_space<vmem>>
      %dma_wait3A_365 = tpu.memref_squeeze %dma_wait3A_364 : memref<1x128xi32, #tpu.memory_space<vmem>> -> memref<128xi32, #tpu.memory_space<vmem>>
      %dma_wait3A_366 = arith.constant 0 : i32
      %dma_wait3A_367 = arith.constant 0 : i32
      %dma_wait3A_368 = tpu.memref_slice %arg21[%dma_wait3A_366, %dma_wait3A_367] : memref<10000x32xf32, #tpu.memory_space<vmem_shared>> -> memref<10000x32xf32, #tpu.memory_space<vmem_shared>>
      tpu.wait_indirect_dma semaphore(%run_scoped3A_356 : memref<!tpu.dma_semaphore, #tpu.memory_space<semaphore_mem>>) src(%arg16 : memref<128x32xf32, #tpu.memory_space<vmem>>) dst(%dma_wait3A_368 : memref<10000x32xf32, #tpu.memory_space<vmem_shared>>)
      tpu.yield
    }) : () -> ()
    %dma_start3A_316 = arith.constant 0 : i32
    %dma_start3A_317 = arith.constant 0 : i32
    %dma_start3A_318 = tpu.memref_slice %arg2[%dma_start3A_316, %dma_start3A_317] : memref<10000x32xf32, #tpu.memory_space<hbm>> -> memref<10000x32xf32, #tpu.memory_space<hbm>>
    tpu.enqueue_indirect_dma source(%dma_start3A_318 : memref<10000x32xf32, #tpu.memory_space<hbm>>) target(%arg19 : memref<16x32xf32, #tpu.memory_space<vmem>>) offsets(%arg8 : memref<16xi32, #tpu.memory_space<vmem>>) semaphore(%arg22 : memref<!tpu.dma_semaphore, #tpu.memory_space<semaphore_mem>>)
    %dma_wait3A_319 = arith.constant 0 : i32
    %dma_wait3A_320 = arith.constant 0 : i32
    %dma_wait3A_321 = tpu.memref_slice %arg2[%dma_wait3A_319, %dma_wait3A_320] : memref<10000x32xf32, #tpu.memory_space<hbm>> -> memref<10000x32xf32, #tpu.memory_space<hbm>>
    tpu.wait_indirect_dma semaphore(%arg22 : memref<!tpu.dma_semaphore, #tpu.memory_space<semaphore_mem>>) src(%dma_wait3A_321 : memref<10000x32xf32, #tpu.memory_space<hbm>>) dst(%arg19 : memref<16x32xf32, #tpu.memory_space<vmem>>)
    "tpu.region"() ({
      %run_scoped3A_356 = tpu.sem_alloc : memref<!tpu.dma_semaphore, #tpu.memory_space<semaphore_mem>>
      %dma_start3A_357 = arith.constant 0 : i32
      %dma_start3A_358 = arith.constant 0 : i32
      %dma_start3A_359 = tpu.memref_slice %arg21[%dma_start3A_357, %dma_start3A_358] : memref<10000x32xf32, #tpu.memory_space<vmem_shared>> -> memref<10000x32xf32, #tpu.memory_space<vmem_shared>>
      tpu.enqueue_indirect_dma source(%arg19 : memref<16x32xf32, #tpu.memory_space<vmem>>) target(%dma_start3A_359 : memref<10000x32xf32, #tpu.memory_space<vmem_shared>>) offsets(%arg9 : memref<16xi32, #tpu.memory_space<vmem>>) semaphore(%run_scoped3A_356 : memref<!tpu.dma_semaphore, #tpu.memory_space<semaphore_mem>>) {add = true}
      %dma_wait3A_360 = arith.constant 0 : i32
      %dma_wait3A_361 = arith.constant 0 : i32
      %dma_wait3A_362 = tpu.memref_slice %arg21[%dma_wait3A_360, %dma_wait3A_361] : memref<10000x32xf32, #tpu.memory_space<vmem_shared>> -> memref<10000x32xf32, #tpu.memory_space<vmem_shared>>
      tpu.wait_indirect_dma semaphore(%run_scoped3A_356 : memref<!tpu.dma_semaphore, #tpu.memory_space<semaphore_mem>>) src(%arg19 : memref<16x32xf32, #tpu.memory_space<vmem>>) dst(%dma_wait3A_362 : memref<10000x32xf32, #tpu.memory_space<vmem_shared>>)
      tpu.yield
    }) : () -> ()
    %eq3A_322 = arith.constant 0 : i32
    %eq3A_323 = arith.cmpi eq, %arg0, %eq3A_322 : i32
    %convert_element_type3A = arith.extui %eq3A_323 : i1 to i32
    %cond3A = arith.constant 0 : i32
    %cond3A_324 = arith.cmpi ne, %convert_element_type3A, %cond3A : i32
    scf.if %cond3A_324 {
      %add3A_356 = arith.constant 0 : i32
      %add3A_357 = arith.addi %mul3A_2, %add3A_356 : i32
      "tpu.region"() ({
        %run_scoped3A_359 = tpu.sem_alloc : memref<!tpu.dma_semaphore, #tpu.memory_space<semaphore_mem>>
        %dma_start3A_360 = arith.constant 0 : i32
        %dma_start3A_361 = tpu.memref_slice %arg2[%add3A_357, %dma_start3A_360] : memref<10000x32xf32, #tpu.memory_space<hbm>> -> memref<125x32xf32, #tpu.memory_space<hbm>>
        %dma_start3A_362 = arith.constant 0 : i32
        %dma_start3A_363 = tpu.memref_slice %arg2[%add3A_357, %dma_start3A_362] : memref<10000x32xf32, #tpu.memory_space<hbm>> -> memref<125x32xf32, #tpu.memory_space<hbm>>
        tpu.enqueue_dma source(%dma_start3A_363 : memref<125x32xf32, #tpu.memory_space<hbm>>) target(%arg20 : memref<125x32xf32, #tpu.memory_space<vmem>>) target_semaphore(%run_scoped3A_359 : memref<!tpu.dma_semaphore, #tpu.memory_space<semaphore_mem>>)
        %dma_wait3A_364 = arith.constant 0 : i32
        %dma_wait3A_365 = tpu.memref_slice %arg2[%add3A_357, %dma_wait3A_364] : memref<10000x32xf32, #tpu.memory_space<hbm>> -> memref<125x32xf32, #tpu.memory_space<hbm>>
        %dma_wait3A_366 = arith.constant 0 : i32
        %dma_wait3A_367 = tpu.memref_slice %arg2[%add3A_357, %dma_wait3A_366] : memref<10000x32xf32, #tpu.memory_space<hbm>> -> memref<125x32xf32, #tpu.memory_space<hbm>>
        tpu.wait_dma2 semaphore(%run_scoped3A_359 : memref<!tpu.dma_semaphore, #tpu.memory_space<semaphore_mem>>) src(%dma_wait3A_367 : memref<125x32xf32, #tpu.memory_space<hbm>>) dst(%arg20 : memref<125x32xf32, #tpu.memory_space<vmem>>)
        tpu.yield
      }) : () -> ()
      %run_scoped3A_358 = arith.constant 0 : i32
      "tpu.region"() ({
        %run_scoped3A_359 = tpu.sem_alloc : memref<!tpu.dma_semaphore, #tpu.memory_space<semaphore_mem>>
        %dma_start3A_360 = arith.constant 0 : i32
        %dma_start3A_361 = tpu.memref_slice %arg10[%run_scoped3A_358, %dma_start3A_360] : memref<5x125xi32, #tpu.memory_space<vmem>> -> memref<1x125xi32, #tpu.memory_space<vmem>>
        %dma_start3A_362 = tpu.memref_squeeze %dma_start3A_361 : memref<1x125xi32, #tpu.memory_space<vmem>> -> memref<125xi32, #tpu.memory_space<vmem>>
        %dma_start3A_363 = arith.constant 0 : i32
        %dma_start3A_364 = arith.constant 0 : i32
        %dma_start3A_365 = tpu.memref_slice %arg21[%dma_start3A_363, %dma_start3A_364] : memref<10000x32xf32, #tpu.memory_space<vmem_shared>> -> memref<10000x32xf32, #tpu.memory_space<vmem_shared>>
        tpu.enqueue_indirect_dma source(%arg20 : memref<125x32xf32, #tpu.memory_space<vmem>>) target(%dma_start3A_365 : memref<10000x32xf32, #tpu.memory_space<vmem_shared>>) offsets(%dma_start3A_362 : memref<125xi32, #tpu.memory_space<vmem>>) semaphore(%run_scoped3A_359 : memref<!tpu.dma_semaphore, #tpu.memory_space<semaphore_mem>>) {add = true}
        %dma_wait3A_366 = arith.constant 0 : i32
        %dma_wait3A_367 = tpu.memref_slice %arg10[%run_scoped3A_358, %dma_wait3A_366] : memref<5x125xi32, #tpu.memory_space<vmem>> -> memref<1x125xi32, #tpu.memory_space<vmem>>
        %dma_wait3A_368 = tpu.memref_squeeze %dma_wait3A_367 : memref<1x125xi32, #tpu.memory_space<vmem>> -> memref<125xi32, #tpu.memory_space<vmem>>
        %dma_wait3A_369 = arith.constant 0 : i32
        %dma_wait3A_370 = arith.constant 0 : i32
        %dma_wait3A_371 = tpu.memref_slice %arg21[%dma_wait3A_369, %dma_wait3A_370] : memref<10000x32xf32, #tpu.memory_space<vmem_shared>> -> memref<10000x32xf32, #tpu.memory_space<vmem_shared>>
        tpu.wait_indirect_dma semaphore(%run_scoped3A_359 : memref<!tpu.dma_semaphore, #tpu.memory_space<semaphore_mem>>) src(%arg20 : memref<125x32xf32, #tpu.memory_space<vmem>>) dst(%dma_wait3A_371 : memref<10000x32xf32, #tpu.memory_space<vmem_shared>>)
        tpu.yield
      }) : () -> ()
    } else {
    }
    %eq3A_325 = arith.constant 0 : i32
    %eq3A_326 = arith.cmpi eq, %arg0, %eq3A_325 : i32
    %convert_element_type3A_327 = arith.extui %eq3A_326 : i1 to i32
    %cond3A_328 = arith.constant 0 : i32
    %cond3A_329 = arith.cmpi ne, %convert_element_type3A_327, %cond3A_328 : i32
    scf.if %cond3A_329 {
      %add3A_356 = arith.constant 125 : i32
      %add3A_357 = arith.addi %mul3A_2, %add3A_356 : i32
      "tpu.region"() ({
        %run_scoped3A_359 = tpu.sem_alloc : memref<!tpu.dma_semaphore, #tpu.memory_space<semaphore_mem>>
        %dma_start3A_360 = arith.constant 0 : i32
        %dma_start3A_361 = tpu.memref_slice %arg2[%add3A_357, %dma_start3A_360] : memref<10000x32xf32, #tpu.memory_space<hbm>> -> memref<125x32xf32, #tpu.memory_space<hbm>>
        %dma_start3A_362 = arith.constant 0 : i32
        %dma_start3A_363 = tpu.memref_slice %arg2[%add3A_357, %dma_start3A_362] : memref<10000x32xf32, #tpu.memory_space<hbm>> -> memref<125x32xf32, #tpu.memory_space<hbm>>
        tpu.enqueue_dma source(%dma_start3A_363 : memref<125x32xf32, #tpu.memory_space<hbm>>) target(%arg20 : memref<125x32xf32, #tpu.memory_space<vmem>>) target_semaphore(%run_scoped3A_359 : memref<!tpu.dma_semaphore, #tpu.memory_space<semaphore_mem>>)
        %dma_wait3A_364 = arith.constant 0 : i32
        %dma_wait3A_365 = tpu.memref_slice %arg2[%add3A_357, %dma_wait3A_364] : memref<10000x32xf32, #tpu.memory_space<hbm>> -> memref<125x32xf32, #tpu.memory_space<hbm>>
        %dma_wait3A_366 = arith.constant 0 : i32
        %dma_wait3A_367 = tpu.memref_slice %arg2[%add3A_357, %dma_wait3A_366] : memref<10000x32xf32, #tpu.memory_space<hbm>> -> memref<125x32xf32, #tpu.memory_space<hbm>>
        tpu.wait_dma2 semaphore(%run_scoped3A_359 : memref<!tpu.dma_semaphore, #tpu.memory_space<semaphore_mem>>) src(%dma_wait3A_367 : memref<125x32xf32, #tpu.memory_space<hbm>>) dst(%arg20 : memref<125x32xf32, #tpu.memory_space<vmem>>)
        tpu.yield
      }) : () -> ()
      %run_scoped3A_358 = arith.constant 1 : i32
      "tpu.region"() ({
        %run_scoped3A_359 = tpu.sem_alloc : memref<!tpu.dma_semaphore, #tpu.memory_space<semaphore_mem>>
        %dma_start3A_360 = arith.constant 0 : i32
        %dma_start3A_361 = tpu.memref_slice %arg10[%run_scoped3A_358, %dma_start3A_360] : memref<5x125xi32, #tpu.memory_space<vmem>> -> memref<1x125xi32, #tpu.memory_space<vmem>>
        %dma_start3A_362 = tpu.memref_squeeze %dma_start3A_361 : memref<1x125xi32, #tpu.memory_space<vmem>> -> memref<125xi32, #tpu.memory_space<vmem>>
        %dma_start3A_363 = arith.constant 0 : i32
        %dma_start3A_364 = arith.constant 0 : i32
        %dma_start3A_365 = tpu.memref_slice %arg21[%dma_start3A_363, %dma_start3A_364] : memref<10000x32xf32, #tpu.memory_space<vmem_shared>> -> memref<10000x32xf32, #tpu.memory_space<vmem_shared>>
        tpu.enqueue_indirect_dma source(%arg20 : memref<125x32xf32, #tpu.memory_space<vmem>>) target(%dma_start3A_365 : memref<10000x32xf32, #tpu.memory_space<vmem_shared>>) offsets(%dma_start3A_362 : memref<125xi32, #tpu.memory_space<vmem>>) semaphore(%run_scoped3A_359 : memref<!tpu.dma_semaphore, #tpu.memory_space<semaphore_mem>>) {add = true}
        %dma_wait3A_366 = arith.constant 0 : i32
        %dma_wait3A_367 = tpu.memref_slice %arg10[%run_scoped3A_358, %dma_wait3A_366] : memref<5x125xi32, #tpu.memory_space<vmem>> -> memref<1x125xi32, #tpu.memory_space<vmem>>
        %dma_wait3A_368 = tpu.memref_squeeze %dma_wait3A_367 : memref<1x125xi32, #tpu.memory_space<vmem>> -> memref<125xi32, #tpu.memory_space<vmem>>
        %dma_wait3A_369 = arith.constant 0 : i32
        %dma_wait3A_370 = arith.constant 0 : i32
        %dma_wait3A_371 = tpu.memref_slice %arg21[%dma_wait3A_369, %dma_wait3A_370] : memref<10000x32xf32, #tpu.memory_space<vmem_shared>> -> memref<10000x32xf32, #tpu.memory_space<vmem_shared>>
        tpu.wait_indirect_dma semaphore(%run_scoped3A_359 : memref<!tpu.dma_semaphore, #tpu.memory_space<semaphore_mem>>) src(%arg20 : memref<125x32xf32, #tpu.memory_space<vmem>>) dst(%dma_wait3A_371 : memref<10000x32xf32, #tpu.memory_space<vmem_shared>>)
        tpu.yield
      }) : () -> ()
    } else {
    }
    %eq3A_330 = arith.constant 0 : i32
    %eq3A_331 = arith.cmpi eq, %arg0, %eq3A_330 : i32
    %convert_element_type3A_332 = arith.extui %eq3A_331 : i1 to i32
    %cond3A_333 = arith.constant 0 : i32
    %cond3A_334 = arith.cmpi ne, %convert_element_type3A_332, %cond3A_333 : i32
    scf.if %cond3A_334 {
      %add3A_356 = arith.constant 250 : i32
      %add3A_357 = arith.addi %mul3A_2, %add3A_356 : i32
      "tpu.region"() ({
        %run_scoped3A_359 = tpu.sem_alloc : memref<!tpu.dma_semaphore, #tpu.memory_space<semaphore_mem>>
        %dma_start3A_360 = arith.constant 0 : i32
        %dma_start3A_361 = tpu.memref_slice %arg2[%add3A_357, %dma_start3A_360] : memref<10000x32xf32, #tpu.memory_space<hbm>> -> memref<125x32xf32, #tpu.memory_space<hbm>>
        %dma_start3A_362 = arith.constant 0 : i32
        %dma_start3A_363 = tpu.memref_slice %arg2[%add3A_357, %dma_start3A_362] : memref<10000x32xf32, #tpu.memory_space<hbm>> -> memref<125x32xf32, #tpu.memory_space<hbm>>
        tpu.enqueue_dma source(%dma_start3A_363 : memref<125x32xf32, #tpu.memory_space<hbm>>) target(%arg20 : memref<125x32xf32, #tpu.memory_space<vmem>>) target_semaphore(%run_scoped3A_359 : memref<!tpu.dma_semaphore, #tpu.memory_space<semaphore_mem>>)
        %dma_wait3A_364 = arith.constant 0 : i32
        %dma_wait3A_365 = tpu.memref_slice %arg2[%add3A_357, %dma_wait3A_364] : memref<10000x32xf32, #tpu.memory_space<hbm>> -> memref<125x32xf32, #tpu.memory_space<hbm>>
        %dma_wait3A_366 = arith.constant 0 : i32
        %dma_wait3A_367 = tpu.memref_slice %arg2[%add3A_357, %dma_wait3A_366] : memref<10000x32xf32, #tpu.memory_space<hbm>> -> memref<125x32xf32, #tpu.memory_space<hbm>>
        tpu.wait_dma2 semaphore(%run_scoped3A_359 : memref<!tpu.dma_semaphore, #tpu.memory_space<semaphore_mem>>) src(%dma_wait3A_367 : memref<125x32xf32, #tpu.memory_space<hbm>>) dst(%arg20 : memref<125x32xf32, #tpu.memory_space<vmem>>)
        tpu.yield
      }) : () -> ()
      %run_scoped3A_358 = arith.constant 2 : i32
      "tpu.region"() ({
        %run_scoped3A_359 = tpu.sem_alloc : memref<!tpu.dma_semaphore, #tpu.memory_space<semaphore_mem>>
        %dma_start3A_360 = arith.constant 0 : i32
        %dma_start3A_361 = tpu.memref_slice %arg10[%run_scoped3A_358, %dma_start3A_360] : memref<5x125xi32, #tpu.memory_space<vmem>> -> memref<1x125xi32, #tpu.memory_space<vmem>>
        %dma_start3A_362 = tpu.memref_squeeze %dma_start3A_361 : memref<1x125xi32, #tpu.memory_space<vmem>> -> memref<125xi32, #tpu.memory_space<vmem>>
        %dma_start3A_363 = arith.constant 0 : i32
        %dma_start3A_364 = arith.constant 0 : i32
        %dma_start3A_365 = tpu.memref_slice %arg21[%dma_start3A_363, %dma_start3A_364] : memref<10000x32xf32, #tpu.memory_space<vmem_shared>> -> memref<10000x32xf32, #tpu.memory_space<vmem_shared>>
        tpu.enqueue_indirect_dma source(%arg20 : memref<125x32xf32, #tpu.memory_space<vmem>>) target(%dma_start3A_365 : memref<10000x32xf32, #tpu.memory_space<vmem_shared>>) offsets(%dma_start3A_362 : memref<125xi32, #tpu.memory_space<vmem>>) semaphore(%run_scoped3A_359 : memref<!tpu.dma_semaphore, #tpu.memory_space<semaphore_mem>>) {add = true}
        %dma_wait3A_366 = arith.constant 0 : i32
        %dma_wait3A_367 = tpu.memref_slice %arg10[%run_scoped3A_358, %dma_wait3A_366] : memref<5x125xi32, #tpu.memory_space<vmem>> -> memref<1x125xi32, #tpu.memory_space<vmem>>
        %dma_wait3A_368 = tpu.memref_squeeze %dma_wait3A_367 : memref<1x125xi32, #tpu.memory_space<vmem>> -> memref<125xi32, #tpu.memory_space<vmem>>
        %dma_wait3A_369 = arith.constant 0 : i32
        %dma_wait3A_370 = arith.constant 0 : i32
        %dma_wait3A_371 = tpu.memref_slice %arg21[%dma_wait3A_369, %dma_wait3A_370] : memref<10000x32xf32, #tpu.memory_space<vmem_shared>> -> memref<10000x32xf32, #tpu.memory_space<vmem_shared>>
        tpu.wait_indirect_dma semaphore(%run_scoped3A_359 : memref<!tpu.dma_semaphore, #tpu.memory_space<semaphore_mem>>) src(%arg20 : memref<125x32xf32, #tpu.memory_space<vmem>>) dst(%dma_wait3A_371 : memref<10000x32xf32, #tpu.memory_space<vmem_shared>>)
        tpu.yield
      }) : () -> ()
    } else {
    }
    %eq3A_335 = arith.constant 1 : i32
    %eq3A_336 = arith.cmpi eq, %arg0, %eq3A_335 : i32
    %convert_element_type3A_337 = arith.extui %eq3A_336 : i1 to i32
    %cond3A_338 = arith.constant 0 : i32
    %cond3A_339 = arith.cmpi ne, %convert_element_type3A_337, %cond3A_338 : i32
    scf.if %cond3A_339 {
      %add3A_356 = arith.constant 375 : i32
      %add3A_357 = arith.addi %mul3A_2, %add3A_356 : i32
      "tpu.region"() ({
        %run_scoped3A_359 = tpu.sem_alloc : memref<!tpu.dma_semaphore, #tpu.memory_space<semaphore_mem>>
        %dma_start3A_360 = arith.constant 0 : i32
        %dma_start3A_361 = tpu.memref_slice %arg2[%add3A_357, %dma_start3A_360] : memref<10000x32xf32, #tpu.memory_space<hbm>> -> memref<125x32xf32, #tpu.memory_space<hbm>>
        %dma_start3A_362 = arith.constant 0 : i32
        %dma_start3A_363 = tpu.memref_slice %arg2[%add3A_357, %dma_start3A_362] : memref<10000x32xf32, #tpu.memory_space<hbm>> -> memref<125x32xf32, #tpu.memory_space<hbm>>
        tpu.enqueue_dma source(%dma_start3A_363 : memref<125x32xf32, #tpu.memory_space<hbm>>) target(%arg20 : memref<125x32xf32, #tpu.memory_space<vmem>>) target_semaphore(%run_scoped3A_359 : memref<!tpu.dma_semaphore, #tpu.memory_space<semaphore_mem>>)
        %dma_wait3A_364 = arith.constant 0 : i32
        %dma_wait3A_365 = tpu.memref_slice %arg2[%add3A_357, %dma_wait3A_364] : memref<10000x32xf32, #tpu.memory_space<hbm>> -> memref<125x32xf32, #tpu.memory_space<hbm>>
        %dma_wait3A_366 = arith.constant 0 : i32
        %dma_wait3A_367 = tpu.memref_slice %arg2[%add3A_357, %dma_wait3A_366] : memref<10000x32xf32, #tpu.memory_space<hbm>> -> memref<125x32xf32, #tpu.memory_space<hbm>>
        tpu.wait_dma2 semaphore(%run_scoped3A_359 : memref<!tpu.dma_semaphore, #tpu.memory_space<semaphore_mem>>) src(%dma_wait3A_367 : memref<125x32xf32, #tpu.memory_space<hbm>>) dst(%arg20 : memref<125x32xf32, #tpu.memory_space<vmem>>)
        tpu.yield
      }) : () -> ()
      %run_scoped3A_358 = arith.constant 3 : i32
      "tpu.region"() ({
        %run_scoped3A_359 = tpu.sem_alloc : memref<!tpu.dma_semaphore, #tpu.memory_space<semaphore_mem>>
        %dma_start3A_360 = arith.constant 0 : i32
        %dma_start3A_361 = tpu.memref_slice %arg10[%run_scoped3A_358, %dma_start3A_360] : memref<5x125xi32, #tpu.memory_space<vmem>> -> memref<1x125xi32, #tpu.memory_space<vmem>>
        %dma_start3A_362 = tpu.memref_squeeze %dma_start3A_361 : memref<1x125xi32, #tpu.memory_space<vmem>> -> memref<125xi32, #tpu.memory_space<vmem>>
        %dma_start3A_363 = arith.constant 0 : i32
        %dma_start3A_364 = arith.constant 0 : i32
        %dma_start3A_365 = tpu.memref_slice %arg21[%dma_start3A_363, %dma_start3A_364] : memref<10000x32xf32, #tpu.memory_space<vmem_shared>> -> memref<10000x32xf32, #tpu.memory_space<vmem_shared>>
        tpu.enqueue_indirect_dma source(%arg20 : memref<125x32xf32, #tpu.memory_space<vmem>>) target(%dma_start3A_365 : memref<10000x32xf32, #tpu.memory_space<vmem_shared>>) offsets(%dma_start3A_362 : memref<125xi32, #tpu.memory_space<vmem>>) semaphore(%run_scoped3A_359 : memref<!tpu.dma_semaphore, #tpu.memory_space<semaphore_mem>>) {add = true}
        %dma_wait3A_366 = arith.constant 0 : i32
        %dma_wait3A_367 = tpu.memref_slice %arg10[%run_scoped3A_358, %dma_wait3A_366] : memref<5x125xi32, #tpu.memory_space<vmem>> -> memref<1x125xi32, #tpu.memory_space<vmem>>
        %dma_wait3A_368 = tpu.memref_squeeze %dma_wait3A_367 : memref<1x125xi32, #tpu.memory_space<vmem>> -> memref<125xi32, #tpu.memory_space<vmem>>
        %dma_wait3A_369 = arith.constant 0 : i32
        %dma_wait3A_370 = arith.constant 0 : i32
        %dma_wait3A_371 = tpu.memref_slice %arg21[%dma_wait3A_369, %dma_wait3A_370] : memref<10000x32xf32, #tpu.memory_space<vmem_shared>> -> memref<10000x32xf32, #tpu.memory_space<vmem_shared>>
        tpu.wait_indirect_dma semaphore(%run_scoped3A_359 : memref<!tpu.dma_semaphore, #tpu.memory_space<semaphore_mem>>) src(%arg20 : memref<125x32xf32, #tpu.memory_space<vmem>>) dst(%dma_wait3A_371 : memref<10000x32xf32, #tpu.memory_space<vmem_shared>>)
        tpu.yield
      }) : () -> ()
    } else {
    }
    %eq3A_340 = arith.constant 1 : i32
    %eq3A_341 = arith.cmpi eq, %arg0, %eq3A_340 : i32
    %convert_element_type3A_342 = arith.extui %eq3A_341 : i1 to i32
    %cond3A_343 = arith.constant 0 : i32
    %cond3A_344 = arith.cmpi ne, %convert_element_type3A_342, %cond3A_343 : i32
    scf.if %cond3A_344 {
      %add3A_356 = arith.constant 500 : i32
      %add3A_357 = arith.addi %mul3A_2, %add3A_356 : i32
      "tpu.region"() ({
        %run_scoped3A_359 = tpu.sem_alloc : memref<!tpu.dma_semaphore, #tpu.memory_space<semaphore_mem>>
        %dma_start3A_360 = arith.constant 0 : i32
        %dma_start3A_361 = tpu.memref_slice %arg2[%add3A_357, %dma_start3A_360] : memref<10000x32xf32, #tpu.memory_space<hbm>> -> memref<125x32xf32, #tpu.memory_space<hbm>>
        %dma_start3A_362 = arith.constant 0 : i32
        %dma_start3A_363 = tpu.memref_slice %arg2[%add3A_357, %dma_start3A_362] : memref<10000x32xf32, #tpu.memory_space<hbm>> -> memref<125x32xf32, #tpu.memory_space<hbm>>
        tpu.enqueue_dma source(%dma_start3A_363 : memref<125x32xf32, #tpu.memory_space<hbm>>) target(%arg20 : memref<125x32xf32, #tpu.memory_space<vmem>>) target_semaphore(%run_scoped3A_359 : memref<!tpu.dma_semaphore, #tpu.memory_space<semaphore_mem>>)
        %dma_wait3A_364 = arith.constant 0 : i32
        %dma_wait3A_365 = tpu.memref_slice %arg2[%add3A_357, %dma_wait3A_364] : memref<10000x32xf32, #tpu.memory_space<hbm>> -> memref<125x32xf32, #tpu.memory_space<hbm>>
        %dma_wait3A_366 = arith.constant 0 : i32
        %dma_wait3A_367 = tpu.memref_slice %arg2[%add3A_357, %dma_wait3A_366] : memref<10000x32xf32, #tpu.memory_space<hbm>> -> memref<125x32xf32, #tpu.memory_space<hbm>>
        tpu.wait_dma2 semaphore(%run_scoped3A_359 : memref<!tpu.dma_semaphore, #tpu.memory_space<semaphore_mem>>) src(%dma_wait3A_367 : memref<125x32xf32, #tpu.memory_space<hbm>>) dst(%arg20 : memref<125x32xf32, #tpu.memory_space<vmem>>)
        tpu.yield
      }) : () -> ()
      %run_scoped3A_358 = arith.constant 4 : i32
      "tpu.region"() ({
        %run_scoped3A_359 = tpu.sem_alloc : memref<!tpu.dma_semaphore, #tpu.memory_space<semaphore_mem>>
        %dma_start3A_360 = arith.constant 0 : i32
        %dma_start3A_361 = tpu.memref_slice %arg10[%run_scoped3A_358, %dma_start3A_360] : memref<5x125xi32, #tpu.memory_space<vmem>> -> memref<1x125xi32, #tpu.memory_space<vmem>>
        %dma_start3A_362 = tpu.memref_squeeze %dma_start3A_361 : memref<1x125xi32, #tpu.memory_space<vmem>> -> memref<125xi32, #tpu.memory_space<vmem>>
        %dma_start3A_363 = arith.constant 0 : i32
        %dma_start3A_364 = arith.constant 0 : i32
        %dma_start3A_365 = tpu.memref_slice %arg21[%dma_start3A_363, %dma_start3A_364] : memref<10000x32xf32, #tpu.memory_space<vmem_shared>> -> memref<10000x32xf32, #tpu.memory_space<vmem_shared>>
        tpu.enqueue_indirect_dma source(%arg20 : memref<125x32xf32, #tpu.memory_space<vmem>>) target(%dma_start3A_365 : memref<10000x32xf32, #tpu.memory_space<vmem_shared>>) offsets(%dma_start3A_362 : memref<125xi32, #tpu.memory_space<vmem>>) semaphore(%run_scoped3A_359 : memref<!tpu.dma_semaphore, #tpu.memory_space<semaphore_mem>>) {add = true}
        %dma_wait3A_366 = arith.constant 0 : i32
        %dma_wait3A_367 = tpu.memref_slice %arg10[%run_scoped3A_358, %dma_wait3A_366] : memref<5x125xi32, #tpu.memory_space<vmem>> -> memref<1x125xi32, #tpu.memory_space<vmem>>
        %dma_wait3A_368 = tpu.memref_squeeze %dma_wait3A_367 : memref<1x125xi32, #tpu.memory_space<vmem>> -> memref<125xi32, #tpu.memory_space<vmem>>
        %dma_wait3A_369 = arith.constant 0 : i32
        %dma_wait3A_370 = arith.constant 0 : i32
        %dma_wait3A_371 = tpu.memref_slice %arg21[%dma_wait3A_369, %dma_wait3A_370] : memref<10000x32xf32, #tpu.memory_space<vmem_shared>> -> memref<10000x32xf32, #tpu.memory_space<vmem_shared>>
        tpu.wait_indirect_dma semaphore(%run_scoped3A_359 : memref<!tpu.dma_semaphore, #tpu.memory_space<semaphore_mem>>) src(%arg20 : memref<125x32xf32, #tpu.memory_space<vmem>>) dst(%dma_wait3A_371 : memref<10000x32xf32, #tpu.memory_space<vmem_shared>>)
        tpu.yield
      }) : () -> ()
    } else {
    }
    %barrier3A_345 = arith.constant 0 : index
    tpu.barrier barrier_id(%barrier3A_345)
    %add3A_346 = arith.constant 0 : i32
    %add3A_347 = arith.addi %mul3A_2, %add3A_346 : i32
    "tpu.region"() ({
      %run_scoped3A_356 = tpu.sem_alloc : memref<!tpu.dma_semaphore, #tpu.memory_space<semaphore_mem>>
      %dma_start3A_357 = arith.constant 0 : i32
      %dma_start3A_358 = tpu.memref_slice %arg5[%arg0, %add3A_347, %dma_start3A_357] : memref<2x10000x32xf32, #tpu.memory_space<hbm>> -> memref<1x125x32xf32, #tpu.memory_space<hbm>>
      %dma_start3A_359 = tpu.memref_squeeze %dma_start3A_358 : memref<1x125x32xf32, #tpu.memory_space<hbm>> -> memref<125x32xf32, #tpu.memory_space<hbm>>
      %dma_start3A_360 = arith.constant 0 : i32
      %dma_start3A_361 = tpu.memref_slice %arg21[%add3A_347, %dma_start3A_360] : memref<10000x32xf32, #tpu.memory_space<vmem_shared>> -> memref<125x32xf32, #tpu.memory_space<vmem_shared>>
      tpu.enqueue_dma source(%dma_start3A_361 : memref<125x32xf32, #tpu.memory_space<vmem_shared>>) target(%dma_start3A_359 : memref<125x32xf32, #tpu.memory_space<hbm>>) target_semaphore(%run_scoped3A_356 : memref<!tpu.dma_semaphore, #tpu.memory_space<semaphore_mem>>)
      %dma_wait3A_362 = arith.constant 0 : i32
      %dma_wait3A_363 = tpu.memref_slice %arg5[%arg0, %add3A_347, %dma_wait3A_362] : memref<2x10000x32xf32, #tpu.memory_space<hbm>> -> memref<1x125x32xf32, #tpu.memory_space<hbm>>
      %dma_wait3A_364 = tpu.memref_squeeze %dma_wait3A_363 : memref<1x125x32xf32, #tpu.memory_space<hbm>> -> memref<125x32xf32, #tpu.memory_space<hbm>>
      %dma_wait3A_365 = arith.constant 0 : i32
      %dma_wait3A_366 = tpu.memref_slice %arg21[%add3A_347, %dma_wait3A_365] : memref<10000x32xf32, #tpu.memory_space<vmem_shared>> -> memref<125x32xf32, #tpu.memory_space<vmem_shared>>
      tpu.wait_dma2 semaphore(%run_scoped3A_356 : memref<!tpu.dma_semaphore, #tpu.memory_space<semaphore_mem>>) src(%dma_wait3A_366 : memref<125x32xf32, #tpu.memory_space<vmem_shared>>) dst(%dma_wait3A_364 : memref<125x32xf32, #tpu.memory_space<hbm>>)
      tpu.yield
    }) : () -> ()
    %add3A_348 = arith.constant 125 : i32
    %add3A_349 = arith.addi %mul3A_2, %add3A_348 : i32
    "tpu.region"() ({
      %run_scoped3A_356 = tpu.sem_alloc : memref<!tpu.dma_semaphore, #tpu.memory_space<semaphore_mem>>
      %dma_start3A_357 = arith.constant 0 : i32
      %dma_start3A_358 = tpu.memref_slice %arg5[%arg0, %add3A_349, %dma_start3A_357] : memref<2x10000x32xf32, #tpu.memory_space<hbm>> -> memref<1x125x32xf32, #tpu.memory_space<hbm>>
      %dma_start3A_359 = tpu.memref_squeeze %dma_start3A_358 : memref<1x125x32xf32, #tpu.memory_space<hbm>> -> memref<125x32xf32, #tpu.memory_space<hbm>>
      %dma_start3A_360 = arith.constant 0 : i32
      %dma_start3A_361 = tpu.memref_slice %arg21[%add3A_349, %dma_start3A_360] : memref<10000x32xf32, #tpu.memory_space<vmem_shared>> -> memref<125x32xf32, #tpu.memory_space<vmem_shared>>
      tpu.enqueue_dma source(%dma_start3A_361 : memref<125x32xf32, #tpu.memory_space<vmem_shared>>) target(%dma_start3A_359 : memref<125x32xf32, #tpu.memory_space<hbm>>) target_semaphore(%run_scoped3A_356 : memref<!tpu.dma_semaphore, #tpu.memory_space<semaphore_mem>>)
      %dma_wait3A_362 = arith.constant 0 : i32
      %dma_wait3A_363 = tpu.memref_slice %arg5[%arg0, %add3A_349, %dma_wait3A_362] : memref<2x10000x32xf32, #tpu.memory_space<hbm>> -> memref<1x125x32xf32, #tpu.memory_space<hbm>>
      %dma_wait3A_364 = tpu.memref_squeeze %dma_wait3A_363 : memref<1x125x32xf32, #tpu.memory_space<hbm>> -> memref<125x32xf32, #tpu.memory_space<hbm>>
      %dma_wait3A_365 = arith.constant 0 : i32
      %dma_wait3A_366 = tpu.memref_slice %arg21[%add3A_349, %dma_wait3A_365] : memref<10000x32xf32, #tpu.memory_space<vmem_shared>> -> memref<125x32xf32, #tpu.memory_space<vmem_shared>>
      tpu.wait_dma2 semaphore(%run_scoped3A_356 : memref<!tpu.dma_semaphore, #tpu.memory_space<semaphore_mem>>) src(%dma_wait3A_366 : memref<125x32xf32, #tpu.memory_space<vmem_shared>>) dst(%dma_wait3A_364 : memref<125x32xf32, #tpu.memory_space<hbm>>)
      tpu.yield
    }) : () -> ()
    %add3A_350 = arith.constant 250 : i32
    %add3A_351 = arith.addi %mul3A_2, %add3A_350 : i32
    "tpu.region"() ({
      %run_scoped3A_356 = tpu.sem_alloc : memref<!tpu.dma_semaphore, #tpu.memory_space<semaphore_mem>>
      %dma_start3A_357 = arith.constant 0 : i32
      %dma_start3A_358 = tpu.memref_slice %arg5[%arg0, %add3A_351, %dma_start3A_357] : memref<2x10000x32xf32, #tpu.memory_space<hbm>> -> memref<1x125x32xf32, #tpu.memory_space<hbm>>
      %dma_start3A_359 = tpu.memref_squeeze %dma_start3A_358 : memref<1x125x32xf32, #tpu.memory_space<hbm>> -> memref<125x32xf32, #tpu.memory_space<hbm>>
      %dma_start3A_360 = arith.constant 0 : i32
      %dma_start3A_361 = tpu.memref_slice %arg21[%add3A_351, %dma_start3A_360] : memref<10000x32xf32, #tpu.memory_space<vmem_shared>> -> memref<125x32xf32, #tpu.memory_space<vmem_shared>>
      tpu.enqueue_dma source(%dma_start3A_361 : memref<125x32xf32, #tpu.memory_space<vmem_shared>>) target(%dma_start3A_359 : memref<125x32xf32, #tpu.memory_space<hbm>>) target_semaphore(%run_scoped3A_356 : memref<!tpu.dma_semaphore, #tpu.memory_space<semaphore_mem>>)
      %dma_wait3A_362 = arith.constant 0 : i32
      %dma_wait3A_363 = tpu.memref_slice %arg5[%arg0, %add3A_351, %dma_wait3A_362] : memref<2x10000x32xf32, #tpu.memory_space<hbm>> -> memref<1x125x32xf32, #tpu.memory_space<hbm>>
      %dma_wait3A_364 = tpu.memref_squeeze %dma_wait3A_363 : memref<1x125x32xf32, #tpu.memory_space<hbm>> -> memref<125x32xf32, #tpu.memory_space<hbm>>
      %dma_wait3A_365 = arith.constant 0 : i32
      %dma_wait3A_366 = tpu.memref_slice %arg21[%add3A_351, %dma_wait3A_365] : memref<10000x32xf32, #tpu.memory_space<vmem_shared>> -> memref<125x32xf32, #tpu.memory_space<vmem_shared>>
      tpu.wait_dma2 semaphore(%run_scoped3A_356 : memref<!tpu.dma_semaphore, #tpu.memory_space<semaphore_mem>>) src(%dma_wait3A_366 : memref<125x32xf32, #tpu.memory_space<vmem_shared>>) dst(%dma_wait3A_364 : memref<125x32xf32, #tpu.memory_space<hbm>>)
      tpu.yield
    }) : () -> ()
    %add3A_352 = arith.constant 375 : i32
    %add3A_353 = arith.addi %mul3A_2, %add3A_352 : i32
    "tpu.region"() ({
      %run_scoped3A_356 = tpu.sem_alloc : memref<!tpu.dma_semaphore, #tpu.memory_space<semaphore_mem>>
      %dma_start3A_357 = arith.constant 0 : i32
      %dma_start3A_358 = tpu.memref_slice %arg5[%arg0, %add3A_353, %dma_start3A_357] : memref<2x10000x32xf32, #tpu.memory_space<hbm>> -> memref<1x125x32xf32, #tpu.memory_space<hbm>>
      %dma_start3A_359 = tpu.memref_squeeze %dma_start3A_358 : memref<1x125x32xf32, #tpu.memory_space<hbm>> -> memref<125x32xf32, #tpu.memory_space<hbm>>
      %dma_start3A_360 = arith.constant 0 : i32
      %dma_start3A_361 = tpu.memref_slice %arg21[%add3A_353, %dma_start3A_360] : memref<10000x32xf32, #tpu.memory_space<vmem_shared>> -> memref<125x32xf32, #tpu.memory_space<vmem_shared>>
      tpu.enqueue_dma source(%dma_start3A_361 : memref<125x32xf32, #tpu.memory_space<vmem_shared>>) target(%dma_start3A_359 : memref<125x32xf32, #tpu.memory_space<hbm>>) target_semaphore(%run_scoped3A_356 : memref<!tpu.dma_semaphore, #tpu.memory_space<semaphore_mem>>)
      %dma_wait3A_362 = arith.constant 0 : i32
      %dma_wait3A_363 = tpu.memref_slice %arg5[%arg0, %add3A_353, %dma_wait3A_362] : memref<2x10000x32xf32, #tpu.memory_space<hbm>> -> memref<1x125x32xf32, #tpu.memory_space<hbm>>
      %dma_wait3A_364 = tpu.memref_squeeze %dma_wait3A_363 : memref<1x125x32xf32, #tpu.memory_space<hbm>> -> memref<125x32xf32, #tpu.memory_space<hbm>>
      %dma_wait3A_365 = arith.constant 0 : i32
      %dma_wait3A_366 = tpu.memref_slice %arg21[%add3A_353, %dma_wait3A_365] : memref<10000x32xf32, #tpu.memory_space<vmem_shared>> -> memref<125x32xf32, #tpu.memory_space<vmem_shared>>
      tpu.wait_dma2 semaphore(%run_scoped3A_356 : memref<!tpu.dma_semaphore, #tpu.memory_space<semaphore_mem>>) src(%dma_wait3A_366 : memref<125x32xf32, #tpu.memory_space<vmem_shared>>) dst(%dma_wait3A_364 : memref<125x32xf32, #tpu.memory_space<hbm>>)
      tpu.yield
    }) : () -> ()
    %add3A_354 = arith.constant 500 : i32
    %add3A_355 = arith.addi %mul3A_2, %add3A_354 : i32
    "tpu.region"() ({
      %run_scoped3A_356 = tpu.sem_alloc : memref<!tpu.dma_semaphore, #tpu.memory_space<semaphore_mem>>
      %dma_start3A_357 = arith.constant 0 : i32
      %dma_start3A_358 = tpu.memref_slice %arg5[%arg0, %add3A_355, %dma_start3A_357] : memref<2x10000x32xf32, #tpu.memory_space<hbm>> -> memref<1x125x32xf32, #tpu.memory_space<hbm>>
      %dma_start3A_359 = tpu.memref_squeeze %dma_start3A_358 : memref<1x125x32xf32, #tpu.memory_space<hbm>> -> memref<125x32xf32, #tpu.memory_space<hbm>>
      %dma_start3A_360 = arith.constant 0 : i32
      %dma_start3A_361 = tpu.memref_slice %arg21[%add3A_355, %dma_start3A_360] : memref<10000x32xf32, #tpu.memory_space<vmem_shared>> -> memref<125x32xf32, #tpu.memory_space<vmem_shared>>
      tpu.enqueue_dma source(%dma_start3A_361 : memref<125x32xf32, #tpu.memory_space<vmem_shared>>) target(%dma_start3A_359 : memref<125x32xf32, #tpu.memory_space<hbm>>) target_semaphore(%run_scoped3A_356 : memref<!tpu.dma_semaphore, #tpu.memory_space<semaphore_mem>>)
      %dma_wait3A_362 = arith.constant 0 : i32
      %dma_wait3A_363 = tpu.memref_slice %arg5[%arg0, %add3A_355, %dma_wait3A_362] : memref<2x10000x32xf32, #tpu.memory_space<hbm>> -> memref<1x125x32xf32, #tpu.memory_space<hbm>>
      %dma_wait3A_364 = tpu.memref_squeeze %dma_wait3A_363 : memref<1x125x32xf32, #tpu.memory_space<hbm>> -> memref<125x32xf32, #tpu.memory_space<hbm>>
      %dma_wait3A_365 = arith.constant 0 : i32
      %dma_wait3A_366 = tpu.memref_slice %arg21[%add3A_355, %dma_wait3A_365] : memref<10000x32xf32, #tpu.memory_space<vmem_shared>> -> memref<125x32xf32, #tpu.memory_space<vmem_shared>>
      tpu.wait_dma2 semaphore(%run_scoped3A_356 : memref<!tpu.dma_semaphore, #tpu.memory_space<semaphore_mem>>) src(%dma_wait3A_366 : memref<125x32xf32, #tpu.memory_space<vmem_shared>>) dst(%dma_wait3A_364 : memref<125x32xf32, #tpu.memory_space<hbm>>)
      tpu.yield
    }) : () -> ()
    return
  }
}

module attributes {stable_mosaic.version = 14 : i64} {
  func.func @_tc_a1_body(%arg0: memref<32x80x128xf32, #tpu.memory_space<vmem>>, %arg1: memref<80x128xf32, #tpu.memory_space<vmem>>) attributes {dimension_semantics = [], scalar_prefetch = 0 : i64, scratch_operands = 0 : i64, tpu.core_type = #tpu.core_type<tc>} {
    %get3A = arith.constant 0 : index
    %get3A_0 = arith.constant 0 : index
    %get3A_1 = arith.constant 0 : index
    %get3A_2 = vector.load %arg0[%get3A, %get3A_0, %get3A_1] : memref<32x80x128xf32, #tpu.memory_space<vmem>>, vector<32x80x128xf32>
    %reduce_sum3A = arith.constant dense<0.000000e+00> : vector<80x128xf32>
    %reduce_sum3A_3 = vector.multi_reduction <add>, %get3A_2, %reduce_sum3A [0] : vector<32x80x128xf32> to vector<80x128xf32>
    %add3A = arith.constant 1.000000e+00 : f32
    %add3A_4 = vector.broadcast %add3A : f32 to vector<80x128xf32>
    %add3A_5 = arith.addf %reduce_sum3A_3, %add3A_4 : vector<80x128xf32>
    %rsqrt3A = math.rsqrt %add3A_5 : vector<80x128xf32>
    %swap3A = arith.constant 0 : index
    %swap3A_6 = arith.constant 0 : index
    %swap3A_7 = vector.load %arg1[%swap3A, %swap3A_6] : memref<80x128xf32, #tpu.memory_space<vmem>>, vector<80x128xf32>
    tpu.vector_store %arg1[%swap3A, %swap3A_6], %rsqrt3A {strides = array<i32>} : memref<80x128xf32, #tpu.memory_space<vmem>>, vector<80x128xf32>,
    return
  }
}

module attributes {stable_mosaic.version = 14 : i64} {
  func.func @_tc_a2_body(%arg0: memref<10000x128xf32, #tpu.memory_space<vmem>>, %arg1: memref<128x32xf32, #tpu.memory_space<vmem>>, %arg2: memref<10000x32xf32, #tpu.memory_space<vmem>>, %arg3: memref<10000x32xf32, #tpu.memory_space<vmem>>) attributes {dimension_semantics = [], scalar_prefetch = 0 : i64, scratch_operands = 0 : i64, tpu.core_type = #tpu.core_type<tc>} {
    %get3A = arith.constant 0 : index
    %get3A_0 = arith.constant 0 : index
    %get3A_1 = vector.load %arg0[%get3A, %get3A_0] : memref<10000x128xf32, #tpu.memory_space<vmem>>, vector<10000x128xf32>
    %get3A_2 = arith.constant 0 : index
    %get3A_3 = arith.constant 0 : index
    %get3A_4 = vector.load %arg1[%get3A_2, %get3A_3] : memref<128x32xf32, #tpu.memory_space<vmem>>, vector<128x32xf32>
    %dot_general3A = arith.constant dense<0.000000e+00> : vector<10000x32xf32>
    %dot_general3A_5 = tpu.matmul %get3A_1, %get3A_4, %dot_general3A {dimension_numbers = #tpu.dot_dimension_numbers<[1], [0], [0], [1], [0, 0, 1, 1], [], []>, transpose_lhs_hint = false} : vector<10000x128xf32>, vector<128x32xf32>, vector<10000x32xf32> -> vector<10000x32xf32>
    %get3A_6 = arith.constant 0 : index
    %get3A_7 = arith.constant 0 : index
    %get3A_8 = vector.load %arg2[%get3A_6, %get3A_7] : memref<10000x32xf32, #tpu.memory_space<vmem>>, vector<10000x32xf32>
    %mul3A = arith.mulf %dot_general3A_5, %get3A_8 : vector<10000x32xf32>
    %swap3A = arith.constant 0 : index
    %swap3A_9 = arith.constant 0 : index
    %swap3A_10 = vector.load %arg3[%swap3A, %swap3A_9] : memref<10000x32xf32, #tpu.memory_space<vmem>>, vector<10000x32xf32>
    tpu.vector_store %arg3[%swap3A, %swap3A_9], %mul3A {strides = array<i32>} : memref<10000x32xf32, #tpu.memory_space<vmem>>, vector<10000x32xf32>,
    return
  }
}

module attributes {stable_mosaic.version = 14 : i64} {
  func.func @_tc_b_body(%arg0: memref<2x2500x128xf32, #tpu.memory_space<vmem>>, %arg1: memref<2500x128xf32, #tpu.memory_space<vmem>>, %arg2: memref<1x128xf32, #tpu.memory_space<vmem>>, %arg3: memref<2500x128xf32, #tpu.memory_space<vmem>>) attributes {dimension_semantics = [], scalar_prefetch = 0 : i64, scratch_operands = 0 : i64, tpu.core_type = #tpu.core_type<tc>} {
    %get3A = arith.constant 0 : index
    %get3A_0 = arith.constant 0 : index
    %get3A_1 = vector.load %arg1[%get3A, %get3A_0] : memref<2500x128xf32, #tpu.memory_space<vmem>>, vector<2500x128xf32>
    %get3A_2 = arith.constant 0 : index
    %get3A_3 = arith.constant 0 : index
    %get3A_4 = arith.constant 0 : index
    %get3A_5 = vector.load %arg0[%get3A_2, %get3A_3, %get3A_4] : memref<2x2500x128xf32, #tpu.memory_space<vmem>>, vector<1x2500x128xf32>
    %get3A_6 = vector.shape_cast %get3A_5 : vector<1x2500x128xf32> to vector<2500x128xf32>
    %get3A_7 = arith.constant 1 : index
    %get3A_8 = arith.constant 0 : index
    %get3A_9 = arith.constant 0 : index
    %get3A_10 = vector.load %arg0[%get3A_7, %get3A_8, %get3A_9] : memref<2x2500x128xf32, #tpu.memory_space<vmem>>, vector<1x2500x128xf32>
    %get3A_11 = vector.shape_cast %get3A_10 : vector<1x2500x128xf32> to vector<2500x128xf32>
    %add3A = arith.addf %get3A_6, %get3A_11 : vector<2500x128xf32>
    %mul3A = arith.mulf %get3A_1, %add3A : vector<2500x128xf32>
    %get3A_12 = arith.constant 0 : index
    %get3A_13 = arith.constant 0 : index
    %get3A_14 = vector.load %arg2[%get3A_12, %get3A_13] : memref<1x128xf32, #tpu.memory_space<vmem>>, vector<1x128xf32>
    %add3A_15 = vector.broadcast %get3A_14 : vector<1x128xf32> to vector<2500x128xf32>
    %add3A_16 = arith.addf %mul3A, %add3A_15 : vector<2500x128xf32>
    %max3A = arith.constant 0.000000e+00 : f32
    %max3A_17 = vector.broadcast %max3A : f32 to vector<2500x128xf32>
    %max3A_18 = arith.maximumf %add3A_16, %max3A_17 : vector<2500x128xf32>
    %mul3A_19 = arith.mulf %max3A_18, %get3A_1 : vector<2500x128xf32>
    %swap3A = arith.constant 0 : index
    %swap3A_20 = arith.constant 0 : index
    %swap3A_21 = vector.load %arg3[%swap3A, %swap3A_20] : memref<2500x128xf32, #tpu.memory_space<vmem>>, vector<2500x128xf32>
    tpu.vector_store %arg3[%swap3A, %swap3A_20], %mul3A_19 {strides = array<i32>} : memref<2500x128xf32, #tpu.memory_space<vmem>>, vector<2500x128xf32>,
    return
  }
}

module attributes {stable_mosaic.version = 14 : i64} {
  func.func @_tc_c_body(%arg0: memref<2x2500x128xf32, #tpu.memory_space<vmem>>, %arg1: memref<2500x128xf32, #tpu.memory_space<vmem>>, %arg2: memref<128x256xf32, #tpu.memory_space<vmem>>, %arg3: memref<1x256xf32, #tpu.memory_space<vmem>>, %arg4: memref<1x64xf32, #tpu.memory_space<vmem>>) attributes {dimension_semantics = [], scalar_prefetch = 0 : i64, scratch_operands = 0 : i64, tpu.core_type = #tpu.core_type<tc>} {
    %get3A = arith.constant 0 : index
    %get3A_0 = arith.constant 0 : index
    %get3A_1 = vector.load %arg1[%get3A, %get3A_0] : memref<2500x128xf32, #tpu.memory_space<vmem>>, vector<2500x128xf32>
    %get3A_2 = arith.constant 0 : index
    %get3A_3 = arith.constant 0 : index
    %get3A_4 = arith.constant 0 : index
    %get3A_5 = vector.load %arg0[%get3A_2, %get3A_3, %get3A_4] : memref<2x2500x128xf32, #tpu.memory_space<vmem>>, vector<1x2500x128xf32>
    %get3A_6 = vector.shape_cast %get3A_5 : vector<1x2500x128xf32> to vector<2500x128xf32>
    %get3A_7 = arith.constant 1 : index
    %get3A_8 = arith.constant 0 : index
    %get3A_9 = arith.constant 0 : index
    %get3A_10 = vector.load %arg0[%get3A_7, %get3A_8, %get3A_9] : memref<2x2500x128xf32, #tpu.memory_space<vmem>>, vector<1x2500x128xf32>
    %get3A_11 = vector.shape_cast %get3A_10 : vector<1x2500x128xf32> to vector<2500x128xf32>
    %add3A = arith.addf %get3A_6, %get3A_11 : vector<2500x128xf32>
    %mul3A = arith.mulf %get3A_1, %add3A : vector<2500x128xf32>
    %get3A_12 = arith.constant 0 : index
    %get3A_13 = arith.constant 0 : index
    %get3A_14 = vector.load %arg2[%get3A_12, %get3A_13] : memref<128x256xf32, #tpu.memory_space<vmem>>, vector<128x256xf32>
    %dot_general3A = arith.constant dense<0.000000e+00> : vector<2500x256xf32>
    %dot_general3A_15 = tpu.matmul %mul3A, %get3A_14, %dot_general3A {dimension_numbers = #tpu.dot_dimension_numbers<[1], [0], [0], [1], [0, 0, 1, 1], [], []>, transpose_lhs_hint = false} : vector<2500x128xf32>, vector<128x256xf32>, vector<2500x256xf32> -> vector<2500x256xf32>
    %get3A_16 = arith.constant 0 : index
    %get3A_17 = arith.constant 0 : index
    %get3A_18 = vector.load %arg3[%get3A_16, %get3A_17] : memref<1x256xf32, #tpu.memory_space<vmem>>, vector<1x256xf32>
    %add3A_19 = vector.broadcast %get3A_18 : vector<1x256xf32> to vector<2500x256xf32>
    %add3A_20 = arith.addf %dot_general3A_15, %add3A_19 : vector<2500x256xf32>
    %max3A = arith.constant 0.000000e+00 : f32
    %max3A_21 = vector.broadcast %max3A : f32 to vector<2500x256xf32>
    %max3A_22 = arith.maximumf %add3A_20, %max3A_21 : vector<2500x256xf32>
    %reduce_sum3A = arith.constant dense<0.000000e+00> : vector<256xf32>
    %reduce_sum3A_23 = vector.multi_reduction <add>, %max3A_22, %reduce_sum3A [0] : vector<2500x256xf32> to vector<256xf32>
    %broadcast_in_dim3A = vector.shape_cast %reduce_sum3A_23 : vector<256xf32> to vector<1x256xf32>
    %slice3A = vector.extract_strided_slice %broadcast_in_dim3A {offsets = [0, 0], sizes = [1, 64], strides = [1, 1]} : vector<1x256xf32> to vector<1x64xf32>
    %slice3A_24 = vector.extract_strided_slice %broadcast_in_dim3A {offsets = [0, 64], sizes = [1, 64], strides = [1, 1]} : vector<1x256xf32> to vector<1x64xf32>
    %add3A_25 = arith.addf %slice3A, %slice3A_24 : vector<1x64xf32>
    %slice3A_26 = vector.extract_strided_slice %broadcast_in_dim3A {offsets = [0, 128], sizes = [1, 64], strides = [1, 1]} : vector<1x256xf32> to vector<1x64xf32>
    %add3A_27 = arith.addf %add3A_25, %slice3A_26 : vector<1x64xf32>
    %slice3A_28 = vector.extract_strided_slice %broadcast_in_dim3A {offsets = [0, 192], sizes = [1, 64], strides = [1, 1]} : vector<1x256xf32> to vector<1x64xf32>
    %add3A_29 = arith.addf %add3A_27, %slice3A_28 : vector<1x64xf32>
    %mul3A_30 = arith.constant 9.99999974E-5 : f32
    %mul3A_31 = vector.broadcast %mul3A_30 : f32 to vector<1x64xf32>
    %mul3A_32 = arith.mulf %add3A_29, %mul3A_31 : vector<1x64xf32>
    %swap3A = arith.constant 0 : index
    %swap3A_33 = arith.constant 0 : index
    %swap3A_34 = vector.load %arg4[%swap3A, %swap3A_33] : memref<1x64xf32, #tpu.memory_space<vmem>>, vector<1x64xf32>
    tpu.vector_store %arg4[%swap3A, %swap3A_33], %mul3A_32 {strides = array<i32>} : memref<1x64xf32, #tpu.memory_space<vmem>>, vector<1x64xf32>,
    return
  }
}

</mosaic_0001>

<sc_bundles>
// kernel: kernel.12.cloned.1.call-start
scs
__scs_entry_jumppad:
0x0: {  	(pc) =	sbr.rel $0x88, $3  }
0x1: {  	(tag) =	ssettag $0x0;
	lr =	simm.s32 $0x1  }
0x2: {  	[smem:$0x3F9B] =	sst lr;
	_ =	strace $0xD0000000  }
0x3: {  	_ = 	snop  }
0x4: {  	_ = 	snop  }
0x5: {  	_ = 	snop  }
0x6: {  	_ = 	snop  }
0x7: {  	_ = 	snop  }
__scs_overlays_trampoline_lowered:
0x8: {  	[smem:$0x3FAA] =	sst s0  }
0x9: {  	[smem:$0x3FAB] =	sst s1  }
0xa: {  	[smem:$0x3FAC] =	sst s2  }
0xb: {  	[smem:$0x3FAD] =	sst s3  }
0xc: {  	[smem:$0x3FAE] =	sst s4  }
0xd: {  	[smem:$0x3FAF] =	sst s5  }
0xe: {  	[smem:$0x3FB0] =	sst s6  }
0xf: {  	[smem:$0x3FB1] =	sst s7  }
0x10: {  	[smem:$0x3FB2] =	sst s8  }
0x11: {  	[smem:$0x3FB3] =	sst s9;
	s0 =	simm.s32 @!p0 $0x0  }
0x12: {  	s1 =	sld [smem:$0x3F99];
	s0 =	simm.s32 @p0 $0x1  }
0x13: {  	[smem:$0x3FB4] =	sst s0;
	s0 =	simm.s32 @!p1 $0x0  }
0x14: {  	s2 =	sld [smem:$0x3F98];
	s0 =	simm.s32 @p1 $0x1  }
0x15: {  	[smem:$0x3FB5] =	sst s0;
	s0 =	simm.s32 @!p2 $0x0  }
0x16: {  	s3 =	sld [smem:$0x3FDB];
	s0 =	simm.s32 @p2 $0x1  }
0x17: {  	s4 =	simm.s32 $0x1BF5;
	[smem:$0x3FB7] =	sst s0  }
0x18: {  	s0 =	sld [smem:$0x3F9A];
	_ =	swait.ge [sflag:s4], $0x0  }
0x19: {  	s7 =	sld [smem:$0x3F9B]  }
0x1a: {  	s8 =	sadd.s32 $0xFFFFE003, lr  }
0x1b: {  	s9 =	sadd.s32 $0xFFFFFEF7, lr;
	s5 =	simm.s32 $0xFFFFFFFF;
	p2 =	slt.u32 s8, $0xFFFFF086  }
0x1c: {  	p1 =	slt.u32 s9, $0xF7A;
	s5 =	simm.s32 @!p2 $0x0  }
0x1d: {  	s5 =	simm.s32 @p1 $0x1;
	p0 =	seq.s32 s7, s2  }
0x1e: {  	s7 =	smul.u32 @!p0 $0xF7A, s2;
	p2 =	seq.s32 @!p0 s5, $0x0  }
0x1f: {  	s9 =	smul.u32 $0xF7A, s1;
	s8 =	simm.s32 @!p0 $0x1BF5;
	p2 =	por !p2, p0  }
0x20: {  	[sflag:s8] =	ssyncset.s32 @!p0 $0xFFFFF086;
	s6 =	sadd.s32 @!p0 s3, s7;
	s7 =	simm.s32 @!p0 $0x108  }
0x21: {  	s3 =	sadd.s32 s3, s9;
	s6 =	sadd.s32 @!p0 $0x88, s6;
	s7 =	simm.s32 @p2 $0x1082  }
0x22: {  	[simem:s7], [sflag:s8] =	dma.local @!p0 [hbm:s6], $0xF7A  }
0x23: {  	s9 =	sor.u32 $0xD0000000, s2;
	s6 =	simm.s32 $0x108;
	_ =	swait.ge @!p0 [sflag:s8], $0x0  }
0x24: {  	s3 =	sadd.s32 $0x88, s3;
	s6 =	simm.s32 @!p1 $0x1082;
	[sflag:s4] =	ssyncset.s32 $0xFFFFF086  }
0x25: {  	[simem:s6], [sflag:s4] =	dma.local [hbm:s3], $0xF7A  }
0x26: {  	[smem:$0x3F9B] =	sst s1;
	(tag) =	ssettag s2;
	_ =	strace s9  }
0x27: {  	s1 =	sld [smem:$0x3FAB]  }
0x28: {  	s2 =	sld [smem:$0x3FAC]  }
0x29: {  	s4 =	sld [smem:$0x3FAE]  }
0x2a: {  	p0 =	seq.s32 s5, $0x0;
	s5 =	sld [smem:$0x3FAF]  }
0x2b: {  	s6 =	sld [smem:$0x3FB0]  }
0x2c: {  	s7 =	sld [smem:$0x3FB1]  }
0x2d: {  	s3 =	simm.s32 $0x108;
	s8 =	sld [smem:$0x3FB2]  }
0x2e: {  	s3 =	simm.s32 @!p0 $0x1082;
	s9 =	sld [smem:$0x3FB3]  }
0x2f: {  	lr =	sadd.s32 s0, s3;
	s0 =	sld [smem:$0x3FAA]  }
0x30: {  	s3 =	sld [smem:$0x3FAD]  }
0x31: {  	[smem:$0x3FB6] =	sst s10  }
0x32: {  	s10 =	sld [smem:$0x3FB4];
	_ =	sdelay $0x3  }
0x33: {  	p0 =	seq.s32 s10, $0x1;
	s10 =	sld [smem:$0x3FB6];
	_ =	sdelay $0x3  }
0x34: {  	[smem:$0x3FB6] =	sst s10  }
0x35: {  	s10 =	sld [smem:$0x3FB5];
	_ =	sdelay $0x3  }
0x36: {  	p1 =	seq.s32 s10, $0x1;
	s10 =	sld [smem:$0x3FB6];
	_ =	sdelay $0x3  }
0x37: {  	[smem:$0x3FB6] =	sst s10  }
0x38: {  	s10 =	sld [smem:$0x3FB7]  }
0x39: {  	_ = 	snop;
	(pc) =	sbr.ind lr, $3  }
0x3a: {  	_ = 	snop  }
0x3b: {  	_ = 	snop  }
0x3c: {  	p2 =	seq.s32 s10, $0x1;
	s10 =	sld [smem:$0x3FB6]  }
0x3d: {  	_ =	shalt  }
0x3e: {  	_ =	shalt  }
0x3f: {  	_ =	shalt  }
0x40: {  	_ =	shalt  }
0x41: {  	_ =	shalt  }
0x42: {  	_ =	shalt  }
0x43: {  	_ =	shalt  }
0x44: {  	_ =	shalt  }
0x45: {  	_ =	shalt  }
0x46: {  	_ =	shalt  }
0x47: {  	_ =	shalt  }
0x48: {  	_ =	shalt  }
0x49: {  	_ =	shalt  }
0x4a: {  	_ =	shalt  }
0x4b: {  	_ =	shalt  }
0x4c: {  	_ =	shalt  }
0x4d: {  	_ =	shalt  }
0x4e: {  	_ =	shalt  }
0x4f: {  	_ =	shalt  }
0x50: {  	_ =	shalt  }
0x51: {  	_ =	shalt  }
0x52: {  	_ =	shalt  }
0x53: {  	_ =	shalt  }
0x54: {  	_ =	shalt  }
0x55: {  	_ =	shalt  }
0x56: {  	_ =	shalt  }
0x57: {  	_ =	shalt  }
0x58: {  	_ =	shalt  }
0x59: {  	_ =	shalt  }
0x5a: {  	_ =	shalt  }
0x5b: {  	_ =	shalt  }
0x5c: {  	_ =	shalt  }
0x5d: {  	_ =	shalt  }
0x5e: {  	_ =	shalt  }
0x5f: {  	_ =	shalt  }
0x60: {  	_ =	shalt  }
0x61: {  	_ =	shalt  }
0x62: {  	_ =	shalt  }
0x63: {  	_ =	shalt  }
0x64: {  	_ =	shalt  }
0x65: {  	_ =	shalt  }
0x66: {  	_ =	shalt  }
0x67: {  	_ =	shalt  }
0x68: {  	_ =	shalt  }
0x69: {  	_ =	shalt  }
0x6a: {  	_ =	shalt  }
0x6b: {  	_ =	shalt  }
0x6c: {  	_ =	shalt  }
0x6d: {  	_ =	shalt  }
0x6e: {  	_ =	shalt  }
0x6f: {  	_ =	shalt  }
0x70: {  	_ =	shalt  }
0x71: {  	_ =	shalt  }
0x72: {  	_ =	shalt  }
0x73: {  	_ =	shalt  }
0x74: {  	_ =	shalt  }
0x75: {  	_ =	shalt  }
0x76: {  	_ =	shalt  }
0x77: {  	_ =	shalt  }
0x78: {  	_ =	shalt  }
0x79: {  	_ =	shalt  }
0x7a: {  	_ =	shalt  }
0x7b: {  	_ =	shalt  }
0x7c: {  	_ =	shalt  }
0x7d: {  	_ =	shalt  }
0x7e: {  	_ =	shalt  }
0x7f: {  	_ =	shalt  }
0x80: {  	_ =	shalt  }
0x81: {  	_ =	shalt  }
0x82: {  	_ =	shalt  }
0x83: {  	_ =	shalt  }
0x84: {  	_ =	shalt  }
0x85: {  	_ =	shalt  }
0x86: {  	_ =	shalt  }
0x87: {  	_ =	shalt  }
.Lfunc_end0:
.L_simem_size_0:
called_computation.1_lowered:
.L_overlay_start_0:
0x88: {  	s2 =	sld [smem:$0x3FD9]  }
0x89: {  	s3 =	sld [smem:$0x3FFE];
	_ =	sdelay $0x1  }
0x8a: {  	s1 =	srdreg.scid  }
0x8b: {  	s0 =	sand.u32 $0x1, s1  }
0x8c: {  	s16 =	sshll.u32 s0, $0xA;
	s2 =	sadd.s32 s3, s2  }
0x8d: {  	s2 =	sadd.s32 s2, s16  }
0x8e: {  	[smem:$0x3FC2] =	sst s2  }
0x8f: {  	_ = 	snop  }
0x90: {  	(tm) =	ssettm $0x1  }
0x91: {  	s17 =	sld [smem:$0x3FFB];
	_ =	sdelay $0x3  }
0x92: {  	_ =	strace s17  }
0x93: {  	s2 =	sld [smem:$0x3FFC];
	_ =	sdelay $0x3  }
0x94: {  	_ =	strace s2  }
0x95: {  	s2 =	sld [smem:$0x3FFD];
	_ =	sdelay $0x3  }
0x96: {  	_ =	strace s2  }
0x97: {  	_ =	strace $0x8FFFFFFF  }
0x98: {  	s18 =	sld [smem:$0x3FDB];
	_ =	sdelay $0x1  }
0x99: {  	s19 =	simm.s32 $_scs_section_size  }
0x9a: {  	s4 =	simm.s32 $_size__tile_overlayer_lowered;
	s5 =	simm.s32 $_tile_overlayer_lowered  }
0x9b: {  	s22 =	simm.s32 $0x1BFF;
	s21 =	sshll.u32 s5, $0x1;
	s2 =	sadd.s32 s19, s18  }
0x9c: {  	s6 =	simm.s32 $0x0;
	s20 =	sshll.u32 s4, $0x1;
	s4 =	sadd.s32 s21, s2  }
0x9d: {  	[timem:s6], [sflag:s22] =	dma.local [hbm:s4], s20  }
0x9e: {  	_ =	swait.ge [sflag:s22], s20  }
0x9f: {  	s3 =	ssub.s32 $0x0, s20;
	[sflag:s22] =	ssyncset.done $0x0  }
0xa0: {  	[sflag:s22] =	ssyncadd.s32 s3;
	_ =	sdelay $0x1  }
0xa1: {  	s23 =	simm.s32 $0x1B8B  }
0xa2: {  	_ =	swait.ge [sflag:s23], $0x1  }
0xa3: {  	[sflag:s23] =	ssyncset.done $0x0  }
0xa4: {  	s25 =	simm.s32 $0x1B8E;
	s24 =	sld [smem:$0x3FFE];
	[sflag:s23] =	ssyncadd.s32 $0xFFFFFFFF  }
0xa5: {  	s26 =	simm.s32 $execute0_lowered;
	[smem:$0x3FD2] =	sst s25  }
0xa6: {  	s4 =	sshll.u32 s26, $0x1;
	_ =	strace $0x80000049;
	[dreg:$0x1] =	wrdreg $0xFFFFFFFF  }
0xa7: {  	s28 =	simm.s32 $_size_execute0_lowered;
	s2 =	sadd.s32 s2, s4;
	[dreg:$0x0] =	wrdreg $0x0  }
0xa8: {  	s4 =	sshll.u32 s28, $0x1;
	[dreg:$0x2] =	wrdreg s2  }
0xa9: {  	[dreg:$0x3] =	wrdreg s4  }
0xaa: {  	[dreg:$0x4] =	wrdreg $0xC0  }
0xab: {  	_ =	task [dreg:s6], $0x5FFFF  }
0xac: {  	[dreg:$0x1] =	wrdreg $0xFFFFFFFF  }
0xad: {  	[dreg:$0x0] =	wrdreg $0x60  }
0xae: {  	[dreg:$0x2] =	wrdreg s24  }
0xaf: {  	[dreg:$0x3] =	wrdreg $0xE2400  }
0xb0: {  	[dreg:$0x4] =	wrdreg $0x9  }
0xb1: {  	_ =	task.clear_ibuf [dreg:s6], $0x5FFFF;
	_ =	strace $0x90000049  }
0xb2: {  	s29 =	simm.s32 $0x9;
	_ =	strace $0x8000004B  }
0xb3: {  	_ =	swait.ge [sflag:s29], $0x1  }
0xb4: {  	[sflag:s29] =	ssyncadd.s32 $0xFFFFFFFF  }
0xb5: {  	_ =	strace $0x9000004B  }
0xb6: {  	_ =	sfence  }
0xb7: {  	s30 =	sld [smem:$0x0];
	_ =	sdelay $0x2  }
0xb8: {  	s31 =	sshll.u32 s1, $0xD;
	s1 =	sshrl.u32 s1, $0x2  }
0xb9: {  	s3 =	sand.u32 $0x4000, s31;
	s1 =	sadd.s32 s1, s30  }
0xba: {  	s0 =	sor.u32 s3, s0;
	s1 =	sshll.u32 s1, $0x11  }
0xbb: {  	s0 =	sor.u32 s1, s0  }
0xbc: {  	s0 =	sadd.s32 $0x8F2B, s0  }
0xbd: {  	[sflag:s0] =	ssyncadd.remote.s32 $0x1  }
0xbe: {  	_ =	sfence.sel $0xFFFF  }
0xbf: {  	[dreg:$0x0] =	wrdreg $0xFFFFFFFF;
	(pc) =	sbr.abs _section_cstart, $3  }
0xc0: {  	[dreg:$0x1] =	wrdreg $0xFFFFFFFF  }
0xc1: {  	_ =	task.clear_ibuf [dreg:s6], $0x2FFFF;
	_ =	strace $0x9FFFFFFF  }
0xc2: {  	(tm) =	ssettm $0x7FFFFFFF  }
0xc3: {  	_ =	shalt  }
tec
execute0_lowered:
.L_overlay_start_1:
0x0: {  	(tag) =	ssettag $0x1  }
0x1: {  	s0 =	rddreg [dreg:$0x0]  }
0x2: {  	s1 =	srdreg.scid;
	s2 =	rddreg [dreg:$0x1]  }
0x3: {  	s11 =	stileid.u32;
	s3 =	simm.s32 $0x0;
	s8 =	simm.s32 $0x1  }
0x4: {  	s28 =	simm.s32 $0x9;
	s29 =	simm.s32 $0xD2A0;
	s30 =	simm.s32 $0x4  }
0x5: {  	s31 =	simm.s32 $0x5;
	s1 =	sand.u32 $0x1, s1;
	s6 =	sand.u32 $0x7, s11  }
0x6: {  	[smem:$0x7FF] =	sst s3;
	s7 =	smul.u32 $0x50, s11;
	s10 =	sadd.s32 $0x2000, s0  }
0x7: {  	s23 =	smul.u32 $0x4E20, s11;
	s4 =	sshll.u32 s1, $0x4;
	p1 =	sne.s32 s6, $0x0  }
0x8: {  	_ =	strace $0x8000004A;
	s6 =	sshll.u32 s6, $0x4;
	s17 =	ssub.s32 $0x2, s1  }
0x9: {  	s26 =	smul.u32 $0x4E200, s1;
	s5 =	sor.u32 s11, s4;
	s4 =	sadd.s32 $0x15A00, s0  }
0xa: {  	s7 =	sadd.s32 s7, s0;
	s0 =	sadd.s32 $0x20000, s0;
	s25 =	sadd.s32 $0xFA0, s23  }
0xb: {  	s18 =	sshrl.u32 s17, $0x1;
	s11 =	sadd.s32 $0x1F40, s23;
	[dreg:$0x8] =	wrdreg s25  }
0xc: {  	s13 =	sadd.s32 s23, s2;
	s12 =	sadd.s32 $0x2EE0, s23;
	[dreg:$0x9] =	wrdreg s11  }
0xd: {  	s14 =	sadd.s32 $0x3E80, s23;
	p0 =	seq.s32 s5, $0x0;
	[dreg:$0xb] =	wrdreg s12  }
0xe: {  	s9 =	sshrl.u32 s5, $0x3;
	s24 =	sadd.s32 $0x1FA00, s7;
	[dreg:$0xc] =	wrdreg s14  }
0xf: {  	s5 =	smul.u32 $0x2700, s5;
	s16 =	sadd.s32 s25, s2;
	[dreg:$0x7] =	wrdreg s24  }
0x10: {  	s15 =	sadd.s32 s11, s2;
	p0 =	por !p1, !p0;
	[dreg:$0xa] =	wrdreg s16  }
0x11: {  	s16 =	simm.s32 $0x4E10;
	p0 =	por !p0, !p0;
	s5 =	sshrl.u32 s5, $0x3  }
0x12: {  	s8 =	simm.s32 @!p0 $0x0;
	s19 =	sadd.s32 s10, s5;
	p0 =	seq.s32 s1, $0x1  }
0x13: {  	s5 =	sshrl.u32 s23, $0x3;
	s8 =	ssub.s32 s9, s8;
	s9 =	ssub.s32 s17, s18  }
0x14: {  	[dreg:$0x3] =	wrdreg s19;
	s21 =	sadd.s32 $0x9C40, s19;
	s17 =	sadd.s32 s23, s26  }
0x15: {  	s19 =	sadd.s32 s26, s25;
	s25 =	sadd.s32 s4, s5;
	s5 =	simm.s32 $0x90A0  }
0x16: {  	s8 =	sshll.u32 s8, $0x7;
	[dreg:$0x4] =	wrdreg s21;
	s18 =	sshrl.u32 s17, $0x3  }
0x17: {  	s21 =	sadd.s32 s26, s11;
	[dreg:$0x12] =	wrdreg s25;
	s6 =	sor.u32 s6, s8  }
0x18: {  	s25 =	simm.s32 $0x8;
	s17 =	simm.s32 $0x0;
	s6 =	sadd.s32 $0x4E000, s6  }
0x19: {  	s8 =	simm.s32 $0x1;
	s1 =	sadd.s32 s0, s18;
	s20 =	sshrl.u32 s6, $0x3  }
0x1a: {  	s18 =	simm.s32 $0xB0A0;
	[dreg:$0xd] =	wrdreg s1;
	s22 =	sadd.s32 s10, s20  }
0x1b: {  	s20 =	sshrl.u32 s19, $0x3;
	s10 =	simm.s32 $0x80A0;
	s19 =	simm.s32 $0xC0A0  }
0x1c: {  	[dreg:$0x5] =	wrdreg s22;
	s6 =	sadd.s32 $0x9C40, s22;
	s1 =	sadd.s32 s0, s20  }
0x1d: {  	s22 =	sadd.s32 s26, s12;
	s20 =	simm.s32 $0x2;
	[dreg:$0x6] =	wrdreg s6  }
0x1e: {  	[dreg:$0xe] =	wrdreg s1;
	s1 =	sshrl.u32 s21, $0x3;
	s7 =	sshrl.u32 s22, $0x3  }
0x1f: {  	s6 =	sadd.s32 s26, s14;
	s26 =	smax.u32 s9, $0x1;
	s9 =	simm.s32 $0x70A0  }
0x20: {  	s21 =	simm.s32 $0x3;
	s22 =	simm.s32 $0x6;
	s1 =	sadd.s32 s0, s1  }
0x21: {  	s23 =	sadd.s32 s0, s7;
	s24 =	sshrl.u32 s6, $0x3;
	[dreg:$0x13] =	wrdreg s26  }
0x22: {  	s26 =	sadd.s32 s14, s2;
	s14 =	simm.s32 $0x4E00;
	[dreg:$0xf] =	wrdreg s1  }
0x23: {  	s6 =	simm.s32 $0x60A0;
	s7 =	simm.s32 $0xA0A0;
	[dreg:$0x10] =	wrdreg s23  }
0x24: {  	s0 =	sadd.s32 s0, s24;
	s23 =	sadd.s32 s12, s2;
	s1 =	simm.s32 $0x50A0  }
0x25: {  	v0 =	vimm.f32 $0.0e+00;
	s24 =	simm.s32 $0x7;
	[dreg:$0x11] =	wrdreg s0;
	s0 =	simm.s32 $0x80  }
.LBB2_1:
0x26: {  	s11 =	rddreg [dreg:$0x3]  }
0x27: {  	[tilespmem:s3], [sflag:$0x9] =	stream.linear.gather [hbm4b:s11+s3], $0x2700, $0x38;
	[tilespmem:$0x13060] =	vst v63  }
0x28: {  	_ =	swait.ge [sflag:s28], $0x2700  }
0x29: {  	[sflag:s28] =	ssyncset.done $0x0  }
0x2a: {  	s12 =	simm.s32 $0x2700;
	s11 =	rddreg [dreg:$0x4];
	[sflag:s28] =	ssyncadd.s32 $0xFFFFD900  }
0x2b: {  	[tilespmem:s12], [sflag:$0x9] =	stream.linear.gather [hbm4b:s11+s3], $0x2700, $0x38;
	[tilespmem:$0x13060] =	vst v63  }
0x2c: {  	_ =	swait.ge [sflag:s28], $0x2700  }
0x2d: {  	[sflag:s28] =	ssyncset.done $0x0  }
0x2e: {  	s12 =	rddreg [dreg:$0x5];
	[sflag:s28] =	ssyncadd.s32 $0xFFFFD900  }
0x2f: {  	[tilespmem:s14], [sflag:$0x9] =	stream.linear.gather [hbm4b:s12+s3], $0x10, $0x38;
	[tilespmem:$0x13060] =	vst v63  }
0x30: {  	_ =	swait.ge [sflag:s28], $0x10  }
0x31: {  	[sflag:s28] =	ssyncset.done $0x0  }
0x32: {  	s12 =	rddreg [dreg:$0x6];
	[sflag:s28] =	ssyncadd.s32 $0xFFFFFFF0  }
0x33: {  	[tilespmem:s16], [sflag:$0x9] =	stream.linear.gather [hbm4b:s12+s3], $0x10, $0x38;
	[tilespmem:$0x13060] =	vst v63  }
0x34: {  	_ =	swait.ge [sflag:s28], $0x10  }
0x35: {  	[sflag:s28] =	ssyncset.done $0x0  }
0x36: {  	s16 =	simm.s32 $0x4E20;
	s14 =	rddreg [dreg:$0x7];
	[sflag:s28] =	ssyncadd.s32 $0xFFFFFFF0  }
0x37: {  	[tilespmem:s16], [sflag:$0x9] =	stream.linear.gather [hbm4b:s14+s3], $0x280, $0x38;
	[tilespmem:$0x13060] =	vst v63  }
0x38: {  	_ =	swait.ge [sflag:s28], $0x280  }
0x39: {  	[sflag:s28] =	ssyncset.done $0x0  }
0x3a: {  	s11 =	simm.s32 $0x80;
	s16 =	simm.s32 $0x0;
	[sflag:s28] =	ssyncadd.s32 $0xFFFFFD80  }
.LBB2_2:
0x3b: {  	p1 =	sne.s32 s11, $0x3E00;
	[tilespmem:s16+$0xD2A0] =	vst v0;
	s12 =	smov.u32 s11;
	s11 =	sadd.s32 $0x80, s11  }
.Ltmp0:
0x3c: {  	[tilespmem:s16+$0xD2B0] =	vst v0;
	(pc) =	sbr.rel @p1 .LBB2_2-.Ltmp0, $2  }
0x3d: {  	_ =	sdelay $0x2  }
0x3e: {  	s16 =	sshra.s32 s12, $0x2  }
0x3f: {  	[tilespmem:s16+$0xD2A0] =	vst v0  }
0x40: {  	[tilespmem:s16+$0xD2B0] =	vst v0  }
0x41: {  	[spmem:s13] =	stream.linear.scatter [tilespmem:s29], [sflag:$0x9], $0xFA0, $0x38;
	[tilespmem:$0x13060] =	vst v63  }
0x42: {  	_ =	swait.ge [sflag:s28], $0xFA0  }
0x43: {  	[sflag:s28] =	ssyncset.done $0x0  }
0x44: {  	s11 =	rddreg [dreg:$0xa];
	[sflag:s28] =	ssyncadd.s32 $0xFFFFF060  }
0x45: {  	[spmem:s11] =	stream.linear.scatter [tilespmem:s29], [sflag:$0x9], $0xFA0, $0x38;
	[tilespmem:$0x13060] =	vst v63  }
0x46: {  	_ =	swait.ge [sflag:s28], $0xFA0  }
0x47: {  	[sflag:s28] =	ssyncset.done $0x0  }
0x48: {  	[sflag:s28] =	ssyncadd.s32 $0xFFFFF060  }
0x49: {  	[spmem:s15] =	stream.linear.scatter [tilespmem:s29], [sflag:$0x9], $0xFA0, $0x38;
	[tilespmem:$0x13060] =	vst v63  }
0x4a: {  	_ =	swait.ge [sflag:s28], $0xFA0  }
0x4b: {  	[sflag:s28] =	ssyncset.done $0x0  }
0x4c: {  	[sflag:s28] =	ssyncadd.s32 $0xFFFFF060  }
0x4d: {  	[spmem:s23] =	stream.linear.scatter [tilespmem:s29], [sflag:$0x9], $0xFA0, $0x38;
	[tilespmem:$0x13060] =	vst v63  }
0x4e: {  	_ =	swait.ge [sflag:s28], $0xFA0  }
0x4f: {  	[sflag:s28] =	ssyncset.done $0x0  }
0x50: {  	[sflag:s28] =	ssyncadd.s32 $0xFFFFF060  }
0x51: {  	[spmem:s26] =	stream.linear.scatter [tilespmem:s29], [sflag:$0x9], $0xFA0, $0x38;
	[tilespmem:$0x13060] =	vst v63  }
0x52: {  	_ =	swait.ge [sflag:s28], $0xFA0  }
0x53: {  	[sflag:s28] =	ssyncset.done $0x0  }
0x54: {  	[sflag:s28] =	ssyncadd.s32 $0xFFFFF060  }
0x55: {  	s16 =	simm.s32 $0x0;
	[bflag:$0x0] =	sbarrier.arrive $0xFFFF  }
0x56: {  	[tilespmem:s1], [sflag:$0x1] =	stream.indirect.gather [hbm4b:s4+s0], $0x20, s16, s0, $0xb8;
	[tilespmem:$0x13060] =	vst v63  }
0x57: {  	_ = 	snop  }
0x58: {  	[tilespmem:s6], [sflag:$0x2] =	stream.indirect.gather [hbm4b:s4+s0], $0x20, s0, s0, $0xb8;
	[tilespmem:$0x13060] =	vst v63  }
0x59: {  	s12 =	simm.s32 $0x100  }
0x5a: {  	[tilespmem:s9], [sflag:$0x3] =	stream.indirect.gather [hbm4b:s4+s0], $0x20, s12, s0, $0xb8;
	[tilespmem:$0x13060] =	vst v63  }
0x5b: {  	s14 =	smov.u32 s13;
	s13 =	simm.s32 $0x180  }
0x5c: {  	[tilespmem:s10], [sflag:$0x4] =	stream.indirect.gather [hbm4b:s4+s0], $0x20, s13, s0, $0xb8;
	[tilespmem:$0x13060] =	vst v63  }
0x5d: {  	s16 =	simm.s32 $0x200  }
0x5e: {  	[tilespmem:s5], [sflag:$0x5] =	stream.indirect.gather [hbm4b:s4+s0], $0x20, s16, s0, $0xb8;
	[tilespmem:$0x13060] =	vst v63  }
0x5f: {  	s12 =	simm.s32 $0x280  }
0x60: {  	[tilespmem:s7], [sflag:$0x6] =	stream.indirect.gather [hbm4b:s4+s0], $0x20, s12, s0, $0xb8;
	[tilespmem:$0x13060] =	vst v63  }
0x61: {  	s13 =	simm.s32 $0x300  }
0x62: {  	[tilespmem:s18], [sflag:$0x7] =	stream.indirect.gather [hbm4b:s4+s0], $0x20, s13, s0, $0xb8;
	[tilespmem:$0x13060] =	vst v63  }
0x63: {  	s16 =	simm.s32 $0x380  }
0x64: {  	[tilespmem:s19], [sflag:$0x8] =	stream.indirect.gather [hbm4b:s4+s0], $0x20, s16, s0, $0xb8;
	[tilespmem:$0x13060] =	vst v63  }
0x65: {  	_ =	swait.ge [sflag:s8], $0x1000  }
0x66: {  	[sflag:s8] =	ssyncset.done $0x0  }
0x67: {  	s12 =	simm.s32 $0x2700;
	[sflag:s8] =	ssyncadd.s32 $0xFFFFF000  }
0x68: {  	[spmem:s2] =	stream.indirect.scatter.add.f32 [tilespmem:s1], [sflag:$0x9], $0x20, s12, s0, $0xb8;
	[tilespmem:$0x13060] =	vst v63  }
0x69: {  	_ =	swait.ge [sflag:s28], $0x1000  }
0x6a: {  	[sflag:s28] =	ssyncset.done $0x0  }
0x6b: {  	s13 =	simm.s32 $0x400;
	[sflag:s28] =	ssyncadd.s32 $0xFFFFF000  }
0x6c: {  	[tilespmem:s1], [sflag:$0x1] =	stream.indirect.gather [hbm4b:s4+s0], $0x20, s13, s0, $0xb8;
	[tilespmem:$0x13060] =	vst v63  }
0x6d: {  	_ =	swait.ge [sflag:s20], $0x1000  }
0x6e: {  	[sflag:s20] =	ssyncset.done $0x0  }
0x6f: {  	s16 =	simm.s32 $0x2780;
	[sflag:s20] =	ssyncadd.s32 $0xFFFFF000  }
0x70: {  	[spmem:s2] =	stream.indirect.scatter.add.f32 [tilespmem:s6], [sflag:$0x9], $0x20, s16, s0, $0xb8;
	[tilespmem:$0x13060] =	vst v63  }
0x71: {  	_ =	swait.ge [sflag:s28], $0x1000  }
0x72: {  	[sflag:s28] =	ssyncset.done $0x0  }
0x73: {  	s12 =	simm.s32 $0x480;
	[sflag:s28] =	ssyncadd.s32 $0xFFFFF000  }
0x74: {  	[tilespmem:s6], [sflag:$0x2] =	stream.indirect.gather [hbm4b:s4+s0], $0x20, s12, s0, $0xb8;
	[tilespmem:$0x13060] =	vst v63  }
0x75: {  	_ =	swait.ge [sflag:s21], $0x1000  }
0x76: {  	[sflag:s21] =	ssyncset.done $0x0  }
0x77: {  	s13 =	simm.s32 $0x2800;
	[sflag:s21] =	ssyncadd.s32 $0xFFFFF000  }
0x78: {  	[spmem:s2] =	stream.indirect.scatter.add.f32 [tilespmem:s9], [sflag:$0x9], $0x20, s13, s0, $0xb8;
	[tilespmem:$0x13060] =	vst v63  }
0x79: {  	_ =	swait.ge [sflag:s28], $0x1000  }
0x7a: {  	[sflag:s28] =	ssyncset.done $0x0  }
0x7b: {  	s16 =	simm.s32 $0x500;
	[sflag:s28] =	ssyncadd.s32 $0xFFFFF000  }
0x7c: {  	[tilespmem:s9], [sflag:$0x3] =	stream.indirect.gather [hbm4b:s4+s0], $0x20, s16, s0, $0xb8;
	[tilespmem:$0x13060] =	vst v63  }
0x7d: {  	_ =	swait.ge [sflag:s30], $0x1000  }
0x7e: {  	[sflag:s30] =	ssyncset.done $0x0  }
0x7f: {  	s12 =	simm.s32 $0x2880;
	[sflag:s30] =	ssyncadd.s32 $0xFFFFF000  }
0x80: {  	[spmem:s2] =	stream.indirect.scatter.add.f32 [tilespmem:s10], [sflag:$0x9], $0x20, s12, s0, $0xb8;
	[tilespmem:$0x13060] =	vst v63  }
0x81: {  	_ =	swait.ge [sflag:s28], $0x1000  }
0x82: {  	[sflag:s28] =	ssyncset.done $0x0  }
0x83: {  	s13 =	simm.s32 $0x580;
	[sflag:s28] =	ssyncadd.s32 $0xFFFFF000  }
0x84: {  	[tilespmem:s10], [sflag:$0x4] =	stream.indirect.gather [hbm4b:s4+s0], $0x20, s13, s0, $0xb8;
	[tilespmem:$0x13060] =	vst v63  }
0x85: {  	_ =	swait.ge [sflag:s31], $0x1000  }
0x86: {  	[sflag:s31] =	ssyncset.done $0x0  }
0x87: {  	s16 =	simm.s32 $0x2900;
	[sflag:s31] =	ssyncadd.s32 $0xFFFFF000  }
0x88: {  	[spmem:s2] =	stream.indirect.scatter.add.f32 [tilespmem:s5], [sflag:$0x9], $0x20, s16, s0, $0xb8;
	[tilespmem:$0x13060] =	vst v63  }
0x89: {  	_ =	swait.ge [sflag:s28], $0x1000  }
0x8a: {  	[sflag:s28] =	ssyncset.done $0x0  }
0x8b: {  	s12 =	simm.s32 $0x600;
	[sflag:s28] =	ssyncadd.s32 $0xFFFFF000  }
0x8c: {  	[tilespmem:s5], [sflag:$0x5] =	stream.indirect.gather [hbm4b:s4+s0], $0x20, s12, s0, $0xb8;
	[tilespmem:$0x13060] =	vst v63  }
0x8d: {  	_ =	swait.ge [sflag:s22], $0x1000  }
0x8e: {  	[sflag:s22] =	ssyncset.done $0x0  }
0x8f: {  	s13 =	simm.s32 $0x2980;
	[sflag:s22] =	ssyncadd.s32 $0xFFFFF000  }
0x90: {  	[spmem:s2] =	stream.indirect.scatter.add.f32 [tilespmem:s7], [sflag:$0x9], $0x20, s13, s0, $0xb8;
	[tilespmem:$0x13060] =	vst v63  }
0x91: {  	_ =	swait.ge [sflag:s28], $0x1000  }
0x92: {  	[sflag:s28] =	ssyncset.done $0x0  }
0x93: {  	s16 =	simm.s32 $0x680;
	[sflag:s28] =	ssyncadd.s32 $0xFFFFF000  }
0x94: {  	[tilespmem:s7], [sflag:$0x6] =	stream.indirect.gather [hbm4b:s4+s0], $0x20, s16, s0, $0xb8;
	[tilespmem:$0x13060] =	vst v63  }
0x95: {  	_ =	swait.ge [sflag:s24], $0x1000  }
0x96: {  	[sflag:s24] =	ssyncset.done $0x0  }
0x97: {  	s12 =	simm.s32 $0x2A00;
	[sflag:s24] =	ssyncadd.s32 $0xFFFFF000  }
0x98: {  	[spmem:s2] =	stream.indirect.scatter.add.f32 [tilespmem:s18], [sflag:$0x9], $0x20, s12, s0, $0xb8;
	[tilespmem:$0x13060] =	vst v63  }
0x99: {  	_ =	swait.ge [sflag:s28], $0x1000  }
0x9a: {  	[sflag:s28] =	ssyncset.done $0x0  }
0x9b: {  	s13 =	simm.s32 $0x700;
	[sflag:s28] =	ssyncadd.s32 $0xFFFFF000  }
0x9c: {  	[tilespmem:s18], [sflag:$0x7] =	stream.indirect.gather [hbm4b:s4+s0], $0x20, s13, s0, $0xb8;
	[tilespmem:$0x13060] =	vst v63  }
0x9d: {  	_ =	swait.ge [sflag:s25], $0x1000  }
0x9e: {  	[sflag:s25] =	ssyncset.done $0x0  }
0x9f: {  	s16 =	simm.s32 $0x2A80;
	[sflag:s25] =	ssyncadd.s32 $0xFFFFF000  }
0xa0: {  	[spmem:s2] =	stream.indirect.scatter.add.f32 [tilespmem:s19], [sflag:$0x9], $0x20, s16, s0, $0xb8;
	[tilespmem:$0x13060] =	vst v63  }
0xa1: {  	_ =	swait.ge [sflag:s28], $0x1000  }
0xa2: {  	[sflag:s28] =	ssyncset.done $0x0  }
0xa3: {  	s11 =	simm.s32 $0x1000;
	s16 =	simm.s32 $0x780;
	[sflag:s28] =	ssyncadd.s32 $0xFFFFF000  }
.LBB2_4:
0xa4: {  	[tilespmem:s19], [sflag:$0x8] =	stream.indirect.gather [hbm4b:s4+s0], $0x20, s16, s0, $0xb8;
	[tilespmem:$0x13060] =	vst v63  }
0xa5: {  	s12 =	smov.u32 s11  }
0xa6: {  	p1 =	sne.s32 s11, $0x7000;
	s11 =	sadd.s32 $0x1000, s11;
	_ =	swait.ge [sflag:s8], $0x1000  }
0xa7: {  	s16 =	sshra.s32 s12, $0x2;
	[sflag:s8] =	ssyncset.done $0x0  }
0xa8: {  	s12 =	sadd.s32 $0x2700, s16;
	[sflag:s8] =	ssyncadd.s32 $0xFFFFF000  }
0xa9: {  	[spmem:s2] =	stream.indirect.scatter.add.f32 [tilespmem:s1], [sflag:$0x9], $0x20, s12, s0, $0xb8;
	[tilespmem:$0x13060] =	vst v63  }
0xaa: {  	_ =	swait.ge [sflag:s28], $0x1000  }
0xab: {  	[sflag:s28] =	ssyncset.done $0x0  }
0xac: {  	s12 =	sadd.s32 $0x400, s16;
	[sflag:s28] =	ssyncadd.s32 $0xFFFFF000  }
0xad: {  	[tilespmem:s1], [sflag:$0x1] =	stream.indirect.gather [hbm4b:s4+s0], $0x20, s12, s0, $0xb8;
	[tilespmem:$0x13060] =	vst v63  }
0xae: {  	_ =	swait.ge [sflag:s20], $0x1000  }
0xaf: {  	[sflag:s20] =	ssyncset.done $0x0  }
0xb0: {  	s12 =	sadd.s32 $0x2780, s16;
	[sflag:s20] =	ssyncadd.s32 $0xFFFFF000  }
0xb1: {  	[spmem:s2] =	stream.indirect.scatter.add.f32 [tilespmem:s6], [sflag:$0x9], $0x20, s12, s0, $0xb8;
	[tilespmem:$0x13060] =	vst v63  }
0xb2: {  	_ =	swait.ge [sflag:s28], $0x1000  }
0xb3: {  	[sflag:s28] =	ssyncset.done $0x0  }
0xb4: {  	s12 =	sadd.s32 $0x480, s16;
	[sflag:s28] =	ssyncadd.s32 $0xFFFFF000  }
0xb5: {  	[tilespmem:s6], [sflag:$0x2] =	stream.indirect.gather [hbm4b:s4+s0], $0x20, s12, s0, $0xb8;
	[tilespmem:$0x13060] =	vst v63  }
0xb6: {  	_ =	swait.ge [sflag:s21], $0x1000  }
0xb7: {  	[sflag:s21] =	ssyncset.done $0x0  }
0xb8: {  	s12 =	sadd.s32 $0x2800, s16;
	[sflag:s21] =	ssyncadd.s32 $0xFFFFF000  }
0xb9: {  	[spmem:s2] =	stream.indirect.scatter.add.f32 [tilespmem:s9], [sflag:$0x9], $0x20, s12, s0, $0xb8;
	[tilespmem:$0x13060] =	vst v63  }
0xba: {  	_ =	swait.ge [sflag:s28], $0x1000  }
0xbb: {  	[sflag:s28] =	ssyncset.done $0x0  }
0xbc: {  	s12 =	sadd.s32 $0x500, s16;
	[sflag:s28] =	ssyncadd.s32 $0xFFFFF000  }
0xbd: {  	[tilespmem:s9], [sflag:$0x3] =	stream.indirect.gather [hbm4b:s4+s0], $0x20, s12, s0, $0xb8;
	[tilespmem:$0x13060] =	vst v63  }
0xbe: {  	_ =	swait.ge [sflag:s30], $0x1000  }
0xbf: {  	[sflag:s30] =	ssyncset.done $0x0  }
0xc0: {  	s12 =	sadd.s32 $0x2880, s16;
	[sflag:s30] =	ssyncadd.s32 $0xFFFFF000  }
0xc1: {  	[spmem:s2] =	stream.indirect.scatter.add.f32 [tilespmem:s10], [sflag:$0x9], $0x20, s12, s0, $0xb8;
	[tilespmem:$0x13060] =	vst v63  }
0xc2: {  	_ =	swait.ge [sflag:s28], $0x1000  }
0xc3: {  	[sflag:s28] =	ssyncset.done $0x0  }
0xc4: {  	s12 =	sadd.s32 $0x580, s16;
	[sflag:s28] =	ssyncadd.s32 $0xFFFFF000  }
0xc5: {  	[tilespmem:s10], [sflag:$0x4] =	stream.indirect.gather [hbm4b:s4+s0], $0x20, s12, s0, $0xb8;
	[tilespmem:$0x13060] =	vst v63  }
0xc6: {  	_ =	swait.ge [sflag:s31], $0x1000  }
0xc7: {  	[sflag:s31] =	ssyncset.done $0x0  }
0xc8: {  	s12 =	sadd.s32 $0x2900, s16;
	[sflag:s31] =	ssyncadd.s32 $0xFFFFF000  }
0xc9: {  	[spmem:s2] =	stream.indirect.scatter.add.f32 [tilespmem:s5], [sflag:$0x9], $0x20, s12, s0, $0xb8;
	[tilespmem:$0x13060] =	vst v63  }
0xca: {  	_ =	swait.ge [sflag:s28], $0x1000  }
0xcb: {  	[sflag:s28] =	ssyncset.done $0x0  }
0xcc: {  	s12 =	sadd.s32 $0x600, s16;
	[sflag:s28] =	ssyncadd.s32 $0xFFFFF000  }
0xcd: {  	[tilespmem:s5], [sflag:$0x5] =	stream.indirect.gather [hbm4b:s4+s0], $0x20, s12, s0, $0xb8;
	[tilespmem:$0x13060] =	vst v63  }
0xce: {  	_ =	swait.ge [sflag:s22], $0x1000  }
0xcf: {  	[sflag:s22] =	ssyncset.done $0x0  }
0xd0: {  	s12 =	sadd.s32 $0x2980, s16;
	[sflag:s22] =	ssyncadd.s32 $0xFFFFF000  }
0xd1: {  	[spmem:s2] =	stream.indirect.scatter.add.f32 [tilespmem:s7], [sflag:$0x9], $0x20, s12, s0, $0xb8;
	[tilespmem:$0x13060] =	vst v63  }
0xd2: {  	_ =	swait.ge [sflag:s28], $0x1000  }
0xd3: {  	[sflag:s28] =	ssyncset.done $0x0  }
0xd4: {  	s12 =	sadd.s32 $0x680, s16;
	[sflag:s28] =	ssyncadd.s32 $0xFFFFF000  }
0xd5: {  	[tilespmem:s7], [sflag:$0x6] =	stream.indirect.gather [hbm4b:s4+s0], $0x20, s12, s0, $0xb8;
	[tilespmem:$0x13060] =	vst v63  }
0xd6: {  	_ =	swait.ge [sflag:s24], $0x1000  }
0xd7: {  	[sflag:s24] =	ssyncset.done $0x0  }
0xd8: {  	s12 =	sadd.s32 $0x2A00, s16;
	[sflag:s24] =	ssyncadd.s32 $0xFFFFF000  }
0xd9: {  	[spmem:s2] =	stream.indirect.scatter.add.f32 [tilespmem:s18], [sflag:$0x9], $0x20, s12, s0, $0xb8;
	[tilespmem:$0x13060] =	vst v63  }
0xda: {  	_ =	swait.ge [sflag:s28], $0x1000  }
0xdb: {  	[sflag:s28] =	ssyncset.done $0x0  }
0xdc: {  	s12 =	sadd.s32 $0x700, s16;
	[sflag:s28] =	ssyncadd.s32 $0xFFFFF000  }
0xdd: {  	[tilespmem:s18], [sflag:$0x7] =	stream.indirect.gather [hbm4b:s4+s0], $0x20, s12, s0, $0xb8;
	[tilespmem:$0x13060] =	vst v63  }
0xde: {  	_ =	swait.ge [sflag:s25], $0x1000  }
0xdf: {  	[sflag:s25] =	ssyncset.done $0x0  }
.Ltmp1:
0xe0: {  	s12 =	sadd.s32 $0x2A80, s16;
	[sflag:s25] =	ssyncadd.s32 $0xFFFFF000;
	(pc) =	sbr.rel @p1 .LBB2_4-.Ltmp1, $4  }
0xe1: {  	[spmem:s2] =	stream.indirect.scatter.add.f32 [tilespmem:s19], [sflag:$0x9], $0x20, s12, s0, $0xb8;
	[tilespmem:$0x13060] =	vst v63  }
0xe2: {  	_ =	swait.ge [sflag:s28], $0x1000  }
0xe3: {  	[sflag:s28] =	ssyncset.done $0x0  }
0xe4: {  	s16 =	sadd.s32 $0x780, s16;
	[sflag:s28] =	ssyncadd.s32 $0xFFFFF000  }
0xe5: {  	[tilespmem:s19], [sflag:$0x8] =	stream.indirect.gather [hbm4b:s4+s0], $0x20, s16, s0, $0xb8;
	[tilespmem:$0x13060] =	vst v63  }
0xe6: {  	_ =	swait.ge [sflag:s8], $0x1000  }
0xe7: {  	[sflag:s8] =	ssyncset.done $0x0  }
0xe8: {  	s11 =	simm.s32 $0x4700;
	[sflag:s8] =	ssyncadd.s32 $0xFFFFF000  }
0xe9: {  	[spmem:s2] =	stream.indirect.scatter.add.f32 [tilespmem:s1], [sflag:$0x9], $0x20, s11, s0, $0xb8;
	[tilespmem:$0x13060] =	vst v63  }
0xea: {  	_ =	swait.ge [sflag:s28], $0x1000  }
0xeb: {  	[sflag:s28] =	ssyncset.done $0x0  }
0xec: {  	s13 =	simm.s32 $0x2400;
	[sflag:s28] =	ssyncadd.s32 $0xFFFFF000  }
0xed: {  	[tilespmem:s1], [sflag:$0x1] =	stream.indirect.gather [hbm4b:s4+s0], $0x20, s13, s0, $0xb8;
	[tilespmem:$0x13060] =	vst v63  }
0xee: {  	_ =	swait.ge [sflag:s20], $0x1000  }
0xef: {  	[sflag:s20] =	ssyncset.done $0x0  }
0xf0: {  	s16 =	simm.s32 $0x4780;
	[sflag:s20] =	ssyncadd.s32 $0xFFFFF000  }
0xf1: {  	[spmem:s2] =	stream.indirect.scatter.add.f32 [tilespmem:s6], [sflag:$0x9], $0x20, s16, s0, $0xb8;
	[tilespmem:$0x13060] =	vst v63  }
0xf2: {  	_ =	swait.ge [sflag:s28], $0x1000  }
0xf3: {  	[sflag:s28] =	ssyncset.done $0x0  }
0xf4: {  	s12 =	simm.s32 $0x2480;
	[sflag:s28] =	ssyncadd.s32 $0xFFFFF000  }
0xf5: {  	[tilespmem:s6], [sflag:$0x2] =	stream.indirect.gather [hbm4b:s4+s0], $0x20, s12, s0, $0xb8;
	[tilespmem:$0x13060] =	vst v63  }
0xf6: {  	_ =	swait.ge [sflag:s21], $0x1000  }
0xf7: {  	[sflag:s21] =	ssyncset.done $0x0  }
0xf8: {  	s13 =	simm.s32 $0x4800;
	[sflag:s21] =	ssyncadd.s32 $0xFFFFF000  }
0xf9: {  	[spmem:s2] =	stream.indirect.scatter.add.f32 [tilespmem:s9], [sflag:$0x9], $0x20, s13, s0, $0xb8;
	[tilespmem:$0x13060] =	vst v63  }
0xfa: {  	_ =	swait.ge [sflag:s28], $0x1000  }
0xfb: {  	[sflag:s28] =	ssyncset.done $0x0  }
0xfc: {  	s16 =	simm.s32 $0x2500;
	[sflag:s28] =	ssyncadd.s32 $0xFFFFF000  }
0xfd: {  	[tilespmem:s9], [sflag:$0x3] =	stream.indirect.gather [hbm4b:s4+s0], $0x20, s16, s0, $0xb8;
	[tilespmem:$0x13060] =	vst v63  }
0xfe: {  	_ =	swait.ge [sflag:s30], $0x1000  }
0xff: {  	[sflag:s30] =	ssyncset.done $0x0  }
0x100: {  	s12 =	simm.s32 $0x4880;
	[sflag:s30] =	ssyncadd.s32 $0xFFFFF000  }
0x101: {  	[spmem:s2] =	stream.indirect.scatter.add.f32 [tilespmem:s10], [sflag:$0x9], $0x20, s12, s0, $0xb8;
	[tilespmem:$0x13060] =	vst v63  }
0x102: {  	_ =	swait.ge [sflag:s28], $0x1000  }
0x103: {  	[sflag:s28] =	ssyncset.done $0x0  }
0x104: {  	s13 =	simm.s32 $0x2580;
	[sflag:s28] =	ssyncadd.s32 $0xFFFFF000  }
0x105: {  	[tilespmem:s10], [sflag:$0x4] =	stream.indirect.gather [hbm4b:s4+s0], $0x20, s13, s0, $0xb8;
	[tilespmem:$0x13060] =	vst v63  }
0x106: {  	_ =	swait.ge [sflag:s31], $0x1000  }
0x107: {  	[sflag:s31] =	ssyncset.done $0x0  }
0x108: {  	s16 =	simm.s32 $0x4900;
	[sflag:s31] =	ssyncadd.s32 $0xFFFFF000  }
0x109: {  	[spmem:s2] =	stream.indirect.scatter.add.f32 [tilespmem:s5], [sflag:$0x9], $0x20, s16, s0, $0xb8;
	[tilespmem:$0x13060] =	vst v63  }
0x10a: {  	_ =	swait.ge [sflag:s28], $0x1000  }
0x10b: {  	[sflag:s28] =	ssyncset.done $0x0  }
0x10c: {  	s12 =	simm.s32 $0x2600;
	[sflag:s28] =	ssyncadd.s32 $0xFFFFF000  }
0x10d: {  	[tilespmem:s5], [sflag:$0x5] =	stream.indirect.gather [hbm4b:s4+s0], $0x20, s12, s0, $0xb8;
	[tilespmem:$0x13060] =	vst v63  }
0x10e: {  	_ =	swait.ge [sflag:s22], $0x1000  }
0x10f: {  	[sflag:s22] =	ssyncset.done $0x0  }
0x110: {  	s13 =	simm.s32 $0x4980;
	[sflag:s22] =	ssyncadd.s32 $0xFFFFF000  }
0x111: {  	[spmem:s2] =	stream.indirect.scatter.add.f32 [tilespmem:s7], [sflag:$0x9], $0x20, s13, s0, $0xb8;
	[tilespmem:$0x13060] =	vst v63  }
0x112: {  	_ =	swait.ge [sflag:s28], $0x1000  }
0x113: {  	[sflag:s28] =	ssyncset.done $0x0  }
0x114: {  	s16 =	simm.s32 $0x2680;
	[sflag:s28] =	ssyncadd.s32 $0xFFFFF000  }
0x115: {  	[tilespmem:s7], [sflag:$0x6] =	stream.indirect.gather [hbm4b:s4+s0], $0x20, s16, s0, $0xb8;
	[tilespmem:$0x13060] =	vst v63  }
0x116: {  	_ =	swait.ge [sflag:s24], $0x1000  }
0x117: {  	[sflag:s24] =	ssyncset.done $0x0  }
0x118: {  	s12 =	simm.s32 $0x4A00;
	[sflag:s24] =	ssyncadd.s32 $0xFFFFF000  }
0x119: {  	[spmem:s2] =	stream.indirect.scatter.add.f32 [tilespmem:s18], [sflag:$0x9], $0x20, s12, s0, $0xb8;
	[tilespmem:$0x13060] =	vst v63  }
0x11a: {  	_ =	swait.ge [sflag:s28], $0x1000  }
0x11b: {  	[sflag:s28] =	ssyncset.done $0x0  }
0x11c: {  	[sflag:s28] =	ssyncadd.s32 $0xFFFFF000  }
0x11d: {  	_ =	swait.ge [sflag:s25], $0x1000  }
0x11e: {  	[sflag:s25] =	ssyncset.done $0x0  }
0x11f: {  	s13 =	simm.s32 $0x4A80;
	[sflag:s25] =	ssyncadd.s32 $0xFFFFF000  }
0x120: {  	[spmem:s2] =	stream.indirect.scatter.add.f32 [tilespmem:s19], [sflag:$0x9], $0x20, s13, s0, $0xb8;
	[tilespmem:$0x13060] =	vst v63  }
0x121: {  	_ =	swait.ge [sflag:s28], $0x1000  }
0x122: {  	[sflag:s28] =	ssyncset.done $0x0  }
0x123: {  	[sflag:s28] =	ssyncadd.s32 $0xFFFFF000  }
0x124: {  	_ =	swait.ge [sflag:s8], $0x1000  }
0x125: {  	[sflag:s8] =	ssyncset.done $0x0  }
0x126: {  	s16 =	simm.s32 $0x4B00;
	[sflag:s8] =	ssyncadd.s32 $0xFFFFF000  }
0x127: {  	[spmem:s2] =	stream.indirect.scatter.add.f32 [tilespmem:s1], [sflag:$0x9], $0x20, s16, s0, $0xb8;
	[tilespmem:$0x13060] =	vst v63  }
0x128: {  	_ =	swait.ge [sflag:s28], $0x1000  }
0x129: {  	[sflag:s28] =	ssyncset.done $0x0  }
0x12a: {  	[sflag:s28] =	ssyncadd.s32 $0xFFFFF000  }
0x12b: {  	_ =	swait.ge [sflag:s20], $0x1000  }
0x12c: {  	[sflag:s20] =	ssyncset.done $0x0  }
0x12d: {  	s12 =	simm.s32 $0x4B80;
	[sflag:s20] =	ssyncadd.s32 $0xFFFFF000  }
0x12e: {  	[spmem:s2] =	stream.indirect.scatter.add.f32 [tilespmem:s6], [sflag:$0x9], $0x20, s12, s0, $0xb8;
	[tilespmem:$0x13060] =	vst v63  }
0x12f: {  	_ =	swait.ge [sflag:s28], $0x1000  }
0x130: {  	[sflag:s28] =	ssyncset.done $0x0  }
0x131: {  	[sflag:s28] =	ssyncadd.s32 $0xFFFFF000  }
0x132: {  	_ =	swait.ge [sflag:s21], $0x1000  }
0x133: {  	[sflag:s21] =	ssyncset.done $0x0  }
0x134: {  	s13 =	simm.s32 $0x4C00;
	[sflag:s21] =	ssyncadd.s32 $0xFFFFF000  }
0x135: {  	[spmem:s2] =	stream.indirect.scatter.add.f32 [tilespmem:s9], [sflag:$0x9], $0x20, s13, s0, $0xb8;
	[tilespmem:$0x13060] =	vst v63  }
0x136: {  	_ =	swait.ge [sflag:s28], $0x1000  }
0x137: {  	[sflag:s28] =	ssyncset.done $0x0  }
0x138: {  	[sflag:s28] =	ssyncadd.s32 $0xFFFFF000  }
0x139: {  	_ =	swait.ge [sflag:s30], $0x1000  }
0x13a: {  	[sflag:s30] =	ssyncset.done $0x0  }
0x13b: {  	s16 =	simm.s32 $0x4C80;
	[sflag:s30] =	ssyncadd.s32 $0xFFFFF000  }
0x13c: {  	[spmem:s2] =	stream.indirect.scatter.add.f32 [tilespmem:s10], [sflag:$0x9], $0x20, s16, s0, $0xb8;
	[tilespmem:$0x13060] =	vst v63  }
0x13d: {  	_ =	swait.ge [sflag:s28], $0x1000  }
0x13e: {  	[sflag:s28] =	ssyncset.done $0x0  }
0x13f: {  	[sflag:s28] =	ssyncadd.s32 $0xFFFFF000  }
0x140: {  	_ =	swait.ge [sflag:s31], $0x1000  }
0x141: {  	[sflag:s31] =	ssyncset.done $0x0  }
0x142: {  	s12 =	simm.s32 $0x4D00;
	[sflag:s31] =	ssyncadd.s32 $0xFFFFF000  }
0x143: {  	[spmem:s2] =	stream.indirect.scatter.add.f32 [tilespmem:s5], [sflag:$0x9], $0x20, s12, s0, $0xb8;
	[tilespmem:$0x13060] =	vst v63  }
0x144: {  	_ =	swait.ge [sflag:s28], $0x1000  }
0x145: {  	[sflag:s28] =	ssyncset.done $0x0  }
0x146: {  	[sflag:s28] =	ssyncadd.s32 $0xFFFFF000  }
0x147: {  	_ =	swait.ge [sflag:s22], $0x1000  }
0x148: {  	[sflag:s22] =	ssyncset.done $0x0  }
0x149: {  	s13 =	simm.s32 $0x4D80;
	[sflag:s22] =	ssyncadd.s32 $0xFFFFF000  }
0x14a: {  	[spmem:s2] =	stream.indirect.scatter.add.f32 [tilespmem:s7], [sflag:$0x9], $0x20, s13, s0, $0xb8;
	[tilespmem:$0x13060] =	vst v63  }
0x14b: {  	_ =	swait.ge [sflag:s28], $0x1000  }
0x14c: {  	s16 =	simm.s32 $0x4E00;
	[sflag:s28] =	ssyncset.done $0x0  }
0x14d: {  	s12 =	simm.s32 $0x10;
	s13 =	simm.s32 $0xD0A0;
	[sflag:s28] =	ssyncadd.s32 $0xFFFFF000  }
0x14e: {  	[tilespmem:s13], [sflag:$0x1] =	stream.indirect.gather [hbm4b:s4+s12], $0x20, s16, s12, $0xb8;
	[tilespmem:$0x13060] =	vst v63  }
0x14f: {  	_ =	swait.ge [sflag:s8], $0x200  }
0x150: {  	[sflag:s8] =	ssyncset.done $0x0  }
0x151: {  	s16 =	simm.s32 $0x4E10;
	[sflag:s8] =	ssyncadd.s32 $0xFFFFFE00  }
0x152: {  	[spmem:s2] =	stream.indirect.scatter.add.f32 [tilespmem:s13], [sflag:$0x9], $0x20, s16, s12, $0xb8;
	[tilespmem:$0x13060] =	vst v63  }
0x153: {  	_ =	swait.ge [sflag:s28], $0x200  }
0x154: {  	s11 =	simm.s32 @!p0 $0x0;
	[sflag:s28] =	ssyncset.done $0x0  }
0x155: {  	s12 =	simm.s32 @!p0 $0xD2A0;
	s13 =	rddreg [dreg:$0x12];
	[sflag:s28] =	ssyncadd.s32 $0xFFFFFE00  }
0x156: {  	[tilespmem:s12], [sflag:$0x9] =	stream.linear.gather @!p0 [hbm4b:s13+s11], $0xFA0, $0x38;
	[tilespmem:$0x13060] =	vst v63  }
0x157: {  	s11 =	simm.s32 @!p0 $0x9  }
0x158: {  	_ =	swait.ge @!p0 [sflag:s11], $0xFA0  }
0x159: {  	[sflag:s11] =	ssyncset.done @!p0 $0x0  }
0x15a: {  	s16 =	simm.s32 @!p0 $0x7D;
	s13 =	simm.s32 @!p0 $0x4E20;
	[sflag:s11] =	ssyncadd.s32 @!p0 $0xFFFFF060  }
0x15b: {  	[spmem:s2] =	stream.indirect.scatter.add.f32 @!p0 [tilespmem:s12], [sflag:$0x9], $0x20, s13, s16, $0xb8;
	[tilespmem:$0x13060] =	vst v63  }
0x15c: {  	s12 =	rddreg [dreg:$0x8];
	_ =	swait.ge @!p0 [sflag:s11], $0xFA0  }
0x15d: {  	s13 =	rddreg [dreg:$0xb]  }
0x15e: {  	s12 =	smov.u32 @p0 s13  }
0x15f: {  	[sflag:s11] =	ssyncset.done @!p0 $0x0;
	s12 =	sshrl.u32 s12, $0x3  }
0x160: {  	[sflag:s11] =	ssyncadd.s32 @!p0 $0xFFFFF060;
	s12 =	sadd.s32 s4, s12  }
0x161: {  	[tilespmem:s29], [sflag:$0x9] =	stream.linear.gather [hbm4b:s12+s3], $0xFA0, $0x38;
	[tilespmem:$0x13060] =	vst v63  }
0x162: {  	_ =	swait.ge [sflag:s28], $0xFA0  }
0x163: {  	s11 =	simm.s32 @!p0 $0x4EA0;
	s13 =	simm.s32 $0x7D;
	[sflag:s28] =	ssyncset.done $0x0  }
0x164: {  	s11 =	simm.s32 @p0 $0x4FA0;
	s12 =	rddreg [dreg:$0x9];
	[sflag:s28] =	ssyncadd.s32 $0xFFFFF060  }
0x165: {  	[spmem:s2] =	stream.indirect.scatter.add.f32 [tilespmem:s29], [sflag:$0x9], $0x20, s11, s13, $0xb8;
	[tilespmem:$0x13060] =	vst v63  }
0x166: {  	s11 =	rddreg [dreg:$0xc]  }
0x167: {  	s12 =	smov.u32 @p0 s11;
	_ =	swait.ge [sflag:s28], $0xFA0  }
0x168: {  	s11 =	sshrl.u32 s12, $0x3;
	[sflag:s28] =	ssyncset.done $0x0  }
0x169: {  	s11 =	sadd.s32 s4, s11;
	[sflag:s28] =	ssyncadd.s32 $0xFFFFF060  }
0x16a: {  	[tilespmem:s29], [sflag:$0x9] =	stream.linear.gather [hbm4b:s11+s3], $0xFA0, $0x38;
	[tilespmem:$0x13060] =	vst v63  }
0x16b: {  	_ =	swait.ge [sflag:s28], $0xFA0  }
0x16c: {  	s11 =	simm.s32 @!p0 $0x4F20;
	[sflag:s28] =	ssyncset.done $0x0  }
0x16d: {  	s11 =	simm.s32 @p0 $0x5020;
	[sflag:s28] =	ssyncadd.s32 $0xFFFFF060  }
0x16e: {  	[spmem:s2] =	stream.indirect.scatter.add.f32 [tilespmem:s29], [sflag:$0x9], $0x20, s11, s13, $0xb8;
	[tilespmem:$0x13060] =	vst v63  }
0x16f: {  	_ =	swait.ge [sflag:s28], $0xFA0  }
0x170: {  	[sflag:s28] =	ssyncset.done $0x0  }
0x171: {  	s13 =	stileid.u32;
	[sflag:s28] =	ssyncadd.s32 $0xFFFFF060  }
0x172: {  	s12 =	sshrl.u32 s14, $0x3;
	s11 =	sshll.u32 s13, $0x6;
	[bflag:$0x0] =	sbarrier.arrive $0xFFFF  }
0x173: {  	s13 =	smov.u32 s14;
	s11 =	sor.u32 $0x1C09, s11;
	s14 =	rddreg [dreg:$0xd]  }
0x174: {  	[hbm:s14], [sflag:s11] =	dma.local [spmem:s12], $0x1F4  }
0x175: {  	_ =	swait.ge [sflag:s28], $0x1F4  }
0x176: {  	[sflag:s28] =	ssyncset.done $0x0;
	s14 =	rddreg [dreg:$0xa]  }
0x177: {  	[sflag:s28] =	ssyncadd.s32 $0xFFFFFE0C;
	s12 =	sshrl.u32 s14, $0x3;
	s14 =	rddreg [dreg:$0xe]  }
0x178: {  	[hbm:s14], [sflag:s11] =	dma.local [spmem:s12], $0x1F4  }
0x179: {  	_ =	swait.ge [sflag:s28], $0x1F4  }
0x17a: {  	[sflag:s28] =	ssyncset.done $0x0  }
0x17b: {  	s12 =	sshrl.u32 s15, $0x3;
	s14 =	rddreg [dreg:$0xf];
	[sflag:s28] =	ssyncadd.s32 $0xFFFFFE0C  }
0x17c: {  	[hbm:s14], [sflag:s11] =	dma.local [spmem:s12], $0x1F4  }
0x17d: {  	_ =	swait.ge [sflag:s28], $0x1F4  }
0x17e: {  	[sflag:s28] =	ssyncset.done $0x0  }
0x17f: {  	s12 =	sshrl.u32 s23, $0x3;
	s14 =	rddreg [dreg:$0x10];
	[sflag:s28] =	ssyncadd.s32 $0xFFFFFE0C  }
0x180: {  	[hbm:s14], [sflag:s11] =	dma.local [spmem:s12], $0x1F4  }
0x181: {  	_ =	swait.ge [sflag:s28], $0x1F4  }
0x182: {  	[sflag:s28] =	ssyncset.done $0x0  }
0x183: {  	s12 =	sshrl.u32 s26, $0x3;
	s14 =	rddreg [dreg:$0x11];
	[sflag:s28] =	ssyncadd.s32 $0xFFFFFE0C  }
0x184: {  	[hbm:s14], [sflag:s11] =	dma.local [spmem:s12], $0x1F4  }
0x185: {  	_ =	swait.ge [sflag:s28], $0x1F4  }
0x186: {  	s17 =	sadd.s32 $0x1, s17;
	s12 =	rddreg [dreg:$0x13]  }
0x187: {  	p1 =	sne.s32 s17, s12  }
.Ltmp2:
0x188: {  	_ = 	snop;
	(pc) =	sbr.rel @p1 .LBB2_1-.Ltmp2, $3  }
0x189: {  	_ =	sdelay $0x1  }
0x18a: {  	[sflag:s28] =	ssyncset.done $0x0  }
0x18b: {  	s16 =	simm.s32 $0x4E10;
	s14 =	simm.s32 $0x4E00;
	[sflag:s28] =	ssyncadd.s32 $0xFFFFFE0C  }
0x18c: {  	_ =	sfence.sel $0x180000  }
0x18d: {  	[bflag:$0x0] =	sbarrier.arrive $0xFFFF  }
0x18e: {  	_ =	strace $0x9000004A  }
0x18f: {  	s0 =	stileid.u32;
	[bflag:$0x2] =	sbarrier.arrive $0xFFFF  }
0x190: {  	p0 =	sne.s32 s0, $0x0;
	s0 =	rddreg [dreg:$0x2]  }
0x191: {  	s0 =	sadd.s32 @!p0 $0x100000, s0  }
0x192: {  	[sflag:s0] =	ssyncadd.tile.s32 @!p0 $0x1;
	_ =	shalt  }
.Lfunc_end2:
_tile_overlayer_lowered:
.L_overlay_start_2:
0x193: {  	(tag) =	ssettag $0x2  }
0x194: {  	s0 =	rddreg [dreg:$0x0];
	s2 =	stileid.u32  }
0x195: {  	s1 =	rddreg [dreg:$0x1];
	p0 =	sne.s32 s2, $0x0  }
0x196: {  	s3 =	rddreg [dreg:$0x2];
	[bflag:$0x3] =	sbarrier.arrive $0xFFFF;
	s2 =	simm.s32 @!p0 $0x1C09  }
0x197: {  	[timem:s3], [sflag:s2] =	dma.local @!p0 [hbm:s0], s1  }
0x198: {  	s0 =	simm.s32 @!p0 $0x9  }
0x199: {  	_ =	swait.ge @!p0 [sflag:s0], s1  }
0x19a: {  	s1 =	ssub.s32 @!p0 $0x0, s1;
	[sflag:s0] =	ssyncset.done @!p0 $0x0  }
0x19b: {  	[sflag:s0] =	ssyncadd.s32 @!p0 s1  }
0x19c: {  	[bflag:$0x3] =	sbarrier.arrive $0xFFFF  }
0x19d: {  	_ =	shalt  }

// kernel: kernel.15.cloned.1.call-start
scs
__scs_entry_jumppad:
0x0: {  	(pc) =	sbr.rel $0x88, $3  }
0x1: {  	(tag) =	ssettag $0x0;
	lr =	simm.s32 $0x1  }
0x2: {  	[smem:$0x3F9B] =	sst lr;
	_ =	strace $0xD0000000  }
0x3: {  	_ = 	snop  }
0x4: {  	_ = 	snop  }
0x5: {  	_ = 	snop  }
0x6: {  	_ = 	snop  }
0x7: {  	_ = 	snop  }
__scs_overlays_trampoline_lowered:
0x8: {  	[smem:$0x3FAA] =	sst s0  }
0x9: {  	[smem:$0x3FAB] =	sst s1  }
0xa: {  	[smem:$0x3FAC] =	sst s2  }
0xb: {  	[smem:$0x3FAD] =	sst s3  }
0xc: {  	[smem:$0x3FAE] =	sst s4  }
0xd: {  	[smem:$0x3FAF] =	sst s5  }
0xe: {  	[smem:$0x3FB0] =	sst s6  }
0xf: {  	[smem:$0x3FB1] =	sst s7  }
0x10: {  	[smem:$0x3FB2] =	sst s8  }
0x11: {  	[smem:$0x3FB3] =	sst s9;
	s0 =	simm.s32 @!p0 $0x0  }
0x12: {  	s1 =	sld [smem:$0x3F99];
	s0 =	simm.s32 @p0 $0x1  }
0x13: {  	[smem:$0x3FB4] =	sst s0;
	s0 =	simm.s32 @!p1 $0x0  }
0x14: {  	s2 =	sld [smem:$0x3F98];
	s0 =	simm.s32 @p1 $0x1  }
0x15: {  	[smem:$0x3FB5] =	sst s0;
	s0 =	simm.s32 @!p2 $0x0  }
0x16: {  	s3 =	sld [smem:$0x3FDB];
	s0 =	simm.s32 @p2 $0x1  }
0x17: {  	s4 =	simm.s32 $0x1BF5;
	[smem:$0x3FB7] =	sst s0  }
0x18: {  	s0 =	sld [smem:$0x3F9A];
	_ =	swait.ge [sflag:s4], $0x0  }
0x19: {  	s7 =	sld [smem:$0x3F9B]  }
0x1a: {  	s8 =	sadd.s32 $0xFFFFE003, lr  }
0x1b: {  	s9 =	sadd.s32 $0xFFFFFEF7, lr;
	s5 =	simm.s32 $0xFFFFFFFF;
	p2 =	slt.u32 s8, $0xFFFFF086  }
0x1c: {  	p1 =	slt.u32 s9, $0xF7A;
	s5 =	simm.s32 @!p2 $0x0  }
0x1d: {  	s5 =	simm.s32 @p1 $0x1;
	p0 =	seq.s32 s7, s2  }
0x1e: {  	s7 =	smul.u32 @!p0 $0xF7A, s2;
	p2 =	seq.s32 @!p0 s5, $0x0  }
0x1f: {  	s9 =	smul.u32 $0xF7A, s1;
	s8 =	simm.s32 @!p0 $0x1BF5;
	p2 =	por !p2, p0  }
0x20: {  	[sflag:s8] =	ssyncset.s32 @!p0 $0xFFFFF086;
	s6 =	sadd.s32 @!p0 s3, s7;
	s7 =	simm.s32 @!p0 $0x108  }
0x21: {  	s3 =	sadd.s32 s3, s9;
	s6 =	sadd.s32 @!p0 $0x88, s6;
	s7 =	simm.s32 @p2 $0x1082  }
0x22: {  	[simem:s7], [sflag:s8] =	dma.local @!p0 [hbm:s6], $0xF7A  }
0x23: {  	s9 =	sor.u32 $0xD0000000, s2;
	s6 =	simm.s32 $0x108;
	_ =	swait.ge @!p0 [sflag:s8], $0x0  }
0x24: {  	s3 =	sadd.s32 $0x88, s3;
	s6 =	simm.s32 @!p1 $0x1082;
	[sflag:s4] =	ssyncset.s32 $0xFFFFF086  }
0x25: {  	[simem:s6], [sflag:s4] =	dma.local [hbm:s3], $0xF7A  }
0x26: {  	[smem:$0x3F9B] =	sst s1;
	(tag) =	ssettag s2;
	_ =	strace s9  }
0x27: {  	s1 =	sld [smem:$0x3FAB]  }
0x28: {  	s2 =	sld [smem:$0x3FAC]  }
0x29: {  	s4 =	sld [smem:$0x3FAE]  }
0x2a: {  	p0 =	seq.s32 s5, $0x0;
	s5 =	sld [smem:$0x3FAF]  }
0x2b: {  	s6 =	sld [smem:$0x3FB0]  }
0x2c: {  	s7 =	sld [smem:$0x3FB1]  }
0x2d: {  	s3 =	simm.s32 $0x108;
	s8 =	sld [smem:$0x3FB2]  }
0x2e: {  	s3 =	simm.s32 @!p0 $0x1082;
	s9 =	sld [smem:$0x3FB3]  }
0x2f: {  	lr =	sadd.s32 s0, s3;
	s0 =	sld [smem:$0x3FAA]  }
0x30: {  	s3 =	sld [smem:$0x3FAD]  }
0x31: {  	[smem:$0x3FB6] =	sst s10  }
0x32: {  	s10 =	sld [smem:$0x3FB4];
	_ =	sdelay $0x3  }
0x33: {  	p0 =	seq.s32 s10, $0x1;
	s10 =	sld [smem:$0x3FB6];
	_ =	sdelay $0x3  }
0x34: {  	[smem:$0x3FB6] =	sst s10  }
0x35: {  	s10 =	sld [smem:$0x3FB5];
	_ =	sdelay $0x3  }
0x36: {  	p1 =	seq.s32 s10, $0x1;
	s10 =	sld [smem:$0x3FB6];
	_ =	sdelay $0x3  }
0x37: {  	[smem:$0x3FB6] =	sst s10  }
0x38: {  	s10 =	sld [smem:$0x3FB7]  }
0x39: {  	_ = 	snop;
	(pc) =	sbr.ind lr, $3  }
0x3a: {  	_ = 	snop  }
0x3b: {  	_ = 	snop  }
0x3c: {  	p2 =	seq.s32 s10, $0x1;
	s10 =	sld [smem:$0x3FB6]  }
0x3d: {  	_ =	shalt  }
0x3e: {  	_ =	shalt  }
0x3f: {  	_ =	shalt  }
0x40: {  	_ =	shalt  }
0x41: {  	_ =	shalt  }
0x42: {  	_ =	shalt  }
0x43: {  	_ =	shalt  }
0x44: {  	_ =	shalt  }
0x45: {  	_ =	shalt  }
0x46: {  	_ =	shalt  }
0x47: {  	_ =	shalt  }
0x48: {  	_ =	shalt  }
0x49: {  	_ =	shalt  }
0x4a: {  	_ =	shalt  }
0x4b: {  	_ =	shalt  }
0x4c: {  	_ =	shalt  }
0x4d: {  	_ =	shalt  }
0x4e: {  	_ =	shalt  }
0x4f: {  	_ =	shalt  }
0x50: {  	_ =	shalt  }
0x51: {  	_ =	shalt  }
0x52: {  	_ =	shalt  }
0x53: {  	_ =	shalt  }
0x54: {  	_ =	shalt  }
0x55: {  	_ =	shalt  }
0x56: {  	_ =	shalt  }
0x57: {  	_ =	shalt  }
0x58: {  	_ =	shalt  }
0x59: {  	_ =	shalt  }
0x5a: {  	_ =	shalt  }
0x5b: {  	_ =	shalt  }
0x5c: {  	_ =	shalt  }
0x5d: {  	_ =	shalt  }
0x5e: {  	_ =	shalt  }
0x5f: {  	_ =	shalt  }
0x60: {  	_ =	shalt  }
0x61: {  	_ =	shalt  }
0x62: {  	_ =	shalt  }
0x63: {  	_ =	shalt  }
0x64: {  	_ =	shalt  }
0x65: {  	_ =	shalt  }
0x66: {  	_ =	shalt  }
0x67: {  	_ =	shalt  }
0x68: {  	_ =	shalt  }
0x69: {  	_ =	shalt  }
0x6a: {  	_ =	shalt  }
0x6b: {  	_ =	shalt  }
0x6c: {  	_ =	shalt  }
0x6d: {  	_ =	shalt  }
0x6e: {  	_ =	shalt  }
0x6f: {  	_ =	shalt  }
0x70: {  	_ =	shalt  }
0x71: {  	_ =	shalt  }
0x72: {  	_ =	shalt  }
0x73: {  	_ =	shalt  }
0x74: {  	_ =	shalt  }
0x75: {  	_ =	shalt  }
0x76: {  	_ =	shalt  }
0x77: {  	_ =	shalt  }
0x78: {  	_ =	shalt  }
0x79: {  	_ =	shalt  }
0x7a: {  	_ =	shalt  }
0x7b: {  	_ =	shalt  }
0x7c: {  	_ =	shalt  }
0x7d: {  	_ =	shalt  }
0x7e: {  	_ =	shalt  }
0x7f: {  	_ =	shalt  }
0x80: {  	_ =	shalt  }
0x81: {  	_ =	shalt  }
0x82: {  	_ =	shalt  }
0x83: {  	_ =	shalt  }
0x84: {  	_ =	shalt  }
0x85: {  	_ =	shalt  }
0x86: {  	_ =	shalt  }
0x87: {  	_ =	shalt  }
.Lfunc_end0:
.L_simem_size_0:
called_computation.2_lowered:
.L_overlay_start_0:
0x88: {  	s2 =	sld [smem:$0x3FD9]  }
0x89: {  	s3 =	sld [smem:$0x3FFE];
	_ =	sdelay $0x1  }
0x8a: {  	s1 =	srdreg.scid  }
0x8b: {  	s0 =	sand.u32 $0x1, s1  }
0x8c: {  	s16 =	sshll.u32 s0, $0xA;
	s2 =	sadd.s32 s3, s2  }
0x8d: {  	s2 =	sadd.s32 s2, s16  }
0x8e: {  	[smem:$0x3FC2] =	sst s2  }
0x8f: {  	_ = 	snop  }
0x90: {  	(tm) =	ssettm $0x1  }
0x91: {  	s17 =	sld [smem:$0x3FFB];
	_ =	sdelay $0x3  }
0x92: {  	_ =	strace s17  }
0x93: {  	s2 =	sld [smem:$0x3FFC];
	_ =	sdelay $0x3  }
0x94: {  	_ =	strace s2  }
0x95: {  	s2 =	sld [smem:$0x3FFD];
	_ =	sdelay $0x3  }
0x96: {  	_ =	strace s2  }
0x97: {  	_ =	strace $0x8FFFFFFF  }
0x98: {  	s18 =	sld [smem:$0x3FDB];
	_ =	sdelay $0x1  }
0x99: {  	s19 =	simm.s32 $_scs_section_size  }
0x9a: {  	s4 =	simm.s32 $_size__tile_overlayer_lowered;
	s5 =	simm.s32 $_tile_overlayer_lowered  }
0x9b: {  	s22 =	simm.s32 $0x1BFF;
	s21 =	sshll.u32 s5, $0x1;
	s2 =	sadd.s32 s19, s18  }
0x9c: {  	s6 =	simm.s32 $0x0;
	s20 =	sshll.u32 s4, $0x1;
	s4 =	sadd.s32 s21, s2  }
0x9d: {  	[timem:s6], [sflag:s22] =	dma.local [hbm:s4], s20  }
0x9e: {  	_ =	swait.ge [sflag:s22], s20  }
0x9f: {  	s3 =	ssub.s32 $0x0, s20;
	[sflag:s22] =	ssyncset.done $0x0  }
0xa0: {  	[sflag:s22] =	ssyncadd.s32 s3;
	_ =	sdelay $0x1  }
0xa1: {  	s23 =	simm.s32 $0x1B8B  }
0xa2: {  	_ =	swait.ge [sflag:s23], $0x1  }
0xa3: {  	[sflag:s23] =	ssyncset.done $0x0  }
0xa4: {  	s25 =	simm.s32 $0x1B8E;
	s24 =	sld [smem:$0x3FFE];
	[sflag:s23] =	ssyncadd.s32 $0xFFFFFFFF  }
0xa5: {  	s26 =	simm.s32 $execute0_lowered;
	[smem:$0x3FD2] =	sst s25  }
0xa6: {  	s4 =	sshll.u32 s26, $0x1;
	_ =	strace $0x8000004C;
	[dreg:$0x1] =	wrdreg $0xFFFFFFFF  }
0xa7: {  	s28 =	simm.s32 $_size_execute0_lowered;
	s2 =	sadd.s32 s2, s4;
	[dreg:$0x0] =	wrdreg $0x0  }
0xa8: {  	s4 =	sshll.u32 s28, $0x1;
	[dreg:$0x2] =	wrdreg s2  }
0xa9: {  	[dreg:$0x3] =	wrdreg s4  }
0xaa: {  	[dreg:$0x4] =	wrdreg $0xC0  }
0xab: {  	_ =	task [dreg:s6], $0x5FFFF  }
0xac: {  	[dreg:$0x1] =	wrdreg $0xFFFFFFFF  }
0xad: {  	[dreg:$0x0] =	wrdreg $0x60  }
0xae: {  	[dreg:$0x2] =	wrdreg s24  }
0xaf: {  	[dreg:$0x3] =	wrdreg $0xE2400  }
0xb0: {  	[dreg:$0x4] =	wrdreg $0x9  }
0xb1: {  	_ =	task.clear_ibuf [dreg:s6], $0x5FFFF;
	_ =	strace $0x9000004C  }
0xb2: {  	s29 =	simm.s32 $0x9;
	_ =	strace $0x8000004E  }
0xb3: {  	_ =	swait.ge [sflag:s29], $0x1  }
0xb4: {  	[sflag:s29] =	ssyncadd.s32 $0xFFFFFFFF  }
0xb5: {  	_ =	strace $0x9000004E  }
0xb6: {  	_ =	sfence  }
0xb7: {  	s30 =	sld [smem:$0x0];
	_ =	sdelay $0x2  }
0xb8: {  	s31 =	sshll.u32 s1, $0xD;
	s1 =	sshrl.u32 s1, $0x2  }
0xb9: {  	s3 =	sand.u32 $0x4000, s31;
	s1 =	sadd.s32 s1, s30  }
0xba: {  	s0 =	sor.u32 s3, s0;
	s1 =	sshll.u32 s1, $0x11  }
0xbb: {  	s0 =	sor.u32 s1, s0  }
0xbc: {  	s0 =	sadd.s32 $0x8F2B, s0  }
0xbd: {  	[sflag:s0] =	ssyncadd.remote.s32 $0x1  }
0xbe: {  	_ =	sfence.sel $0xFFFF  }
0xbf: {  	[dreg:$0x0] =	wrdreg $0xFFFFFFFF;
	(pc) =	sbr.abs _section_cstart, $3  }
0xc0: {  	[dreg:$0x1] =	wrdreg $0xFFFFFFFF  }
0xc1: {  	_ =	task.clear_ibuf [dreg:s6], $0x2FFFF;
	_ =	strace $0x9FFFFFFF  }
0xc2: {  	(tm) =	ssettm $0x7FFFFFFF  }
0xc3: {  	_ =	shalt  }
tec
execute0_lowered:
.L_overlay_start_1:
0x0: {  	(tag) =	ssettag $0x1  }
0x1: {  	s0 =	rddreg [dreg:$0x0]  }
0x2: {  	s1 =	srdreg.scid;
	s2 =	rddreg [dreg:$0x1]  }
0x3: {  	s11 =	stileid.u32;
	s3 =	simm.s32 $0x0;
	s8 =	simm.s32 $0x1  }
0x4: {  	s28 =	simm.s32 $0x9;
	s29 =	simm.s32 $0xD2A0;
	s30 =	simm.s32 $0x4  }
0x5: {  	s31 =	simm.s32 $0x5;
	s1 =	sand.u32 $0x1, s1;
	s6 =	sand.u32 $0x7, s11  }
0x6: {  	[smem:$0x7FF] =	sst s3;
	s7 =	smul.u32 $0x50, s11;
	s10 =	sadd.s32 $0x2000, s0  }
0x7: {  	s23 =	smul.u32 $0x4E20, s11;
	s4 =	sshll.u32 s1, $0x4;
	p1 =	sne.s32 s6, $0x0  }
0x8: {  	_ =	strace $0x8000004D;
	s6 =	sshll.u32 s6, $0x4;
	s17 =	ssub.s32 $0x2, s1  }
0x9: {  	s26 =	smul.u32 $0x4E200, s1;
	s5 =	sor.u32 s11, s4;
	s4 =	sadd.s32 $0x15A00, s0  }
0xa: {  	s7 =	sadd.s32 s7, s0;
	s0 =	sadd.s32 $0x20000, s0;
	s25 =	sadd.s32 $0xFA0, s23  }
0xb: {  	s18 =	sshrl.u32 s17, $0x1;
	s11 =	sadd.s32 $0x1F40, s23;
	[dreg:$0x8] =	wrdreg s25  }
0xc: {  	s13 =	sadd.s32 s23, s2;
	s12 =	sadd.s32 $0x2EE0, s23;
	[dreg:$0x9] =	wrdreg s11  }
0xd: {  	s14 =	sadd.s32 $0x3E80, s23;
	p0 =	seq.s32 s5, $0x0;
	[dreg:$0xb] =	wrdreg s12  }
0xe: {  	s9 =	sshrl.u32 s5, $0x3;
	s24 =	sadd.s32 $0x1FA00, s7;
	[dreg:$0xc] =	wrdreg s14  }
0xf: {  	s5 =	smul.u32 $0x2700, s5;
	s16 =	sadd.s32 s25, s2;
	[dreg:$0x7] =	wrdreg s24  }
0x10: {  	s15 =	sadd.s32 s11, s2;
	p0 =	por !p1, !p0;
	[dreg:$0xa] =	wrdreg s16  }
0x11: {  	s16 =	simm.s32 $0x4E10;
	p0 =	por !p0, !p0;
	s5 =	sshrl.u32 s5, $0x3  }
0x12: {  	s8 =	simm.s32 @!p0 $0x0;
	s19 =	sadd.s32 s10, s5;
	p0 =	seq.s32 s1, $0x1  }
0x13: {  	s5 =	sshrl.u32 s23, $0x3;
	s8 =	ssub.s32 s9, s8;
	s9 =	ssub.s32 s17, s18  }
0x14: {  	[dreg:$0x3] =	wrdreg s19;
	s21 =	sadd.s32 $0x9C40, s19;
	s17 =	sadd.s32 s23, s26  }
0x15: {  	s19 =	sadd.s32 s26, s25;
	s25 =	sadd.s32 s4, s5;
	s5 =	simm.s32 $0x90A0  }
0x16: {  	s8 =	sshll.u32 s8, $0x7;
	[dreg:$0x4] =	wrdreg s21;
	s18 =	sshrl.u32 s17, $0x3  }
0x17: {  	s21 =	sadd.s32 s26, s11;
	[dreg:$0x12] =	wrdreg s25;
	s6 =	sor.u32 s6, s8  }
0x18: {  	s25 =	simm.s32 $0x8;
	s17 =	simm.s32 $0x0;
	s6 =	sadd.s32 $0x4E000, s6  }
0x19: {  	s8 =	simm.s32 $0x1;
	s1 =	sadd.s32 s0, s18;
	s20 =	sshrl.u32 s6, $0x3  }
0x1a: {  	s18 =	simm.s32 $0xB0A0;
	[dreg:$0xd] =	wrdreg s1;
	s22 =	sadd.s32 s10, s20  }
0x1b: {  	s20 =	sshrl.u32 s19, $0x3;
	s10 =	simm.s32 $0x80A0;
	s19 =	simm.s32 $0xC0A0  }
0x1c: {  	[dreg:$0x5] =	wrdreg s22;
	s6 =	sadd.s32 $0x9C40, s22;
	s1 =	sadd.s32 s0, s20  }
0x1d: {  	s22 =	sadd.s32 s26, s12;
	s20 =	simm.s32 $0x2;
	[dreg:$0x6] =	wrdreg s6  }
0x1e: {  	[dreg:$0xe] =	wrdreg s1;
	s1 =	sshrl.u32 s21, $0x3;
	s7 =	sshrl.u32 s22, $0x3  }
0x1f: {  	s6 =	sadd.s32 s26, s14;
	s26 =	smax.u32 s9, $0x1;
	s9 =	simm.s32 $0x70A0  }
0x20: {  	s21 =	simm.s32 $0x3;
	s22 =	simm.s32 $0x6;
	s1 =	sadd.s32 s0, s1  }
0x21: {  	s23 =	sadd.s32 s0, s7;
	s24 =	sshrl.u32 s6, $0x3;
	[dreg:$0x13] =	wrdreg s26  }
0x22: {  	s26 =	sadd.s32 s14, s2;
	s14 =	simm.s32 $0x4E00;
	[dreg:$0xf] =	wrdreg s1  }
0x23: {  	s6 =	simm.s32 $0x60A0;
	s7 =	simm.s32 $0xA0A0;
	[dreg:$0x10] =	wrdreg s23  }
0x24: {  	s0 =	sadd.s32 s0, s24;
	s23 =	sadd.s32 s12, s2;
	s1 =	simm.s32 $0x50A0  }
0x25: {  	v0 =	vimm.f32 $0.0e+00;
	s24 =	simm.s32 $0x7;
	[dreg:$0x11] =	wrdreg s0;
	s0 =	simm.s32 $0x80  }
.LBB2_1:
0x26: {  	s11 =	rddreg [dreg:$0x3]  }
0x27: {  	[tilespmem:s3], [sflag:$0x9] =	stream.linear.gather [hbm4b:s11+s3], $0x2700, $0x38;
	[tilespmem:$0x13060] =	vst v63  }
0x28: {  	_ =	swait.ge [sflag:s28], $0x2700  }
0x29: {  	[sflag:s28] =	ssyncset.done $0x0  }
0x2a: {  	s12 =	simm.s32 $0x2700;
	s11 =	rddreg [dreg:$0x4];
	[sflag:s28] =	ssyncadd.s32 $0xFFFFD900  }
0x2b: {  	[tilespmem:s12], [sflag:$0x9] =	stream.linear.gather [hbm4b:s11+s3], $0x2700, $0x38;
	[tilespmem:$0x13060] =	vst v63  }
0x2c: {  	_ =	swait.ge [sflag:s28], $0x2700  }
0x2d: {  	[sflag:s28] =	ssyncset.done $0x0  }
0x2e: {  	s12 =	rddreg [dreg:$0x5];
	[sflag:s28] =	ssyncadd.s32 $0xFFFFD900  }
0x2f: {  	[tilespmem:s14], [sflag:$0x9] =	stream.linear.gather [hbm4b:s12+s3], $0x10, $0x38;
	[tilespmem:$0x13060] =	vst v63  }
0x30: {  	_ =	swait.ge [sflag:s28], $0x10  }
0x31: {  	[sflag:s28] =	ssyncset.done $0x0  }
0x32: {  	s12 =	rddreg [dreg:$0x6];
	[sflag:s28] =	ssyncadd.s32 $0xFFFFFFF0  }
0x33: {  	[tilespmem:s16], [sflag:$0x9] =	stream.linear.gather [hbm4b:s12+s3], $0x10, $0x38;
	[tilespmem:$0x13060] =	vst v63  }
0x34: {  	_ =	swait.ge [sflag:s28], $0x10  }
0x35: {  	[sflag:s28] =	ssyncset.done $0x0  }
0x36: {  	s16 =	simm.s32 $0x4E20;
	s14 =	rddreg [dreg:$0x7];
	[sflag:s28] =	ssyncadd.s32 $0xFFFFFFF0  }
0x37: {  	[tilespmem:s16], [sflag:$0x9] =	stream.linear.gather [hbm4b:s14+s3], $0x280, $0x38;
	[tilespmem:$0x13060] =	vst v63  }
0x38: {  	_ =	swait.ge [sflag:s28], $0x280  }
0x39: {  	[sflag:s28] =	ssyncset.done $0x0  }
0x3a: {  	s11 =	simm.s32 $0x80;
	s16 =	simm.s32 $0x0;
	[sflag:s28] =	ssyncadd.s32 $0xFFFFFD80  }
.LBB2_2:
0x3b: {  	p1 =	sne.s32 s11, $0x3E00;
	[tilespmem:s16+$0xD2A0] =	vst v0;
	s12 =	smov.u32 s11;
	s11 =	sadd.s32 $0x80, s11  }
.Ltmp0:
0x3c: {  	[tilespmem:s16+$0xD2B0] =	vst v0;
	(pc) =	sbr.rel @p1 .LBB2_2-.Ltmp0, $2  }
0x3d: {  	_ =	sdelay $0x2  }
0x3e: {  	s16 =	sshra.s32 s12, $0x2  }
0x3f: {  	[tilespmem:s16+$0xD2A0] =	vst v0  }
0x40: {  	[tilespmem:s16+$0xD2B0] =	vst v0  }
0x41: {  	[spmem:s13] =	stream.linear.scatter [tilespmem:s29], [sflag:$0x9], $0xFA0, $0x38;
	[tilespmem:$0x13060] =	vst v63  }
0x42: {  	_ =	swait.ge [sflag:s28], $0xFA0  }
0x43: {  	[sflag:s28] =	ssyncset.done $0x0  }
0x44: {  	s11 =	rddreg [dreg:$0xa];
	[sflag:s28] =	ssyncadd.s32 $0xFFFFF060  }
0x45: {  	[spmem:s11] =	stream.linear.scatter [tilespmem:s29], [sflag:$0x9], $0xFA0, $0x38;
	[tilespmem:$0x13060] =	vst v63  }
0x46: {  	_ =	swait.ge [sflag:s28], $0xFA0  }
0x47: {  	[sflag:s28] =	ssyncset.done $0x0  }
0x48: {  	[sflag:s28] =	ssyncadd.s32 $0xFFFFF060  }
0x49: {  	[spmem:s15] =	stream.linear.scatter [tilespmem:s29], [sflag:$0x9], $0xFA0, $0x38;
	[tilespmem:$0x13060] =	vst v63  }
0x4a: {  	_ =	swait.ge [sflag:s28], $0xFA0  }
0x4b: {  	[sflag:s28] =	ssyncset.done $0x0  }
0x4c: {  	[sflag:s28] =	ssyncadd.s32 $0xFFFFF060  }
0x4d: {  	[spmem:s23] =	stream.linear.scatter [tilespmem:s29], [sflag:$0x9], $0xFA0, $0x38;
	[tilespmem:$0x13060] =	vst v63  }
0x4e: {  	_ =	swait.ge [sflag:s28], $0xFA0  }
0x4f: {  	[sflag:s28] =	ssyncset.done $0x0  }
0x50: {  	[sflag:s28] =	ssyncadd.s32 $0xFFFFF060  }
0x51: {  	[spmem:s26] =	stream.linear.scatter [tilespmem:s29], [sflag:$0x9], $0xFA0, $0x38;
	[tilespmem:$0x13060] =	vst v63  }
0x52: {  	_ =	swait.ge [sflag:s28], $0xFA0  }
0x53: {  	[sflag:s28] =	ssyncset.done $0x0  }
0x54: {  	[sflag:s28] =	ssyncadd.s32 $0xFFFFF060  }
0x55: {  	s16 =	simm.s32 $0x0;
	[bflag:$0x0] =	sbarrier.arrive $0xFFFF  }
0x56: {  	[tilespmem:s1], [sflag:$0x1] =	stream.indirect.gather [hbm4b:s4+s0], $0x20, s16, s0, $0xb8;
	[tilespmem:$0x13060] =	vst v63  }
0x57: {  	_ = 	snop  }
0x58: {  	[tilespmem:s6], [sflag:$0x2] =	stream.indirect.gather [hbm4b:s4+s0], $0x20, s0, s0, $0xb8;
	[tilespmem:$0x13060] =	vst v63  }
0x59: {  	s12 =	simm.s32 $0x100  }
0x5a: {  	[tilespmem:s9], [sflag:$0x3] =	stream.indirect.gather [hbm4b:s4+s0], $0x20, s12, s0, $0xb8;
	[tilespmem:$0x13060] =	vst v63  }
0x5b: {  	s14 =	smov.u32 s13;
	s13 =	simm.s32 $0x180  }
0x5c: {  	[tilespmem:s10], [sflag:$0x4] =	stream.indirect.gather [hbm4b:s4+s0], $0x20, s13, s0, $0xb8;
	[tilespmem:$0x13060] =	vst v63  }
0x5d: {  	s16 =	simm.s32 $0x200  }
0x5e: {  	[tilespmem:s5], [sflag:$0x5] =	stream.indirect.gather [hbm4b:s4+s0], $0x20, s16, s0, $0xb8;
	[tilespmem:$0x13060] =	vst v63  }
0x5f: {  	s12 =	simm.s32 $0x280  }
0x60: {  	[tilespmem:s7], [sflag:$0x6] =	stream.indirect.gather [hbm4b:s4+s0], $0x20, s12, s0, $0xb8;
	[tilespmem:$0x13060] =	vst v63  }
0x61: {  	s13 =	simm.s32 $0x300  }
0x62: {  	[tilespmem:s18], [sflag:$0x7] =	stream.indirect.gather [hbm4b:s4+s0], $0x20, s13, s0, $0xb8;
	[tilespmem:$0x13060] =	vst v63  }
0x63: {  	s16 =	simm.s32 $0x380  }
0x64: {  	[tilespmem:s19], [sflag:$0x8] =	stream.indirect.gather [hbm4b:s4+s0], $0x20, s16, s0, $0xb8;
	[tilespmem:$0x13060] =	vst v63  }
0x65: {  	_ =	swait.ge [sflag:s8], $0x1000  }
0x66: {  	[sflag:s8] =	ssyncset.done $0x0  }
0x67: {  	s12 =	simm.s32 $0x2700;
	[sflag:s8] =	ssyncadd.s32 $0xFFFFF000  }
0x68: {  	[spmem:s2] =	stream.indirect.scatter.add.f32 [tilespmem:s1], [sflag:$0x9], $0x20, s12, s0, $0xb8;
	[tilespmem:$0x13060] =	vst v63  }
0x69: {  	_ =	swait.ge [sflag:s28], $0x1000  }
0x6a: {  	[sflag:s28] =	ssyncset.done $0x0  }
0x6b: {  	s13 =	simm.s32 $0x400;
	[sflag:s28] =	ssyncadd.s32 $0xFFFFF000  }
0x6c: {  	[tilespmem:s1], [sflag:$0x1] =	stream.indirect.gather [hbm4b:s4+s0], $0x20, s13, s0, $0xb8;
	[tilespmem:$0x13060] =	vst v63  }
0x6d: {  	_ =	swait.ge [sflag:s20], $0x1000  }
0x6e: {  	[sflag:s20] =	ssyncset.done $0x0  }
0x6f: {  	s16 =	simm.s32 $0x2780;
	[sflag:s20] =	ssyncadd.s32 $0xFFFFF000  }
0x70: {  	[spmem:s2] =	stream.indirect.scatter.add.f32 [tilespmem:s6], [sflag:$0x9], $0x20, s16, s0, $0xb8;
	[tilespmem:$0x13060] =	vst v63  }
0x71: {  	_ =	swait.ge [sflag:s28], $0x1000  }
0x72: {  	[sflag:s28] =	ssyncset.done $0x0  }
0x73: {  	s12 =	simm.s32 $0x480;
	[sflag:s28] =	ssyncadd.s32 $0xFFFFF000  }
0x74: {  	[tilespmem:s6], [sflag:$0x2] =	stream.indirect.gather [hbm4b:s4+s0], $0x20, s12, s0, $0xb8;
	[tilespmem:$0x13060] =	vst v63  }
0x75: {  	_ =	swait.ge [sflag:s21], $0x1000  }
0x76: {  	[sflag:s21] =	ssyncset.done $0x0  }
0x77: {  	s13 =	simm.s32 $0x2800;
	[sflag:s21] =	ssyncadd.s32 $0xFFFFF000  }
0x78: {  	[spmem:s2] =	stream.indirect.scatter.add.f32 [tilespmem:s9], [sflag:$0x9], $0x20, s13, s0, $0xb8;
	[tilespmem:$0x13060] =	vst v63  }
0x79: {  	_ =	swait.ge [sflag:s28], $0x1000  }
0x7a: {  	[sflag:s28] =	ssyncset.done $0x0  }
0x7b: {  	s16 =	simm.s32 $0x500;
	[sflag:s28] =	ssyncadd.s32 $0xFFFFF000  }
0x7c: {  	[tilespmem:s9], [sflag:$0x3] =	stream.indirect.gather [hbm4b:s4+s0], $0x20, s16, s0, $0xb8;
	[tilespmem:$0x13060] =	vst v63  }
0x7d: {  	_ =	swait.ge [sflag:s30], $0x1000  }
0x7e: {  	[sflag:s30] =	ssyncset.done $0x0  }
0x7f: {  	s12 =	simm.s32 $0x2880;
	[sflag:s30] =	ssyncadd.s32 $0xFFFFF000  }
0x80: {  	[spmem:s2] =	stream.indirect.scatter.add.f32 [tilespmem:s10], [sflag:$0x9], $0x20, s12, s0, $0xb8;
	[tilespmem:$0x13060] =	vst v63  }
0x81: {  	_ =	swait.ge [sflag:s28], $0x1000  }
0x82: {  	[sflag:s28] =	ssyncset.done $0x0  }
0x83: {  	s13 =	simm.s32 $0x580;
	[sflag:s28] =	ssyncadd.s32 $0xFFFFF000  }
0x84: {  	[tilespmem:s10], [sflag:$0x4] =	stream.indirect.gather [hbm4b:s4+s0], $0x20, s13, s0, $0xb8;
	[tilespmem:$0x13060] =	vst v63  }
0x85: {  	_ =	swait.ge [sflag:s31], $0x1000  }
0x86: {  	[sflag:s31] =	ssyncset.done $0x0  }
0x87: {  	s16 =	simm.s32 $0x2900;
	[sflag:s31] =	ssyncadd.s32 $0xFFFFF000  }
0x88: {  	[spmem:s2] =	stream.indirect.scatter.add.f32 [tilespmem:s5], [sflag:$0x9], $0x20, s16, s0, $0xb8;
	[tilespmem:$0x13060] =	vst v63  }
0x89: {  	_ =	swait.ge [sflag:s28], $0x1000  }
0x8a: {  	[sflag:s28] =	ssyncset.done $0x0  }
0x8b: {  	s12 =	simm.s32 $0x600;
	[sflag:s28] =	ssyncadd.s32 $0xFFFFF000  }
0x8c: {  	[tilespmem:s5], [sflag:$0x5] =	stream.indirect.gather [hbm4b:s4+s0], $0x20, s12, s0, $0xb8;
	[tilespmem:$0x13060] =	vst v63  }
0x8d: {  	_ =	swait.ge [sflag:s22], $0x1000  }
0x8e: {  	[sflag:s22] =	ssyncset.done $0x0  }
0x8f: {  	s13 =	simm.s32 $0x2980;
	[sflag:s22] =	ssyncadd.s32 $0xFFFFF000  }
0x90: {  	[spmem:s2] =	stream.indirect.scatter.add.f32 [tilespmem:s7], [sflag:$0x9], $0x20, s13, s0, $0xb8;
	[tilespmem:$0x13060] =	vst v63  }
0x91: {  	_ =	swait.ge [sflag:s28], $0x1000  }
0x92: {  	[sflag:s28] =	ssyncset.done $0x0  }
0x93: {  	s16 =	simm.s32 $0x680;
	[sflag:s28] =	ssyncadd.s32 $0xFFFFF000  }
0x94: {  	[tilespmem:s7], [sflag:$0x6] =	stream.indirect.gather [hbm4b:s4+s0], $0x20, s16, s0, $0xb8;
	[tilespmem:$0x13060] =	vst v63  }
0x95: {  	_ =	swait.ge [sflag:s24], $0x1000  }
0x96: {  	[sflag:s24] =	ssyncset.done $0x0  }
0x97: {  	s12 =	simm.s32 $0x2A00;
	[sflag:s24] =	ssyncadd.s32 $0xFFFFF000  }
0x98: {  	[spmem:s2] =	stream.indirect.scatter.add.f32 [tilespmem:s18], [sflag:$0x9], $0x20, s12, s0, $0xb8;
	[tilespmem:$0x13060] =	vst v63  }
0x99: {  	_ =	swait.ge [sflag:s28], $0x1000  }
0x9a: {  	[sflag:s28] =	ssyncset.done $0x0  }
0x9b: {  	s13 =	simm.s32 $0x700;
	[sflag:s28] =	ssyncadd.s32 $0xFFFFF000  }
0x9c: {  	[tilespmem:s18], [sflag:$0x7] =	stream.indirect.gather [hbm4b:s4+s0], $0x20, s13, s0, $0xb8;
	[tilespmem:$0x13060] =	vst v63  }
0x9d: {  	_ =	swait.ge [sflag:s25], $0x1000  }
0x9e: {  	[sflag:s25] =	ssyncset.done $0x0  }
0x9f: {  	s16 =	simm.s32 $0x2A80;
	[sflag:s25] =	ssyncadd.s32 $0xFFFFF000  }
0xa0: {  	[spmem:s2] =	stream.indirect.scatter.add.f32 [tilespmem:s19], [sflag:$0x9], $0x20, s16, s0, $0xb8;
	[tilespmem:$0x13060] =	vst v63  }
0xa1: {  	_ =	swait.ge [sflag:s28], $0x1000  }
0xa2: {  	[sflag:s28] =	ssyncset.done $0x0  }
0xa3: {  	s11 =	simm.s32 $0x1000;
	s16 =	simm.s32 $0x780;
	[sflag:s28] =	ssyncadd.s32 $0xFFFFF000  }
.LBB2_4:
0xa4: {  	[tilespmem:s19], [sflag:$0x8] =	stream.indirect.gather [hbm4b:s4+s0], $0x20, s16, s0, $0xb8;
	[tilespmem:$0x13060] =	vst v63  }
0xa5: {  	s12 =	smov.u32 s11  }
0xa6: {  	p1 =	sne.s32 s11, $0x7000;
	s11 =	sadd.s32 $0x1000, s11;
	_ =	swait.ge [sflag:s8], $0x1000  }
0xa7: {  	s16 =	sshra.s32 s12, $0x2;
	[sflag:s8] =	ssyncset.done $0x0  }
0xa8: {  	s12 =	sadd.s32 $0x2700, s16;
	[sflag:s8] =	ssyncadd.s32 $0xFFFFF000  }
0xa9: {  	[spmem:s2] =	stream.indirect.scatter.add.f32 [tilespmem:s1], [sflag:$0x9], $0x20, s12, s0, $0xb8;
	[tilespmem:$0x13060] =	vst v63  }
0xaa: {  	_ =	swait.ge [sflag:s28], $0x1000  }
0xab: {  	[sflag:s28] =	ssyncset.done $0x0  }
0xac: {  	s12 =	sadd.s32 $0x400, s16;
	[sflag:s28] =	ssyncadd.s32 $0xFFFFF000  }
0xad: {  	[tilespmem:s1], [sflag:$0x1] =	stream.indirect.gather [hbm4b:s4+s0], $0x20, s12, s0, $0xb8;
	[tilespmem:$0x13060] =	vst v63  }
0xae: {  	_ =	swait.ge [sflag:s20], $0x1000  }
0xaf: {  	[sflag:s20] =	ssyncset.done $0x0  }
0xb0: {  	s12 =	sadd.s32 $0x2780, s16;
	[sflag:s20] =	ssyncadd.s32 $0xFFFFF000  }
0xb1: {  	[spmem:s2] =	stream.indirect.scatter.add.f32 [tilespmem:s6], [sflag:$0x9], $0x20, s12, s0, $0xb8;
	[tilespmem:$0x13060] =	vst v63  }
0xb2: {  	_ =	swait.ge [sflag:s28], $0x1000  }
0xb3: {  	[sflag:s28] =	ssyncset.done $0x0  }
0xb4: {  	s12 =	sadd.s32 $0x480, s16;
	[sflag:s28] =	ssyncadd.s32 $0xFFFFF000  }
0xb5: {  	[tilespmem:s6], [sflag:$0x2] =	stream.indirect.gather [hbm4b:s4+s0], $0x20, s12, s0, $0xb8;
	[tilespmem:$0x13060] =	vst v63  }
0xb6: {  	_ =	swait.ge [sflag:s21], $0x1000  }
0xb7: {  	[sflag:s21] =	ssyncset.done $0x0  }
0xb8: {  	s12 =	sadd.s32 $0x2800, s16;
	[sflag:s21] =	ssyncadd.s32 $0xFFFFF000  }
0xb9: {  	[spmem:s2] =	stream.indirect.scatter.add.f32 [tilespmem:s9], [sflag:$0x9], $0x20, s12, s0, $0xb8;
	[tilespmem:$0x13060] =	vst v63  }
0xba: {  	_ =	swait.ge [sflag:s28], $0x1000  }
0xbb: {  	[sflag:s28] =	ssyncset.done $0x0  }
0xbc: {  	s12 =	sadd.s32 $0x500, s16;
	[sflag:s28] =	ssyncadd.s32 $0xFFFFF000  }
0xbd: {  	[tilespmem:s9], [sflag:$0x3] =	stream.indirect.gather [hbm4b:s4+s0], $0x20, s12, s0, $0xb8;
	[tilespmem:$0x13060] =	vst v63  }
0xbe: {  	_ =	swait.ge [sflag:s30], $0x1000  }
0xbf: {  	[sflag:s30] =	ssyncset.done $0x0  }
0xc0: {  	s12 =	sadd.s32 $0x2880, s16;
	[sflag:s30] =	ssyncadd.s32 $0xFFFFF000  }
0xc1: {  	[spmem:s2] =	stream.indirect.scatter.add.f32 [tilespmem:s10], [sflag:$0x9], $0x20, s12, s0, $0xb8;
	[tilespmem:$0x13060] =	vst v63  }
0xc2: {  	_ =	swait.ge [sflag:s28], $0x1000  }
0xc3: {  	[sflag:s28] =	ssyncset.done $0x0  }
0xc4: {  	s12 =	sadd.s32 $0x580, s16;
	[sflag:s28] =	ssyncadd.s32 $0xFFFFF000  }
0xc5: {  	[tilespmem:s10], [sflag:$0x4] =	stream.indirect.gather [hbm4b:s4+s0], $0x20, s12, s0, $0xb8;
	[tilespmem:$0x13060] =	vst v63  }
0xc6: {  	_ =	swait.ge [sflag:s31], $0x1000  }
0xc7: {  	[sflag:s31] =	ssyncset.done $0x0  }
0xc8: {  	s12 =	sadd.s32 $0x2900, s16;
	[sflag:s31] =	ssyncadd.s32 $0xFFFFF000  }
0xc9: {  	[spmem:s2] =	stream.indirect.scatter.add.f32 [tilespmem:s5], [sflag:$0x9], $0x20, s12, s0, $0xb8;
	[tilespmem:$0x13060] =	vst v63  }
0xca: {  	_ =	swait.ge [sflag:s28], $0x1000  }
0xcb: {  	[sflag:s28] =	ssyncset.done $0x0  }
0xcc: {  	s12 =	sadd.s32 $0x600, s16;
	[sflag:s28] =	ssyncadd.s32 $0xFFFFF000  }
0xcd: {  	[tilespmem:s5], [sflag:$0x5] =	stream.indirect.gather [hbm4b:s4+s0], $0x20, s12, s0, $0xb8;
	[tilespmem:$0x13060] =	vst v63  }
0xce: {  	_ =	swait.ge [sflag:s22], $0x1000  }
0xcf: {  	[sflag:s22] =	ssyncset.done $0x0  }
0xd0: {  	s12 =	sadd.s32 $0x2980, s16;
	[sflag:s22] =	ssyncadd.s32 $0xFFFFF000  }
0xd1: {  	[spmem:s2] =	stream.indirect.scatter.add.f32 [tilespmem:s7], [sflag:$0x9], $0x20, s12, s0, $0xb8;
	[tilespmem:$0x13060] =	vst v63  }
0xd2: {  	_ =	swait.ge [sflag:s28], $0x1000  }
0xd3: {  	[sflag:s28] =	ssyncset.done $0x0  }
0xd4: {  	s12 =	sadd.s32 $0x680, s16;
	[sflag:s28] =	ssyncadd.s32 $0xFFFFF000  }
0xd5: {  	[tilespmem:s7], [sflag:$0x6] =	stream.indirect.gather [hbm4b:s4+s0], $0x20, s12, s0, $0xb8;
	[tilespmem:$0x13060] =	vst v63  }
0xd6: {  	_ =	swait.ge [sflag:s24], $0x1000  }
0xd7: {  	[sflag:s24] =	ssyncset.done $0x0  }
0xd8: {  	s12 =	sadd.s32 $0x2A00, s16;
	[sflag:s24] =	ssyncadd.s32 $0xFFFFF000  }
0xd9: {  	[spmem:s2] =	stream.indirect.scatter.add.f32 [tilespmem:s18], [sflag:$0x9], $0x20, s12, s0, $0xb8;
	[tilespmem:$0x13060] =	vst v63  }
0xda: {  	_ =	swait.ge [sflag:s28], $0x1000  }
0xdb: {  	[sflag:s28] =	ssyncset.done $0x0  }
0xdc: {  	s12 =	sadd.s32 $0x700, s16;
	[sflag:s28] =	ssyncadd.s32 $0xFFFFF000  }
0xdd: {  	[tilespmem:s18], [sflag:$0x7] =	stream.indirect.gather [hbm4b:s4+s0], $0x20, s12, s0, $0xb8;
	[tilespmem:$0x13060] =	vst v63  }
0xde: {  	_ =	swait.ge [sflag:s25], $0x1000  }
0xdf: {  	[sflag:s25] =	ssyncset.done $0x0  }
.Ltmp1:
0xe0: {  	s12 =	sadd.s32 $0x2A80, s16;
	[sflag:s25] =	ssyncadd.s32 $0xFFFFF000;
	(pc) =	sbr.rel @p1 .LBB2_4-.Ltmp1, $4  }
0xe1: {  	[spmem:s2] =	stream.indirect.scatter.add.f32 [tilespmem:s19], [sflag:$0x9], $0x20, s12, s0, $0xb8;
	[tilespmem:$0x13060] =	vst v63  }
0xe2: {  	_ =	swait.ge [sflag:s28], $0x1000  }
0xe3: {  	[sflag:s28] =	ssyncset.done $0x0  }
0xe4: {  	s16 =	sadd.s32 $0x780, s16;
	[sflag:s28] =	ssyncadd.s32 $0xFFFFF000  }
0xe5: {  	[tilespmem:s19], [sflag:$0x8] =	stream.indirect.gather [hbm4b:s4+s0], $0x20, s16, s0, $0xb8;
	[tilespmem:$0x13060] =	vst v63  }
0xe6: {  	_ =	swait.ge [sflag:s8], $0x1000  }
0xe7: {  	[sflag:s8] =	ssyncset.done $0x0  }
0xe8: {  	s11 =	simm.s32 $0x4700;
	[sflag:s8] =	ssyncadd.s32 $0xFFFFF000  }
0xe9: {  	[spmem:s2] =	stream.indirect.scatter.add.f32 [tilespmem:s1], [sflag:$0x9], $0x20, s11, s0, $0xb8;
	[tilespmem:$0x13060] =	vst v63  }
0xea: {  	_ =	swait.ge [sflag:s28], $0x1000  }
0xeb: {  	[sflag:s28] =	ssyncset.done $0x0  }
0xec: {  	s13 =	simm.s32 $0x2400;
	[sflag:s28] =	ssyncadd.s32 $0xFFFFF000  }
0xed: {  	[tilespmem:s1], [sflag:$0x1] =	stream.indirect.gather [hbm4b:s4+s0], $0x20, s13, s0, $0xb8;
	[tilespmem:$0x13060] =	vst v63  }
0xee: {  	_ =	swait.ge [sflag:s20], $0x1000  }
0xef: {  	[sflag:s20] =	ssyncset.done $0x0  }
0xf0: {  	s16 =	simm.s32 $0x4780;
	[sflag:s20] =	ssyncadd.s32 $0xFFFFF000  }
0xf1: {  	[spmem:s2] =	stream.indirect.scatter.add.f32 [tilespmem:s6], [sflag:$0x9], $0x20, s16, s0, $0xb8;
	[tilespmem:$0x13060] =	vst v63  }
0xf2: {  	_ =	swait.ge [sflag:s28], $0x1000  }
0xf3: {  	[sflag:s28] =	ssyncset.done $0x0  }
0xf4: {  	s12 =	simm.s32 $0x2480;
	[sflag:s28] =	ssyncadd.s32 $0xFFFFF000  }
0xf5: {  	[tilespmem:s6], [sflag:$0x2] =	stream.indirect.gather [hbm4b:s4+s0], $0x20, s12, s0, $0xb8;
	[tilespmem:$0x13060] =	vst v63  }
0xf6: {  	_ =	swait.ge [sflag:s21], $0x1000  }
0xf7: {  	[sflag:s21] =	ssyncset.done $0x0  }
0xf8: {  	s13 =	simm.s32 $0x4800;
	[sflag:s21] =	ssyncadd.s32 $0xFFFFF000  }
0xf9: {  	[spmem:s2] =	stream.indirect.scatter.add.f32 [tilespmem:s9], [sflag:$0x9], $0x20, s13, s0, $0xb8;
	[tilespmem:$0x13060] =	vst v63  }
0xfa: {  	_ =	swait.ge [sflag:s28], $0x1000  }
0xfb: {  	[sflag:s28] =	ssyncset.done $0x0  }
0xfc: {  	s16 =	simm.s32 $0x2500;
	[sflag:s28] =	ssyncadd.s32 $0xFFFFF000  }
0xfd: {  	[tilespmem:s9], [sflag:$0x3] =	stream.indirect.gather [hbm4b:s4+s0], $0x20, s16, s0, $0xb8;
	[tilespmem:$0x13060] =	vst v63  }
0xfe: {  	_ =	swait.ge [sflag:s30], $0x1000  }
0xff: {  	[sflag:s30] =	ssyncset.done $0x0  }
0x100: {  	s12 =	simm.s32 $0x4880;
	[sflag:s30] =	ssyncadd.s32 $0xFFFFF000  }
0x101: {  	[spmem:s2] =	stream.indirect.scatter.add.f32 [tilespmem:s10], [sflag:$0x9], $0x20, s12, s0, $0xb8;
	[tilespmem:$0x13060] =	vst v63  }
0x102: {  	_ =	swait.ge [sflag:s28], $0x1000  }
0x103: {  	[sflag:s28] =	ssyncset.done $0x0  }
0x104: {  	s13 =	simm.s32 $0x2580;
	[sflag:s28] =	ssyncadd.s32 $0xFFFFF000  }
0x105: {  	[tilespmem:s10], [sflag:$0x4] =	stream.indirect.gather [hbm4b:s4+s0], $0x20, s13, s0, $0xb8;
	[tilespmem:$0x13060] =	vst v63  }
0x106: {  	_ =	swait.ge [sflag:s31], $0x1000  }
0x107: {  	[sflag:s31] =	ssyncset.done $0x0  }
0x108: {  	s16 =	simm.s32 $0x4900;
	[sflag:s31] =	ssyncadd.s32 $0xFFFFF000  }
0x109: {  	[spmem:s2] =	stream.indirect.scatter.add.f32 [tilespmem:s5], [sflag:$0x9], $0x20, s16, s0, $0xb8;
	[tilespmem:$0x13060] =	vst v63  }
0x10a: {  	_ =	swait.ge [sflag:s28], $0x1000  }
0x10b: {  	[sflag:s28] =	ssyncset.done $0x0  }
0x10c: {  	s12 =	simm.s32 $0x2600;
	[sflag:s28] =	ssyncadd.s32 $0xFFFFF000  }
0x10d: {  	[tilespmem:s5], [sflag:$0x5] =	stream.indirect.gather [hbm4b:s4+s0], $0x20, s12, s0, $0xb8;
	[tilespmem:$0x13060] =	vst v63  }
0x10e: {  	_ =	swait.ge [sflag:s22], $0x1000  }
0x10f: {  	[sflag:s22] =	ssyncset.done $0x0  }
0x110: {  	s13 =	simm.s32 $0x4980;
	[sflag:s22] =	ssyncadd.s32 $0xFFFFF000  }
0x111: {  	[spmem:s2] =	stream.indirect.scatter.add.f32 [tilespmem:s7], [sflag:$0x9], $0x20, s13, s0, $0xb8;
	[tilespmem:$0x13060] =	vst v63  }
0x112: {  	_ =	swait.ge [sflag:s28], $0x1000  }
0x113: {  	[sflag:s28] =	ssyncset.done $0x0  }
0x114: {  	s16 =	simm.s32 $0x2680;
	[sflag:s28] =	ssyncadd.s32 $0xFFFFF000  }
0x115: {  	[tilespmem:s7], [sflag:$0x6] =	stream.indirect.gather [hbm4b:s4+s0], $0x20, s16, s0, $0xb8;
	[tilespmem:$0x13060] =	vst v63  }
0x116: {  	_ =	swait.ge [sflag:s24], $0x1000  }
0x117: {  	[sflag:s24] =	ssyncset.done $0x0  }
0x118: {  	s12 =	simm.s32 $0x4A00;
	[sflag:s24] =	ssyncadd.s32 $0xFFFFF000  }
0x119: {  	[spmem:s2] =	stream.indirect.scatter.add.f32 [tilespmem:s18], [sflag:$0x9], $0x20, s12, s0, $0xb8;
	[tilespmem:$0x13060] =	vst v63  }
0x11a: {  	_ =	swait.ge [sflag:s28], $0x1000  }
0x11b: {  	[sflag:s28] =	ssyncset.done $0x0  }
0x11c: {  	[sflag:s28] =	ssyncadd.s32 $0xFFFFF000  }
0x11d: {  	_ =	swait.ge [sflag:s25], $0x1000  }
0x11e: {  	[sflag:s25] =	ssyncset.done $0x0  }
0x11f: {  	s13 =	simm.s32 $0x4A80;
	[sflag:s25] =	ssyncadd.s32 $0xFFFFF000  }
0x120: {  	[spmem:s2] =	stream.indirect.scatter.add.f32 [tilespmem:s19], [sflag:$0x9], $0x20, s13, s0, $0xb8;
	[tilespmem:$0x13060] =	vst v63  }
0x121: {  	_ =	swait.ge [sflag:s28], $0x1000  }
0x122: {  	[sflag:s28] =	ssyncset.done $0x0  }
0x123: {  	[sflag:s28] =	ssyncadd.s32 $0xFFFFF000  }
0x124: {  	_ =	swait.ge [sflag:s8], $0x1000  }
0x125: {  	[sflag:s8] =	ssyncset.done $0x0  }
0x126: {  	s16 =	simm.s32 $0x4B00;
	[sflag:s8] =	ssyncadd.s32 $0xFFFFF000  }
0x127: {  	[spmem:s2] =	stream.indirect.scatter.add.f32 [tilespmem:s1], [sflag:$0x9], $0x20, s16, s0, $0xb8;
	[tilespmem:$0x13060] =	vst v63  }
0x128: {  	_ =	swait.ge [sflag:s28], $0x1000  }
0x129: {  	[sflag:s28] =	ssyncset.done $0x0  }
0x12a: {  	[sflag:s28] =	ssyncadd.s32 $0xFFFFF000  }
0x12b: {  	_ =	swait.ge [sflag:s20], $0x1000  }
0x12c: {  	[sflag:s20] =	ssyncset.done $0x0  }
0x12d: {  	s12 =	simm.s32 $0x4B80;
	[sflag:s20] =	ssyncadd.s32 $0xFFFFF000  }
0x12e: {  	[spmem:s2] =	stream.indirect.scatter.add.f32 [tilespmem:s6], [sflag:$0x9], $0x20, s12, s0, $0xb8;
	[tilespmem:$0x13060] =	vst v63  }
0x12f: {  	_ =	swait.ge [sflag:s28], $0x1000  }
0x130: {  	[sflag:s28] =	ssyncset.done $0x0  }
0x131: {  	[sflag:s28] =	ssyncadd.s32 $0xFFFFF000  }
0x132: {  	_ =	swait.ge [sflag:s21], $0x1000  }
0x133: {  	[sflag:s21] =	ssyncset.done $0x0  }
0x134: {  	s13 =	simm.s32 $0x4C00;
	[sflag:s21] =	ssyncadd.s32 $0xFFFFF000  }
0x135: {  	[spmem:s2] =	stream.indirect.scatter.add.f32 [tilespmem:s9], [sflag:$0x9], $0x20, s13, s0, $0xb8;
	[tilespmem:$0x13060] =	vst v63  }
0x136: {  	_ =	swait.ge [sflag:s28], $0x1000  }
0x137: {  	[sflag:s28] =	ssyncset.done $0x0  }
0x138: {  	[sflag:s28] =	ssyncadd.s32 $0xFFFFF000  }
0x139: {  	_ =	swait.ge [sflag:s30], $0x1000  }
0x13a: {  	[sflag:s30] =	ssyncset.done $0x0  }
0x13b: {  	s16 =	simm.s32 $0x4C80;
	[sflag:s30] =	ssyncadd.s32 $0xFFFFF000  }
0x13c: {  	[spmem:s2] =	stream.indirect.scatter.add.f32 [tilespmem:s10], [sflag:$0x9], $0x20, s16, s0, $0xb8;
	[tilespmem:$0x13060] =	vst v63  }
0x13d: {  	_ =	swait.ge [sflag:s28], $0x1000  }
0x13e: {  	[sflag:s28] =	ssyncset.done $0x0  }
0x13f: {  	[sflag:s28] =	ssyncadd.s32 $0xFFFFF000  }
0x140: {  	_ =	swait.ge [sflag:s31], $0x1000  }
0x141: {  	[sflag:s31] =	ssyncset.done $0x0  }
0x142: {  	s12 =	simm.s32 $0x4D00;
	[sflag:s31] =	ssyncadd.s32 $0xFFFFF000  }
0x143: {  	[spmem:s2] =	stream.indirect.scatter.add.f32 [tilespmem:s5], [sflag:$0x9], $0x20, s12, s0, $0xb8;
	[tilespmem:$0x13060] =	vst v63  }
0x144: {  	_ =	swait.ge [sflag:s28], $0x1000  }
0x145: {  	[sflag:s28] =	ssyncset.done $0x0  }
0x146: {  	[sflag:s28] =	ssyncadd.s32 $0xFFFFF000  }
0x147: {  	_ =	swait.ge [sflag:s22], $0x1000  }
0x148: {  	[sflag:s22] =	ssyncset.done $0x0  }
0x149: {  	s13 =	simm.s32 $0x4D80;
	[sflag:s22] =	ssyncadd.s32 $0xFFFFF000  }
0x14a: {  	[spmem:s2] =	stream.indirect.scatter.add.f32 [tilespmem:s7], [sflag:$0x9], $0x20, s13, s0, $0xb8;
	[tilespmem:$0x13060] =	vst v63  }
0x14b: {  	_ =	swait.ge [sflag:s28], $0x1000  }
0x14c: {  	s16 =	simm.s32 $0x4E00;
	[sflag:s28] =	ssyncset.done $0x0  }
0x14d: {  	s12 =	simm.s32 $0x10;
	s13 =	simm.s32 $0xD0A0;
	[sflag:s28] =	ssyncadd.s32 $0xFFFFF000  }
0x14e: {  	[tilespmem:s13], [sflag:$0x1] =	stream.indirect.gather [hbm4b:s4+s12], $0x20, s16, s12, $0xb8;
	[tilespmem:$0x13060] =	vst v63  }
0x14f: {  	_ =	swait.ge [sflag:s8], $0x200  }
0x150: {  	[sflag:s8] =	ssyncset.done $0x0  }
0x151: {  	s16 =	simm.s32 $0x4E10;
	[sflag:s8] =	ssyncadd.s32 $0xFFFFFE00  }
0x152: {  	[spmem:s2] =	stream.indirect.scatter.add.f32 [tilespmem:s13], [sflag:$0x9], $0x20, s16, s12, $0xb8;
	[tilespmem:$0x13060] =	vst v63  }
0x153: {  	_ =	swait.ge [sflag:s28], $0x200  }
0x154: {  	s11 =	simm.s32 @!p0 $0x0;
	[sflag:s28] =	ssyncset.done $0x0  }
0x155: {  	s12 =	simm.s32 @!p0 $0xD2A0;
	s13 =	rddreg [dreg:$0x12];
	[sflag:s28] =	ssyncadd.s32 $0xFFFFFE00  }
0x156: {  	[tilespmem:s12], [sflag:$0x9] =	stream.linear.gather @!p0 [hbm4b:s13+s11], $0xFA0, $0x38;
	[tilespmem:$0x13060] =	vst v63  }
0x157: {  	s11 =	simm.s32 @!p0 $0x9  }
0x158: {  	_ =	swait.ge @!p0 [sflag:s11], $0xFA0  }
0x159: {  	[sflag:s11] =	ssyncset.done @!p0 $0x0  }
0x15a: {  	s16 =	simm.s32 @!p0 $0x7D;
	s13 =	simm.s32 @!p0 $0x4E20;
	[sflag:s11] =	ssyncadd.s32 @!p0 $0xFFFFF060  }
0x15b: {  	[spmem:s2] =	stream.indirect.scatter.add.f32 @!p0 [tilespmem:s12], [sflag:$0x9], $0x20, s13, s16, $0xb8;
	[tilespmem:$0x13060] =	vst v63  }
0x15c: {  	s12 =	rddreg [dreg:$0x8];
	_ =	swait.ge @!p0 [sflag:s11], $0xFA0  }
0x15d: {  	s13 =	rddreg [dreg:$0xb]  }
0x15e: {  	s12 =	smov.u32 @p0 s13  }
0x15f: {  	[sflag:s11] =	ssyncset.done @!p0 $0x0;
	s12 =	sshrl.u32 s12, $0x3  }
0x160: {  	[sflag:s11] =	ssyncadd.s32 @!p0 $0xFFFFF060;
	s12 =	sadd.s32 s4, s12  }
0x161: {  	[tilespmem:s29], [sflag:$0x9] =	stream.linear.gather [hbm4b:s12+s3], $0xFA0, $0x38;
	[tilespmem:$0x13060] =	vst v63  }
0x162: {  	_ =	swait.ge [sflag:s28], $0xFA0  }
0x163: {  	s11 =	simm.s32 @!p0 $0x4EA0;
	s13 =	simm.s32 $0x7D;
	[sflag:s28] =	ssyncset.done $0x0  }
0x164: {  	s11 =	simm.s32 @p0 $0x4FA0;
	s12 =	rddreg [dreg:$0x9];
	[sflag:s28] =	ssyncadd.s32 $0xFFFFF060  }
0x165: {  	[spmem:s2] =	stream.indirect.scatter.add.f32 [tilespmem:s29], [sflag:$0x9], $0x20, s11, s13, $0xb8;
	[tilespmem:$0x13060] =	vst v63  }
0x166: {  	s11 =	rddreg [dreg:$0xc]  }
0x167: {  	s12 =	smov.u32 @p0 s11;
	_ =	swait.ge [sflag:s28], $0xFA0  }
0x168: {  	s11 =	sshrl.u32 s12, $0x3;
	[sflag:s28] =	ssyncset.done $0x0  }
0x169: {  	s11 =	sadd.s32 s4, s11;
	[sflag:s28] =	ssyncadd.s32 $0xFFFFF060  }
0x16a: {  	[tilespmem:s29], [sflag:$0x9] =	stream.linear.gather [hbm4b:s11+s3], $0xFA0, $0x38;
	[tilespmem:$0x13060] =	vst v63  }
0x16b: {  	_ =	swait.ge [sflag:s28], $0xFA0  }
0x16c: {  	s11 =	simm.s32 @!p0 $0x4F20;
	[sflag:s28] =	ssyncset.done $0x0  }
0x16d: {  	s11 =	simm.s32 @p0 $0x5020;
	[sflag:s28] =	ssyncadd.s32 $0xFFFFF060  }
0x16e: {  	[spmem:s2] =	stream.indirect.scatter.add.f32 [tilespmem:s29], [sflag:$0x9], $0x20, s11, s13, $0xb8;
	[tilespmem:$0x13060] =	vst v63  }
0x16f: {  	_ =	swait.ge [sflag:s28], $0xFA0  }
0x170: {  	[sflag:s28] =	ssyncset.done $0x0  }
0x171: {  	s13 =	stileid.u32;
	[sflag:s28] =	ssyncadd.s32 $0xFFFFF060  }
0x172: {  	s12 =	sshrl.u32 s14, $0x3;
	s11 =	sshll.u32 s13, $0x6;
	[bflag:$0x0] =	sbarrier.arrive $0xFFFF  }
0x173: {  	s13 =	smov.u32 s14;
	s11 =	sor.u32 $0x1C09, s11;
	s14 =	rddreg [dreg:$0xd]  }
0x174: {  	[hbm:s14], [sflag:s11] =	dma.local [spmem:s12], $0x1F4  }
0x175: {  	_ =	swait.ge [sflag:s28], $0x1F4  }
0x176: {  	[sflag:s28] =	ssyncset.done $0x0;
	s14 =	rddreg [dreg:$0xa]  }
0x177: {  	[sflag:s28] =	ssyncadd.s32 $0xFFFFFE0C;
	s12 =	sshrl.u32 s14, $0x3;
	s14 =	rddreg [dreg:$0xe]  }
0x178: {  	[hbm:s14], [sflag:s11] =	dma.local [spmem:s12], $0x1F4  }
0x179: {  	_ =	swait.ge [sflag:s28], $0x1F4  }
0x17a: {  	[sflag:s28] =	ssyncset.done $0x0  }
0x17b: {  	s12 =	sshrl.u32 s15, $0x3;
	s14 =	rddreg [dreg:$0xf];
	[sflag:s28] =	ssyncadd.s32 $0xFFFFFE0C  }
0x17c: {  	[hbm:s14], [sflag:s11] =	dma.local [spmem:s12], $0x1F4  }
0x17d: {  	_ =	swait.ge [sflag:s28], $0x1F4  }
0x17e: {  	[sflag:s28] =	ssyncset.done $0x0  }
0x17f: {  	s12 =	sshrl.u32 s23, $0x3;
	s14 =	rddreg [dreg:$0x10];
	[sflag:s28] =	ssyncadd.s32 $0xFFFFFE0C  }
0x180: {  	[hbm:s14], [sflag:s11] =	dma.local [spmem:s12], $0x1F4  }
0x181: {  	_ =	swait.ge [sflag:s28], $0x1F4  }
0x182: {  	[sflag:s28] =	ssyncset.done $0x0  }
0x183: {  	s12 =	sshrl.u32 s26, $0x3;
	s14 =	rddreg [dreg:$0x11];
	[sflag:s28] =	ssyncadd.s32 $0xFFFFFE0C  }
0x184: {  	[hbm:s14], [sflag:s11] =	dma.local [spmem:s12], $0x1F4  }
0x185: {  	_ =	swait.ge [sflag:s28], $0x1F4  }
0x186: {  	s17 =	sadd.s32 $0x1, s17;
	s12 =	rddreg [dreg:$0x13]  }
0x187: {  	p1 =	sne.s32 s17, s12  }
.Ltmp2:
0x188: {  	_ = 	snop;
	(pc) =	sbr.rel @p1 .LBB2_1-.Ltmp2, $3  }
0x189: {  	_ =	sdelay $0x1  }
0x18a: {  	[sflag:s28] =	ssyncset.done $0x0  }
0x18b: {  	s16 =	simm.s32 $0x4E10;
	s14 =	simm.s32 $0x4E00;
	[sflag:s28] =	ssyncadd.s32 $0xFFFFFE0C  }
0x18c: {  	_ =	sfence.sel $0x180000  }
0x18d: {  	[bflag:$0x0] =	sbarrier.arrive $0xFFFF  }
0x18e: {  	_ =	strace $0x9000004D  }
0x18f: {  	s0 =	stileid.u32;
	[bflag:$0x2] =	sbarrier.arrive $0xFFFF  }
0x190: {  	p0 =	sne.s32 s0, $0x0;
	s0 =	rddreg [dreg:$0x2]  }
0x191: {  	s0 =	sadd.s32 @!p0 $0x100000, s0  }
0x192: {  	[sflag:s0] =	ssyncadd.tile.s32 @!p0 $0x1;
	_ =	shalt  }
.Lfunc_end2:
_tile_overlayer_lowered:
.L_overlay_start_2:
0x193: {  	(tag) =	ssettag $0x2  }
0x194: {  	s0 =	rddreg [dreg:$0x0];
	s2 =	stileid.u32  }
0x195: {  	s1 =	rddreg [dreg:$0x1];
	p0 =	sne.s32 s2, $0x0  }
0x196: {  	s3 =	rddreg [dreg:$0x2];
	[bflag:$0x3] =	sbarrier.arrive $0xFFFF;
	s2 =	simm.s32 @!p0 $0x1C09  }
0x197: {  	[timem:s3], [sflag:s2] =	dma.local @!p0 [hbm:s0], s1  }
0x198: {  	s0 =	simm.s32 @!p0 $0x9  }
0x199: {  	_ =	swait.ge @!p0 [sflag:s0], s1  }
0x19a: {  	s1 =	ssub.s32 @!p0 $0x0, s1;
	[sflag:s0] =	ssyncset.done @!p0 $0x0  }
0x19b: {  	[sflag:s0] =	ssyncadd.s32 @!p0 s1  }
0x19c: {  	[bflag:$0x3] =	sbarrier.arrive $0xFFFF  }
0x19d: {  	_ =	shalt  }

// kernel: kernel.9.cloned.1.call-start
scs
__scs_entry_jumppad:
0x0: {  	(pc) =	sbr.rel $0x88, $3  }
0x1: {  	(tag) =	ssettag $0x0;
	lr =	simm.s32 $0x1  }
0x2: {  	[smem:$0x3F9B] =	sst lr;
	_ =	strace $0xD0000000  }
0x3: {  	_ = 	snop  }
0x4: {  	_ = 	snop  }
0x5: {  	_ = 	snop  }
0x6: {  	_ = 	snop  }
0x7: {  	_ = 	snop  }
__scs_overlays_trampoline_lowered:
0x8: {  	[smem:$0x3FAA] =	sst s0  }
0x9: {  	[smem:$0x3FAB] =	sst s1  }
0xa: {  	[smem:$0x3FAC] =	sst s2  }
0xb: {  	[smem:$0x3FAD] =	sst s3  }
0xc: {  	[smem:$0x3FAE] =	sst s4  }
0xd: {  	[smem:$0x3FAF] =	sst s5  }
0xe: {  	[smem:$0x3FB0] =	sst s6  }
0xf: {  	[smem:$0x3FB1] =	sst s7  }
0x10: {  	[smem:$0x3FB2] =	sst s8  }
0x11: {  	[smem:$0x3FB3] =	sst s9;
	s0 =	simm.s32 @!p0 $0x0  }
0x12: {  	s1 =	sld [smem:$0x3F99];
	s0 =	simm.s32 @p0 $0x1  }
0x13: {  	[smem:$0x3FB4] =	sst s0;
	s0 =	simm.s32 @!p1 $0x0  }
0x14: {  	s2 =	sld [smem:$0x3F98];
	s0 =	simm.s32 @p1 $0x1  }
0x15: {  	[smem:$0x3FB5] =	sst s0;
	s0 =	simm.s32 @!p2 $0x0  }
0x16: {  	s3 =	sld [smem:$0x3FDB];
	s0 =	simm.s32 @p2 $0x1  }
0x17: {  	s4 =	simm.s32 $0x1BF5;
	[smem:$0x3FB7] =	sst s0  }
0x18: {  	s0 =	sld [smem:$0x3F9A];
	_ =	swait.ge [sflag:s4], $0x0  }
0x19: {  	s7 =	sld [smem:$0x3F9B]  }
0x1a: {  	s8 =	sadd.s32 $0xFFFFE003, lr  }
0x1b: {  	s9 =	sadd.s32 $0xFFFFFEF7, lr;
	s5 =	simm.s32 $0xFFFFFFFF;
	p2 =	slt.u32 s8, $0xFFFFF086  }
0x1c: {  	p1 =	slt.u32 s9, $0xF7A;
	s5 =	simm.s32 @!p2 $0x0  }
0x1d: {  	s5 =	simm.s32 @p1 $0x1;
	p0 =	seq.s32 s7, s2  }
0x1e: {  	s7 =	smul.u32 @!p0 $0xF7A, s2;
	p2 =	seq.s32 @!p0 s5, $0x0  }
0x1f: {  	s9 =	smul.u32 $0xF7A, s1;
	s8 =	simm.s32 @!p0 $0x1BF5;
	p2 =	por !p2, p0  }
0x20: {  	[sflag:s8] =	ssyncset.s32 @!p0 $0xFFFFF086;
	s6 =	sadd.s32 @!p0 s3, s7;
	s7 =	simm.s32 @!p0 $0x108  }
0x21: {  	s3 =	sadd.s32 s3, s9;
	s6 =	sadd.s32 @!p0 $0x88, s6;
	s7 =	simm.s32 @p2 $0x1082  }
0x22: {  	[simem:s7], [sflag:s8] =	dma.local @!p0 [hbm:s6], $0xF7A  }
0x23: {  	s9 =	sor.u32 $0xD0000000, s2;
	s6 =	simm.s32 $0x108;
	_ =	swait.ge @!p0 [sflag:s8], $0x0  }
0x24: {  	s3 =	sadd.s32 $0x88, s3;
	s6 =	simm.s32 @!p1 $0x1082;
	[sflag:s4] =	ssyncset.s32 $0xFFFFF086  }
0x25: {  	[simem:s6], [sflag:s4] =	dma.local [hbm:s3], $0xF7A  }
0x26: {  	[smem:$0x3F9B] =	sst s1;
	(tag) =	ssettag s2;
	_ =	strace s9  }
0x27: {  	s1 =	sld [smem:$0x3FAB]  }
0x28: {  	s2 =	sld [smem:$0x3FAC]  }
0x29: {  	s4 =	sld [smem:$0x3FAE]  }
0x2a: {  	p0 =	seq.s32 s5, $0x0;
	s5 =	sld [smem:$0x3FAF]  }
0x2b: {  	s6 =	sld [smem:$0x3FB0]  }
0x2c: {  	s7 =	sld [smem:$0x3FB1]  }
0x2d: {  	s3 =	simm.s32 $0x108;
	s8 =	sld [smem:$0x3FB2]  }
0x2e: {  	s3 =	simm.s32 @!p0 $0x1082;
	s9 =	sld [smem:$0x3FB3]  }
0x2f: {  	lr =	sadd.s32 s0, s3;
	s0 =	sld [smem:$0x3FAA]  }
0x30: {  	s3 =	sld [smem:$0x3FAD]  }
0x31: {  	[smem:$0x3FB6] =	sst s10  }
0x32: {  	s10 =	sld [smem:$0x3FB4];
	_ =	sdelay $0x3  }
0x33: {  	p0 =	seq.s32 s10, $0x1;
	s10 =	sld [smem:$0x3FB6];
	_ =	sdelay $0x3  }
0x34: {  	[smem:$0x3FB6] =	sst s10  }
0x35: {  	s10 =	sld [smem:$0x3FB5];
	_ =	sdelay $0x3  }
0x36: {  	p1 =	seq.s32 s10, $0x1;
	s10 =	sld [smem:$0x3FB6];
	_ =	sdelay $0x3  }
0x37: {  	[smem:$0x3FB6] =	sst s10  }
0x38: {  	s10 =	sld [smem:$0x3FB7]  }
0x39: {  	_ = 	snop;
	(pc) =	sbr.ind lr, $3  }
0x3a: {  	_ = 	snop  }
0x3b: {  	_ = 	snop  }
0x3c: {  	p2 =	seq.s32 s10, $0x1;
	s10 =	sld [smem:$0x3FB6]  }
0x3d: {  	_ =	shalt  }
0x3e: {  	_ =	shalt  }
0x3f: {  	_ =	shalt  }
0x40: {  	_ =	shalt  }
0x41: {  	_ =	shalt  }
0x42: {  	_ =	shalt  }
0x43: {  	_ =	shalt  }
0x44: {  	_ =	shalt  }
0x45: {  	_ =	shalt  }
0x46: {  	_ =	shalt  }
0x47: {  	_ =	shalt  }
0x48: {  	_ =	shalt  }
0x49: {  	_ =	shalt  }
0x4a: {  	_ =	shalt  }
0x4b: {  	_ =	shalt  }
0x4c: {  	_ =	shalt  }
0x4d: {  	_ =	shalt  }
0x4e: {  	_ =	shalt  }
0x4f: {  	_ =	shalt  }
0x50: {  	_ =	shalt  }
0x51: {  	_ =	shalt  }
0x52: {  	_ =	shalt  }
0x53: {  	_ =	shalt  }
0x54: {  	_ =	shalt  }
0x55: {  	_ =	shalt  }
0x56: {  	_ =	shalt  }
0x57: {  	_ =	shalt  }
0x58: {  	_ =	shalt  }
0x59: {  	_ =	shalt  }
0x5a: {  	_ =	shalt  }
0x5b: {  	_ =	shalt  }
0x5c: {  	_ =	shalt  }
0x5d: {  	_ =	shalt  }
0x5e: {  	_ =	shalt  }
0x5f: {  	_ =	shalt  }
0x60: {  	_ =	shalt  }
0x61: {  	_ =	shalt  }
0x62: {  	_ =	shalt  }
0x63: {  	_ =	shalt  }
0x64: {  	_ =	shalt  }
0x65: {  	_ =	shalt  }
0x66: {  	_ =	shalt  }
0x67: {  	_ =	shalt  }
0x68: {  	_ =	shalt  }
0x69: {  	_ =	shalt  }
0x6a: {  	_ =	shalt  }
0x6b: {  	_ =	shalt  }
0x6c: {  	_ =	shalt  }
0x6d: {  	_ =	shalt  }
0x6e: {  	_ =	shalt  }
0x6f: {  	_ =	shalt  }
0x70: {  	_ =	shalt  }
0x71: {  	_ =	shalt  }
0x72: {  	_ =	shalt  }
0x73: {  	_ =	shalt  }
0x74: {  	_ =	shalt  }
0x75: {  	_ =	shalt  }
0x76: {  	_ =	shalt  }
0x77: {  	_ =	shalt  }
0x78: {  	_ =	shalt  }
0x79: {  	_ =	shalt  }
0x7a: {  	_ =	shalt  }
0x7b: {  	_ =	shalt  }
0x7c: {  	_ =	shalt  }
0x7d: {  	_ =	shalt  }
0x7e: {  	_ =	shalt  }
0x7f: {  	_ =	shalt  }
0x80: {  	_ =	shalt  }
0x81: {  	_ =	shalt  }
0x82: {  	_ =	shalt  }
0x83: {  	_ =	shalt  }
0x84: {  	_ =	shalt  }
0x85: {  	_ =	shalt  }
0x86: {  	_ =	shalt  }
0x87: {  	_ =	shalt  }
.Lfunc_end0:
.L_simem_size_0:
called_computation_lowered:
.L_overlay_start_0:
0x88: {  	s2 =	sld [smem:$0x3FD9]  }
0x89: {  	s3 =	sld [smem:$0x3FFE];
	_ =	sdelay $0x1  }
0x8a: {  	s1 =	srdreg.scid  }
0x8b: {  	s0 =	sand.u32 $0x1, s1  }
0x8c: {  	s16 =	sshll.u32 s0, $0xA;
	s2 =	sadd.s32 s3, s2  }
0x8d: {  	s2 =	sadd.s32 s2, s16  }
0x8e: {  	[smem:$0x3FC2] =	sst s2  }
0x8f: {  	_ = 	snop  }
0x90: {  	(tm) =	ssettm $0x1  }
0x91: {  	s17 =	sld [smem:$0x3FFB];
	_ =	sdelay $0x3  }
0x92: {  	_ =	strace s17  }
0x93: {  	s2 =	sld [smem:$0x3FFC];
	_ =	sdelay $0x3  }
0x94: {  	_ =	strace s2  }
0x95: {  	s2 =	sld [smem:$0x3FFD];
	_ =	sdelay $0x3  }
0x96: {  	_ =	strace s2  }
0x97: {  	_ =	strace $0x8FFFFFFF  }
0x98: {  	s18 =	sld [smem:$0x3FDB];
	_ =	sdelay $0x1  }
0x99: {  	s19 =	simm.s32 $_scs_section_size  }
0x9a: {  	s4 =	simm.s32 $_size__tile_overlayer_lowered;
	s5 =	simm.s32 $_tile_overlayer_lowered  }
0x9b: {  	s22 =	simm.s32 $0x1BFF;
	s21 =	sshll.u32 s5, $0x1;
	s2 =	sadd.s32 s19, s18  }
0x9c: {  	s6 =	simm.s32 $0x0;
	s20 =	sshll.u32 s4, $0x1;
	s4 =	sadd.s32 s21, s2  }
0x9d: {  	[timem:s6], [sflag:s22] =	dma.local [hbm:s4], s20  }
0x9e: {  	_ =	swait.ge [sflag:s22], s20  }
0x9f: {  	s3 =	ssub.s32 $0x0, s20;
	[sflag:s22] =	ssyncset.done $0x0  }
0xa0: {  	[sflag:s22] =	ssyncadd.s32 s3;
	_ =	sdelay $0x1  }
0xa1: {  	s23 =	simm.s32 $0x1B8B  }
0xa2: {  	_ =	swait.ge [sflag:s23], $0x1  }
0xa3: {  	[sflag:s23] =	ssyncset.done $0x0  }
0xa4: {  	s25 =	simm.s32 $0x1B8E;
	s24 =	sld [smem:$0x3FFE];
	[sflag:s23] =	ssyncadd.s32 $0xFFFFFFFF  }
0xa5: {  	s26 =	simm.s32 $execute0_lowered;
	[smem:$0x3FD2] =	sst s25  }
0xa6: {  	s4 =	sshll.u32 s26, $0x1;
	_ =	strace $0x80000046;
	[dreg:$0x1] =	wrdreg $0xFFFFFFFF  }
0xa7: {  	s28 =	simm.s32 $_size_execute0_lowered;
	s2 =	sadd.s32 s2, s4;
	[dreg:$0x0] =	wrdreg $0x0  }
0xa8: {  	s4 =	sshll.u32 s28, $0x1;
	[dreg:$0x2] =	wrdreg s2  }
0xa9: {  	[dreg:$0x3] =	wrdreg s4  }
0xaa: {  	[dreg:$0x4] =	wrdreg $0xC0  }
0xab: {  	_ =	task [dreg:s6], $0x5FFFF  }
0xac: {  	[dreg:$0x1] =	wrdreg $0xFFFFFFFF  }
0xad: {  	[dreg:$0x0] =	wrdreg $0x60  }
0xae: {  	[dreg:$0x2] =	wrdreg s24  }
0xaf: {  	[dreg:$0x3] =	wrdreg $0x9  }
0xb0: {  	_ =	task.clear_ibuf [dreg:s6], $0x4FFFF;
	_ =	strace $0x90000046  }
0xb1: {  	s29 =	simm.s32 $0x9;
	_ =	strace $0x80000048  }
0xb2: {  	_ =	swait.ge [sflag:s29], $0x1  }
0xb3: {  	[sflag:s29] =	ssyncadd.s32 $0xFFFFFFFF  }
0xb4: {  	_ =	strace $0x90000048  }
0xb5: {  	_ =	sfence  }
0xb6: {  	s30 =	sld [smem:$0x0];
	_ =	sdelay $0x2  }
0xb7: {  	s31 =	sshll.u32 s1, $0xD;
	s1 =	sshrl.u32 s1, $0x2  }
0xb8: {  	s3 =	sand.u32 $0x4000, s31;
	s1 =	sadd.s32 s1, s30  }
0xb9: {  	s0 =	sor.u32 s3, s0;
	s1 =	sshll.u32 s1, $0x11  }
0xba: {  	s0 =	sor.u32 s1, s0  }
0xbb: {  	s0 =	sadd.s32 $0x8F2B, s0  }
0xbc: {  	[sflag:s0] =	ssyncadd.remote.s32 $0x1  }
0xbd: {  	_ =	sfence.sel $0xFFFF  }
0xbe: {  	[dreg:$0x0] =	wrdreg $0xFFFFFFFF;
	(pc) =	sbr.abs _section_cstart, $3  }
0xbf: {  	[dreg:$0x1] =	wrdreg $0xFFFFFFFF  }
0xc0: {  	_ =	task.clear_ibuf [dreg:s6], $0x2FFFF;
	_ =	strace $0x9FFFFFFF  }
0xc1: {  	(tm) =	ssettm $0x7FFFFFFF  }
tec
execute0_lowered:
.L_overlay_start_1:
0x0: {  	(tag) =	ssettag $0x1  }
0x1: {  	s0 =	srdreg.scid;
	s3 =	rddreg [dreg:$0x0]  }
0x2: {  	s1 =	stileid.u32;
	s2 =	simm.s32 $0x0;
	s4 =	sand.u32 $0x1, s0  }
0x3: {  	s8 =	simm.s32 $0x1;
	s0 =	rddreg [dreg:$0x1];
	s5 =	sshll.u32 s4, $0x4  }
0x4: {  	s6 =	sand.u32 $0x7, s1;
	[smem:$0x7FF] =	sst s2;
	s5 =	sor.u32 s1, s5  }
0x5: {  	s9 =	sadd.s32 $0x2000, s3;
	p1 =	sne.s32 s6, $0x0;
	p0 =	seq.s32 s5, $0x0  }
0x6: {  	_ =	strace $0x80000047;
	s7 =	smul.u32 $0x500, s5;
	p0 =	por !p1, !p0  }
0x7: {  	s4 =	ssub.s32 $0x2, s4;
	s29 =	smul.u32 $0x2700, s5;
	p0 =	por !p0, !p0  }
0x8: {  	s6 =	sshll.u32 s6, $0x4;
	s10 =	sshrl.u32 s5, $0x3;
	s8 =	simm.s32 @!p0 $0x0  }
0x9: {  	s7 =	sadd.s32 s7, s3;
	s3 =	sshrl.u32 s29, $0x3;
	s30 =	ssub.s32 s10, s8  }
0xa: {  	s31 =	sshrl.u32 s4, $0x1;
	s3 =	sadd.s32 s9, s3;
	s5 =	sshll.u32 s30, $0x7  }
0xb: {  	s8 =	ssub.s32 s4, s31;
	s3 =	sadd.s32 $0x9C40, s3;
	s5 =	sor.u32 s6, s5  }
0xc: {  	s4 =	simm.s32 $0x1;
	s10 =	simm.s32 $0x0;
	s5 =	sadd.s32 $0x9C200, s5  }
0xd: {  	s6 =	sadd.s32 $0x15A00, s7;
	s7 =	smax.u32 s8, $0x1;
	s5 =	sshrl.u32 s5, $0x3  }
0xe: {  	v0 =	vimm.f32 $0.0e+00;
	v1 =	vimm.f32 $1.000000000e+00;
	s8 =	simm.s32 $0x2700;
	s5 =	sadd.s32 s9, s5;
	s9 =	simm.s32 $0x2710  }
.LBB2_1:
0xf: {  	[tilespmem:s2], [sflag:$0x1] =	stream.linear.gather [hbm4b:s3+s2], $0x2700, $0x38;
	[tilespmem:$0x4F10] =	vst v63  }
0x10: {  	_ =	swait.ge [sflag:s4], $0x2700  }
0x11: {  	[sflag:s4] =	ssyncset.done $0x0  }
0x12: {  	[sflag:s4] =	ssyncadd.s32 $0xFFFFD900  }
0x13: {  	[tilespmem:s8], [sflag:$0x1] =	stream.linear.gather [hbm4b:s5+s2], $0x10, $0x38;
	[tilespmem:$0x4F10] =	vst v63  }
0x14: {  	_ =	swait.ge [sflag:s4], $0x10  }
0x15: {  	[sflag:s4] =	ssyncset.done $0x0  }
0x16: {  	s11 =	simm.s32 $0x0;
	[sflag:s4] =	ssyncadd.s32 $0xFFFFFFF0  }
.LBB2_2:
0x17: {  	p0 =	sne.s32 s11, $0x9FC0  }
.Ltmp0:
0x18: {  	_ = 	snop;
	(pc) =	sbr.rel @p0 .LBB2_2-.Ltmp0, $3  }
0x19: {  	_ =	sdelay $0x1  }
0x1a: {  	s12 =	sshra.s32 s11, $0x2  }
0x1b: {  	s11 =	sadd.s32 $0x40, s11;
	[tilespmem:s12+$0x2710] =	vst v0  }
0x1c: {  	s11 =	simm.s32 $0x0  }
.LBB2_4:
0x1d: {  	s12 =	sshra.s32 s11, $0x2  }
0x1e: {  	v2 =	vld [tilespmem:s12+$0x0];
	_ =	sdelay $0x7  }
0x1f: {  	[tilespmem:v2+s9+$0x0] =	vst.idx.add.f32.msk $0xffff, v1  }
0x20: {  	v2 =	vld [tilespmem:s12+$0x10];
	_ =	sdelay $0x7  }
0x21: {  	[tilespmem:v2+s9+$0x0] =	vst.idx.add.f32.msk $0xffff, v1  }
0x22: {  	v2 =	vld [tilespmem:s12+$0x20];
	_ =	sdelay $0x7  }
0x23: {  	[tilespmem:v2+s9+$0x0] =	vst.idx.add.f32.msk $0xffff, v1  }
0x24: {  	v2 =	vld [tilespmem:s12+$0x30];
	_ =	sdelay $0x7  }
0x25: {  	[tilespmem:v2+s9+$0x0] =	vst.idx.add.f32.msk $0xffff, v1  }
0x26: {  	v2 =	vld [tilespmem:s12+$0x40];
	_ =	sdelay $0x7  }
0x27: {  	[tilespmem:v2+s9+$0x0] =	vst.idx.add.f32.msk $0xffff, v1  }
0x28: {  	v2 =	vld [tilespmem:s12+$0x50];
	_ =	sdelay $0x7  }
0x29: {  	[tilespmem:v2+s9+$0x0] =	vst.idx.add.f32.msk $0xffff, v1  }
0x2a: {  	v2 =	vld [tilespmem:s12+$0x60];
	_ =	sdelay $0x7  }
0x2b: {  	[tilespmem:v2+s9+$0x0] =	vst.idx.add.f32.msk $0xffff, v1  }
0x2c: {  	v2 =	vld [tilespmem:s12+$0x70];
	_ =	sdelay $0x2  }
0x2d: {  	p0 =	sne.s32 s11, $0x9A00  }
.Ltmp1:
0x2e: {  	_ = 	snop;
	(pc) =	sbr.rel @p0 .LBB2_4-.Ltmp1, $2  }
0x2f: {  	_ =	sdelay $0x2  }
0x30: {  	s11 =	sadd.s32 $0x200, s11;
	[tilespmem:v2+s9+$0x0] =	vst.idx.add.f32.msk $0xffff, v1  }
0x31: {  	v2 =	vld [tilespmem:$0x2700];
	_ =	sdelay $0x5  }
0x32: {  	s10 =	sadd.s32 $0x1, s10  }
0x33: {  	p0 =	sne.s32 s10, s7  }
.Ltmp2:
0x34: {  	[tilespmem:v2+s9+$0x0] =	vst.idx.add.f32.msk $0xffff, v1;
	(pc) =	sbr.rel @p0 .LBB2_1-.Ltmp2, $4  }
0x35: {  	[hbm4b:s6+s2] =	stream.linear.scatter [tilespmem:s9], [sflag:$0x1], $0x2800, $0x38;
	[tilespmem:$0x4F10] =	vst v63  }
0x36: {  	_ =	swait.ge [sflag:s4], $0x2800  }
0x37: {  	[sflag:s4] =	ssyncset.done $0x0  }
0x38: {  	[sflag:s4] =	ssyncadd.s32 $0xFFFFD800  }
0x39: {  	_ =	sfence.sel $0x180000  }
0x3a: {  	[bflag:$0x0] =	sbarrier.arrive $0xFFFF  }
0x3b: {  	p0 =	sne.s32 s1, $0x0;
	_ =	strace $0x90000047  }
0x3c: {  	s0 =	sadd.s32 @!p0 $0x100000, s0;
	[bflag:$0x2] =	sbarrier.arrive $0xFFFF  }
0x3d: {  	[sflag:s0] =	ssyncadd.tile.s32 @!p0 $0x1;
	_ =	shalt  }
.Lfunc_end2:
_tile_overlayer_lowered:
.L_overlay_start_2:
0x3e: {  	(tag) =	ssettag $0x2  }
0x3f: {  	s0 =	rddreg [dreg:$0x0];
	s2 =	stileid.u32  }
0x40: {  	s1 =	rddreg [dreg:$0x1];
	p0 =	sne.s32 s2, $0x0  }
0x41: {  	s3 =	rddreg [dreg:$0x2];
	[bflag:$0x3] =	sbarrier.arrive $0xFFFF;
	s2 =	simm.s32 @!p0 $0x1C01  }
0x42: {  	[timem:s3], [sflag:s2] =	dma.local @!p0 [hbm:s0], s1  }
0x43: {  	s0 =	simm.s32 @!p0 $0x1  }
0x44: {  	_ =	swait.ge @!p0 [sflag:s0], s1  }
0x45: {  	s1 =	ssub.s32 @!p0 $0x0, s1;
	[sflag:s0] =	ssyncset.done @!p0 $0x0  }
0x46: {  	[sflag:s0] =	ssyncadd.s32 @!p0 s1  }
0x47: {  	[bflag:$0x3] =	sbarrier.arrive $0xFFFF  }
0x48: {  	_ =	shalt  }

</sc_bundles>
